<compile_context>
chip_gen: v7x
topology: tpu7x:2x2x1
jax: 0.10.2.dev20260603
libtpu: 0.0.44.dev20260713+nightly
codegen_flags: <defaults>
</compile_context>

<pallas_src>
import functools
import jax
import jax.numpy as jnp
from jax import lax
from jax.experimental import pallas as pl
from jax.experimental.pallas import tpu as pltpu
from jax.experimental.pallas import tpu_sc as plsc

_B, _N, _M, _C1, _C2 = 8, 4096, 1024, 128, 256
_NBLK = 2048
_BIG = 3.0e38

_G = 4
_BG = _B // _G
_NW = 32
_PW = _BG * _N // _NW
_CP = 128
_WPB = _N // _PW
_MT = _M // (_N // _NBLK)


def _nn_body(u_ref, kt_ref, kf_ref, ip_ref, w_ref, kft2_ref, *, b0):
    b = pl.program_id(0) + b0
    u = u_ref[0]
    kt = kt_ref[0]

    d2 = jnp.zeros((_NBLK, _M), jnp.float32)
    for d in range(3):
        diff = u[:, d:d + 1] - kt[d:d + 1, :]
        d2 = d2 + diff * diff

    ids = lax.broadcasted_iota(jnp.int32, (_NBLK, _M), 1).astype(jnp.float32)
    cur = d2
    mins = []
    idxs = []
    for _ in range(3):
        m = jnp.min(cur, axis=1, keepdims=True)
        eq = cur == m
        i = jnp.min(jnp.where(eq, ids, jnp.float32(_M)), axis=1,
                    keepdims=True)
        mins.append(m)
        idxs.append(i.astype(jnp.int32))
        cur = jnp.where(eq, _BIG, cur)

    r1 = 1.0 / (mins[0] + 1e-8)
    r2 = 1.0 / (mins[1] + 1e-8)
    r3 = 1.0 / (mins[2] + 1e-8)
    norm = r1 + r2 + r3

    packed = (idxs[0] << 20) + (idxs[1] << 10) + idxs[2]
    ip_ref[0, 0] = jnp.reshape(packed, (_NBLK,))
    w_ref[0] = jnp.concatenate([r1 / norm, r2 / norm, r3 / norm], axis=1)
    kft2_ref[...] = kf_ref[0].T


def _three_nn(unknown, kt, known_feats, b0):
    return pl.pallas_call(
        functools.partial(_nn_body, b0=b0),
        grid=(_BG, _N // _NBLK),
        in_specs=[
            pl.BlockSpec((1, _NBLK, 3), lambda b, n: (b + b0, n, 0)),
            pl.BlockSpec((1, 3, _M), lambda b, n: (b + b0, 0, 0)),
            pl.BlockSpec((1, _C2, _MT), lambda b, n: (b + b0, 0, n)),
        ],
        out_specs=[
            pl.BlockSpec((1, 1, _NBLK), lambda b, n: (b, 0, n)),
            pl.BlockSpec((1, _NBLK, 3), lambda b, n: (b, n, 0)),
            pl.BlockSpec((_MT, _C2), lambda b, n: (b * (_N // _NBLK) + n, 0)),
        ],
        out_shape=[
            jax.ShapeDtypeStruct((_BG, 1, _N), jnp.int32),
            jax.ShapeDtypeStruct((_BG, _N, 3), jnp.float32),
            jax.ShapeDtypeStruct((_BG * _M, _C2), jnp.float32),
        ],
    )(unknown, kt, known_feats)


def _sc_gather_body(kft_hbm, ip_hbm, r1_hbm, r2_hbm, r3_hbm,
                    pk_v, idx_v, rows_v, sem):
    wid = lax.axis_index("s") * 2 + lax.axis_index("c")
    bi = wid // _WPB
    col0 = (wid % _WPB) * _PW

    def chunk_body(ci, carry):
        col = col0 + ci * _CP
        row0 = bi * _N + col
        pltpu.sync_copy(ip_hbm.at[bi, 0, pl.ds(col, _CP)], pk_v)
        base = bi * _M
        for g in range(_CP // 16):
            sl = pl.ds(16 * g, 16)
            pk = pk_v[sl]
            idx_v[0, sl] = (pk >> 20) + base
            idx_v[1, sl] = ((pk >> 10) & 1023) + base
            idx_v[2, sl] = (pk & 1023) + base
        for k, rp in enumerate((r1_hbm, r2_hbm, r3_hbm)):
            pltpu.async_copy(kft_hbm.at[idx_v.at[k]], rows_v.at[k],
                             sem).wait()
            pltpu.sync_copy(rows_v.at[k], rp.at[pl.ds(row0, _CP)])
        return carry

    lax.fori_loop(0, _PW // _CP, chunk_body, 0)


def _sc_gather(kft2, ip):
    mesh = plsc.VectorSubcoreMesh(core_axis_name="c", subcore_axis_name="s")
    rows_t = jax.ShapeDtypeStruct((_BG * _N, _C2), jnp.float32)
    f = functools.partial(
        pl.kernel,
        out_type=[rows_t, rows_t, rows_t],
        mesh=mesh,
        scratch_types=[
            pltpu.VMEM((_CP,), jnp.int32),
            pltpu.VMEM((3, _CP), jnp.int32),
            pltpu.VMEM((3, _CP, _C2), jnp.float32),
            pltpu.SemaphoreType.DMA,
        ],
    )(_sc_gather_body)
    return f(kft2, ip)


def _mlp_body(r1_ref, r2_ref, r3_ref, w_ref, uf_ref, w1m_ref, w2m_ref,
              *refs):
    out_ref = refs[-1]
    w = w_ref[0]
    interp = (w[:, 0:1] * r1_ref[...]
              + w[:, 1:2] * r2_ref[...]
              + w[:, 2:3] * r3_ref[...])
    w1a = w1m_ref[:_C2, :]
    w1b = w1m_ref[_C2:, :]
    h = lax.dot_general(w1a, interp, (((0,), (1,)), ((), ())),
                        preferred_element_type=jnp.float32)
    h = h + lax.dot_general(w1b, uf_ref[0], (((0,), (0,)), ((), ())),
                            preferred_element_type=jnp.float32)
    h = jnp.maximum(h, 0.0)
    h = lax.dot_general(w2m_ref[...], h, (((0,), (0,)), ((), ())),
                        preferred_element_type=jnp.float32)
    out_ref[0] = jnp.maximum(h, 0.0)


def _mlp(r1, r2, r3, wts, unknow_feats, W1, W2, prev, b0):
    nb = _N // _NBLK
    in_specs = [
        pl.BlockSpec((_NBLK, _C2), lambda b, n: (b * nb + n, 0)),
        pl.BlockSpec((_NBLK, _C2), lambda b, n: (b * nb + n, 0)),
        pl.BlockSpec((_NBLK, _C2), lambda b, n: (b * nb + n, 0)),
        pl.BlockSpec((1, _NBLK, 3), lambda b, n: (b, n, 0)),
        pl.BlockSpec((1, _C1, _NBLK), lambda b, n: (b + b0, 0, n)),
        pl.BlockSpec((_C1 + _C2, 256), lambda b, n: (0, 0)),
        pl.BlockSpec((256, 256), lambda b, n: (0, 0)),
    ]
    args = [r1, r2, r3, wts, unknow_feats, W1, W2]
    aliases = {}
    if prev is not None:
        in_specs.append(pl.BlockSpec(memory_space=pl.ANY))
        args.append(prev)
        aliases = {7: 0}
    return pl.pallas_call(
        _mlp_body,
        grid=(_BG, nb),
        in_specs=in_specs,
        out_specs=pl.BlockSpec((1, 256, _NBLK), lambda b, n: (b + b0, 0, n)),
        out_shape=jax.ShapeDtypeStruct((_B, 256, _N), jnp.float32),
        input_output_aliases=aliases,
    )(*args)


@jax.jit
def kernel(unknown, known, unknow_feats, known_feats, W1, W2):
    kt = known.swapaxes(1, 2)

    nn = [_three_nn(unknown, kt, known_feats, g * _BG) for g in range(_G)]
    rows = [_sc_gather(kft2, ip) for (ip, _, kft2) in nn]
    out = None
    for g, (r1, r2, r3) in enumerate(rows):
        out = _mlp(r1, r2, r3, nn[g][1], unknow_feats, W1, W2, out,
                   g * _BG)
    return out

# --- scband reference (transcript-rebuilt; emitter-appended) ---
"""Pipeline reference for scband-pointnet-fpmodule-57793079935585 (READ-ONLY COPY).

The authoritative reference and input builder live on the scoring server;
editing this copy changes nothing except your own understanding.
"""

import jax, jax.numpy as jnp
import numpy as np

B, N, M, C1, C2 = 8, 4096, 1024, 128, 256


def setup_inputs(seed: int = 0):
    key = jax.random.key(seed)
    k1, k2, k3, k4, k5, k6 = jax.random.split(key, 6)
    return {
        "unknown": jax.random.uniform(k1, (B, N, 3), dtype=jnp.float32),
        "known": jax.random.uniform(k2, (B, M, 3), dtype=jnp.float32),
        "unknow_feats": jax.random.normal(k3, (B, C1, N), dtype=jnp.float32),
        "known_feats": jax.random.normal(k4, (B, C2, M), dtype=jnp.float32),
        "W1": jax.random.normal(k5, (C1 + C2, 256), dtype=jnp.float32) * 0.05,
        "W2": jax.random.normal(k6, (256, 256), dtype=jnp.float32) * 0.05,
    }


def reference(unknown, known, unknow_feats, known_feats, W1, W2):
    # three_nn: squared L2 distance from each unknown point to all known points
    d2 = jnp.sum((unknown[:, :, None, :] - known[:, None, :, :]) ** 2, axis=-1)  # (B, N, M)
    neg_d, idx = jax.lax.top_k(-d2, 3)  # 3 nearest neighbors
    dist = -neg_d  # (B, N, 3)
    dist_recip = 1.0 / (dist + 1e-8)
    norm = jnp.sum(dist_recip, axis=2, keepdims=True)
    weight = dist_recip / norm  # (B, N, 3)

    # three_interpolate: weighted sum of gathered known features
    def interp_one(f, i, w):
        g = f[:, i]  # (C2, N, 3)
        return jnp.sum(g * w[None, :, :], axis=-1)  # (C2, N)

    interpolated_feats = jax.vmap(interp_one)(known_feats, idx, weight)  # (B, C2, N)

    new_features = jnp.concatenate([interpolated_feats, unknow_feats], axis=1)  # (B, C1+C2, N)

    # shared pointwise MLP (1x1 convs, no bias, no BN) with ReLU
    h = jax.nn.relu(jnp.einsum('bcn,cd->bdn', new_features, W1))
    h = jax.nn.relu(jnp.einsum('bcn,cd->bdn', h, W2))
    return h

if __name__ == "__main__":
    import jax
    _d = setup_inputs()
    print(jax.jit(kernel)(*tuple(_d.values())))

</pallas_src>

<mosaic_0001>
#map = affine_map<(d0, d1) -> (0, 0)>
#map1 = affine_map<(d0, d1) -> (0, 0, 0)>
module attributes {stable_mosaic.version = 14 : i64} {
  func.func @_sc_gather_body(%arg0: i32, %arg1: i32, %arg2: memref<2048x256xf32, #tpu.memory_space<hbm>>, %arg3: memref<2x1x4096xi32, #tpu.memory_space<hbm>>, %arg4: memref<8192x256xf32, #tpu.memory_space<hbm>>, %arg5: memref<8192x256xf32, #tpu.memory_space<hbm>>, %arg6: memref<8192x256xf32, #tpu.memory_space<hbm>>, %arg7: memref<128xi32, #tpu.memory_space<vmem>>, %arg8: memref<3x128xi32, #tpu.memory_space<vmem>>, %arg9: memref<3x128x256xf32, #tpu.memory_space<vmem>>, %arg10: memref<!tpu.dma_semaphore, #tpu.memory_space<semaphore_mem>>) attributes {dimension_semantics = [#tpu.dimension_semantics<core_parallel>, #tpu.dimension_semantics<subcore_parallel>], iteration_bounds = array<i64: 2, 16>, scalar_prefetch = 0 : i64, scratch_operands = 4 : i64, tpu.core_type = #tpu.core_type<sc_vector_subcore>, window_params = [{transform_indices = #map}, {transform_indices = #map1}, {transform_indices = #map}, {transform_indices = #map}, {transform_indices = #map}]} {
    %mul3A = arith.constant 2 : i32
    %mul3A_0 = arith.muli %arg1, %mul3A : i32
    %add3A = arith.addi %mul3A_0, %arg0 : i32
    %jit3A = arith.constant 16 : i32
    %div3A = arith.divsi %add3A, %jit3A : i32
    %sign3A = arith.constant 0 : i32
    %sign3A_1 = arith.cmpi sgt, %add3A, %sign3A : i32
    %sign3A_2 = arith.extui %sign3A_1 : i1 to i32
    %sign3A_3 = arith.constant 0 : i32
    %sign3A_4 = arith.cmpi slt, %add3A, %sign3A_3 : i32
    %sign3A_5 = arith.extui %sign3A_4 : i1 to i32
    %sign3A_6 = arith.subi %sign3A_2, %sign3A_5 : i32
    %sign3A_7 = arith.constant 0 : i32
    %sign3A_8 = arith.cmpi sgt, %jit3A, %sign3A_7 : i32
    %sign3A_9 = arith.extui %sign3A_8 : i1 to i32
    %sign3A_10 = arith.constant 0 : i32
    %sign3A_11 = arith.cmpi slt, %jit3A, %sign3A_10 : i32
    %sign3A_12 = arith.extui %sign3A_11 : i1 to i32
    %sign3A_13 = arith.subi %sign3A_9, %sign3A_12 : i32
    %ne3A = arith.cmpi ne, %sign3A_6, %sign3A_13 : i32
    %rem3A = arith.remsi %add3A, %jit3A : i32
    %ne3A_14 = arith.constant 0 : i32
    %ne3A_15 = arith.cmpi ne, %rem3A, %ne3A_14 : i32
    %and3A = arith.andi %ne3A, %ne3A_15 : i1
    %sub3A = arith.constant 1 : i32
    %sub3A_16 = arith.subi %div3A, %sub3A : i32
    %select_n3A = arith.select %and3A, %sub3A_16, %div3A : i32
    %jit3A_17 = arith.constant 16 : i32
    %eq3A = arith.constant 0 : i32
    %eq3A_18 = arith.cmpi eq, %jit3A_17, %eq3A : i32
    %jit3A_19 = arith.constant 1 : i32
    %select_n3A_20 = arith.select %eq3A_18, %jit3A_19, %jit3A_17 : i32
    %rem3A_21 = arith.remsi %add3A, %select_n3A_20 : i32
    %ne3A_22 = arith.constant 0 : i32
    %ne3A_23 = arith.cmpi ne, %rem3A_21, %ne3A_22 : i32
    %lt3A = arith.constant 0 : i32
    %lt3A_24 = arith.cmpi slt, %rem3A_21, %lt3A : i32
    %lt3A_25 = arith.constant 0 : i32
    %lt3A_26 = arith.cmpi slt, %select_n3A_20, %lt3A_25 : i32
    %ne3A_27 = arith.xori %lt3A_24, %lt3A_26 : i1
    %and3A_28 = arith.andi %ne3A_27, %ne3A_23 : i1
    %add3A_29 = arith.addi %rem3A_21, %select_n3A_20 : i32
    %select_n3A_30 = arith.select %and3A_28, %add3A_29, %rem3A_21 : i32
    %mul3A_31 = arith.constant 256 : i32
    %mul3A_32 = arith.muli %select_n3A_30, %mul3A_31 : i32
    %scan3A = arith.constant 0 : i32
    %scan3A_33 = arith.constant 0 : i32
    %scan3A_34 = arith.constant 2 : i32
    %scan3A_35 = arith.addi %scan3A_33, %scan3A_34 : i32
    %scan3A_36 = arith.constant 1 : i32
    scf.for %scan3A_38 = %scan3A_33 to %scan3A_35 step %scan3A_36  : i32 {
      %mul3A_39 = arith.constant 128 : i32
      %mul3A_40 = arith.muli %scan3A_38, %mul3A_39 : i32
      %add3A_41 = arith.addi %mul3A_32, %mul3A_40 : i32
      %mul3A_42 = arith.constant 4096 : i32
      %mul3A_43 = arith.muli %select_n3A, %mul3A_42 : i32
      %add3A_44 = arith.addi %mul3A_43, %add3A_41 : i32
      %run_scoped3A = arith.constant 0 : i32
      "tpu.region"() ({
        %run_scoped3A_429 = tpu.sem_alloc : memref<!tpu.dma_semaphore, #tpu.memory_space<semaphore_mem>>
        %dma_start3A_430 = tpu.memref_slice %arg3[%select_n3A, %run_scoped3A, %add3A_41] : memref<2x1x4096xi32, #tpu.memory_space<hbm>> -> memref<1x1x128xi32, #tpu.memory_space<hbm>>
        %dma_start3A_431 = tpu.memref_squeeze %dma_start3A_430 : memref<1x1x128xi32, #tpu.memory_space<hbm>> -> memref<128xi32, #tpu.memory_space<hbm>>
        %dma_start3A_432 = tpu.memref_slice %arg3[%select_n3A, %run_scoped3A, %add3A_41] : memref<2x1x4096xi32, #tpu.memory_space<hbm>> -> memref<1x1x128xi32, #tpu.memory_space<hbm>>
        %dma_start3A_433 = tpu.memref_squeeze %dma_start3A_432 : memref<1x1x128xi32, #tpu.memory_space<hbm>> -> memref<128xi32, #tpu.memory_space<hbm>>
        tpu.enqueue_dma source(%dma_start3A_433 : memref<128xi32, #tpu.memory_space<hbm>>) target(%arg7 : memref<128xi32, #tpu.memory_space<vmem>>) target_semaphore(%run_scoped3A_429 : memref<!tpu.dma_semaphore, #tpu.memory_space<semaphore_mem>>)
        %dma_wait3A_434 = tpu.memref_slice %arg3[%select_n3A, %run_scoped3A, %add3A_41] : memref<2x1x4096xi32, #tpu.memory_space<hbm>> -> memref<1x1x128xi32, #tpu.memory_space<hbm>>
        %dma_wait3A_435 = tpu.memref_squeeze %dma_wait3A_434 : memref<1x1x128xi32, #tpu.memory_space<hbm>> -> memref<128xi32, #tpu.memory_space<hbm>>
        %dma_wait3A_436 = tpu.memref_slice %arg3[%select_n3A, %run_scoped3A, %add3A_41] : memref<2x1x4096xi32, #tpu.memory_space<hbm>> -> memref<1x1x128xi32, #tpu.memory_space<hbm>>
        %dma_wait3A_437 = tpu.memref_squeeze %dma_wait3A_436 : memref<1x1x128xi32, #tpu.memory_space<hbm>> -> memref<128xi32, #tpu.memory_space<hbm>>
        tpu.wait_dma2 semaphore(%run_scoped3A_429 : memref<!tpu.dma_semaphore, #tpu.memory_space<semaphore_mem>>) src(%dma_wait3A_437 : memref<128xi32, #tpu.memory_space<hbm>>) dst(%arg7 : memref<128xi32, #tpu.memory_space<vmem>>)
        tpu.yield
      }) : () -> ()
      %mul3A_45 = arith.constant 1024 : i32
      %mul3A_46 = arith.muli %select_n3A, %mul3A_45 : i32
      %get3A = arith.constant 0 : index
      %get3A_47 = tpu.vector_load %arg7[%get3A] {strides = array<i32>} : memref<128xi32, #tpu.memory_space<vmem>>, vector<16xi32>,
      %get3A_48 = vector.shape_cast %get3A_47 : vector<16xi32> to vector<16xi32>
      %shift_right_arithmetic3A = arith.constant 20 : i32
      %shift_right_arithmetic3A_49 = vector.broadcast %shift_right_arithmetic3A : i32 to vector<16xi32>
      %shift_right_arithmetic3A_50 = arith.shrsi %get3A_48, %shift_right_arithmetic3A_49 : vector<16xi32>
      %add3A_51 = vector.broadcast %mul3A_46 : i32 to vector<16xi32>
      %add3A_52 = arith.addi %shift_right_arithmetic3A_50, %add3A_51 : vector<16xi32>
      %swap3A = arith.constant 0 : i32
      %swap3A_53 = arith.index_cast %swap3A : i32 to index
      %swap3A_54 = arith.constant 0 : index
      %swap3A_55 = tpu.vector_load %arg8[%swap3A_53, %swap3A_54] {strides = array<i32>} : memref<3x128xi32, #tpu.memory_space<vmem>>, vector<1x16xi32>,
      %swap3A_56 = vector.shape_cast %swap3A_55 : vector<1x16xi32> to vector<16xi32>
      %swap3A_57 = vector.shape_cast %add3A_52 : vector<16xi32> to vector<1x16xi32>
      tpu.vector_store %arg8[%swap3A_53, %swap3A_54], %swap3A_57 {strides = array<i32>} : memref<3x128xi32, #tpu.memory_space<vmem>>, vector<1x16xi32>,
      %shift_right_arithmetic3A_58 = arith.constant 10 : i32
      %shift_right_arithmetic3A_59 = vector.broadcast %shift_right_arithmetic3A_58 : i32 to vector<16xi32>
      %shift_right_arithmetic3A_60 = arith.shrsi %get3A_48, %shift_right_arithmetic3A_59 : vector<16xi32>
      %and3A_61 = arith.constant 1023 : i32
      %and3A_62 = vector.broadcast %and3A_61 : i32 to vector<16xi32>
      %and3A_63 = arith.andi %shift_right_arithmetic3A_60, %and3A_62 : vector<16xi32>
      %add3A_64 = vector.broadcast %mul3A_46 : i32 to vector<16xi32>
      %add3A_65 = arith.addi %and3A_63, %add3A_64 : vector<16xi32>
      %swap3A_66 = arith.constant 1 : i32
      %swap3A_67 = arith.index_cast %swap3A_66 : i32 to index
      %swap3A_68 = arith.constant 0 : index
      %swap3A_69 = tpu.vector_load %arg8[%swap3A_67, %swap3A_68] {strides = array<i32>} : memref<3x128xi32, #tpu.memory_space<vmem>>, vector<1x16xi32>,
      %swap3A_70 = vector.shape_cast %swap3A_69 : vector<1x16xi32> to vector<16xi32>
      %swap3A_71 = vector.shape_cast %add3A_65 : vector<16xi32> to vector<1x16xi32>
      tpu.vector_store %arg8[%swap3A_67, %swap3A_68], %swap3A_71 {strides = array<i32>} : memref<3x128xi32, #tpu.memory_space<vmem>>, vector<1x16xi32>,
      %and3A_72 = arith.constant 1023 : i32
      %and3A_73 = vector.broadcast %and3A_72 : i32 to vector<16xi32>
      %and3A_74 = arith.andi %get3A_48, %and3A_73 : vector<16xi32>
      %add3A_75 = vector.broadcast %mul3A_46 : i32 to vector<16xi32>
      %add3A_76 = arith.addi %and3A_74, %add3A_75 : vector<16xi32>
      %swap3A_77 = arith.constant 2 : i32
      %swap3A_78 = arith.index_cast %swap3A_77 : i32 to index
      %swap3A_79 = arith.constant 0 : index
      %swap3A_80 = tpu.vector_load %arg8[%swap3A_78, %swap3A_79] {strides = array<i32>} : memref<3x128xi32, #tpu.memory_space<vmem>>, vector<1x16xi32>,
      %swap3A_81 = vector.shape_cast %swap3A_80 : vector<1x16xi32> to vector<16xi32>
      %swap3A_82 = vector.shape_cast %add3A_76 : vector<16xi32> to vector<1x16xi32>
      tpu.vector_store %arg8[%swap3A_78, %swap3A_79], %swap3A_82 {strides = array<i32>} : memref<3x128xi32, #tpu.memory_space<vmem>>, vector<1x16xi32>,
      %get3A_83 = arith.constant 16 : index
      %get3A_84 = tpu.vector_load %arg7[%get3A_83] {strides = array<i32>} : memref<128xi32, #tpu.memory_space<vmem>>, vector<16xi32>,
      %get3A_85 = vector.shape_cast %get3A_84 : vector<16xi32> to vector<16xi32>
      %shift_right_arithmetic3A_86 = arith.constant 20 : i32
      %shift_right_arithmetic3A_87 = vector.broadcast %shift_right_arithmetic3A_86 : i32 to vector<16xi32>
      %shift_right_arithmetic3A_88 = arith.shrsi %get3A_85, %shift_right_arithmetic3A_87 : vector<16xi32>
      %add3A_89 = vector.broadcast %mul3A_46 : i32 to vector<16xi32>
      %add3A_90 = arith.addi %shift_right_arithmetic3A_88, %add3A_89 : vector<16xi32>
      %swap3A_91 = arith.constant 0 : i32
      %swap3A_92 = arith.index_cast %swap3A_91 : i32 to index
      %swap3A_93 = arith.constant 16 : index
      %swap3A_94 = tpu.vector_load %arg8[%swap3A_92, %swap3A_93] {strides = array<i32>} : memref<3x128xi32, #tpu.memory_space<vmem>>, vector<1x16xi32>,
      %swap3A_95 = vector.shape_cast %swap3A_94 : vector<1x16xi32> to vector<16xi32>
      %swap3A_96 = vector.shape_cast %add3A_90 : vector<16xi32> to vector<1x16xi32>
      tpu.vector_store %arg8[%swap3A_92, %swap3A_93], %swap3A_96 {strides = array<i32>} : memref<3x128xi32, #tpu.memory_space<vmem>>, vector<1x16xi32>,
      %shift_right_arithmetic3A_97 = arith.constant 10 : i32
      %shift_right_arithmetic3A_98 = vector.broadcast %shift_right_arithmetic3A_97 : i32 to vector<16xi32>
      %shift_right_arithmetic3A_99 = arith.shrsi %get3A_85, %shift_right_arithmetic3A_98 : vector<16xi32>
      %and3A_100 = arith.constant 1023 : i32
      %and3A_101 = vector.broadcast %and3A_100 : i32 to vector<16xi32>
      %and3A_102 = arith.andi %shift_right_arithmetic3A_99, %and3A_101 : vector<16xi32>
      %add3A_103 = vector.broadcast %mul3A_46 : i32 to vector<16xi32>
      %add3A_104 = arith.addi %and3A_102, %add3A_103 : vector<16xi32>
      %swap3A_105 = arith.constant 1 : i32
      %swap3A_106 = arith.index_cast %swap3A_105 : i32 to index
      %swap3A_107 = arith.constant 16 : index
      %swap3A_108 = tpu.vector_load %arg8[%swap3A_106, %swap3A_107] {strides = array<i32>} : memref<3x128xi32, #tpu.memory_space<vmem>>, vector<1x16xi32>,
      %swap3A_109 = vector.shape_cast %swap3A_108 : vector<1x16xi32> to vector<16xi32>
      %swap3A_110 = vector.shape_cast %add3A_104 : vector<16xi32> to vector<1x16xi32>
      tpu.vector_store %arg8[%swap3A_106, %swap3A_107], %swap3A_110 {strides = array<i32>} : memref<3x128xi32, #tpu.memory_space<vmem>>, vector<1x16xi32>,
      %and3A_111 = arith.constant 1023 : i32
      %and3A_112 = vector.broadcast %and3A_111 : i32 to vector<16xi32>
      %and3A_113 = arith.andi %get3A_85, %and3A_112 : vector<16xi32>
      %add3A_114 = vector.broadcast %mul3A_46 : i32 to vector<16xi32>
      %add3A_115 = arith.addi %and3A_113, %add3A_114 : vector<16xi32>
      %swap3A_116 = arith.constant 2 : i32
      %swap3A_117 = arith.index_cast %swap3A_116 : i32 to index
      %swap3A_118 = arith.constant 16 : index
      %swap3A_119 = tpu.vector_load %arg8[%swap3A_117, %swap3A_118] {strides = array<i32>} : memref<3x128xi32, #tpu.memory_space<vmem>>, vector<1x16xi32>,
      %swap3A_120 = vector.shape_cast %swap3A_119 : vector<1x16xi32> to vector<16xi32>
      %swap3A_121 = vector.shape_cast %add3A_115 : vector<16xi32> to vector<1x16xi32>
      tpu.vector_store %arg8[%swap3A_117, %swap3A_118], %swap3A_121 {strides = array<i32>} : memref<3x128xi32, #tpu.memory_space<vmem>>, vector<1x16xi32>,
      %get3A_122 = arith.constant 32 : index
      %get3A_123 = tpu.vector_load %arg7[%get3A_122] {strides = array<i32>} : memref<128xi32, #tpu.memory_space<vmem>>, vector<16xi32>,
      %get3A_124 = vector.shape_cast %get3A_123 : vector<16xi32> to vector<16xi32>
      %shift_right_arithmetic3A_125 = arith.constant 20 : i32
      %shift_right_arithmetic3A_126 = vector.broadcast %shift_right_arithmetic3A_125 : i32 to vector<16xi32>
      %shift_right_arithmetic3A_127 = arith.shrsi %get3A_124, %shift_right_arithmetic3A_126 : vector<16xi32>
      %add3A_128 = vector.broadcast %mul3A_46 : i32 to vector<16xi32>
      %add3A_129 = arith.addi %shift_right_arithmetic3A_127, %add3A_128 : vector<16xi32>
      %swap3A_130 = arith.constant 0 : i32
      %swap3A_131 = arith.index_cast %swap3A_130 : i32 to index
      %swap3A_132 = arith.constant 32 : index
      %swap3A_133 = tpu.vector_load %arg8[%swap3A_131, %swap3A_132] {strides = array<i32>} : memref<3x128xi32, #tpu.memory_space<vmem>>, vector<1x16xi32>,
      %swap3A_134 = vector.shape_cast %swap3A_133 : vector<1x16xi32> to vector<16xi32>
      %swap3A_135 = vector.shape_cast %add3A_129 : vector<16xi32> to vector<1x16xi32>
      tpu.vector_store %arg8[%swap3A_131, %swap3A_132], %swap3A_135 {strides = array<i32>} : memref<3x128xi32, #tpu.memory_space<vmem>>, vector<1x16xi32>,
      %shift_right_arithmetic3A_136 = arith.constant 10 : i32
      %shift_right_arithmetic3A_137 = vector.broadcast %shift_right_arithmetic3A_136 : i32 to vector<16xi32>
      %shift_right_arithmetic3A_138 = arith.shrsi %get3A_124, %shift_right_arithmetic3A_137 : vector<16xi32>
      %and3A_139 = arith.constant 1023 : i32
      %and3A_140 = vector.broadcast %and3A_139 : i32 to vector<16xi32>
      %and3A_141 = arith.andi %shift_right_arithmetic3A_138, %and3A_140 : vector<16xi32>
      %add3A_142 = vector.broadcast %mul3A_46 : i32 to vector<16xi32>
      %add3A_143 = arith.addi %and3A_141, %add3A_142 : vector<16xi32>
      %swap3A_144 = arith.constant 1 : i32
      %swap3A_145 = arith.index_cast %swap3A_144 : i32 to index
      %swap3A_146 = arith.constant 32 : index
      %swap3A_147 = tpu.vector_load %arg8[%swap3A_145, %swap3A_146] {strides = array<i32>} : memref<3x128xi32, #tpu.memory_space<vmem>>, vector<1x16xi32>,
      %swap3A_148 = vector.shape_cast %swap3A_147 : vector<1x16xi32> to vector<16xi32>
      %swap3A_149 = vector.shape_cast %add3A_143 : vector<16xi32> to vector<1x16xi32>
      tpu.vector_store %arg8[%swap3A_145, %swap3A_146], %swap3A_149 {strides = array<i32>} : memref<3x128xi32, #tpu.memory_space<vmem>>, vector<1x16xi32>,
      %and3A_150 = arith.constant 1023 : i32
      %and3A_151 = vector.broadcast %and3A_150 : i32 to vector<16xi32>
      %and3A_152 = arith.andi %get3A_124, %and3A_151 : vector<16xi32>
      %add3A_153 = vector.broadcast %mul3A_46 : i32 to vector<16xi32>
      %add3A_154 = arith.addi %and3A_152, %add3A_153 : vector<16xi32>
      %swap3A_155 = arith.constant 2 : i32
      %swap3A_156 = arith.index_cast %swap3A_155 : i32 to index
      %swap3A_157 = arith.constant 32 : index
      %swap3A_158 = tpu.vector_load %arg8[%swap3A_156, %swap3A_157] {strides = array<i32>} : memref<3x128xi32, #tpu.memory_space<vmem>>, vector<1x16xi32>,
      %swap3A_159 = vector.shape_cast %swap3A_158 : vector<1x16xi32> to vector<16xi32>
      %swap3A_160 = vector.shape_cast %add3A_154 : vector<16xi32> to vector<1x16xi32>
      tpu.vector_store %arg8[%swap3A_156, %swap3A_157], %swap3A_160 {strides = array<i32>} : memref<3x128xi32, #tpu.memory_space<vmem>>, vector<1x16xi32>,
      %get3A_161 = arith.constant 48 : index
      %get3A_162 = tpu.vector_load %arg7[%get3A_161] {strides = array<i32>} : memref<128xi32, #tpu.memory_space<vmem>>, vector<16xi32>,
      %get3A_163 = vector.shape_cast %get3A_162 : vector<16xi32> to vector<16xi32>
      %shift_right_arithmetic3A_164 = arith.constant 20 : i32
      %shift_right_arithmetic3A_165 = vector.broadcast %shift_right_arithmetic3A_164 : i32 to vector<16xi32>
      %shift_right_arithmetic3A_166 = arith.shrsi %get3A_163, %shift_right_arithmetic3A_165 : vector<16xi32>
      %add3A_167 = vector.broadcast %mul3A_46 : i32 to vector<16xi32>
      %add3A_168 = arith.addi %shift_right_arithmetic3A_166, %add3A_167 : vector<16xi32>
      %swap3A_169 = arith.constant 0 : i32
      %swap3A_170 = arith.index_cast %swap3A_169 : i32 to index
      %swap3A_171 = arith.constant 48 : index
      %swap3A_172 = tpu.vector_load %arg8[%swap3A_170, %swap3A_171] {strides = array<i32>} : memref<3x128xi32, #tpu.memory_space<vmem>>, vector<1x16xi32>,
      %swap3A_173 = vector.shape_cast %swap3A_172 : vector<1x16xi32> to vector<16xi32>
      %swap3A_174 = vector.shape_cast %add3A_168 : vector<16xi32> to vector<1x16xi32>
      tpu.vector_store %arg8[%swap3A_170, %swap3A_171], %swap3A_174 {strides = array<i32>} : memref<3x128xi32, #tpu.memory_space<vmem>>, vector<1x16xi32>,
      %shift_right_arithmetic3A_175 = arith.constant 10 : i32
      %shift_right_arithmetic3A_176 = vector.broadcast %shift_right_arithmetic3A_175 : i32 to vector<16xi32>
      %shift_right_arithmetic3A_177 = arith.shrsi %get3A_163, %shift_right_arithmetic3A_176 : vector<16xi32>
      %and3A_178 = arith.constant 1023 : i32
      %and3A_179 = vector.broadcast %and3A_178 : i32 to vector<16xi32>
      %and3A_180 = arith.andi %shift_right_arithmetic3A_177, %and3A_179 : vector<16xi32>
      %add3A_181 = vector.broadcast %mul3A_46 : i32 to vector<16xi32>
      %add3A_182 = arith.addi %and3A_180, %add3A_181 : vector<16xi32>
      %swap3A_183 = arith.constant 1 : i32
      %swap3A_184 = arith.index_cast %swap3A_183 : i32 to index
      %swap3A_185 = arith.constant 48 : index
      %swap3A_186 = tpu.vector_load %arg8[%swap3A_184, %swap3A_185] {strides = array<i32>} : memref<3x128xi32, #tpu.memory_space<vmem>>, vector<1x16xi32>,
      %swap3A_187 = vector.shape_cast %swap3A_186 : vector<1x16xi32> to vector<16xi32>
      %swap3A_188 = vector.shape_cast %add3A_182 : vector<16xi32> to vector<1x16xi32>
      tpu.vector_store %arg8[%swap3A_184, %swap3A_185], %swap3A_188 {strides = array<i32>} : memref<3x128xi32, #tpu.memory_space<vmem>>, vector<1x16xi32>,
      %and3A_189 = arith.constant 1023 : i32
      %and3A_190 = vector.broadcast %and3A_189 : i32 to vector<16xi32>
      %and3A_191 = arith.andi %get3A_163, %and3A_190 : vector<16xi32>
      %add3A_192 = vector.broadcast %mul3A_46 : i32 to vector<16xi32>
      %add3A_193 = arith.addi %and3A_191, %add3A_192 : vector<16xi32>
      %swap3A_194 = arith.constant 2 : i32
      %swap3A_195 = arith.index_cast %swap3A_194 : i32 to index
      %swap3A_196 = arith.constant 48 : index
      %swap3A_197 = tpu.vector_load %arg8[%swap3A_195, %swap3A_196] {strides = array<i32>} : memref<3x128xi32, #tpu.memory_space<vmem>>, vector<1x16xi32>,
      %swap3A_198 = vector.shape_cast %swap3A_197 : vector<1x16xi32> to vector<16xi32>
      %swap3A_199 = vector.shape_cast %add3A_193 : vector<16xi32> to vector<1x16xi32>
      tpu.vector_store %arg8[%swap3A_195, %swap3A_196], %swap3A_199 {strides = array<i32>} : memref<3x128xi32, #tpu.memory_space<vmem>>, vector<1x16xi32>,
      %get3A_200 = arith.constant 64 : index
      %get3A_201 = tpu.vector_load %arg7[%get3A_200] {strides = array<i32>} : memref<128xi32, #tpu.memory_space<vmem>>, vector<16xi32>,
      %get3A_202 = vector.shape_cast %get3A_201 : vector<16xi32> to vector<16xi32>
      %shift_right_arithmetic3A_203 = arith.constant 20 : i32
      %shift_right_arithmetic3A_204 = vector.broadcast %shift_right_arithmetic3A_203 : i32 to vector<16xi32>
      %shift_right_arithmetic3A_205 = arith.shrsi %get3A_202, %shift_right_arithmetic3A_204 : vector<16xi32>
      %add3A_206 = vector.broadcast %mul3A_46 : i32 to vector<16xi32>
      %add3A_207 = arith.addi %shift_right_arithmetic3A_205, %add3A_206 : vector<16xi32>
      %swap3A_208 = arith.constant 0 : i32
      %swap3A_209 = arith.index_cast %swap3A_208 : i32 to index
      %swap3A_210 = arith.constant 64 : index
      %swap3A_211 = tpu.vector_load %arg8[%swap3A_209, %swap3A_210] {strides = array<i32>} : memref<3x128xi32, #tpu.memory_space<vmem>>, vector<1x16xi32>,
      %swap3A_212 = vector.shape_cast %swap3A_211 : vector<1x16xi32> to vector<16xi32>
      %swap3A_213 = vector.shape_cast %add3A_207 : vector<16xi32> to vector<1x16xi32>
      tpu.vector_store %arg8[%swap3A_209, %swap3A_210], %swap3A_213 {strides = array<i32>} : memref<3x128xi32, #tpu.memory_space<vmem>>, vector<1x16xi32>,
      %shift_right_arithmetic3A_214 = arith.constant 10 : i32
      %shift_right_arithmetic3A_215 = vector.broadcast %shift_right_arithmetic3A_214 : i32 to vector<16xi32>
      %shift_right_arithmetic3A_216 = arith.shrsi %get3A_202, %shift_right_arithmetic3A_215 : vector<16xi32>
      %and3A_217 = arith.constant 1023 : i32
      %and3A_218 = vector.broadcast %and3A_217 : i32 to vector<16xi32>
      %and3A_219 = arith.andi %shift_right_arithmetic3A_216, %and3A_218 : vector<16xi32>
      %add3A_220 = vector.broadcast %mul3A_46 : i32 to vector<16xi32>
      %add3A_221 = arith.addi %and3A_219, %add3A_220 : vector<16xi32>
      %swap3A_222 = arith.constant 1 : i32
      %swap3A_223 = arith.index_cast %swap3A_222 : i32 to index
      %swap3A_224 = arith.constant 64 : index
      %swap3A_225 = tpu.vector_load %arg8[%swap3A_223, %swap3A_224] {strides = array<i32>} : memref<3x128xi32, #tpu.memory_space<vmem>>, vector<1x16xi32>,
      %swap3A_226 = vector.shape_cast %swap3A_225 : vector<1x16xi32> to vector<16xi32>
      %swap3A_227 = vector.shape_cast %add3A_221 : vector<16xi32> to vector<1x16xi32>
      tpu.vector_store %arg8[%swap3A_223, %swap3A_224], %swap3A_227 {strides = array<i32>} : memref<3x128xi32, #tpu.memory_space<vmem>>, vector<1x16xi32>,
      %and3A_228 = arith.constant 1023 : i32
      %and3A_229 = vector.broadcast %and3A_228 : i32 to vector<16xi32>
      %and3A_230 = arith.andi %get3A_202, %and3A_229 : vector<16xi32>
      %add3A_231 = vector.broadcast %mul3A_46 : i32 to vector<16xi32>
      %add3A_232 = arith.addi %and3A_230, %add3A_231 : vector<16xi32>
      %swap3A_233 = arith.constant 2 : i32
      %swap3A_234 = arith.index_cast %swap3A_233 : i32 to index
      %swap3A_235 = arith.constant 64 : index
      %swap3A_236 = tpu.vector_load %arg8[%swap3A_234, %swap3A_235] {strides = array<i32>} : memref<3x128xi32, #tpu.memory_space<vmem>>, vector<1x16xi32>,
      %swap3A_237 = vector.shape_cast %swap3A_236 : vector<1x16xi32> to vector<16xi32>
      %swap3A_238 = vector.shape_cast %add3A_232 : vector<16xi32> to vector<1x16xi32>
      tpu.vector_store %arg8[%swap3A_234, %swap3A_235], %swap3A_238 {strides = array<i32>} : memref<3x128xi32, #tpu.memory_space<vmem>>, vector<1x16xi32>,
      %get3A_239 = arith.constant 80 : index
      %get3A_240 = tpu.vector_load %arg7[%get3A_239] {strides = array<i32>} : memref<128xi32, #tpu.memory_space<vmem>>, vector<16xi32>,
      %get3A_241 = vector.shape_cast %get3A_240 : vector<16xi32> to vector<16xi32>
      %shift_right_arithmetic3A_242 = arith.constant 20 : i32
      %shift_right_arithmetic3A_243 = vector.broadcast %shift_right_arithmetic3A_242 : i32 to vector<16xi32>
      %shift_right_arithmetic3A_244 = arith.shrsi %get3A_241, %shift_right_arithmetic3A_243 : vector<16xi32>
      %add3A_245 = vector.broadcast %mul3A_46 : i32 to vector<16xi32>
      %add3A_246 = arith.addi %shift_right_arithmetic3A_244, %add3A_245 : vector<16xi32>
      %swap3A_247 = arith.constant 0 : i32
      %swap3A_248 = arith.index_cast %swap3A_247 : i32 to index
      %swap3A_249 = arith.constant 80 : index
      %swap3A_250 = tpu.vector_load %arg8[%swap3A_248, %swap3A_249] {strides = array<i32>} : memref<3x128xi32, #tpu.memory_space<vmem>>, vector<1x16xi32>,
      %swap3A_251 = vector.shape_cast %swap3A_250 : vector<1x16xi32> to vector<16xi32>
      %swap3A_252 = vector.shape_cast %add3A_246 : vector<16xi32> to vector<1x16xi32>
      tpu.vector_store %arg8[%swap3A_248, %swap3A_249], %swap3A_252 {strides = array<i32>} : memref<3x128xi32, #tpu.memory_space<vmem>>, vector<1x16xi32>,
      %shift_right_arithmetic3A_253 = arith.constant 10 : i32
      %shift_right_arithmetic3A_254 = vector.broadcast %shift_right_arithmetic3A_253 : i32 to vector<16xi32>
      %shift_right_arithmetic3A_255 = arith.shrsi %get3A_241, %shift_right_arithmetic3A_254 : vector<16xi32>
      %and3A_256 = arith.constant 1023 : i32
      %and3A_257 = vector.broadcast %and3A_256 : i32 to vector<16xi32>
      %and3A_258 = arith.andi %shift_right_arithmetic3A_255, %and3A_257 : vector<16xi32>
      %add3A_259 = vector.broadcast %mul3A_46 : i32 to vector<16xi32>
      %add3A_260 = arith.addi %and3A_258, %add3A_259 : vector<16xi32>
      %swap3A_261 = arith.constant 1 : i32
      %swap3A_262 = arith.index_cast %swap3A_261 : i32 to index
      %swap3A_263 = arith.constant 80 : index
      %swap3A_264 = tpu.vector_load %arg8[%swap3A_262, %swap3A_263] {strides = array<i32>} : memref<3x128xi32, #tpu.memory_space<vmem>>, vector<1x16xi32>,
      %swap3A_265 = vector.shape_cast %swap3A_264 : vector<1x16xi32> to vector<16xi32>
      %swap3A_266 = vector.shape_cast %add3A_260 : vector<16xi32> to vector<1x16xi32>
      tpu.vector_store %arg8[%swap3A_262, %swap3A_263], %swap3A_266 {strides = array<i32>} : memref<3x128xi32, #tpu.memory_space<vmem>>, vector<1x16xi32>,
      %and3A_267 = arith.constant 1023 : i32
      %and3A_268 = vector.broadcast %and3A_267 : i32 to vector<16xi32>
      %and3A_269 = arith.andi %get3A_241, %and3A_268 : vector<16xi32>
      %add3A_270 = vector.broadcast %mul3A_46 : i32 to vector<16xi32>
      %add3A_271 = arith.addi %and3A_269, %add3A_270 : vector<16xi32>
      %swap3A_272 = arith.constant 2 : i32
      %swap3A_273 = arith.index_cast %swap3A_272 : i32 to index
      %swap3A_274 = arith.constant 80 : index
      %swap3A_275 = tpu.vector_load %arg8[%swap3A_273, %swap3A_274] {strides = array<i32>} : memref<3x128xi32, #tpu.memory_space<vmem>>, vector<1x16xi32>,
      %swap3A_276 = vector.shape_cast %swap3A_275 : vector<1x16xi32> to vector<16xi32>
      %swap3A_277 = vector.shape_cast %add3A_271 : vector<16xi32> to vector<1x16xi32>
      tpu.vector_store %arg8[%swap3A_273, %swap3A_274], %swap3A_277 {strides = array<i32>} : memref<3x128xi32, #tpu.memory_space<vmem>>, vector<1x16xi32>,
      %get3A_278 = arith.constant 96 : index
      %get3A_279 = tpu.vector_load %arg7[%get3A_278] {strides = array<i32>} : memref<128xi32, #tpu.memory_space<vmem>>, vector<16xi32>,
      %get3A_280 = vector.shape_cast %get3A_279 : vector<16xi32> to vector<16xi32>
      %shift_right_arithmetic3A_281 = arith.constant 20 : i32
      %shift_right_arithmetic3A_282 = vector.broadcast %shift_right_arithmetic3A_281 : i32 to vector<16xi32>
      %shift_right_arithmetic3A_283 = arith.shrsi %get3A_280, %shift_right_arithmetic3A_282 : vector<16xi32>
      %add3A_284 = vector.broadcast %mul3A_46 : i32 to vector<16xi32>
      %add3A_285 = arith.addi %shift_right_arithmetic3A_283, %add3A_284 : vector<16xi32>
      %swap3A_286 = arith.constant 0 : i32
      %swap3A_287 = arith.index_cast %swap3A_286 : i32 to index
      %swap3A_288 = arith.constant 96 : index
      %swap3A_289 = tpu.vector_load %arg8[%swap3A_287, %swap3A_288] {strides = array<i32>} : memref<3x128xi32, #tpu.memory_space<vmem>>, vector<1x16xi32>,
      %swap3A_290 = vector.shape_cast %swap3A_289 : vector<1x16xi32> to vector<16xi32>
      %swap3A_291 = vector.shape_cast %add3A_285 : vector<16xi32> to vector<1x16xi32>
      tpu.vector_store %arg8[%swap3A_287, %swap3A_288], %swap3A_291 {strides = array<i32>} : memref<3x128xi32, #tpu.memory_space<vmem>>, vector<1x16xi32>,
      %shift_right_arithmetic3A_292 = arith.constant 10 : i32
      %shift_right_arithmetic3A_293 = vector.broadcast %shift_right_arithmetic3A_292 : i32 to vector<16xi32>
      %shift_right_arithmetic3A_294 = arith.shrsi %get3A_280, %shift_right_arithmetic3A_293 : vector<16xi32>
      %and3A_295 = arith.constant 1023 : i32
      %and3A_296 = vector.broadcast %and3A_295 : i32 to vector<16xi32>
      %and3A_297 = arith.andi %shift_right_arithmetic3A_294, %and3A_296 : vector<16xi32>
      %add3A_298 = vector.broadcast %mul3A_46 : i32 to vector<16xi32>
      %add3A_299 = arith.addi %and3A_297, %add3A_298 : vector<16xi32>
      %swap3A_300 = arith.constant 1 : i32
      %swap3A_301 = arith.index_cast %swap3A_300 : i32 to index
      %swap3A_302 = arith.constant 96 : index
      %swap3A_303 = tpu.vector_load %arg8[%swap3A_301, %swap3A_302] {strides = array<i32>} : memref<3x128xi32, #tpu.memory_space<vmem>>, vector<1x16xi32>,
      %swap3A_304 = vector.shape_cast %swap3A_303 : vector<1x16xi32> to vector<16xi32>
      %swap3A_305 = vector.shape_cast %add3A_299 : vector<16xi32> to vector<1x16xi32>
      tpu.vector_store %arg8[%swap3A_301, %swap3A_302], %swap3A_305 {strides = array<i32>} : memref<3x128xi32, #tpu.memory_space<vmem>>, vector<1x16xi32>,
      %and3A_306 = arith.constant 1023 : i32
      %and3A_307 = vector.broadcast %and3A_306 : i32 to vector<16xi32>
      %and3A_308 = arith.andi %get3A_280, %and3A_307 : vector<16xi32>
      %add3A_309 = vector.broadcast %mul3A_46 : i32 to vector<16xi32>
      %add3A_310 = arith.addi %and3A_308, %add3A_309 : vector<16xi32>
      %swap3A_311 = arith.constant 2 : i32
      %swap3A_312 = arith.index_cast %swap3A_311 : i32 to index
      %swap3A_313 = arith.constant 96 : index
      %swap3A_314 = tpu.vector_load %arg8[%swap3A_312, %swap3A_313] {strides = array<i32>} : memref<3x128xi32, #tpu.memory_space<vmem>>, vector<1x16xi32>,
      %swap3A_315 = vector.shape_cast %swap3A_314 : vector<1x16xi32> to vector<16xi32>
      %swap3A_316 = vector.shape_cast %add3A_310 : vector<16xi32> to vector<1x16xi32>
      tpu.vector_store %arg8[%swap3A_312, %swap3A_313], %swap3A_316 {strides = array<i32>} : memref<3x128xi32, #tpu.memory_space<vmem>>, vector<1x16xi32>,
      %get3A_317 = arith.constant 112 : index
      %get3A_318 = tpu.vector_load %arg7[%get3A_317] {strides = array<i32>} : memref<128xi32, #tpu.memory_space<vmem>>, vector<16xi32>,
      %get3A_319 = vector.shape_cast %get3A_318 : vector<16xi32> to vector<16xi32>
      %shift_right_arithmetic3A_320 = arith.constant 20 : i32
      %shift_right_arithmetic3A_321 = vector.broadcast %shift_right_arithmetic3A_320 : i32 to vector<16xi32>
      %shift_right_arithmetic3A_322 = arith.shrsi %get3A_319, %shift_right_arithmetic3A_321 : vector<16xi32>
      %add3A_323 = vector.broadcast %mul3A_46 : i32 to vector<16xi32>
      %add3A_324 = arith.addi %shift_right_arithmetic3A_322, %add3A_323 : vector<16xi32>
      %swap3A_325 = arith.constant 0 : i32
      %swap3A_326 = arith.index_cast %swap3A_325 : i32 to index
      %swap3A_327 = arith.constant 112 : index
      %swap3A_328 = tpu.vector_load %arg8[%swap3A_326, %swap3A_327] {strides = array<i32>} : memref<3x128xi32, #tpu.memory_space<vmem>>, vector<1x16xi32>,
      %swap3A_329 = vector.shape_cast %swap3A_328 : vector<1x16xi32> to vector<16xi32>
      %swap3A_330 = vector.shape_cast %add3A_324 : vector<16xi32> to vector<1x16xi32>
      tpu.vector_store %arg8[%swap3A_326, %swap3A_327], %swap3A_330 {strides = array<i32>} : memref<3x128xi32, #tpu.memory_space<vmem>>, vector<1x16xi32>,
      %shift_right_arithmetic3A_331 = arith.constant 10 : i32
      %shift_right_arithmetic3A_332 = vector.broadcast %shift_right_arithmetic3A_331 : i32 to vector<16xi32>
      %shift_right_arithmetic3A_333 = arith.shrsi %get3A_319, %shift_right_arithmetic3A_332 : vector<16xi32>
      %and3A_334 = arith.constant 1023 : i32
      %and3A_335 = vector.broadcast %and3A_334 : i32 to vector<16xi32>
      %and3A_336 = arith.andi %shift_right_arithmetic3A_333, %and3A_335 : vector<16xi32>
      %add3A_337 = vector.broadcast %mul3A_46 : i32 to vector<16xi32>
      %add3A_338 = arith.addi %and3A_336, %add3A_337 : vector<16xi32>
      %swap3A_339 = arith.constant 1 : i32
      %swap3A_340 = arith.index_cast %swap3A_339 : i32 to index
      %swap3A_341 = arith.constant 112 : index
      %swap3A_342 = tpu.vector_load %arg8[%swap3A_340, %swap3A_341] {strides = array<i32>} : memref<3x128xi32, #tpu.memory_space<vmem>>, vector<1x16xi32>,
      %swap3A_343 = vector.shape_cast %swap3A_342 : vector<1x16xi32> to vector<16xi32>
      %swap3A_344 = vector.shape_cast %add3A_338 : vector<16xi32> to vector<1x16xi32>
      tpu.vector_store %arg8[%swap3A_340, %swap3A_341], %swap3A_344 {strides = array<i32>} : memref<3x128xi32, #tpu.memory_space<vmem>>, vector<1x16xi32>,
      %and3A_345 = arith.constant 1023 : i32
      %and3A_346 = vector.broadcast %and3A_345 : i32 to vector<16xi32>
      %and3A_347 = arith.andi %get3A_319, %and3A_346 : vector<16xi32>
      %add3A_348 = vector.broadcast %mul3A_46 : i32 to vector<16xi32>
      %add3A_349 = arith.addi %and3A_347, %add3A_348 : vector<16xi32>
      %swap3A_350 = arith.constant 2 : i32
      %swap3A_351 = arith.index_cast %swap3A_350 : i32 to index
      %swap3A_352 = arith.constant 112 : index
      %swap3A_353 = tpu.vector_load %arg8[%swap3A_351, %swap3A_352] {strides = array<i32>} : memref<3x128xi32, #tpu.memory_space<vmem>>, vector<1x16xi32>,
      %swap3A_354 = vector.shape_cast %swap3A_353 : vector<1x16xi32> to vector<16xi32>
      %swap3A_355 = vector.shape_cast %add3A_349 : vector<16xi32> to vector<1x16xi32>
      tpu.vector_store %arg8[%swap3A_351, %swap3A_352], %swap3A_355 {strides = array<i32>} : memref<3x128xi32, #tpu.memory_space<vmem>>, vector<1x16xi32>,
      %dma_start3A = arith.constant 0 : i32
      %dma_start3A_356 = arith.constant 0 : i32
      %dma_start3A_357 = arith.constant 0 : i32
      %dma_start3A_358 = arith.constant 0 : i32
      %dma_start3A_359 = tpu.memref_slice %arg9[%dma_start3A_356, %dma_start3A_357, %dma_start3A_358] : memref<3x128x256xf32, #tpu.memory_space<vmem>> -> memref<1x128x256xf32, #tpu.memory_space<vmem>>
      %dma_start3A_360 = tpu.memref_squeeze %dma_start3A_359 : memref<1x128x256xf32, #tpu.memory_space<vmem>> -> memref<128x256xf32, #tpu.memory_space<vmem>>
      %dma_start3A_361 = arith.constant 0 : i32
      %dma_start3A_362 = tpu.memref_slice %arg8[%dma_start3A, %dma_start3A_361] : memref<3x128xi32, #tpu.memory_space<vmem>> -> memref<1x128xi32, #tpu.memory_space<vmem>>
      %dma_start3A_363 = tpu.memref_squeeze %dma_start3A_362 : memref<1x128xi32, #tpu.memory_space<vmem>> -> memref<128xi32, #tpu.memory_space<vmem>>
      %dma_start3A_364 = arith.constant 0 : i32
      %dma_start3A_365 = arith.constant 0 : i32
      %dma_start3A_366 = tpu.memref_slice %arg2[%dma_start3A_364, %dma_start3A_365] : memref<2048x256xf32, #tpu.memory_space<hbm>> -> memref<2048x256xf32, #tpu.memory_space<hbm>>
      tpu.enqueue_indirect_dma source(%dma_start3A_366 : memref<2048x256xf32, #tpu.memory_space<hbm>>) target(%dma_start3A_360 : memref<128x256xf32, #tpu.memory_space<vmem>>) offsets(%dma_start3A_363 : memref<128xi32, #tpu.memory_space<vmem>>) semaphore(%arg10 : memref<!tpu.dma_semaphore, #tpu.memory_space<semaphore_mem>>)
      %dma_wait3A = arith.constant 0 : i32
      %dma_wait3A_367 = arith.constant 0 : i32
      %dma_wait3A_368 = arith.constant 0 : i32
      %dma_wait3A_369 = arith.constant 0 : i32
      %dma_wait3A_370 = tpu.memref_slice %arg9[%dma_wait3A_367, %dma_wait3A_368, %dma_wait3A_369] : memref<3x128x256xf32, #tpu.memory_space<vmem>> -> memref<1x128x256xf32, #tpu.memory_space<vmem>>
      %dma_wait3A_371 = tpu.memref_squeeze %dma_wait3A_370 : memref<1x128x256xf32, #tpu.memory_space<vmem>> -> memref<128x256xf32, #tpu.memory_space<vmem>>
      %dma_wait3A_372 = arith.constant 0 : i32
      %dma_wait3A_373 = tpu.memref_slice %arg8[%dma_wait3A, %dma_wait3A_372] : memref<3x128xi32, #tpu.memory_space<vmem>> -> memref<1x128xi32, #tpu.memory_space<vmem>>
      %dma_wait3A_374 = tpu.memref_squeeze %dma_wait3A_373 : memref<1x128xi32, #tpu.memory_space<vmem>> -> memref<128xi32, #tpu.memory_space<vmem>>
      %dma_wait3A_375 = arith.constant 0 : i32
      %dma_wait3A_376 = arith.constant 0 : i32
      %dma_wait3A_377 = tpu.memref_slice %arg2[%dma_wait3A_375, %dma_wait3A_376] : memref<2048x256xf32, #tpu.memory_space<hbm>> -> memref<2048x256xf32, #tpu.memory_space<hbm>>
      tpu.wait_indirect_dma semaphore(%arg10 : memref<!tpu.dma_semaphore, #tpu.memory_space<semaphore_mem>>) src(%dma_wait3A_377 : memref<2048x256xf32, #tpu.memory_space<hbm>>) dst(%dma_wait3A_371 : memref<128x256xf32, #tpu.memory_space<vmem>>)
      %run_scoped3A_378 = arith.constant 0 : i32
      "tpu.region"() ({
        %run_scoped3A_429 = tpu.sem_alloc : memref<!tpu.dma_semaphore, #tpu.memory_space<semaphore_mem>>
        %dma_start3A_430 = arith.constant 0 : i32
        %dma_start3A_431 = arith.constant 0 : i32
        %dma_start3A_432 = tpu.memref_slice %arg9[%run_scoped3A_378, %dma_start3A_430, %dma_start3A_431] : memref<3x128x256xf32, #tpu.memory_space<vmem>> -> memref<1x128x256xf32, #tpu.memory_space<vmem>>
        %dma_start3A_433 = tpu.memref_squeeze %dma_start3A_432 : memref<1x128x256xf32, #tpu.memory_space<vmem>> -> memref<128x256xf32, #tpu.memory_space<vmem>>
        %dma_start3A_434 = arith.constant 0 : i32
        %dma_start3A_435 = tpu.memref_slice %arg4[%add3A_44, %dma_start3A_434] : memref<8192x256xf32, #tpu.memory_space<hbm>> -> memref<128x256xf32, #tpu.memory_space<hbm>>
        %dma_start3A_436 = arith.constant 0 : i32
        %dma_start3A_437 = tpu.memref_slice %arg4[%add3A_44, %dma_start3A_436] : memref<8192x256xf32, #tpu.memory_space<hbm>> -> memref<128x256xf32, #tpu.memory_space<hbm>>
        %dma_start3A_438 = arith.constant 0 : i32
        %dma_start3A_439 = arith.constant 0 : i32
        %dma_start3A_440 = tpu.memref_slice %arg9[%run_scoped3A_378, %dma_start3A_438, %dma_start3A_439] : memref<3x128x256xf32, #tpu.memory_space<vmem>> -> memref<1x128x256xf32, #tpu.memory_space<vmem>>
        %dma_start3A_441 = tpu.memref_squeeze %dma_start3A_440 : memref<1x128x256xf32, #tpu.memory_space<vmem>> -> memref<128x256xf32, #tpu.memory_space<vmem>>
        tpu.enqueue_dma source(%dma_start3A_441 : memref<128x256xf32, #tpu.memory_space<vmem>>) target(%dma_start3A_437 : memref<128x256xf32, #tpu.memory_space<hbm>>) target_semaphore(%run_scoped3A_429 : memref<!tpu.dma_semaphore, #tpu.memory_space<semaphore_mem>>)
        %dma_wait3A_442 = arith.constant 0 : i32
        %dma_wait3A_443 = arith.constant 0 : i32
        %dma_wait3A_444 = tpu.memref_slice %arg9[%run_scoped3A_378, %dma_wait3A_442, %dma_wait3A_443] : memref<3x128x256xf32, #tpu.memory_space<vmem>> -> memref<1x128x256xf32, #tpu.memory_space<vmem>>
        %dma_wait3A_445 = tpu.memref_squeeze %dma_wait3A_444 : memref<1x128x256xf32, #tpu.memory_space<vmem>> -> memref<128x256xf32, #tpu.memory_space<vmem>>
        %dma_wait3A_446 = arith.constant 0 : i32
        %dma_wait3A_447 = tpu.memref_slice %arg4[%add3A_44, %dma_wait3A_446] : memref<8192x256xf32, #tpu.memory_space<hbm>> -> memref<128x256xf32, #tpu.memory_space<hbm>>
        %dma_wait3A_448 = arith.constant 0 : i32
        %dma_wait3A_449 = tpu.memref_slice %arg4[%add3A_44, %dma_wait3A_448] : memref<8192x256xf32, #tpu.memory_space<hbm>> -> memref<128x256xf32, #tpu.memory_space<hbm>>
        %dma_wait3A_450 = arith.constant 0 : i32
        %dma_wait3A_451 = arith.constant 0 : i32
        %dma_wait3A_452 = tpu.memref_slice %arg9[%run_scoped3A_378, %dma_wait3A_450, %dma_wait3A_451] : memref<3x128x256xf32, #tpu.memory_space<vmem>> -> memref<1x128x256xf32, #tpu.memory_space<vmem>>
        %dma_wait3A_453 = tpu.memref_squeeze %dma_wait3A_452 : memref<1x128x256xf32, #tpu.memory_space<vmem>> -> memref<128x256xf32, #tpu.memory_space<vmem>>
        tpu.wait_dma2 semaphore(%run_scoped3A_429 : memref<!tpu.dma_semaphore, #tpu.memory_space<semaphore_mem>>) src(%dma_wait3A_453 : memref<128x256xf32, #tpu.memory_space<vmem>>) dst(%dma_wait3A_449 : memref<128x256xf32, #tpu.memory_space<hbm>>)
        tpu.yield
      }) : () -> ()
      %dma_start3A_379 = arith.constant 1 : i32
      %dma_start3A_380 = arith.constant 1 : i32
      %dma_start3A_381 = arith.constant 0 : i32
      %dma_start3A_382 = arith.constant 0 : i32
      %dma_start3A_383 = tpu.memref_slice %arg9[%dma_start3A_380, %dma_start3A_381, %dma_start3A_382] : memref<3x128x256xf32, #tpu.memory_space<vmem>> -> memref<1x128x256xf32, #tpu.memory_space<vmem>>
      %dma_start3A_384 = tpu.memref_squeeze %dma_start3A_383 : memref<1x128x256xf32, #tpu.memory_space<vmem>> -> memref<128x256xf32, #tpu.memory_space<vmem>>
      %dma_start3A_385 = arith.constant 0 : i32
      %dma_start3A_386 = tpu.memref_slice %arg8[%dma_start3A_379, %dma_start3A_385] : memref<3x128xi32, #tpu.memory_space<vmem>> -> memref<1x128xi32, #tpu.memory_space<vmem>>
      %dma_start3A_387 = tpu.memref_squeeze %dma_start3A_386 : memref<1x128xi32, #tpu.memory_space<vmem>> -> memref<128xi32, #tpu.memory_space<vmem>>
      %dma_start3A_388 = arith.constant 0 : i32
      %dma_start3A_389 = arith.constant 0 : i32
      %dma_start3A_390 = tpu.memref_slice %arg2[%dma_start3A_388, %dma_start3A_389] : memref<2048x256xf32, #tpu.memory_space<hbm>> -> memref<2048x256xf32, #tpu.memory_space<hbm>>
      tpu.enqueue_indirect_dma source(%dma_start3A_390 : memref<2048x256xf32, #tpu.memory_space<hbm>>) target(%dma_start3A_384 : memref<128x256xf32, #tpu.memory_space<vmem>>) offsets(%dma_start3A_387 : memref<128xi32, #tpu.memory_space<vmem>>) semaphore(%arg10 : memref<!tpu.dma_semaphore, #tpu.memory_space<semaphore_mem>>)
      %dma_wait3A_391 = arith.constant 1 : i32
      %dma_wait3A_392 = arith.constant 1 : i32
      %dma_wait3A_393 = arith.constant 0 : i32
      %dma_wait3A_394 = arith.constant 0 : i32
      %dma_wait3A_395 = tpu.memref_slice %arg9[%dma_wait3A_392, %dma_wait3A_393, %dma_wait3A_394] : memref<3x128x256xf32, #tpu.memory_space<vmem>> -> memref<1x128x256xf32, #tpu.memory_space<vmem>>
      %dma_wait3A_396 = tpu.memref_squeeze %dma_wait3A_395 : memref<1x128x256xf32, #tpu.memory_space<vmem>> -> memref<128x256xf32, #tpu.memory_space<vmem>>
      %dma_wait3A_397 = arith.constant 0 : i32
      %dma_wait3A_398 = tpu.memref_slice %arg8[%dma_wait3A_391, %dma_wait3A_397] : memref<3x128xi32, #tpu.memory_space<vmem>> -> memref<1x128xi32, #tpu.memory_space<vmem>>
      %dma_wait3A_399 = tpu.memref_squeeze %dma_wait3A_398 : memref<1x128xi32, #tpu.memory_space<vmem>> -> memref<128xi32, #tpu.memory_space<vmem>>
      %dma_wait3A_400 = arith.constant 0 : i32
      %dma_wait3A_401 = arith.constant 0 : i32
      %dma_wait3A_402 = tpu.memref_slice %arg2[%dma_wait3A_400, %dma_wait3A_401] : memref<2048x256xf32, #tpu.memory_space<hbm>> -> memref<2048x256xf32, #tpu.memory_space<hbm>>
      tpu.wait_indirect_dma semaphore(%arg10 : memref<!tpu.dma_semaphore, #tpu.memory_space<semaphore_mem>>) src(%dma_wait3A_402 : memref<2048x256xf32, #tpu.memory_space<hbm>>) dst(%dma_wait3A_396 : memref<128x256xf32, #tpu.memory_space<vmem>>)
      %run_scoped3A_403 = arith.constant 1 : i32
      "tpu.region"() ({
        %run_scoped3A_429 = tpu.sem_alloc : memref<!tpu.dma_semaphore, #tpu.memory_space<semaphore_mem>>
        %dma_start3A_430 = arith.constant 0 : i32
        %dma_start3A_431 = arith.constant 0 : i32
        %dma_start3A_432 = tpu.memref_slice %arg9[%run_scoped3A_403, %dma_start3A_430, %dma_start3A_431] : memref<3x128x256xf32, #tpu.memory_space<vmem>> -> memref<1x128x256xf32, #tpu.memory_space<vmem>>
        %dma_start3A_433 = tpu.memref_squeeze %dma_start3A_432 : memref<1x128x256xf32, #tpu.memory_space<vmem>> -> memref<128x256xf32, #tpu.memory_space<vmem>>
        %dma_start3A_434 = arith.constant 0 : i32
        %dma_start3A_435 = tpu.memref_slice %arg5[%add3A_44, %dma_start3A_434] : memref<8192x256xf32, #tpu.memory_space<hbm>> -> memref<128x256xf32, #tpu.memory_space<hbm>>
        %dma_start3A_436 = arith.constant 0 : i32
        %dma_start3A_437 = tpu.memref_slice %arg5[%add3A_44, %dma_start3A_436] : memref<8192x256xf32, #tpu.memory_space<hbm>> -> memref<128x256xf32, #tpu.memory_space<hbm>>
        %dma_start3A_438 = arith.constant 0 : i32
        %dma_start3A_439 = arith.constant 0 : i32
        %dma_start3A_440 = tpu.memref_slice %arg9[%run_scoped3A_403, %dma_start3A_438, %dma_start3A_439] : memref<3x128x256xf32, #tpu.memory_space<vmem>> -> memref<1x128x256xf32, #tpu.memory_space<vmem>>
        %dma_start3A_441 = tpu.memref_squeeze %dma_start3A_440 : memref<1x128x256xf32, #tpu.memory_space<vmem>> -> memref<128x256xf32, #tpu.memory_space<vmem>>
        tpu.enqueue_dma source(%dma_start3A_441 : memref<128x256xf32, #tpu.memory_space<vmem>>) target(%dma_start3A_437 : memref<128x256xf32, #tpu.memory_space<hbm>>) target_semaphore(%run_scoped3A_429 : memref<!tpu.dma_semaphore, #tpu.memory_space<semaphore_mem>>)
        %dma_wait3A_442 = arith.constant 0 : i32
        %dma_wait3A_443 = arith.constant 0 : i32
        %dma_wait3A_444 = tpu.memref_slice %arg9[%run_scoped3A_403, %dma_wait3A_442, %dma_wait3A_443] : memref<3x128x256xf32, #tpu.memory_space<vmem>> -> memref<1x128x256xf32, #tpu.memory_space<vmem>>
        %dma_wait3A_445 = tpu.memref_squeeze %dma_wait3A_444 : memref<1x128x256xf32, #tpu.memory_space<vmem>> -> memref<128x256xf32, #tpu.memory_space<vmem>>
        %dma_wait3A_446 = arith.constant 0 : i32
        %dma_wait3A_447 = tpu.memref_slice %arg5[%add3A_44, %dma_wait3A_446] : memref<8192x256xf32, #tpu.memory_space<hbm>> -> memref<128x256xf32, #tpu.memory_space<hbm>>
        %dma_wait3A_448 = arith.constant 0 : i32
        %dma_wait3A_449 = tpu.memref_slice %arg5[%add3A_44, %dma_wait3A_448] : memref<8192x256xf32, #tpu.memory_space<hbm>> -> memref<128x256xf32, #tpu.memory_space<hbm>>
        %dma_wait3A_450 = arith.constant 0 : i32
        %dma_wait3A_451 = arith.constant 0 : i32
        %dma_wait3A_452 = tpu.memref_slice %arg9[%run_scoped3A_403, %dma_wait3A_450, %dma_wait3A_451] : memref<3x128x256xf32, #tpu.memory_space<vmem>> -> memref<1x128x256xf32, #tpu.memory_space<vmem>>
        %dma_wait3A_453 = tpu.memref_squeeze %dma_wait3A_452 : memref<1x128x256xf32, #tpu.memory_space<vmem>> -> memref<128x256xf32, #tpu.memory_space<vmem>>
        tpu.wait_dma2 semaphore(%run_scoped3A_429 : memref<!tpu.dma_semaphore, #tpu.memory_space<semaphore_mem>>) src(%dma_wait3A_453 : memref<128x256xf32, #tpu.memory_space<vmem>>) dst(%dma_wait3A_449 : memref<128x256xf32, #tpu.memory_space<hbm>>)
        tpu.yield
      }) : () -> ()
      %dma_start3A_404 = arith.constant 2 : i32
      %dma_start3A_405 = arith.constant 2 : i32
      %dma_start3A_406 = arith.constant 0 : i32
      %dma_start3A_407 = arith.constant 0 : i32
      %dma_start3A_408 = tpu.memref_slice %arg9[%dma_start3A_405, %dma_start3A_406, %dma_start3A_407] : memref<3x128x256xf32, #tpu.memory_space<vmem>> -> memref<1x128x256xf32, #tpu.memory_space<vmem>>
      %dma_start3A_409 = tpu.memref_squeeze %dma_start3A_408 : memref<1x128x256xf32, #tpu.memory_space<vmem>> -> memref<128x256xf32, #tpu.memory_space<vmem>>
      %dma_start3A_410 = arith.constant 0 : i32
      %dma_start3A_411 = tpu.memref_slice %arg8[%dma_start3A_404, %dma_start3A_410] : memref<3x128xi32, #tpu.memory_space<vmem>> -> memref<1x128xi32, #tpu.memory_space<vmem>>
      %dma_start3A_412 = tpu.memref_squeeze %dma_start3A_411 : memref<1x128xi32, #tpu.memory_space<vmem>> -> memref<128xi32, #tpu.memory_space<vmem>>
      %dma_start3A_413 = arith.constant 0 : i32
      %dma_start3A_414 = arith.constant 0 : i32
      %dma_start3A_415 = tpu.memref_slice %arg2[%dma_start3A_413, %dma_start3A_414] : memref<2048x256xf32, #tpu.memory_space<hbm>> -> memref<2048x256xf32, #tpu.memory_space<hbm>>
      tpu.enqueue_indirect_dma source(%dma_start3A_415 : memref<2048x256xf32, #tpu.memory_space<hbm>>) target(%dma_start3A_409 : memref<128x256xf32, #tpu.memory_space<vmem>>) offsets(%dma_start3A_412 : memref<128xi32, #tpu.memory_space<vmem>>) semaphore(%arg10 : memref<!tpu.dma_semaphore, #tpu.memory_space<semaphore_mem>>)
      %dma_wait3A_416 = arith.constant 2 : i32
      %dma_wait3A_417 = arith.constant 2 : i32
      %dma_wait3A_418 = arith.constant 0 : i32
      %dma_wait3A_419 = arith.constant 0 : i32
      %dma_wait3A_420 = tpu.memref_slice %arg9[%dma_wait3A_417, %dma_wait3A_418, %dma_wait3A_419] : memref<3x128x256xf32, #tpu.memory_space<vmem>> -> memref<1x128x256xf32, #tpu.memory_space<vmem>>
      %dma_wait3A_421 = tpu.memref_squeeze %dma_wait3A_420 : memref<1x128x256xf32, #tpu.memory_space<vmem>> -> memref<128x256xf32, #tpu.memory_space<vmem>>
      %dma_wait3A_422 = arith.constant 0 : i32
      %dma_wait3A_423 = tpu.memref_slice %arg8[%dma_wait3A_416, %dma_wait3A_422] : memref<3x128xi32, #tpu.memory_space<vmem>> -> memref<1x128xi32, #tpu.memory_space<vmem>>
      %dma_wait3A_424 = tpu.memref_squeeze %dma_wait3A_423 : memref<1x128xi32, #tpu.memory_space<vmem>> -> memref<128xi32, #tpu.memory_space<vmem>>
      %dma_wait3A_425 = arith.constant 0 : i32
      %dma_wait3A_426 = arith.constant 0 : i32
      %dma_wait3A_427 = tpu.memref_slice %arg2[%dma_wait3A_425, %dma_wait3A_426] : memref<2048x256xf32, #tpu.memory_space<hbm>> -> memref<2048x256xf32, #tpu.memory_space<hbm>>
      tpu.wait_indirect_dma semaphore(%arg10 : memref<!tpu.dma_semaphore, #tpu.memory_space<semaphore_mem>>) src(%dma_wait3A_427 : memref<2048x256xf32, #tpu.memory_space<hbm>>) dst(%dma_wait3A_421 : memref<128x256xf32, #tpu.memory_space<vmem>>)
      %run_scoped3A_428 = arith.constant 2 : i32
      "tpu.region"() ({
        %run_scoped3A_429 = tpu.sem_alloc : memref<!tpu.dma_semaphore, #tpu.memory_space<semaphore_mem>>
        %dma_start3A_430 = arith.constant 0 : i32
        %dma_start3A_431 = arith.constant 0 : i32
        %dma_start3A_432 = tpu.memref_slice %arg9[%run_scoped3A_428, %dma_start3A_430, %dma_start3A_431] : memref<3x128x256xf32, #tpu.memory_space<vmem>> -> memref<1x128x256xf32, #tpu.memory_space<vmem>>
        %dma_start3A_433 = tpu.memref_squeeze %dma_start3A_432 : memref<1x128x256xf32, #tpu.memory_space<vmem>> -> memref<128x256xf32, #tpu.memory_space<vmem>>
        %dma_start3A_434 = arith.constant 0 : i32
        %dma_start3A_435 = tpu.memref_slice %arg6[%add3A_44, %dma_start3A_434] : memref<8192x256xf32, #tpu.memory_space<hbm>> -> memref<128x256xf32, #tpu.memory_space<hbm>>
        %dma_start3A_436 = arith.constant 0 : i32
        %dma_start3A_437 = tpu.memref_slice %arg6[%add3A_44, %dma_start3A_436] : memref<8192x256xf32, #tpu.memory_space<hbm>> -> memref<128x256xf32, #tpu.memory_space<hbm>>
        %dma_start3A_438 = arith.constant 0 : i32
        %dma_start3A_439 = arith.constant 0 : i32
        %dma_start3A_440 = tpu.memref_slice %arg9[%run_scoped3A_428, %dma_start3A_438, %dma_start3A_439] : memref<3x128x256xf32, #tpu.memory_space<vmem>> -> memref<1x128x256xf32, #tpu.memory_space<vmem>>
        %dma_start3A_441 = tpu.memref_squeeze %dma_start3A_440 : memref<1x128x256xf32, #tpu.memory_space<vmem>> -> memref<128x256xf32, #tpu.memory_space<vmem>>
        tpu.enqueue_dma source(%dma_start3A_441 : memref<128x256xf32, #tpu.memory_space<vmem>>) target(%dma_start3A_437 : memref<128x256xf32, #tpu.memory_space<hbm>>) target_semaphore(%run_scoped3A_429 : memref<!tpu.dma_semaphore, #tpu.memory_space<semaphore_mem>>)
        %dma_wait3A_442 = arith.constant 0 : i32
        %dma_wait3A_443 = arith.constant 0 : i32
        %dma_wait3A_444 = tpu.memref_slice %arg9[%run_scoped3A_428, %dma_wait3A_442, %dma_wait3A_443] : memref<3x128x256xf32, #tpu.memory_space<vmem>> -> memref<1x128x256xf32, #tpu.memory_space<vmem>>
        %dma_wait3A_445 = tpu.memref_squeeze %dma_wait3A_444 : memref<1x128x256xf32, #tpu.memory_space<vmem>> -> memref<128x256xf32, #tpu.memory_space<vmem>>
        %dma_wait3A_446 = arith.constant 0 : i32
        %dma_wait3A_447 = tpu.memref_slice %arg6[%add3A_44, %dma_wait3A_446] : memref<8192x256xf32, #tpu.memory_space<hbm>> -> memref<128x256xf32, #tpu.memory_space<hbm>>
        %dma_wait3A_448 = arith.constant 0 : i32
        %dma_wait3A_449 = tpu.memref_slice %arg6[%add3A_44, %dma_wait3A_448] : memref<8192x256xf32, #tpu.memory_space<hbm>> -> memref<128x256xf32, #tpu.memory_space<hbm>>
        %dma_wait3A_450 = arith.constant 0 : i32
        %dma_wait3A_451 = arith.constant 0 : i32
        %dma_wait3A_452 = tpu.memref_slice %arg9[%run_scoped3A_428, %dma_wait3A_450, %dma_wait3A_451] : memref<3x128x256xf32, #tpu.memory_space<vmem>> -> memref<1x128x256xf32, #tpu.memory_space<vmem>>
        %dma_wait3A_453 = tpu.memref_squeeze %dma_wait3A_452 : memref<1x128x256xf32, #tpu.memory_space<vmem>> -> memref<128x256xf32, #tpu.memory_space<vmem>>
        tpu.wait_dma2 semaphore(%run_scoped3A_429 : memref<!tpu.dma_semaphore, #tpu.memory_space<semaphore_mem>>) src(%dma_wait3A_453 : memref<128x256xf32, #tpu.memory_space<vmem>>) dst(%dma_wait3A_449 : memref<128x256xf32, #tpu.memory_space<hbm>>)
        tpu.yield
      }) : () -> ()
    }
    %scan3A_37 = arith.constant 2 : i32
    return
  }
}

#map = affine_map<(d0, d1) -> (0, 0)>
#map1 = affine_map<(d0, d1) -> (0, 0, 0)>
module attributes {stable_mosaic.version = 14 : i64} {
  func.func @_sc_gather_body(%arg0: i32, %arg1: i32, %arg2: memref<2048x256xf32, #tpu.memory_space<hbm>>, %arg3: memref<2x1x4096xi32, #tpu.memory_space<hbm>>, %arg4: memref<8192x256xf32, #tpu.memory_space<hbm>>, %arg5: memref<8192x256xf32, #tpu.memory_space<hbm>>, %arg6: memref<8192x256xf32, #tpu.memory_space<hbm>>, %arg7: memref<128xi32, #tpu.memory_space<vmem>>, %arg8: memref<3x128xi32, #tpu.memory_space<vmem>>, %arg9: memref<3x128x256xf32, #tpu.memory_space<vmem>>, %arg10: memref<!tpu.dma_semaphore, #tpu.memory_space<semaphore_mem>>) attributes {dimension_semantics = [#tpu.dimension_semantics<core_parallel>, #tpu.dimension_semantics<subcore_parallel>], iteration_bounds = array<i64: 2, 16>, scalar_prefetch = 0 : i64, scratch_operands = 4 : i64, tpu.core_type = #tpu.core_type<sc_vector_subcore>, window_params = [{transform_indices = #map}, {transform_indices = #map1}, {transform_indices = #map}, {transform_indices = #map}, {transform_indices = #map}]} {
    %mul3A = arith.constant 2 : i32
    %mul3A_0 = arith.muli %arg1, %mul3A : i32
    %add3A = arith.addi %mul3A_0, %arg0 : i32
    %jit3A = arith.constant 16 : i32
    %div3A = arith.divsi %add3A, %jit3A : i32
    %sign3A = arith.constant 0 : i32
    %sign3A_1 = arith.cmpi sgt, %add3A, %sign3A : i32
    %sign3A_2 = arith.extui %sign3A_1 : i1 to i32
    %sign3A_3 = arith.constant 0 : i32
    %sign3A_4 = arith.cmpi slt, %add3A, %sign3A_3 : i32
    %sign3A_5 = arith.extui %sign3A_4 : i1 to i32
    %sign3A_6 = arith.subi %sign3A_2, %sign3A_5 : i32
    %sign3A_7 = arith.constant 0 : i32
    %sign3A_8 = arith.cmpi sgt, %jit3A, %sign3A_7 : i32
    %sign3A_9 = arith.extui %sign3A_8 : i1 to i32
    %sign3A_10 = arith.constant 0 : i32
    %sign3A_11 = arith.cmpi slt, %jit3A, %sign3A_10 : i32
    %sign3A_12 = arith.extui %sign3A_11 : i1 to i32
    %sign3A_13 = arith.subi %sign3A_9, %sign3A_12 : i32
    %ne3A = arith.cmpi ne, %sign3A_6, %sign3A_13 : i32
    %rem3A = arith.remsi %add3A, %jit3A : i32
    %ne3A_14 = arith.constant 0 : i32
    %ne3A_15 = arith.cmpi ne, %rem3A, %ne3A_14 : i32
    %and3A = arith.andi %ne3A, %ne3A_15 : i1
    %sub3A = arith.constant 1 : i32
    %sub3A_16 = arith.subi %div3A, %sub3A : i32
    %select_n3A = arith.select %and3A, %sub3A_16, %div3A : i32
    %jit3A_17 = arith.constant 16 : i32
    %eq3A = arith.constant 0 : i32
    %eq3A_18 = arith.cmpi eq, %jit3A_17, %eq3A : i32
    %jit3A_19 = arith.constant 1 : i32
    %select_n3A_20 = arith.select %eq3A_18, %jit3A_19, %jit3A_17 : i32
    %rem3A_21 = arith.remsi %add3A, %select_n3A_20 : i32
    %ne3A_22 = arith.constant 0 : i32
    %ne3A_23 = arith.cmpi ne, %rem3A_21, %ne3A_22 : i32
    %lt3A = arith.constant 0 : i32
    %lt3A_24 = arith.cmpi slt, %rem3A_21, %lt3A : i32
    %lt3A_25 = arith.constant 0 : i32
    %lt3A_26 = arith.cmpi slt, %select_n3A_20, %lt3A_25 : i32
    %ne3A_27 = arith.xori %lt3A_24, %lt3A_26 : i1
    %and3A_28 = arith.andi %ne3A_27, %ne3A_23 : i1
    %add3A_29 = arith.addi %rem3A_21, %select_n3A_20 : i32
    %select_n3A_30 = arith.select %and3A_28, %add3A_29, %rem3A_21 : i32
    %mul3A_31 = arith.constant 256 : i32
    %mul3A_32 = arith.muli %select_n3A_30, %mul3A_31 : i32
    %scan3A = arith.constant 0 : i32
    %scan3A_33 = arith.constant 0 : i32
    %scan3A_34 = arith.constant 2 : i32
    %scan3A_35 = arith.addi %scan3A_33, %scan3A_34 : i32
    %scan3A_36 = arith.constant 1 : i32
    scf.for %scan3A_38 = %scan3A_33 to %scan3A_35 step %scan3A_36  : i32 {
      %mul3A_39 = arith.constant 128 : i32
      %mul3A_40 = arith.muli %scan3A_38, %mul3A_39 : i32
      %add3A_41 = arith.addi %mul3A_32, %mul3A_40 : i32
      %mul3A_42 = arith.constant 4096 : i32
      %mul3A_43 = arith.muli %select_n3A, %mul3A_42 : i32
      %add3A_44 = arith.addi %mul3A_43, %add3A_41 : i32
      %run_scoped3A = arith.constant 0 : i32
      "tpu.region"() ({
        %run_scoped3A_429 = tpu.sem_alloc : memref<!tpu.dma_semaphore, #tpu.memory_space<semaphore_mem>>
        %dma_start3A_430 = tpu.memref_slice %arg3[%select_n3A, %run_scoped3A, %add3A_41] : memref<2x1x4096xi32, #tpu.memory_space<hbm>> -> memref<1x1x128xi32, #tpu.memory_space<hbm>>
        %dma_start3A_431 = tpu.memref_squeeze %dma_start3A_430 : memref<1x1x128xi32, #tpu.memory_space<hbm>> -> memref<128xi32, #tpu.memory_space<hbm>>
        %dma_start3A_432 = tpu.memref_slice %arg3[%select_n3A, %run_scoped3A, %add3A_41] : memref<2x1x4096xi32, #tpu.memory_space<hbm>> -> memref<1x1x128xi32, #tpu.memory_space<hbm>>
        %dma_start3A_433 = tpu.memref_squeeze %dma_start3A_432 : memref<1x1x128xi32, #tpu.memory_space<hbm>> -> memref<128xi32, #tpu.memory_space<hbm>>
        tpu.enqueue_dma source(%dma_start3A_433 : memref<128xi32, #tpu.memory_space<hbm>>) target(%arg7 : memref<128xi32, #tpu.memory_space<vmem>>) target_semaphore(%run_scoped3A_429 : memref<!tpu.dma_semaphore, #tpu.memory_space<semaphore_mem>>)
        %dma_wait3A_434 = tpu.memref_slice %arg3[%select_n3A, %run_scoped3A, %add3A_41] : memref<2x1x4096xi32, #tpu.memory_space<hbm>> -> memref<1x1x128xi32, #tpu.memory_space<hbm>>
        %dma_wait3A_435 = tpu.memref_squeeze %dma_wait3A_434 : memref<1x1x128xi32, #tpu.memory_space<hbm>> -> memref<128xi32, #tpu.memory_space<hbm>>
        %dma_wait3A_436 = tpu.memref_slice %arg3[%select_n3A, %run_scoped3A, %add3A_41] : memref<2x1x4096xi32, #tpu.memory_space<hbm>> -> memref<1x1x128xi32, #tpu.memory_space<hbm>>
        %dma_wait3A_437 = tpu.memref_squeeze %dma_wait3A_436 : memref<1x1x128xi32, #tpu.memory_space<hbm>> -> memref<128xi32, #tpu.memory_space<hbm>>
        tpu.wait_dma2 semaphore(%run_scoped3A_429 : memref<!tpu.dma_semaphore, #tpu.memory_space<semaphore_mem>>) src(%dma_wait3A_437 : memref<128xi32, #tpu.memory_space<hbm>>) dst(%arg7 : memref<128xi32, #tpu.memory_space<vmem>>)
        tpu.yield
      }) : () -> ()
      %mul3A_45 = arith.constant 1024 : i32
      %mul3A_46 = arith.muli %select_n3A, %mul3A_45 : i32
      %get3A = arith.constant 0 : index
      %get3A_47 = tpu.vector_load %arg7[%get3A] {strides = array<i32>} : memref<128xi32, #tpu.memory_space<vmem>>, vector<16xi32>,
      %get3A_48 = vector.shape_cast %get3A_47 : vector<16xi32> to vector<16xi32>
      %shift_right_arithmetic3A = arith.constant 20 : i32
      %shift_right_arithmetic3A_49 = vector.broadcast %shift_right_arithmetic3A : i32 to vector<16xi32>
      %shift_right_arithmetic3A_50 = arith.shrsi %get3A_48, %shift_right_arithmetic3A_49 : vector<16xi32>
      %add3A_51 = vector.broadcast %mul3A_46 : i32 to vector<16xi32>
      %add3A_52 = arith.addi %shift_right_arithmetic3A_50, %add3A_51 : vector<16xi32>
      %swap3A = arith.constant 0 : i32
      %swap3A_53 = arith.index_cast %swap3A : i32 to index
      %swap3A_54 = arith.constant 0 : index
      %swap3A_55 = tpu.vector_load %arg8[%swap3A_53, %swap3A_54] {strides = array<i32>} : memref<3x128xi32, #tpu.memory_space<vmem>>, vector<1x16xi32>,
      %swap3A_56 = vector.shape_cast %swap3A_55 : vector<1x16xi32> to vector<16xi32>
      %swap3A_57 = vector.shape_cast %add3A_52 : vector<16xi32> to vector<1x16xi32>
      tpu.vector_store %arg8[%swap3A_53, %swap3A_54], %swap3A_57 {strides = array<i32>} : memref<3x128xi32, #tpu.memory_space<vmem>>, vector<1x16xi32>,
      %shift_right_arithmetic3A_58 = arith.constant 10 : i32
      %shift_right_arithmetic3A_59 = vector.broadcast %shift_right_arithmetic3A_58 : i32 to vector<16xi32>
      %shift_right_arithmetic3A_60 = arith.shrsi %get3A_48, %shift_right_arithmetic3A_59 : vector<16xi32>
      %and3A_61 = arith.constant 1023 : i32
      %and3A_62 = vector.broadcast %and3A_61 : i32 to vector<16xi32>
      %and3A_63 = arith.andi %shift_right_arithmetic3A_60, %and3A_62 : vector<16xi32>
      %add3A_64 = vector.broadcast %mul3A_46 : i32 to vector<16xi32>
      %add3A_65 = arith.addi %and3A_63, %add3A_64 : vector<16xi32>
      %swap3A_66 = arith.constant 1 : i32
      %swap3A_67 = arith.index_cast %swap3A_66 : i32 to index
      %swap3A_68 = arith.constant 0 : index
      %swap3A_69 = tpu.vector_load %arg8[%swap3A_67, %swap3A_68] {strides = array<i32>} : memref<3x128xi32, #tpu.memory_space<vmem>>, vector<1x16xi32>,
      %swap3A_70 = vector.shape_cast %swap3A_69 : vector<1x16xi32> to vector<16xi32>
      %swap3A_71 = vector.shape_cast %add3A_65 : vector<16xi32> to vector<1x16xi32>
      tpu.vector_store %arg8[%swap3A_67, %swap3A_68], %swap3A_71 {strides = array<i32>} : memref<3x128xi32, #tpu.memory_space<vmem>>, vector<1x16xi32>,
      %and3A_72 = arith.constant 1023 : i32
      %and3A_73 = vector.broadcast %and3A_72 : i32 to vector<16xi32>
      %and3A_74 = arith.andi %get3A_48, %and3A_73 : vector<16xi32>
      %add3A_75 = vector.broadcast %mul3A_46 : i32 to vector<16xi32>
      %add3A_76 = arith.addi %and3A_74, %add3A_75 : vector<16xi32>
      %swap3A_77 = arith.constant 2 : i32
      %swap3A_78 = arith.index_cast %swap3A_77 : i32 to index
      %swap3A_79 = arith.constant 0 : index
      %swap3A_80 = tpu.vector_load %arg8[%swap3A_78, %swap3A_79] {strides = array<i32>} : memref<3x128xi32, #tpu.memory_space<vmem>>, vector<1x16xi32>,
      %swap3A_81 = vector.shape_cast %swap3A_80 : vector<1x16xi32> to vector<16xi32>
      %swap3A_82 = vector.shape_cast %add3A_76 : vector<16xi32> to vector<1x16xi32>
      tpu.vector_store %arg8[%swap3A_78, %swap3A_79], %swap3A_82 {strides = array<i32>} : memref<3x128xi32, #tpu.memory_space<vmem>>, vector<1x16xi32>,
      %get3A_83 = arith.constant 16 : index
      %get3A_84 = tpu.vector_load %arg7[%get3A_83] {strides = array<i32>} : memref<128xi32, #tpu.memory_space<vmem>>, vector<16xi32>,
      %get3A_85 = vector.shape_cast %get3A_84 : vector<16xi32> to vector<16xi32>
      %shift_right_arithmetic3A_86 = arith.constant 20 : i32
      %shift_right_arithmetic3A_87 = vector.broadcast %shift_right_arithmetic3A_86 : i32 to vector<16xi32>
      %shift_right_arithmetic3A_88 = arith.shrsi %get3A_85, %shift_right_arithmetic3A_87 : vector<16xi32>
      %add3A_89 = vector.broadcast %mul3A_46 : i32 to vector<16xi32>
      %add3A_90 = arith.addi %shift_right_arithmetic3A_88, %add3A_89 : vector<16xi32>
      %swap3A_91 = arith.constant 0 : i32
      %swap3A_92 = arith.index_cast %swap3A_91 : i32 to index
      %swap3A_93 = arith.constant 16 : index
      %swap3A_94 = tpu.vector_load %arg8[%swap3A_92, %swap3A_93] {strides = array<i32>} : memref<3x128xi32, #tpu.memory_space<vmem>>, vector<1x16xi32>,
      %swap3A_95 = vector.shape_cast %swap3A_94 : vector<1x16xi32> to vector<16xi32>
      %swap3A_96 = vector.shape_cast %add3A_90 : vector<16xi32> to vector<1x16xi32>
      tpu.vector_store %arg8[%swap3A_92, %swap3A_93], %swap3A_96 {strides = array<i32>} : memref<3x128xi32, #tpu.memory_space<vmem>>, vector<1x16xi32>,
      %shift_right_arithmetic3A_97 = arith.constant 10 : i32
      %shift_right_arithmetic3A_98 = vector.broadcast %shift_right_arithmetic3A_97 : i32 to vector<16xi32>
      %shift_right_arithmetic3A_99 = arith.shrsi %get3A_85, %shift_right_arithmetic3A_98 : vector<16xi32>
      %and3A_100 = arith.constant 1023 : i32
      %and3A_101 = vector.broadcast %and3A_100 : i32 to vector<16xi32>
      %and3A_102 = arith.andi %shift_right_arithmetic3A_99, %and3A_101 : vector<16xi32>
      %add3A_103 = vector.broadcast %mul3A_46 : i32 to vector<16xi32>
      %add3A_104 = arith.addi %and3A_102, %add3A_103 : vector<16xi32>
      %swap3A_105 = arith.constant 1 : i32
      %swap3A_106 = arith.index_cast %swap3A_105 : i32 to index
      %swap3A_107 = arith.constant 16 : index
      %swap3A_108 = tpu.vector_load %arg8[%swap3A_106, %swap3A_107] {strides = array<i32>} : memref<3x128xi32, #tpu.memory_space<vmem>>, vector<1x16xi32>,
      %swap3A_109 = vector.shape_cast %swap3A_108 : vector<1x16xi32> to vector<16xi32>
      %swap3A_110 = vector.shape_cast %add3A_104 : vector<16xi32> to vector<1x16xi32>
      tpu.vector_store %arg8[%swap3A_106, %swap3A_107], %swap3A_110 {strides = array<i32>} : memref<3x128xi32, #tpu.memory_space<vmem>>, vector<1x16xi32>,
      %and3A_111 = arith.constant 1023 : i32
      %and3A_112 = vector.broadcast %and3A_111 : i32 to vector<16xi32>
      %and3A_113 = arith.andi %get3A_85, %and3A_112 : vector<16xi32>
      %add3A_114 = vector.broadcast %mul3A_46 : i32 to vector<16xi32>
      %add3A_115 = arith.addi %and3A_113, %add3A_114 : vector<16xi32>
      %swap3A_116 = arith.constant 2 : i32
      %swap3A_117 = arith.index_cast %swap3A_116 : i32 to index
      %swap3A_118 = arith.constant 16 : index
      %swap3A_119 = tpu.vector_load %arg8[%swap3A_117, %swap3A_118] {strides = array<i32>} : memref<3x128xi32, #tpu.memory_space<vmem>>, vector<1x16xi32>,
      %swap3A_120 = vector.shape_cast %swap3A_119 : vector<1x16xi32> to vector<16xi32>
      %swap3A_121 = vector.shape_cast %add3A_115 : vector<16xi32> to vector<1x16xi32>
      tpu.vector_store %arg8[%swap3A_117, %swap3A_118], %swap3A_121 {strides = array<i32>} : memref<3x128xi32, #tpu.memory_space<vmem>>, vector<1x16xi32>,
      %get3A_122 = arith.constant 32 : index
      %get3A_123 = tpu.vector_load %arg7[%get3A_122] {strides = array<i32>} : memref<128xi32, #tpu.memory_space<vmem>>, vector<16xi32>,
      %get3A_124 = vector.shape_cast %get3A_123 : vector<16xi32> to vector<16xi32>
      %shift_right_arithmetic3A_125 = arith.constant 20 : i32
      %shift_right_arithmetic3A_126 = vector.broadcast %shift_right_arithmetic3A_125 : i32 to vector<16xi32>
      %shift_right_arithmetic3A_127 = arith.shrsi %get3A_124, %shift_right_arithmetic3A_126 : vector<16xi32>
      %add3A_128 = vector.broadcast %mul3A_46 : i32 to vector<16xi32>
      %add3A_129 = arith.addi %shift_right_arithmetic3A_127, %add3A_128 : vector<16xi32>
      %swap3A_130 = arith.constant 0 : i32
      %swap3A_131 = arith.index_cast %swap3A_130 : i32 to index
      %swap3A_132 = arith.constant 32 : index
      %swap3A_133 = tpu.vector_load %arg8[%swap3A_131, %swap3A_132] {strides = array<i32>} : memref<3x128xi32, #tpu.memory_space<vmem>>, vector<1x16xi32>,
      %swap3A_134 = vector.shape_cast %swap3A_133 : vector<1x16xi32> to vector<16xi32>
      %swap3A_135 = vector.shape_cast %add3A_129 : vector<16xi32> to vector<1x16xi32>
      tpu.vector_store %arg8[%swap3A_131, %swap3A_132], %swap3A_135 {strides = array<i32>} : memref<3x128xi32, #tpu.memory_space<vmem>>, vector<1x16xi32>,
      %shift_right_arithmetic3A_136 = arith.constant 10 : i32
      %shift_right_arithmetic3A_137 = vector.broadcast %shift_right_arithmetic3A_136 : i32 to vector<16xi32>
      %shift_right_arithmetic3A_138 = arith.shrsi %get3A_124, %shift_right_arithmetic3A_137 : vector<16xi32>
      %and3A_139 = arith.constant 1023 : i32
      %and3A_140 = vector.broadcast %and3A_139 : i32 to vector<16xi32>
      %and3A_141 = arith.andi %shift_right_arithmetic3A_138, %and3A_140 : vector<16xi32>
      %add3A_142 = vector.broadcast %mul3A_46 : i32 to vector<16xi32>
      %add3A_143 = arith.addi %and3A_141, %add3A_142 : vector<16xi32>
      %swap3A_144 = arith.constant 1 : i32
      %swap3A_145 = arith.index_cast %swap3A_144 : i32 to index
      %swap3A_146 = arith.constant 32 : index
      %swap3A_147 = tpu.vector_load %arg8[%swap3A_145, %swap3A_146] {strides = array<i32>} : memref<3x128xi32, #tpu.memory_space<vmem>>, vector<1x16xi32>,
      %swap3A_148 = vector.shape_cast %swap3A_147 : vector<1x16xi32> to vector<16xi32>
      %swap3A_149 = vector.shape_cast %add3A_143 : vector<16xi32> to vector<1x16xi32>
      tpu.vector_store %arg8[%swap3A_145, %swap3A_146], %swap3A_149 {strides = array<i32>} : memref<3x128xi32, #tpu.memory_space<vmem>>, vector<1x16xi32>,
      %and3A_150 = arith.constant 1023 : i32
      %and3A_151 = vector.broadcast %and3A_150 : i32 to vector<16xi32>
      %and3A_152 = arith.andi %get3A_124, %and3A_151 : vector<16xi32>
      %add3A_153 = vector.broadcast %mul3A_46 : i32 to vector<16xi32>
      %add3A_154 = arith.addi %and3A_152, %add3A_153 : vector<16xi32>
      %swap3A_155 = arith.constant 2 : i32
      %swap3A_156 = arith.index_cast %swap3A_155 : i32 to index
      %swap3A_157 = arith.constant 32 : index
      %swap3A_158 = tpu.vector_load %arg8[%swap3A_156, %swap3A_157] {strides = array<i32>} : memref<3x128xi32, #tpu.memory_space<vmem>>, vector<1x16xi32>,
      %swap3A_159 = vector.shape_cast %swap3A_158 : vector<1x16xi32> to vector<16xi32>
      %swap3A_160 = vector.shape_cast %add3A_154 : vector<16xi32> to vector<1x16xi32>
      tpu.vector_store %arg8[%swap3A_156, %swap3A_157], %swap3A_160 {strides = array<i32>} : memref<3x128xi32, #tpu.memory_space<vmem>>, vector<1x16xi32>,
      %get3A_161 = arith.constant 48 : index
      %get3A_162 = tpu.vector_load %arg7[%get3A_161] {strides = array<i32>} : memref<128xi32, #tpu.memory_space<vmem>>, vector<16xi32>,
      %get3A_163 = vector.shape_cast %get3A_162 : vector<16xi32> to vector<16xi32>
      %shift_right_arithmetic3A_164 = arith.constant 20 : i32
      %shift_right_arithmetic3A_165 = vector.broadcast %shift_right_arithmetic3A_164 : i32 to vector<16xi32>
      %shift_right_arithmetic3A_166 = arith.shrsi %get3A_163, %shift_right_arithmetic3A_165 : vector<16xi32>
      %add3A_167 = vector.broadcast %mul3A_46 : i32 to vector<16xi32>
      %add3A_168 = arith.addi %shift_right_arithmetic3A_166, %add3A_167 : vector<16xi32>
      %swap3A_169 = arith.constant 0 : i32
      %swap3A_170 = arith.index_cast %swap3A_169 : i32 to index
      %swap3A_171 = arith.constant 48 : index
      %swap3A_172 = tpu.vector_load %arg8[%swap3A_170, %swap3A_171] {strides = array<i32>} : memref<3x128xi32, #tpu.memory_space<vmem>>, vector<1x16xi32>,
      %swap3A_173 = vector.shape_cast %swap3A_172 : vector<1x16xi32> to vector<16xi32>
      %swap3A_174 = vector.shape_cast %add3A_168 : vector<16xi32> to vector<1x16xi32>
      tpu.vector_store %arg8[%swap3A_170, %swap3A_171], %swap3A_174 {strides = array<i32>} : memref<3x128xi32, #tpu.memory_space<vmem>>, vector<1x16xi32>,
      %shift_right_arithmetic3A_175 = arith.constant 10 : i32
      %shift_right_arithmetic3A_176 = vector.broadcast %shift_right_arithmetic3A_175 : i32 to vector<16xi32>
      %shift_right_arithmetic3A_177 = arith.shrsi %get3A_163, %shift_right_arithmetic3A_176 : vector<16xi32>
      %and3A_178 = arith.constant 1023 : i32
      %and3A_179 = vector.broadcast %and3A_178 : i32 to vector<16xi32>
      %and3A_180 = arith.andi %shift_right_arithmetic3A_177, %and3A_179 : vector<16xi32>
      %add3A_181 = vector.broadcast %mul3A_46 : i32 to vector<16xi32>
      %add3A_182 = arith.addi %and3A_180, %add3A_181 : vector<16xi32>
      %swap3A_183 = arith.constant 1 : i32
      %swap3A_184 = arith.index_cast %swap3A_183 : i32 to index
      %swap3A_185 = arith.constant 48 : index
      %swap3A_186 = tpu.vector_load %arg8[%swap3A_184, %swap3A_185] {strides = array<i32>} : memref<3x128xi32, #tpu.memory_space<vmem>>, vector<1x16xi32>,
      %swap3A_187 = vector.shape_cast %swap3A_186 : vector<1x16xi32> to vector<16xi32>
      %swap3A_188 = vector.shape_cast %add3A_182 : vector<16xi32> to vector<1x16xi32>
      tpu.vector_store %arg8[%swap3A_184, %swap3A_185], %swap3A_188 {strides = array<i32>} : memref<3x128xi32, #tpu.memory_space<vmem>>, vector<1x16xi32>,
      %and3A_189 = arith.constant 1023 : i32
      %and3A_190 = vector.broadcast %and3A_189 : i32 to vector<16xi32>
      %and3A_191 = arith.andi %get3A_163, %and3A_190 : vector<16xi32>
      %add3A_192 = vector.broadcast %mul3A_46 : i32 to vector<16xi32>
      %add3A_193 = arith.addi %and3A_191, %add3A_192 : vector<16xi32>
      %swap3A_194 = arith.constant 2 : i32
      %swap3A_195 = arith.index_cast %swap3A_194 : i32 to index
      %swap3A_196 = arith.constant 48 : index
      %swap3A_197 = tpu.vector_load %arg8[%swap3A_195, %swap3A_196] {strides = array<i32>} : memref<3x128xi32, #tpu.memory_space<vmem>>, vector<1x16xi32>,
      %swap3A_198 = vector.shape_cast %swap3A_197 : vector<1x16xi32> to vector<16xi32>
      %swap3A_199 = vector.shape_cast %add3A_193 : vector<16xi32> to vector<1x16xi32>
      tpu.vector_store %arg8[%swap3A_195, %swap3A_196], %swap3A_199 {strides = array<i32>} : memref<3x128xi32, #tpu.memory_space<vmem>>, vector<1x16xi32>,
      %get3A_200 = arith.constant 64 : index
      %get3A_201 = tpu.vector_load %arg7[%get3A_200] {strides = array<i32>} : memref<128xi32, #tpu.memory_space<vmem>>, vector<16xi32>,
      %get3A_202 = vector.shape_cast %get3A_201 : vector<16xi32> to vector<16xi32>
      %shift_right_arithmetic3A_203 = arith.constant 20 : i32
      %shift_right_arithmetic3A_204 = vector.broadcast %shift_right_arithmetic3A_203 : i32 to vector<16xi32>
      %shift_right_arithmetic3A_205 = arith.shrsi %get3A_202, %shift_right_arithmetic3A_204 : vector<16xi32>
      %add3A_206 = vector.broadcast %mul3A_46 : i32 to vector<16xi32>
      %add3A_207 = arith.addi %shift_right_arithmetic3A_205, %add3A_206 : vector<16xi32>
      %swap3A_208 = arith.constant 0 : i32
      %swap3A_209 = arith.index_cast %swap3A_208 : i32 to index
      %swap3A_210 = arith.constant 64 : index
      %swap3A_211 = tpu.vector_load %arg8[%swap3A_209, %swap3A_210] {strides = array<i32>} : memref<3x128xi32, #tpu.memory_space<vmem>>, vector<1x16xi32>,
      %swap3A_212 = vector.shape_cast %swap3A_211 : vector<1x16xi32> to vector<16xi32>
      %swap3A_213 = vector.shape_cast %add3A_207 : vector<16xi32> to vector<1x16xi32>
      tpu.vector_store %arg8[%swap3A_209, %swap3A_210], %swap3A_213 {strides = array<i32>} : memref<3x128xi32, #tpu.memory_space<vmem>>, vector<1x16xi32>,
      %shift_right_arithmetic3A_214 = arith.constant 10 : i32
      %shift_right_arithmetic3A_215 = vector.broadcast %shift_right_arithmetic3A_214 : i32 to vector<16xi32>
      %shift_right_arithmetic3A_216 = arith.shrsi %get3A_202, %shift_right_arithmetic3A_215 : vector<16xi32>
      %and3A_217 = arith.constant 1023 : i32
      %and3A_218 = vector.broadcast %and3A_217 : i32 to vector<16xi32>
      %and3A_219 = arith.andi %shift_right_arithmetic3A_216, %and3A_218 : vector<16xi32>
      %add3A_220 = vector.broadcast %mul3A_46 : i32 to vector<16xi32>
      %add3A_221 = arith.addi %and3A_219, %add3A_220 : vector<16xi32>
      %swap3A_222 = arith.constant 1 : i32
      %swap3A_223 = arith.index_cast %swap3A_222 : i32 to index
      %swap3A_224 = arith.constant 64 : index
      %swap3A_225 = tpu.vector_load %arg8[%swap3A_223, %swap3A_224] {strides = array<i32>} : memref<3x128xi32, #tpu.memory_space<vmem>>, vector<1x16xi32>,
      %swap3A_226 = vector.shape_cast %swap3A_225 : vector<1x16xi32> to vector<16xi32>
      %swap3A_227 = vector.shape_cast %add3A_221 : vector<16xi32> to vector<1x16xi32>
      tpu.vector_store %arg8[%swap3A_223, %swap3A_224], %swap3A_227 {strides = array<i32>} : memref<3x128xi32, #tpu.memory_space<vmem>>, vector<1x16xi32>,
      %and3A_228 = arith.constant 1023 : i32
      %and3A_229 = vector.broadcast %and3A_228 : i32 to vector<16xi32>
      %and3A_230 = arith.andi %get3A_202, %and3A_229 : vector<16xi32>
      %add3A_231 = vector.broadcast %mul3A_46 : i32 to vector<16xi32>
      %add3A_232 = arith.addi %and3A_230, %add3A_231 : vector<16xi32>
      %swap3A_233 = arith.constant 2 : i32
      %swap3A_234 = arith.index_cast %swap3A_233 : i32 to index
      %swap3A_235 = arith.constant 64 : index
      %swap3A_236 = tpu.vector_load %arg8[%swap3A_234, %swap3A_235] {strides = array<i32>} : memref<3x128xi32, #tpu.memory_space<vmem>>, vector<1x16xi32>,
      %swap3A_237 = vector.shape_cast %swap3A_236 : vector<1x16xi32> to vector<16xi32>
      %swap3A_238 = vector.shape_cast %add3A_232 : vector<16xi32> to vector<1x16xi32>
      tpu.vector_store %arg8[%swap3A_234, %swap3A_235], %swap3A_238 {strides = array<i32>} : memref<3x128xi32, #tpu.memory_space<vmem>>, vector<1x16xi32>,
      %get3A_239 = arith.constant 80 : index
      %get3A_240 = tpu.vector_load %arg7[%get3A_239] {strides = array<i32>} : memref<128xi32, #tpu.memory_space<vmem>>, vector<16xi32>,
      %get3A_241 = vector.shape_cast %get3A_240 : vector<16xi32> to vector<16xi32>
      %shift_right_arithmetic3A_242 = arith.constant 20 : i32
      %shift_right_arithmetic3A_243 = vector.broadcast %shift_right_arithmetic3A_242 : i32 to vector<16xi32>
      %shift_right_arithmetic3A_244 = arith.shrsi %get3A_241, %shift_right_arithmetic3A_243 : vector<16xi32>
      %add3A_245 = vector.broadcast %mul3A_46 : i32 to vector<16xi32>
      %add3A_246 = arith.addi %shift_right_arithmetic3A_244, %add3A_245 : vector<16xi32>
      %swap3A_247 = arith.constant 0 : i32
      %swap3A_248 = arith.index_cast %swap3A_247 : i32 to index
      %swap3A_249 = arith.constant 80 : index
      %swap3A_250 = tpu.vector_load %arg8[%swap3A_248, %swap3A_249] {strides = array<i32>} : memref<3x128xi32, #tpu.memory_space<vmem>>, vector<1x16xi32>,
      %swap3A_251 = vector.shape_cast %swap3A_250 : vector<1x16xi32> to vector<16xi32>
      %swap3A_252 = vector.shape_cast %add3A_246 : vector<16xi32> to vector<1x16xi32>
      tpu.vector_store %arg8[%swap3A_248, %swap3A_249], %swap3A_252 {strides = array<i32>} : memref<3x128xi32, #tpu.memory_space<vmem>>, vector<1x16xi32>,
      %shift_right_arithmetic3A_253 = arith.constant 10 : i32
      %shift_right_arithmetic3A_254 = vector.broadcast %shift_right_arithmetic3A_253 : i32 to vector<16xi32>
      %shift_right_arithmetic3A_255 = arith.shrsi %get3A_241, %shift_right_arithmetic3A_254 : vector<16xi32>
      %and3A_256 = arith.constant 1023 : i32
      %and3A_257 = vector.broadcast %and3A_256 : i32 to vector<16xi32>
      %and3A_258 = arith.andi %shift_right_arithmetic3A_255, %and3A_257 : vector<16xi32>
      %add3A_259 = vector.broadcast %mul3A_46 : i32 to vector<16xi32>
      %add3A_260 = arith.addi %and3A_258, %add3A_259 : vector<16xi32>
      %swap3A_261 = arith.constant 1 : i32
      %swap3A_262 = arith.index_cast %swap3A_261 : i32 to index
      %swap3A_263 = arith.constant 80 : index
      %swap3A_264 = tpu.vector_load %arg8[%swap3A_262, %swap3A_263] {strides = array<i32>} : memref<3x128xi32, #tpu.memory_space<vmem>>, vector<1x16xi32>,
      %swap3A_265 = vector.shape_cast %swap3A_264 : vector<1x16xi32> to vector<16xi32>
      %swap3A_266 = vector.shape_cast %add3A_260 : vector<16xi32> to vector<1x16xi32>
      tpu.vector_store %arg8[%swap3A_262, %swap3A_263], %swap3A_266 {strides = array<i32>} : memref<3x128xi32, #tpu.memory_space<vmem>>, vector<1x16xi32>,
      %and3A_267 = arith.constant 1023 : i32
      %and3A_268 = vector.broadcast %and3A_267 : i32 to vector<16xi32>
      %and3A_269 = arith.andi %get3A_241, %and3A_268 : vector<16xi32>
      %add3A_270 = vector.broadcast %mul3A_46 : i32 to vector<16xi32>
      %add3A_271 = arith.addi %and3A_269, %add3A_270 : vector<16xi32>
      %swap3A_272 = arith.constant 2 : i32
      %swap3A_273 = arith.index_cast %swap3A_272 : i32 to index
      %swap3A_274 = arith.constant 80 : index
      %swap3A_275 = tpu.vector_load %arg8[%swap3A_273, %swap3A_274] {strides = array<i32>} : memref<3x128xi32, #tpu.memory_space<vmem>>, vector<1x16xi32>,
      %swap3A_276 = vector.shape_cast %swap3A_275 : vector<1x16xi32> to vector<16xi32>
      %swap3A_277 = vector.shape_cast %add3A_271 : vector<16xi32> to vector<1x16xi32>
      tpu.vector_store %arg8[%swap3A_273, %swap3A_274], %swap3A_277 {strides = array<i32>} : memref<3x128xi32, #tpu.memory_space<vmem>>, vector<1x16xi32>,
      %get3A_278 = arith.constant 96 : index
      %get3A_279 = tpu.vector_load %arg7[%get3A_278] {strides = array<i32>} : memref<128xi32, #tpu.memory_space<vmem>>, vector<16xi32>,
      %get3A_280 = vector.shape_cast %get3A_279 : vector<16xi32> to vector<16xi32>
      %shift_right_arithmetic3A_281 = arith.constant 20 : i32
      %shift_right_arithmetic3A_282 = vector.broadcast %shift_right_arithmetic3A_281 : i32 to vector<16xi32>
      %shift_right_arithmetic3A_283 = arith.shrsi %get3A_280, %shift_right_arithmetic3A_282 : vector<16xi32>
      %add3A_284 = vector.broadcast %mul3A_46 : i32 to vector<16xi32>
      %add3A_285 = arith.addi %shift_right_arithmetic3A_283, %add3A_284 : vector<16xi32>
      %swap3A_286 = arith.constant 0 : i32
      %swap3A_287 = arith.index_cast %swap3A_286 : i32 to index
      %swap3A_288 = arith.constant 96 : index
      %swap3A_289 = tpu.vector_load %arg8[%swap3A_287, %swap3A_288] {strides = array<i32>} : memref<3x128xi32, #tpu.memory_space<vmem>>, vector<1x16xi32>,
      %swap3A_290 = vector.shape_cast %swap3A_289 : vector<1x16xi32> to vector<16xi32>
      %swap3A_291 = vector.shape_cast %add3A_285 : vector<16xi32> to vector<1x16xi32>
      tpu.vector_store %arg8[%swap3A_287, %swap3A_288], %swap3A_291 {strides = array<i32>} : memref<3x128xi32, #tpu.memory_space<vmem>>, vector<1x16xi32>,
      %shift_right_arithmetic3A_292 = arith.constant 10 : i32
      %shift_right_arithmetic3A_293 = vector.broadcast %shift_right_arithmetic3A_292 : i32 to vector<16xi32>
      %shift_right_arithmetic3A_294 = arith.shrsi %get3A_280, %shift_right_arithmetic3A_293 : vector<16xi32>
      %and3A_295 = arith.constant 1023 : i32
      %and3A_296 = vector.broadcast %and3A_295 : i32 to vector<16xi32>
      %and3A_297 = arith.andi %shift_right_arithmetic3A_294, %and3A_296 : vector<16xi32>
      %add3A_298 = vector.broadcast %mul3A_46 : i32 to vector<16xi32>
      %add3A_299 = arith.addi %and3A_297, %add3A_298 : vector<16xi32>
      %swap3A_300 = arith.constant 1 : i32
      %swap3A_301 = arith.index_cast %swap3A_300 : i32 to index
      %swap3A_302 = arith.constant 96 : index
      %swap3A_303 = tpu.vector_load %arg8[%swap3A_301, %swap3A_302] {strides = array<i32>} : memref<3x128xi32, #tpu.memory_space<vmem>>, vector<1x16xi32>,
      %swap3A_304 = vector.shape_cast %swap3A_303 : vector<1x16xi32> to vector<16xi32>
      %swap3A_305 = vector.shape_cast %add3A_299 : vector<16xi32> to vector<1x16xi32>
      tpu.vector_store %arg8[%swap3A_301, %swap3A_302], %swap3A_305 {strides = array<i32>} : memref<3x128xi32, #tpu.memory_space<vmem>>, vector<1x16xi32>,
      %and3A_306 = arith.constant 1023 : i32
      %and3A_307 = vector.broadcast %and3A_306 : i32 to vector<16xi32>
      %and3A_308 = arith.andi %get3A_280, %and3A_307 : vector<16xi32>
      %add3A_309 = vector.broadcast %mul3A_46 : i32 to vector<16xi32>
      %add3A_310 = arith.addi %and3A_308, %add3A_309 : vector<16xi32>
      %swap3A_311 = arith.constant 2 : i32
      %swap3A_312 = arith.index_cast %swap3A_311 : i32 to index
      %swap3A_313 = arith.constant 96 : index
      %swap3A_314 = tpu.vector_load %arg8[%swap3A_312, %swap3A_313] {strides = array<i32>} : memref<3x128xi32, #tpu.memory_space<vmem>>, vector<1x16xi32>,
      %swap3A_315 = vector.shape_cast %swap3A_314 : vector<1x16xi32> to vector<16xi32>
      %swap3A_316 = vector.shape_cast %add3A_310 : vector<16xi32> to vector<1x16xi32>
      tpu.vector_store %arg8[%swap3A_312, %swap3A_313], %swap3A_316 {strides = array<i32>} : memref<3x128xi32, #tpu.memory_space<vmem>>, vector<1x16xi32>,
      %get3A_317 = arith.constant 112 : index
      %get3A_318 = tpu.vector_load %arg7[%get3A_317] {strides = array<i32>} : memref<128xi32, #tpu.memory_space<vmem>>, vector<16xi32>,
      %get3A_319 = vector.shape_cast %get3A_318 : vector<16xi32> to vector<16xi32>
      %shift_right_arithmetic3A_320 = arith.constant 20 : i32
      %shift_right_arithmetic3A_321 = vector.broadcast %shift_right_arithmetic3A_320 : i32 to vector<16xi32>
      %shift_right_arithmetic3A_322 = arith.shrsi %get3A_319, %shift_right_arithmetic3A_321 : vector<16xi32>
      %add3A_323 = vector.broadcast %mul3A_46 : i32 to vector<16xi32>
      %add3A_324 = arith.addi %shift_right_arithmetic3A_322, %add3A_323 : vector<16xi32>
      %swap3A_325 = arith.constant 0 : i32
      %swap3A_326 = arith.index_cast %swap3A_325 : i32 to index
      %swap3A_327 = arith.constant 112 : index
      %swap3A_328 = tpu.vector_load %arg8[%swap3A_326, %swap3A_327] {strides = array<i32>} : memref<3x128xi32, #tpu.memory_space<vmem>>, vector<1x16xi32>,
      %swap3A_329 = vector.shape_cast %swap3A_328 : vector<1x16xi32> to vector<16xi32>
      %swap3A_330 = vector.shape_cast %add3A_324 : vector<16xi32> to vector<1x16xi32>
      tpu.vector_store %arg8[%swap3A_326, %swap3A_327], %swap3A_330 {strides = array<i32>} : memref<3x128xi32, #tpu.memory_space<vmem>>, vector<1x16xi32>,
      %shift_right_arithmetic3A_331 = arith.constant 10 : i32
      %shift_right_arithmetic3A_332 = vector.broadcast %shift_right_arithmetic3A_331 : i32 to vector<16xi32>
      %shift_right_arithmetic3A_333 = arith.shrsi %get3A_319, %shift_right_arithmetic3A_332 : vector<16xi32>
      %and3A_334 = arith.constant 1023 : i32
      %and3A_335 = vector.broadcast %and3A_334 : i32 to vector<16xi32>
      %and3A_336 = arith.andi %shift_right_arithmetic3A_333, %and3A_335 : vector<16xi32>
      %add3A_337 = vector.broadcast %mul3A_46 : i32 to vector<16xi32>
      %add3A_338 = arith.addi %and3A_336, %add3A_337 : vector<16xi32>
      %swap3A_339 = arith.constant 1 : i32
      %swap3A_340 = arith.index_cast %swap3A_339 : i32 to index
      %swap3A_341 = arith.constant 112 : index
      %swap3A_342 = tpu.vector_load %arg8[%swap3A_340, %swap3A_341] {strides = array<i32>} : memref<3x128xi32, #tpu.memory_space<vmem>>, vector<1x16xi32>,
      %swap3A_343 = vector.shape_cast %swap3A_342 : vector<1x16xi32> to vector<16xi32>
      %swap3A_344 = vector.shape_cast %add3A_338 : vector<16xi32> to vector<1x16xi32>
      tpu.vector_store %arg8[%swap3A_340, %swap3A_341], %swap3A_344 {strides = array<i32>} : memref<3x128xi32, #tpu.memory_space<vmem>>, vector<1x16xi32>,
      %and3A_345 = arith.constant 1023 : i32
      %and3A_346 = vector.broadcast %and3A_345 : i32 to vector<16xi32>
      %and3A_347 = arith.andi %get3A_319, %and3A_346 : vector<16xi32>
      %add3A_348 = vector.broadcast %mul3A_46 : i32 to vector<16xi32>
      %add3A_349 = arith.addi %and3A_347, %add3A_348 : vector<16xi32>
      %swap3A_350 = arith.constant 2 : i32
      %swap3A_351 = arith.index_cast %swap3A_350 : i32 to index
      %swap3A_352 = arith.constant 112 : index
      %swap3A_353 = tpu.vector_load %arg8[%swap3A_351, %swap3A_352] {strides = array<i32>} : memref<3x128xi32, #tpu.memory_space<vmem>>, vector<1x16xi32>,
      %swap3A_354 = vector.shape_cast %swap3A_353 : vector<1x16xi32> to vector<16xi32>
      %swap3A_355 = vector.shape_cast %add3A_349 : vector<16xi32> to vector<1x16xi32>
      tpu.vector_store %arg8[%swap3A_351, %swap3A_352], %swap3A_355 {strides = array<i32>} : memref<3x128xi32, #tpu.memory_space<vmem>>, vector<1x16xi32>,
      %dma_start3A = arith.constant 0 : i32
      %dma_start3A_356 = arith.constant 0 : i32
      %dma_start3A_357 = arith.constant 0 : i32
      %dma_start3A_358 = arith.constant 0 : i32
      %dma_start3A_359 = tpu.memref_slice %arg9[%dma_start3A_356, %dma_start3A_357, %dma_start3A_358] : memref<3x128x256xf32, #tpu.memory_space<vmem>> -> memref<1x128x256xf32, #tpu.memory_space<vmem>>
      %dma_start3A_360 = tpu.memref_squeeze %dma_start3A_359 : memref<1x128x256xf32, #tpu.memory_space<vmem>> -> memref<128x256xf32, #tpu.memory_space<vmem>>
      %dma_start3A_361 = arith.constant 0 : i32
      %dma_start3A_362 = tpu.memref_slice %arg8[%dma_start3A, %dma_start3A_361] : memref<3x128xi32, #tpu.memory_space<vmem>> -> memref<1x128xi32, #tpu.memory_space<vmem>>
      %dma_start3A_363 = tpu.memref_squeeze %dma_start3A_362 : memref<1x128xi32, #tpu.memory_space<vmem>> -> memref<128xi32, #tpu.memory_space<vmem>>
      %dma_start3A_364 = arith.constant 0 : i32
      %dma_start3A_365 = arith.constant 0 : i32
      %dma_start3A_366 = tpu.memref_slice %arg2[%dma_start3A_364, %dma_start3A_365] : memref<2048x256xf32, #tpu.memory_space<hbm>> -> memref<2048x256xf32, #tpu.memory_space<hbm>>
      tpu.enqueue_indirect_dma source(%dma_start3A_366 : memref<2048x256xf32, #tpu.memory_space<hbm>>) target(%dma_start3A_360 : memref<128x256xf32, #tpu.memory_space<vmem>>) offsets(%dma_start3A_363 : memref<128xi32, #tpu.memory_space<vmem>>) semaphore(%arg10 : memref<!tpu.dma_semaphore, #tpu.memory_space<semaphore_mem>>)
      %dma_wait3A = arith.constant 0 : i32
      %dma_wait3A_367 = arith.constant 0 : i32
      %dma_wait3A_368 = arith.constant 0 : i32
      %dma_wait3A_369 = arith.constant 0 : i32
      %dma_wait3A_370 = tpu.memref_slice %arg9[%dma_wait3A_367, %dma_wait3A_368, %dma_wait3A_369] : memref<3x128x256xf32, #tpu.memory_space<vmem>> -> memref<1x128x256xf32, #tpu.memory_space<vmem>>
      %dma_wait3A_371 = tpu.memref_squeeze %dma_wait3A_370 : memref<1x128x256xf32, #tpu.memory_space<vmem>> -> memref<128x256xf32, #tpu.memory_space<vmem>>
      %dma_wait3A_372 = arith.constant 0 : i32
      %dma_wait3A_373 = tpu.memref_slice %arg8[%dma_wait3A, %dma_wait3A_372] : memref<3x128xi32, #tpu.memory_space<vmem>> -> memref<1x128xi32, #tpu.memory_space<vmem>>
      %dma_wait3A_374 = tpu.memref_squeeze %dma_wait3A_373 : memref<1x128xi32, #tpu.memory_space<vmem>> -> memref<128xi32, #tpu.memory_space<vmem>>
      %dma_wait3A_375 = arith.constant 0 : i32
      %dma_wait3A_376 = arith.constant 0 : i32
      %dma_wait3A_377 = tpu.memref_slice %arg2[%dma_wait3A_375, %dma_wait3A_376] : memref<2048x256xf32, #tpu.memory_space<hbm>> -> memref<2048x256xf32, #tpu.memory_space<hbm>>
      tpu.wait_indirect_dma semaphore(%arg10 : memref<!tpu.dma_semaphore, #tpu.memory_space<semaphore_mem>>) src(%dma_wait3A_377 : memref<2048x256xf32, #tpu.memory_space<hbm>>) dst(%dma_wait3A_371 : memref<128x256xf32, #tpu.memory_space<vmem>>)
      %run_scoped3A_378 = arith.constant 0 : i32
      "tpu.region"() ({
        %run_scoped3A_429 = tpu.sem_alloc : memref<!tpu.dma_semaphore, #tpu.memory_space<semaphore_mem>>
        %dma_start3A_430 = arith.constant 0 : i32
        %dma_start3A_431 = arith.constant 0 : i32
        %dma_start3A_432 = tpu.memref_slice %arg9[%run_scoped3A_378, %dma_start3A_430, %dma_start3A_431] : memref<3x128x256xf32, #tpu.memory_space<vmem>> -> memref<1x128x256xf32, #tpu.memory_space<vmem>>
        %dma_start3A_433 = tpu.memref_squeeze %dma_start3A_432 : memref<1x128x256xf32, #tpu.memory_space<vmem>> -> memref<128x256xf32, #tpu.memory_space<vmem>>
        %dma_start3A_434 = arith.constant 0 : i32
        %dma_start3A_435 = tpu.memref_slice %arg4[%add3A_44, %dma_start3A_434] : memref<8192x256xf32, #tpu.memory_space<hbm>> -> memref<128x256xf32, #tpu.memory_space<hbm>>
        %dma_start3A_436 = arith.constant 0 : i32
        %dma_start3A_437 = tpu.memref_slice %arg4[%add3A_44, %dma_start3A_436] : memref<8192x256xf32, #tpu.memory_space<hbm>> -> memref<128x256xf32, #tpu.memory_space<hbm>>
        %dma_start3A_438 = arith.constant 0 : i32
        %dma_start3A_439 = arith.constant 0 : i32
        %dma_start3A_440 = tpu.memref_slice %arg9[%run_scoped3A_378, %dma_start3A_438, %dma_start3A_439] : memref<3x128x256xf32, #tpu.memory_space<vmem>> -> memref<1x128x256xf32, #tpu.memory_space<vmem>>
        %dma_start3A_441 = tpu.memref_squeeze %dma_start3A_440 : memref<1x128x256xf32, #tpu.memory_space<vmem>> -> memref<128x256xf32, #tpu.memory_space<vmem>>
        tpu.enqueue_dma source(%dma_start3A_441 : memref<128x256xf32, #tpu.memory_space<vmem>>) target(%dma_start3A_437 : memref<128x256xf32, #tpu.memory_space<hbm>>) target_semaphore(%run_scoped3A_429 : memref<!tpu.dma_semaphore, #tpu.memory_space<semaphore_mem>>)
        %dma_wait3A_442 = arith.constant 0 : i32
        %dma_wait3A_443 = arith.constant 0 : i32
        %dma_wait3A_444 = tpu.memref_slice %arg9[%run_scoped3A_378, %dma_wait3A_442, %dma_wait3A_443] : memref<3x128x256xf32, #tpu.memory_space<vmem>> -> memref<1x128x256xf32, #tpu.memory_space<vmem>>
        %dma_wait3A_445 = tpu.memref_squeeze %dma_wait3A_444 : memref<1x128x256xf32, #tpu.memory_space<vmem>> -> memref<128x256xf32, #tpu.memory_space<vmem>>
        %dma_wait3A_446 = arith.constant 0 : i32
        %dma_wait3A_447 = tpu.memref_slice %arg4[%add3A_44, %dma_wait3A_446] : memref<8192x256xf32, #tpu.memory_space<hbm>> -> memref<128x256xf32, #tpu.memory_space<hbm>>
        %dma_wait3A_448 = arith.constant 0 : i32
        %dma_wait3A_449 = tpu.memref_slice %arg4[%add3A_44, %dma_wait3A_448] : memref<8192x256xf32, #tpu.memory_space<hbm>> -> memref<128x256xf32, #tpu.memory_space<hbm>>
        %dma_wait3A_450 = arith.constant 0 : i32
        %dma_wait3A_451 = arith.constant 0 : i32
        %dma_wait3A_452 = tpu.memref_slice %arg9[%run_scoped3A_378, %dma_wait3A_450, %dma_wait3A_451] : memref<3x128x256xf32, #tpu.memory_space<vmem>> -> memref<1x128x256xf32, #tpu.memory_space<vmem>>
        %dma_wait3A_453 = tpu.memref_squeeze %dma_wait3A_452 : memref<1x128x256xf32, #tpu.memory_space<vmem>> -> memref<128x256xf32, #tpu.memory_space<vmem>>
        tpu.wait_dma2 semaphore(%run_scoped3A_429 : memref<!tpu.dma_semaphore, #tpu.memory_space<semaphore_mem>>) src(%dma_wait3A_453 : memref<128x256xf32, #tpu.memory_space<vmem>>) dst(%dma_wait3A_449 : memref<128x256xf32, #tpu.memory_space<hbm>>)
        tpu.yield
      }) : () -> ()
      %dma_start3A_379 = arith.constant 1 : i32
      %dma_start3A_380 = arith.constant 1 : i32
      %dma_start3A_381 = arith.constant 0 : i32
      %dma_start3A_382 = arith.constant 0 : i32
      %dma_start3A_383 = tpu.memref_slice %arg9[%dma_start3A_380, %dma_start3A_381, %dma_start3A_382] : memref<3x128x256xf32, #tpu.memory_space<vmem>> -> memref<1x128x256xf32, #tpu.memory_space<vmem>>
      %dma_start3A_384 = tpu.memref_squeeze %dma_start3A_383 : memref<1x128x256xf32, #tpu.memory_space<vmem>> -> memref<128x256xf32, #tpu.memory_space<vmem>>
      %dma_start3A_385 = arith.constant 0 : i32
      %dma_start3A_386 = tpu.memref_slice %arg8[%dma_start3A_379, %dma_start3A_385] : memref<3x128xi32, #tpu.memory_space<vmem>> -> memref<1x128xi32, #tpu.memory_space<vmem>>
      %dma_start3A_387 = tpu.memref_squeeze %dma_start3A_386 : memref<1x128xi32, #tpu.memory_space<vmem>> -> memref<128xi32, #tpu.memory_space<vmem>>
      %dma_start3A_388 = arith.constant 0 : i32
      %dma_start3A_389 = arith.constant 0 : i32
      %dma_start3A_390 = tpu.memref_slice %arg2[%dma_start3A_388, %dma_start3A_389] : memref<2048x256xf32, #tpu.memory_space<hbm>> -> memref<2048x256xf32, #tpu.memory_space<hbm>>
      tpu.enqueue_indirect_dma source(%dma_start3A_390 : memref<2048x256xf32, #tpu.memory_space<hbm>>) target(%dma_start3A_384 : memref<128x256xf32, #tpu.memory_space<vmem>>) offsets(%dma_start3A_387 : memref<128xi32, #tpu.memory_space<vmem>>) semaphore(%arg10 : memref<!tpu.dma_semaphore, #tpu.memory_space<semaphore_mem>>)
      %dma_wait3A_391 = arith.constant 1 : i32
      %dma_wait3A_392 = arith.constant 1 : i32
      %dma_wait3A_393 = arith.constant 0 : i32
      %dma_wait3A_394 = arith.constant 0 : i32
      %dma_wait3A_395 = tpu.memref_slice %arg9[%dma_wait3A_392, %dma_wait3A_393, %dma_wait3A_394] : memref<3x128x256xf32, #tpu.memory_space<vmem>> -> memref<1x128x256xf32, #tpu.memory_space<vmem>>
      %dma_wait3A_396 = tpu.memref_squeeze %dma_wait3A_395 : memref<1x128x256xf32, #tpu.memory_space<vmem>> -> memref<128x256xf32, #tpu.memory_space<vmem>>
      %dma_wait3A_397 = arith.constant 0 : i32
      %dma_wait3A_398 = tpu.memref_slice %arg8[%dma_wait3A_391, %dma_wait3A_397] : memref<3x128xi32, #tpu.memory_space<vmem>> -> memref<1x128xi32, #tpu.memory_space<vmem>>
      %dma_wait3A_399 = tpu.memref_squeeze %dma_wait3A_398 : memref<1x128xi32, #tpu.memory_space<vmem>> -> memref<128xi32, #tpu.memory_space<vmem>>
      %dma_wait3A_400 = arith.constant 0 : i32
      %dma_wait3A_401 = arith.constant 0 : i32
      %dma_wait3A_402 = tpu.memref_slice %arg2[%dma_wait3A_400, %dma_wait3A_401] : memref<2048x256xf32, #tpu.memory_space<hbm>> -> memref<2048x256xf32, #tpu.memory_space<hbm>>
      tpu.wait_indirect_dma semaphore(%arg10 : memref<!tpu.dma_semaphore, #tpu.memory_space<semaphore_mem>>) src(%dma_wait3A_402 : memref<2048x256xf32, #tpu.memory_space<hbm>>) dst(%dma_wait3A_396 : memref<128x256xf32, #tpu.memory_space<vmem>>)
      %run_scoped3A_403 = arith.constant 1 : i32
      "tpu.region"() ({
        %run_scoped3A_429 = tpu.sem_alloc : memref<!tpu.dma_semaphore, #tpu.memory_space<semaphore_mem>>
        %dma_start3A_430 = arith.constant 0 : i32
        %dma_start3A_431 = arith.constant 0 : i32
        %dma_start3A_432 = tpu.memref_slice %arg9[%run_scoped3A_403, %dma_start3A_430, %dma_start3A_431] : memref<3x128x256xf32, #tpu.memory_space<vmem>> -> memref<1x128x256xf32, #tpu.memory_space<vmem>>
        %dma_start3A_433 = tpu.memref_squeeze %dma_start3A_432 : memref<1x128x256xf32, #tpu.memory_space<vmem>> -> memref<128x256xf32, #tpu.memory_space<vmem>>
        %dma_start3A_434 = arith.constant 0 : i32
        %dma_start3A_435 = tpu.memref_slice %arg5[%add3A_44, %dma_start3A_434] : memref<8192x256xf32, #tpu.memory_space<hbm>> -> memref<128x256xf32, #tpu.memory_space<hbm>>
        %dma_start3A_436 = arith.constant 0 : i32
        %dma_start3A_437 = tpu.memref_slice %arg5[%add3A_44, %dma_start3A_436] : memref<8192x256xf32, #tpu.memory_space<hbm>> -> memref<128x256xf32, #tpu.memory_space<hbm>>
        %dma_start3A_438 = arith.constant 0 : i32
        %dma_start3A_439 = arith.constant 0 : i32
        %dma_start3A_440 = tpu.memref_slice %arg9[%run_scoped3A_403, %dma_start3A_438, %dma_start3A_439] : memref<3x128x256xf32, #tpu.memory_space<vmem>> -> memref<1x128x256xf32, #tpu.memory_space<vmem>>
        %dma_start3A_441 = tpu.memref_squeeze %dma_start3A_440 : memref<1x128x256xf32, #tpu.memory_space<vmem>> -> memref<128x256xf32, #tpu.memory_space<vmem>>
        tpu.enqueue_dma source(%dma_start3A_441 : memref<128x256xf32, #tpu.memory_space<vmem>>) target(%dma_start3A_437 : memref<128x256xf32, #tpu.memory_space<hbm>>) target_semaphore(%run_scoped3A_429 : memref<!tpu.dma_semaphore, #tpu.memory_space<semaphore_mem>>)
        %dma_wait3A_442 = arith.constant 0 : i32
        %dma_wait3A_443 = arith.constant 0 : i32
        %dma_wait3A_444 = tpu.memref_slice %arg9[%run_scoped3A_403, %dma_wait3A_442, %dma_wait3A_443] : memref<3x128x256xf32, #tpu.memory_space<vmem>> -> memref<1x128x256xf32, #tpu.memory_space<vmem>>
        %dma_wait3A_445 = tpu.memref_squeeze %dma_wait3A_444 : memref<1x128x256xf32, #tpu.memory_space<vmem>> -> memref<128x256xf32, #tpu.memory_space<vmem>>
        %dma_wait3A_446 = arith.constant 0 : i32
        %dma_wait3A_447 = tpu.memref_slice %arg5[%add3A_44, %dma_wait3A_446] : memref<8192x256xf32, #tpu.memory_space<hbm>> -> memref<128x256xf32, #tpu.memory_space<hbm>>
        %dma_wait3A_448 = arith.constant 0 : i32
        %dma_wait3A_449 = tpu.memref_slice %arg5[%add3A_44, %dma_wait3A_448] : memref<8192x256xf32, #tpu.memory_space<hbm>> -> memref<128x256xf32, #tpu.memory_space<hbm>>
        %dma_wait3A_450 = arith.constant 0 : i32
        %dma_wait3A_451 = arith.constant 0 : i32
        %dma_wait3A_452 = tpu.memref_slice %arg9[%run_scoped3A_403, %dma_wait3A_450, %dma_wait3A_451] : memref<3x128x256xf32, #tpu.memory_space<vmem>> -> memref<1x128x256xf32, #tpu.memory_space<vmem>>
        %dma_wait3A_453 = tpu.memref_squeeze %dma_wait3A_452 : memref<1x128x256xf32, #tpu.memory_space<vmem>> -> memref<128x256xf32, #tpu.memory_space<vmem>>
        tpu.wait_dma2 semaphore(%run_scoped3A_429 : memref<!tpu.dma_semaphore, #tpu.memory_space<semaphore_mem>>) src(%dma_wait3A_453 : memref<128x256xf32, #tpu.memory_space<vmem>>) dst(%dma_wait3A_449 : memref<128x256xf32, #tpu.memory_space<hbm>>)
        tpu.yield
      }) : () -> ()
      %dma_start3A_404 = arith.constant 2 : i32
      %dma_start3A_405 = arith.constant 2 : i32
      %dma_start3A_406 = arith.constant 0 : i32
      %dma_start3A_407 = arith.constant 0 : i32
      %dma_start3A_408 = tpu.memref_slice %arg9[%dma_start3A_405, %dma_start3A_406, %dma_start3A_407] : memref<3x128x256xf32, #tpu.memory_space<vmem>> -> memref<1x128x256xf32, #tpu.memory_space<vmem>>
      %dma_start3A_409 = tpu.memref_squeeze %dma_start3A_408 : memref<1x128x256xf32, #tpu.memory_space<vmem>> -> memref<128x256xf32, #tpu.memory_space<vmem>>
      %dma_start3A_410 = arith.constant 0 : i32
      %dma_start3A_411 = tpu.memref_slice %arg8[%dma_start3A_404, %dma_start3A_410] : memref<3x128xi32, #tpu.memory_space<vmem>> -> memref<1x128xi32, #tpu.memory_space<vmem>>
      %dma_start3A_412 = tpu.memref_squeeze %dma_start3A_411 : memref<1x128xi32, #tpu.memory_space<vmem>> -> memref<128xi32, #tpu.memory_space<vmem>>
      %dma_start3A_413 = arith.constant 0 : i32
      %dma_start3A_414 = arith.constant 0 : i32
      %dma_start3A_415 = tpu.memref_slice %arg2[%dma_start3A_413, %dma_start3A_414] : memref<2048x256xf32, #tpu.memory_space<hbm>> -> memref<2048x256xf32, #tpu.memory_space<hbm>>
      tpu.enqueue_indirect_dma source(%dma_start3A_415 : memref<2048x256xf32, #tpu.memory_space<hbm>>) target(%dma_start3A_409 : memref<128x256xf32, #tpu.memory_space<vmem>>) offsets(%dma_start3A_412 : memref<128xi32, #tpu.memory_space<vmem>>) semaphore(%arg10 : memref<!tpu.dma_semaphore, #tpu.memory_space<semaphore_mem>>)
      %dma_wait3A_416 = arith.constant 2 : i32
      %dma_wait3A_417 = arith.constant 2 : i32
      %dma_wait3A_418 = arith.constant 0 : i32
      %dma_wait3A_419 = arith.constant 0 : i32
      %dma_wait3A_420 = tpu.memref_slice %arg9[%dma_wait3A_417, %dma_wait3A_418, %dma_wait3A_419] : memref<3x128x256xf32, #tpu.memory_space<vmem>> -> memref<1x128x256xf32, #tpu.memory_space<vmem>>
      %dma_wait3A_421 = tpu.memref_squeeze %dma_wait3A_420 : memref<1x128x256xf32, #tpu.memory_space<vmem>> -> memref<128x256xf32, #tpu.memory_space<vmem>>
      %dma_wait3A_422 = arith.constant 0 : i32
      %dma_wait3A_423 = tpu.memref_slice %arg8[%dma_wait3A_416, %dma_wait3A_422] : memref<3x128xi32, #tpu.memory_space<vmem>> -> memref<1x128xi32, #tpu.memory_space<vmem>>
      %dma_wait3A_424 = tpu.memref_squeeze %dma_wait3A_423 : memref<1x128xi32, #tpu.memory_space<vmem>> -> memref<128xi32, #tpu.memory_space<vmem>>
      %dma_wait3A_425 = arith.constant 0 : i32
      %dma_wait3A_426 = arith.constant 0 : i32
      %dma_wait3A_427 = tpu.memref_slice %arg2[%dma_wait3A_425, %dma_wait3A_426] : memref<2048x256xf32, #tpu.memory_space<hbm>> -> memref<2048x256xf32, #tpu.memory_space<hbm>>
      tpu.wait_indirect_dma semaphore(%arg10 : memref<!tpu.dma_semaphore, #tpu.memory_space<semaphore_mem>>) src(%dma_wait3A_427 : memref<2048x256xf32, #tpu.memory_space<hbm>>) dst(%dma_wait3A_421 : memref<128x256xf32, #tpu.memory_space<vmem>>)
      %run_scoped3A_428 = arith.constant 2 : i32
      "tpu.region"() ({
        %run_scoped3A_429 = tpu.sem_alloc : memref<!tpu.dma_semaphore, #tpu.memory_space<semaphore_mem>>
        %dma_start3A_430 = arith.constant 0 : i32
        %dma_start3A_431 = arith.constant 0 : i32
        %dma_start3A_432 = tpu.memref_slice %arg9[%run_scoped3A_428, %dma_start3A_430, %dma_start3A_431] : memref<3x128x256xf32, #tpu.memory_space<vmem>> -> memref<1x128x256xf32, #tpu.memory_space<vmem>>
        %dma_start3A_433 = tpu.memref_squeeze %dma_start3A_432 : memref<1x128x256xf32, #tpu.memory_space<vmem>> -> memref<128x256xf32, #tpu.memory_space<vmem>>
        %dma_start3A_434 = arith.constant 0 : i32
        %dma_start3A_435 = tpu.memref_slice %arg6[%add3A_44, %dma_start3A_434] : memref<8192x256xf32, #tpu.memory_space<hbm>> -> memref<128x256xf32, #tpu.memory_space<hbm>>
        %dma_start3A_436 = arith.constant 0 : i32
        %dma_start3A_437 = tpu.memref_slice %arg6[%add3A_44, %dma_start3A_436] : memref<8192x256xf32, #tpu.memory_space<hbm>> -> memref<128x256xf32, #tpu.memory_space<hbm>>
        %dma_start3A_438 = arith.constant 0 : i32
        %dma_start3A_439 = arith.constant 0 : i32
        %dma_start3A_440 = tpu.memref_slice %arg9[%run_scoped3A_428, %dma_start3A_438, %dma_start3A_439] : memref<3x128x256xf32, #tpu.memory_space<vmem>> -> memref<1x128x256xf32, #tpu.memory_space<vmem>>
        %dma_start3A_441 = tpu.memref_squeeze %dma_start3A_440 : memref<1x128x256xf32, #tpu.memory_space<vmem>> -> memref<128x256xf32, #tpu.memory_space<vmem>>
        tpu.enqueue_dma source(%dma_start3A_441 : memref<128x256xf32, #tpu.memory_space<vmem>>) target(%dma_start3A_437 : memref<128x256xf32, #tpu.memory_space<hbm>>) target_semaphore(%run_scoped3A_429 : memref<!tpu.dma_semaphore, #tpu.memory_space<semaphore_mem>>)
        %dma_wait3A_442 = arith.constant 0 : i32
        %dma_wait3A_443 = arith.constant 0 : i32
        %dma_wait3A_444 = tpu.memref_slice %arg9[%run_scoped3A_428, %dma_wait3A_442, %dma_wait3A_443] : memref<3x128x256xf32, #tpu.memory_space<vmem>> -> memref<1x128x256xf32, #tpu.memory_space<vmem>>
        %dma_wait3A_445 = tpu.memref_squeeze %dma_wait3A_444 : memref<1x128x256xf32, #tpu.memory_space<vmem>> -> memref<128x256xf32, #tpu.memory_space<vmem>>
        %dma_wait3A_446 = arith.constant 0 : i32
        %dma_wait3A_447 = tpu.memref_slice %arg6[%add3A_44, %dma_wait3A_446] : memref<8192x256xf32, #tpu.memory_space<hbm>> -> memref<128x256xf32, #tpu.memory_space<hbm>>
        %dma_wait3A_448 = arith.constant 0 : i32
        %dma_wait3A_449 = tpu.memref_slice %arg6[%add3A_44, %dma_wait3A_448] : memref<8192x256xf32, #tpu.memory_space<hbm>> -> memref<128x256xf32, #tpu.memory_space<hbm>>
        %dma_wait3A_450 = arith.constant 0 : i32
        %dma_wait3A_451 = arith.constant 0 : i32
        %dma_wait3A_452 = tpu.memref_slice %arg9[%run_scoped3A_428, %dma_wait3A_450, %dma_wait3A_451] : memref<3x128x256xf32, #tpu.memory_space<vmem>> -> memref<1x128x256xf32, #tpu.memory_space<vmem>>
        %dma_wait3A_453 = tpu.memref_squeeze %dma_wait3A_452 : memref<1x128x256xf32, #tpu.memory_space<vmem>> -> memref<128x256xf32, #tpu.memory_space<vmem>>
        tpu.wait_dma2 semaphore(%run_scoped3A_429 : memref<!tpu.dma_semaphore, #tpu.memory_space<semaphore_mem>>) src(%dma_wait3A_453 : memref<128x256xf32, #tpu.memory_space<vmem>>) dst(%dma_wait3A_449 : memref<128x256xf32, #tpu.memory_space<hbm>>)
        tpu.yield
      }) : () -> ()
    }
    %scan3A_37 = arith.constant 2 : i32
    return
  }
}

#map = affine_map<(d0, d1) -> (0, 0)>
#map1 = affine_map<(d0, d1) -> (0, 0, 0)>
module attributes {stable_mosaic.version = 14 : i64} {
  func.func @_sc_gather_body(%arg0: i32, %arg1: i32, %arg2: memref<2048x256xf32, #tpu.memory_space<hbm>>, %arg3: memref<2x1x4096xi32, #tpu.memory_space<hbm>>, %arg4: memref<8192x256xf32, #tpu.memory_space<hbm>>, %arg5: memref<8192x256xf32, #tpu.memory_space<hbm>>, %arg6: memref<8192x256xf32, #tpu.memory_space<hbm>>, %arg7: memref<128xi32, #tpu.memory_space<vmem>>, %arg8: memref<3x128xi32, #tpu.memory_space<vmem>>, %arg9: memref<3x128x256xf32, #tpu.memory_space<vmem>>, %arg10: memref<!tpu.dma_semaphore, #tpu.memory_space<semaphore_mem>>) attributes {dimension_semantics = [#tpu.dimension_semantics<core_parallel>, #tpu.dimension_semantics<subcore_parallel>], iteration_bounds = array<i64: 2, 16>, scalar_prefetch = 0 : i64, scratch_operands = 4 : i64, tpu.core_type = #tpu.core_type<sc_vector_subcore>, window_params = [{transform_indices = #map}, {transform_indices = #map1}, {transform_indices = #map}, {transform_indices = #map}, {transform_indices = #map}]} {
    %mul3A = arith.constant 2 : i32
    %mul3A_0 = arith.muli %arg1, %mul3A : i32
    %add3A = arith.addi %mul3A_0, %arg0 : i32
    %jit3A = arith.constant 16 : i32
    %div3A = arith.divsi %add3A, %jit3A : i32
    %sign3A = arith.constant 0 : i32
    %sign3A_1 = arith.cmpi sgt, %add3A, %sign3A : i32
    %sign3A_2 = arith.extui %sign3A_1 : i1 to i32
    %sign3A_3 = arith.constant 0 : i32
    %sign3A_4 = arith.cmpi slt, %add3A, %sign3A_3 : i32
    %sign3A_5 = arith.extui %sign3A_4 : i1 to i32
    %sign3A_6 = arith.subi %sign3A_2, %sign3A_5 : i32
    %sign3A_7 = arith.constant 0 : i32
    %sign3A_8 = arith.cmpi sgt, %jit3A, %sign3A_7 : i32
    %sign3A_9 = arith.extui %sign3A_8 : i1 to i32
    %sign3A_10 = arith.constant 0 : i32
    %sign3A_11 = arith.cmpi slt, %jit3A, %sign3A_10 : i32
    %sign3A_12 = arith.extui %sign3A_11 : i1 to i32
    %sign3A_13 = arith.subi %sign3A_9, %sign3A_12 : i32
    %ne3A = arith.cmpi ne, %sign3A_6, %sign3A_13 : i32
    %rem3A = arith.remsi %add3A, %jit3A : i32
    %ne3A_14 = arith.constant 0 : i32
    %ne3A_15 = arith.cmpi ne, %rem3A, %ne3A_14 : i32
    %and3A = arith.andi %ne3A, %ne3A_15 : i1
    %sub3A = arith.constant 1 : i32
    %sub3A_16 = arith.subi %div3A, %sub3A : i32
    %select_n3A = arith.select %and3A, %sub3A_16, %div3A : i32
    %jit3A_17 = arith.constant 16 : i32
    %eq3A = arith.constant 0 : i32
    %eq3A_18 = arith.cmpi eq, %jit3A_17, %eq3A : i32
    %jit3A_19 = arith.constant 1 : i32
    %select_n3A_20 = arith.select %eq3A_18, %jit3A_19, %jit3A_17 : i32
    %rem3A_21 = arith.remsi %add3A, %select_n3A_20 : i32
    %ne3A_22 = arith.constant 0 : i32
    %ne3A_23 = arith.cmpi ne, %rem3A_21, %ne3A_22 : i32
    %lt3A = arith.constant 0 : i32
    %lt3A_24 = arith.cmpi slt, %rem3A_21, %lt3A : i32
    %lt3A_25 = arith.constant 0 : i32
    %lt3A_26 = arith.cmpi slt, %select_n3A_20, %lt3A_25 : i32
    %ne3A_27 = arith.xori %lt3A_24, %lt3A_26 : i1
    %and3A_28 = arith.andi %ne3A_27, %ne3A_23 : i1
    %add3A_29 = arith.addi %rem3A_21, %select_n3A_20 : i32
    %select_n3A_30 = arith.select %and3A_28, %add3A_29, %rem3A_21 : i32
    %mul3A_31 = arith.constant 256 : i32
    %mul3A_32 = arith.muli %select_n3A_30, %mul3A_31 : i32
    %scan3A = arith.constant 0 : i32
    %scan3A_33 = arith.constant 0 : i32
    %scan3A_34 = arith.constant 2 : i32
    %scan3A_35 = arith.addi %scan3A_33, %scan3A_34 : i32
    %scan3A_36 = arith.constant 1 : i32
    scf.for %scan3A_38 = %scan3A_33 to %scan3A_35 step %scan3A_36  : i32 {
      %mul3A_39 = arith.constant 128 : i32
      %mul3A_40 = arith.muli %scan3A_38, %mul3A_39 : i32
      %add3A_41 = arith.addi %mul3A_32, %mul3A_40 : i32
      %mul3A_42 = arith.constant 4096 : i32
      %mul3A_43 = arith.muli %select_n3A, %mul3A_42 : i32
      %add3A_44 = arith.addi %mul3A_43, %add3A_41 : i32
      %run_scoped3A = arith.constant 0 : i32
      "tpu.region"() ({
        %run_scoped3A_429 = tpu.sem_alloc : memref<!tpu.dma_semaphore, #tpu.memory_space<semaphore_mem>>
        %dma_start3A_430 = tpu.memref_slice %arg3[%select_n3A, %run_scoped3A, %add3A_41] : memref<2x1x4096xi32, #tpu.memory_space<hbm>> -> memref<1x1x128xi32, #tpu.memory_space<hbm>>
        %dma_start3A_431 = tpu.memref_squeeze %dma_start3A_430 : memref<1x1x128xi32, #tpu.memory_space<hbm>> -> memref<128xi32, #tpu.memory_space<hbm>>
        %dma_start3A_432 = tpu.memref_slice %arg3[%select_n3A, %run_scoped3A, %add3A_41] : memref<2x1x4096xi32, #tpu.memory_space<hbm>> -> memref<1x1x128xi32, #tpu.memory_space<hbm>>
        %dma_start3A_433 = tpu.memref_squeeze %dma_start3A_432 : memref<1x1x128xi32, #tpu.memory_space<hbm>> -> memref<128xi32, #tpu.memory_space<hbm>>
        tpu.enqueue_dma source(%dma_start3A_433 : memref<128xi32, #tpu.memory_space<hbm>>) target(%arg7 : memref<128xi32, #tpu.memory_space<vmem>>) target_semaphore(%run_scoped3A_429 : memref<!tpu.dma_semaphore, #tpu.memory_space<semaphore_mem>>)
        %dma_wait3A_434 = tpu.memref_slice %arg3[%select_n3A, %run_scoped3A, %add3A_41] : memref<2x1x4096xi32, #tpu.memory_space<hbm>> -> memref<1x1x128xi32, #tpu.memory_space<hbm>>
        %dma_wait3A_435 = tpu.memref_squeeze %dma_wait3A_434 : memref<1x1x128xi32, #tpu.memory_space<hbm>> -> memref<128xi32, #tpu.memory_space<hbm>>
        %dma_wait3A_436 = tpu.memref_slice %arg3[%select_n3A, %run_scoped3A, %add3A_41] : memref<2x1x4096xi32, #tpu.memory_space<hbm>> -> memref<1x1x128xi32, #tpu.memory_space<hbm>>
        %dma_wait3A_437 = tpu.memref_squeeze %dma_wait3A_436 : memref<1x1x128xi32, #tpu.memory_space<hbm>> -> memref<128xi32, #tpu.memory_space<hbm>>
        tpu.wait_dma2 semaphore(%run_scoped3A_429 : memref<!tpu.dma_semaphore, #tpu.memory_space<semaphore_mem>>) src(%dma_wait3A_437 : memref<128xi32, #tpu.memory_space<hbm>>) dst(%arg7 : memref<128xi32, #tpu.memory_space<vmem>>)
        tpu.yield
      }) : () -> ()
      %mul3A_45 = arith.constant 1024 : i32
      %mul3A_46 = arith.muli %select_n3A, %mul3A_45 : i32
      %get3A = arith.constant 0 : index
      %get3A_47 = tpu.vector_load %arg7[%get3A] {strides = array<i32>} : memref<128xi32, #tpu.memory_space<vmem>>, vector<16xi32>,
      %get3A_48 = vector.shape_cast %get3A_47 : vector<16xi32> to vector<16xi32>
      %shift_right_arithmetic3A = arith.constant 20 : i32
      %shift_right_arithmetic3A_49 = vector.broadcast %shift_right_arithmetic3A : i32 to vector<16xi32>
      %shift_right_arithmetic3A_50 = arith.shrsi %get3A_48, %shift_right_arithmetic3A_49 : vector<16xi32>
      %add3A_51 = vector.broadcast %mul3A_46 : i32 to vector<16xi32>
      %add3A_52 = arith.addi %shift_right_arithmetic3A_50, %add3A_51 : vector<16xi32>
      %swap3A = arith.constant 0 : i32
      %swap3A_53 = arith.index_cast %swap3A : i32 to index
      %swap3A_54 = arith.constant 0 : index
      %swap3A_55 = tpu.vector_load %arg8[%swap3A_53, %swap3A_54] {strides = array<i32>} : memref<3x128xi32, #tpu.memory_space<vmem>>, vector<1x16xi32>,
      %swap3A_56 = vector.shape_cast %swap3A_55 : vector<1x16xi32> to vector<16xi32>
      %swap3A_57 = vector.shape_cast %add3A_52 : vector<16xi32> to vector<1x16xi32>
      tpu.vector_store %arg8[%swap3A_53, %swap3A_54], %swap3A_57 {strides = array<i32>} : memref<3x128xi32, #tpu.memory_space<vmem>>, vector<1x16xi32>,
      %shift_right_arithmetic3A_58 = arith.constant 10 : i32
      %shift_right_arithmetic3A_59 = vector.broadcast %shift_right_arithmetic3A_58 : i32 to vector<16xi32>
      %shift_right_arithmetic3A_60 = arith.shrsi %get3A_48, %shift_right_arithmetic3A_59 : vector<16xi32>
      %and3A_61 = arith.constant 1023 : i32
      %and3A_62 = vector.broadcast %and3A_61 : i32 to vector<16xi32>
      %and3A_63 = arith.andi %shift_right_arithmetic3A_60, %and3A_62 : vector<16xi32>
      %add3A_64 = vector.broadcast %mul3A_46 : i32 to vector<16xi32>
      %add3A_65 = arith.addi %and3A_63, %add3A_64 : vector<16xi32>
      %swap3A_66 = arith.constant 1 : i32
      %swap3A_67 = arith.index_cast %swap3A_66 : i32 to index
      %swap3A_68 = arith.constant 0 : index
      %swap3A_69 = tpu.vector_load %arg8[%swap3A_67, %swap3A_68] {strides = array<i32>} : memref<3x128xi32, #tpu.memory_space<vmem>>, vector<1x16xi32>,
      %swap3A_70 = vector.shape_cast %swap3A_69 : vector<1x16xi32> to vector<16xi32>
      %swap3A_71 = vector.shape_cast %add3A_65 : vector<16xi32> to vector<1x16xi32>
      tpu.vector_store %arg8[%swap3A_67, %swap3A_68], %swap3A_71 {strides = array<i32>} : memref<3x128xi32, #tpu.memory_space<vmem>>, vector<1x16xi32>,
      %and3A_72 = arith.constant 1023 : i32
      %and3A_73 = vector.broadcast %and3A_72 : i32 to vector<16xi32>
      %and3A_74 = arith.andi %get3A_48, %and3A_73 : vector<16xi32>
      %add3A_75 = vector.broadcast %mul3A_46 : i32 to vector<16xi32>
      %add3A_76 = arith.addi %and3A_74, %add3A_75 : vector<16xi32>
      %swap3A_77 = arith.constant 2 : i32
      %swap3A_78 = arith.index_cast %swap3A_77 : i32 to index
      %swap3A_79 = arith.constant 0 : index
      %swap3A_80 = tpu.vector_load %arg8[%swap3A_78, %swap3A_79] {strides = array<i32>} : memref<3x128xi32, #tpu.memory_space<vmem>>, vector<1x16xi32>,
      %swap3A_81 = vector.shape_cast %swap3A_80 : vector<1x16xi32> to vector<16xi32>
      %swap3A_82 = vector.shape_cast %add3A_76 : vector<16xi32> to vector<1x16xi32>
      tpu.vector_store %arg8[%swap3A_78, %swap3A_79], %swap3A_82 {strides = array<i32>} : memref<3x128xi32, #tpu.memory_space<vmem>>, vector<1x16xi32>,
      %get3A_83 = arith.constant 16 : index
      %get3A_84 = tpu.vector_load %arg7[%get3A_83] {strides = array<i32>} : memref<128xi32, #tpu.memory_space<vmem>>, vector<16xi32>,
      %get3A_85 = vector.shape_cast %get3A_84 : vector<16xi32> to vector<16xi32>
      %shift_right_arithmetic3A_86 = arith.constant 20 : i32
      %shift_right_arithmetic3A_87 = vector.broadcast %shift_right_arithmetic3A_86 : i32 to vector<16xi32>
      %shift_right_arithmetic3A_88 = arith.shrsi %get3A_85, %shift_right_arithmetic3A_87 : vector<16xi32>
      %add3A_89 = vector.broadcast %mul3A_46 : i32 to vector<16xi32>
      %add3A_90 = arith.addi %shift_right_arithmetic3A_88, %add3A_89 : vector<16xi32>
      %swap3A_91 = arith.constant 0 : i32
      %swap3A_92 = arith.index_cast %swap3A_91 : i32 to index
      %swap3A_93 = arith.constant 16 : index
      %swap3A_94 = tpu.vector_load %arg8[%swap3A_92, %swap3A_93] {strides = array<i32>} : memref<3x128xi32, #tpu.memory_space<vmem>>, vector<1x16xi32>,
      %swap3A_95 = vector.shape_cast %swap3A_94 : vector<1x16xi32> to vector<16xi32>
      %swap3A_96 = vector.shape_cast %add3A_90 : vector<16xi32> to vector<1x16xi32>
      tpu.vector_store %arg8[%swap3A_92, %swap3A_93], %swap3A_96 {strides = array<i32>} : memref<3x128xi32, #tpu.memory_space<vmem>>, vector<1x16xi32>,
      %shift_right_arithmetic3A_97 = arith.constant 10 : i32
      %shift_right_arithmetic3A_98 = vector.broadcast %shift_right_arithmetic3A_97 : i32 to vector<16xi32>
      %shift_right_arithmetic3A_99 = arith.shrsi %get3A_85, %shift_right_arithmetic3A_98 : vector<16xi32>
      %and3A_100 = arith.constant 1023 : i32
      %and3A_101 = vector.broadcast %and3A_100 : i32 to vector<16xi32>
      %and3A_102 = arith.andi %shift_right_arithmetic3A_99, %and3A_101 : vector<16xi32>
      %add3A_103 = vector.broadcast %mul3A_46 : i32 to vector<16xi32>
      %add3A_104 = arith.addi %and3A_102, %add3A_103 : vector<16xi32>
      %swap3A_105 = arith.constant 1 : i32
      %swap3A_106 = arith.index_cast %swap3A_105 : i32 to index
      %swap3A_107 = arith.constant 16 : index
      %swap3A_108 = tpu.vector_load %arg8[%swap3A_106, %swap3A_107] {strides = array<i32>} : memref<3x128xi32, #tpu.memory_space<vmem>>, vector<1x16xi32>,
      %swap3A_109 = vector.shape_cast %swap3A_108 : vector<1x16xi32> to vector<16xi32>
      %swap3A_110 = vector.shape_cast %add3A_104 : vector<16xi32> to vector<1x16xi32>
      tpu.vector_store %arg8[%swap3A_106, %swap3A_107], %swap3A_110 {strides = array<i32>} : memref<3x128xi32, #tpu.memory_space<vmem>>, vector<1x16xi32>,
      %and3A_111 = arith.constant 1023 : i32
      %and3A_112 = vector.broadcast %and3A_111 : i32 to vector<16xi32>
      %and3A_113 = arith.andi %get3A_85, %and3A_112 : vector<16xi32>
      %add3A_114 = vector.broadcast %mul3A_46 : i32 to vector<16xi32>
      %add3A_115 = arith.addi %and3A_113, %add3A_114 : vector<16xi32>
      %swap3A_116 = arith.constant 2 : i32
      %swap3A_117 = arith.index_cast %swap3A_116 : i32 to index
      %swap3A_118 = arith.constant 16 : index
      %swap3A_119 = tpu.vector_load %arg8[%swap3A_117, %swap3A_118] {strides = array<i32>} : memref<3x128xi32, #tpu.memory_space<vmem>>, vector<1x16xi32>,
      %swap3A_120 = vector.shape_cast %swap3A_119 : vector<1x16xi32> to vector<16xi32>
      %swap3A_121 = vector.shape_cast %add3A_115 : vector<16xi32> to vector<1x16xi32>
      tpu.vector_store %arg8[%swap3A_117, %swap3A_118], %swap3A_121 {strides = array<i32>} : memref<3x128xi32, #tpu.memory_space<vmem>>, vector<1x16xi32>,
      %get3A_122 = arith.constant 32 : index
      %get3A_123 = tpu.vector_load %arg7[%get3A_122] {strides = array<i32>} : memref<128xi32, #tpu.memory_space<vmem>>, vector<16xi32>,
      %get3A_124 = vector.shape_cast %get3A_123 : vector<16xi32> to vector<16xi32>
      %shift_right_arithmetic3A_125 = arith.constant 20 : i32
      %shift_right_arithmetic3A_126 = vector.broadcast %shift_right_arithmetic3A_125 : i32 to vector<16xi32>
      %shift_right_arithmetic3A_127 = arith.shrsi %get3A_124, %shift_right_arithmetic3A_126 : vector<16xi32>
      %add3A_128 = vector.broadcast %mul3A_46 : i32 to vector<16xi32>
      %add3A_129 = arith.addi %shift_right_arithmetic3A_127, %add3A_128 : vector<16xi32>
      %swap3A_130 = arith.constant 0 : i32
      %swap3A_131 = arith.index_cast %swap3A_130 : i32 to index
      %swap3A_132 = arith.constant 32 : index
      %swap3A_133 = tpu.vector_load %arg8[%swap3A_131, %swap3A_132] {strides = array<i32>} : memref<3x128xi32, #tpu.memory_space<vmem>>, vector<1x16xi32>,
      %swap3A_134 = vector.shape_cast %swap3A_133 : vector<1x16xi32> to vector<16xi32>
      %swap3A_135 = vector.shape_cast %add3A_129 : vector<16xi32> to vector<1x16xi32>
      tpu.vector_store %arg8[%swap3A_131, %swap3A_132], %swap3A_135 {strides = array<i32>} : memref<3x128xi32, #tpu.memory_space<vmem>>, vector<1x16xi32>,
      %shift_right_arithmetic3A_136 = arith.constant 10 : i32
      %shift_right_arithmetic3A_137 = vector.broadcast %shift_right_arithmetic3A_136 : i32 to vector<16xi32>
      %shift_right_arithmetic3A_138 = arith.shrsi %get3A_124, %shift_right_arithmetic3A_137 : vector<16xi32>
      %and3A_139 = arith.constant 1023 : i32
      %and3A_140 = vector.broadcast %and3A_139 : i32 to vector<16xi32>
      %and3A_141 = arith.andi %shift_right_arithmetic3A_138, %and3A_140 : vector<16xi32>
      %add3A_142 = vector.broadcast %mul3A_46 : i32 to vector<16xi32>
      %add3A_143 = arith.addi %and3A_141, %add3A_142 : vector<16xi32>
      %swap3A_144 = arith.constant 1 : i32
      %swap3A_145 = arith.index_cast %swap3A_144 : i32 to index
      %swap3A_146 = arith.constant 32 : index
      %swap3A_147 = tpu.vector_load %arg8[%swap3A_145, %swap3A_146] {strides = array<i32>} : memref<3x128xi32, #tpu.memory_space<vmem>>, vector<1x16xi32>,
      %swap3A_148 = vector.shape_cast %swap3A_147 : vector<1x16xi32> to vector<16xi32>
      %swap3A_149 = vector.shape_cast %add3A_143 : vector<16xi32> to vector<1x16xi32>
      tpu.vector_store %arg8[%swap3A_145, %swap3A_146], %swap3A_149 {strides = array<i32>} : memref<3x128xi32, #tpu.memory_space<vmem>>, vector<1x16xi32>,
      %and3A_150 = arith.constant 1023 : i32
      %and3A_151 = vector.broadcast %and3A_150 : i32 to vector<16xi32>
      %and3A_152 = arith.andi %get3A_124, %and3A_151 : vector<16xi32>
      %add3A_153 = vector.broadcast %mul3A_46 : i32 to vector<16xi32>
      %add3A_154 = arith.addi %and3A_152, %add3A_153 : vector<16xi32>
      %swap3A_155 = arith.constant 2 : i32
      %swap3A_156 = arith.index_cast %swap3A_155 : i32 to index
      %swap3A_157 = arith.constant 32 : index
      %swap3A_158 = tpu.vector_load %arg8[%swap3A_156, %swap3A_157] {strides = array<i32>} : memref<3x128xi32, #tpu.memory_space<vmem>>, vector<1x16xi32>,
      %swap3A_159 = vector.shape_cast %swap3A_158 : vector<1x16xi32> to vector<16xi32>
      %swap3A_160 = vector.shape_cast %add3A_154 : vector<16xi32> to vector<1x16xi32>
      tpu.vector_store %arg8[%swap3A_156, %swap3A_157], %swap3A_160 {strides = array<i32>} : memref<3x128xi32, #tpu.memory_space<vmem>>, vector<1x16xi32>,
      %get3A_161 = arith.constant 48 : index
      %get3A_162 = tpu.vector_load %arg7[%get3A_161] {strides = array<i32>} : memref<128xi32, #tpu.memory_space<vmem>>, vector<16xi32>,
      %get3A_163 = vector.shape_cast %get3A_162 : vector<16xi32> to vector<16xi32>
      %shift_right_arithmetic3A_164 = arith.constant 20 : i32
      %shift_right_arithmetic3A_165 = vector.broadcast %shift_right_arithmetic3A_164 : i32 to vector<16xi32>
      %shift_right_arithmetic3A_166 = arith.shrsi %get3A_163, %shift_right_arithmetic3A_165 : vector<16xi32>
      %add3A_167 = vector.broadcast %mul3A_46 : i32 to vector<16xi32>
      %add3A_168 = arith.addi %shift_right_arithmetic3A_166, %add3A_167 : vector<16xi32>
      %swap3A_169 = arith.constant 0 : i32
      %swap3A_170 = arith.index_cast %swap3A_169 : i32 to index
      %swap3A_171 = arith.constant 48 : index
      %swap3A_172 = tpu.vector_load %arg8[%swap3A_170, %swap3A_171] {strides = array<i32>} : memref<3x128xi32, #tpu.memory_space<vmem>>, vector<1x16xi32>,
      %swap3A_173 = vector.shape_cast %swap3A_172 : vector<1x16xi32> to vector<16xi32>
      %swap3A_174 = vector.shape_cast %add3A_168 : vector<16xi32> to vector<1x16xi32>
      tpu.vector_store %arg8[%swap3A_170, %swap3A_171], %swap3A_174 {strides = array<i32>} : memref<3x128xi32, #tpu.memory_space<vmem>>, vector<1x16xi32>,
      %shift_right_arithmetic3A_175 = arith.constant 10 : i32
      %shift_right_arithmetic3A_176 = vector.broadcast %shift_right_arithmetic3A_175 : i32 to vector<16xi32>
      %shift_right_arithmetic3A_177 = arith.shrsi %get3A_163, %shift_right_arithmetic3A_176 : vector<16xi32>
      %and3A_178 = arith.constant 1023 : i32
      %and3A_179 = vector.broadcast %and3A_178 : i32 to vector<16xi32>
      %and3A_180 = arith.andi %shift_right_arithmetic3A_177, %and3A_179 : vector<16xi32>
      %add3A_181 = vector.broadcast %mul3A_46 : i32 to vector<16xi32>
      %add3A_182 = arith.addi %and3A_180, %add3A_181 : vector<16xi32>
      %swap3A_183 = arith.constant 1 : i32
      %swap3A_184 = arith.index_cast %swap3A_183 : i32 to index
      %swap3A_185 = arith.constant 48 : index
      %swap3A_186 = tpu.vector_load %arg8[%swap3A_184, %swap3A_185] {strides = array<i32>} : memref<3x128xi32, #tpu.memory_space<vmem>>, vector<1x16xi32>,
      %swap3A_187 = vector.shape_cast %swap3A_186 : vector<1x16xi32> to vector<16xi32>
      %swap3A_188 = vector.shape_cast %add3A_182 : vector<16xi32> to vector<1x16xi32>
      tpu.vector_store %arg8[%swap3A_184, %swap3A_185], %swap3A_188 {strides = array<i32>} : memref<3x128xi32, #tpu.memory_space<vmem>>, vector<1x16xi32>,
      %and3A_189 = arith.constant 1023 : i32
      %and3A_190 = vector.broadcast %and3A_189 : i32 to vector<16xi32>
      %and3A_191 = arith.andi %get3A_163, %and3A_190 : vector<16xi32>
      %add3A_192 = vector.broadcast %mul3A_46 : i32 to vector<16xi32>
      %add3A_193 = arith.addi %and3A_191, %add3A_192 : vector<16xi32>
      %swap3A_194 = arith.constant 2 : i32
      %swap3A_195 = arith.index_cast %swap3A_194 : i32 to index
      %swap3A_196 = arith.constant 48 : index
      %swap3A_197 = tpu.vector_load %arg8[%swap3A_195, %swap3A_196] {strides = array<i32>} : memref<3x128xi32, #tpu.memory_space<vmem>>, vector<1x16xi32>,
      %swap3A_198 = vector.shape_cast %swap3A_197 : vector<1x16xi32> to vector<16xi32>
      %swap3A_199 = vector.shape_cast %add3A_193 : vector<16xi32> to vector<1x16xi32>
      tpu.vector_store %arg8[%swap3A_195, %swap3A_196], %swap3A_199 {strides = array<i32>} : memref<3x128xi32, #tpu.memory_space<vmem>>, vector<1x16xi32>,
      %get3A_200 = arith.constant 64 : index
      %get3A_201 = tpu.vector_load %arg7[%get3A_200] {strides = array<i32>} : memref<128xi32, #tpu.memory_space<vmem>>, vector<16xi32>,
      %get3A_202 = vector.shape_cast %get3A_201 : vector<16xi32> to vector<16xi32>
      %shift_right_arithmetic3A_203 = arith.constant 20 : i32
      %shift_right_arithmetic3A_204 = vector.broadcast %shift_right_arithmetic3A_203 : i32 to vector<16xi32>
      %shift_right_arithmetic3A_205 = arith.shrsi %get3A_202, %shift_right_arithmetic3A_204 : vector<16xi32>
      %add3A_206 = vector.broadcast %mul3A_46 : i32 to vector<16xi32>
      %add3A_207 = arith.addi %shift_right_arithmetic3A_205, %add3A_206 : vector<16xi32>
      %swap3A_208 = arith.constant 0 : i32
      %swap3A_209 = arith.index_cast %swap3A_208 : i32 to index
      %swap3A_210 = arith.constant 64 : index
      %swap3A_211 = tpu.vector_load %arg8[%swap3A_209, %swap3A_210] {strides = array<i32>} : memref<3x128xi32, #tpu.memory_space<vmem>>, vector<1x16xi32>,
      %swap3A_212 = vector.shape_cast %swap3A_211 : vector<1x16xi32> to vector<16xi32>
      %swap3A_213 = vector.shape_cast %add3A_207 : vector<16xi32> to vector<1x16xi32>
      tpu.vector_store %arg8[%swap3A_209, %swap3A_210], %swap3A_213 {strides = array<i32>} : memref<3x128xi32, #tpu.memory_space<vmem>>, vector<1x16xi32>,
      %shift_right_arithmetic3A_214 = arith.constant 10 : i32
      %shift_right_arithmetic3A_215 = vector.broadcast %shift_right_arithmetic3A_214 : i32 to vector<16xi32>
      %shift_right_arithmetic3A_216 = arith.shrsi %get3A_202, %shift_right_arithmetic3A_215 : vector<16xi32>
      %and3A_217 = arith.constant 1023 : i32
      %and3A_218 = vector.broadcast %and3A_217 : i32 to vector<16xi32>
      %and3A_219 = arith.andi %shift_right_arithmetic3A_216, %and3A_218 : vector<16xi32>
      %add3A_220 = vector.broadcast %mul3A_46 : i32 to vector<16xi32>
      %add3A_221 = arith.addi %and3A_219, %add3A_220 : vector<16xi32>
      %swap3A_222 = arith.constant 1 : i32
      %swap3A_223 = arith.index_cast %swap3A_222 : i32 to index
      %swap3A_224 = arith.constant 64 : index
      %swap3A_225 = tpu.vector_load %arg8[%swap3A_223, %swap3A_224] {strides = array<i32>} : memref<3x128xi32, #tpu.memory_space<vmem>>, vector<1x16xi32>,
      %swap3A_226 = vector.shape_cast %swap3A_225 : vector<1x16xi32> to vector<16xi32>
      %swap3A_227 = vector.shape_cast %add3A_221 : vector<16xi32> to vector<1x16xi32>
      tpu.vector_store %arg8[%swap3A_223, %swap3A_224], %swap3A_227 {strides = array<i32>} : memref<3x128xi32, #tpu.memory_space<vmem>>, vector<1x16xi32>,
      %and3A_228 = arith.constant 1023 : i32
      %and3A_229 = vector.broadcast %and3A_228 : i32 to vector<16xi32>
      %and3A_230 = arith.andi %get3A_202, %and3A_229 : vector<16xi32>
      %add3A_231 = vector.broadcast %mul3A_46 : i32 to vector<16xi32>
      %add3A_232 = arith.addi %and3A_230, %add3A_231 : vector<16xi32>
      %swap3A_233 = arith.constant 2 : i32
      %swap3A_234 = arith.index_cast %swap3A_233 : i32 to index
      %swap3A_235 = arith.constant 64 : index
      %swap3A_236 = tpu.vector_load %arg8[%swap3A_234, %swap3A_235] {strides = array<i32>} : memref<3x128xi32, #tpu.memory_space<vmem>>, vector<1x16xi32>,
      %swap3A_237 = vector.shape_cast %swap3A_236 : vector<1x16xi32> to vector<16xi32>
      %swap3A_238 = vector.shape_cast %add3A_232 : vector<16xi32> to vector<1x16xi32>
      tpu.vector_store %arg8[%swap3A_234, %swap3A_235], %swap3A_238 {strides = array<i32>} : memref<3x128xi32, #tpu.memory_space<vmem>>, vector<1x16xi32>,
      %get3A_239 = arith.constant 80 : index
      %get3A_240 = tpu.vector_load %arg7[%get3A_239] {strides = array<i32>} : memref<128xi32, #tpu.memory_space<vmem>>, vector<16xi32>,
      %get3A_241 = vector.shape_cast %get3A_240 : vector<16xi32> to vector<16xi32>
      %shift_right_arithmetic3A_242 = arith.constant 20 : i32
      %shift_right_arithmetic3A_243 = vector.broadcast %shift_right_arithmetic3A_242 : i32 to vector<16xi32>
      %shift_right_arithmetic3A_244 = arith.shrsi %get3A_241, %shift_right_arithmetic3A_243 : vector<16xi32>
      %add3A_245 = vector.broadcast %mul3A_46 : i32 to vector<16xi32>
      %add3A_246 = arith.addi %shift_right_arithmetic3A_244, %add3A_245 : vector<16xi32>
      %swap3A_247 = arith.constant 0 : i32
      %swap3A_248 = arith.index_cast %swap3A_247 : i32 to index
      %swap3A_249 = arith.constant 80 : index
      %swap3A_250 = tpu.vector_load %arg8[%swap3A_248, %swap3A_249] {strides = array<i32>} : memref<3x128xi32, #tpu.memory_space<vmem>>, vector<1x16xi32>,
      %swap3A_251 = vector.shape_cast %swap3A_250 : vector<1x16xi32> to vector<16xi32>
      %swap3A_252 = vector.shape_cast %add3A_246 : vector<16xi32> to vector<1x16xi32>
      tpu.vector_store %arg8[%swap3A_248, %swap3A_249], %swap3A_252 {strides = array<i32>} : memref<3x128xi32, #tpu.memory_space<vmem>>, vector<1x16xi32>,
      %shift_right_arithmetic3A_253 = arith.constant 10 : i32
      %shift_right_arithmetic3A_254 = vector.broadcast %shift_right_arithmetic3A_253 : i32 to vector<16xi32>
      %shift_right_arithmetic3A_255 = arith.shrsi %get3A_241, %shift_right_arithmetic3A_254 : vector<16xi32>
      %and3A_256 = arith.constant 1023 : i32
      %and3A_257 = vector.broadcast %and3A_256 : i32 to vector<16xi32>
      %and3A_258 = arith.andi %shift_right_arithmetic3A_255, %and3A_257 : vector<16xi32>
      %add3A_259 = vector.broadcast %mul3A_46 : i32 to vector<16xi32>
      %add3A_260 = arith.addi %and3A_258, %add3A_259 : vector<16xi32>
      %swap3A_261 = arith.constant 1 : i32
      %swap3A_262 = arith.index_cast %swap3A_261 : i32 to index
      %swap3A_263 = arith.constant 80 : index
      %swap3A_264 = tpu.vector_load %arg8[%swap3A_262, %swap3A_263] {strides = array<i32>} : memref<3x128xi32, #tpu.memory_space<vmem>>, vector<1x16xi32>,
      %swap3A_265 = vector.shape_cast %swap3A_264 : vector<1x16xi32> to vector<16xi32>
      %swap3A_266 = vector.shape_cast %add3A_260 : vector<16xi32> to vector<1x16xi32>
      tpu.vector_store %arg8[%swap3A_262, %swap3A_263], %swap3A_266 {strides = array<i32>} : memref<3x128xi32, #tpu.memory_space<vmem>>, vector<1x16xi32>,
      %and3A_267 = arith.constant 1023 : i32
      %and3A_268 = vector.broadcast %and3A_267 : i32 to vector<16xi32>
      %and3A_269 = arith.andi %get3A_241, %and3A_268 : vector<16xi32>
      %add3A_270 = vector.broadcast %mul3A_46 : i32 to vector<16xi32>
      %add3A_271 = arith.addi %and3A_269, %add3A_270 : vector<16xi32>
      %swap3A_272 = arith.constant 2 : i32
      %swap3A_273 = arith.index_cast %swap3A_272 : i32 to index
      %swap3A_274 = arith.constant 80 : index
      %swap3A_275 = tpu.vector_load %arg8[%swap3A_273, %swap3A_274] {strides = array<i32>} : memref<3x128xi32, #tpu.memory_space<vmem>>, vector<1x16xi32>,
      %swap3A_276 = vector.shape_cast %swap3A_275 : vector<1x16xi32> to vector<16xi32>
      %swap3A_277 = vector.shape_cast %add3A_271 : vector<16xi32> to vector<1x16xi32>
      tpu.vector_store %arg8[%swap3A_273, %swap3A_274], %swap3A_277 {strides = array<i32>} : memref<3x128xi32, #tpu.memory_space<vmem>>, vector<1x16xi32>,
      %get3A_278 = arith.constant 96 : index
      %get3A_279 = tpu.vector_load %arg7[%get3A_278] {strides = array<i32>} : memref<128xi32, #tpu.memory_space<vmem>>, vector<16xi32>,
      %get3A_280 = vector.shape_cast %get3A_279 : vector<16xi32> to vector<16xi32>
      %shift_right_arithmetic3A_281 = arith.constant 20 : i32
      %shift_right_arithmetic3A_282 = vector.broadcast %shift_right_arithmetic3A_281 : i32 to vector<16xi32>
      %shift_right_arithmetic3A_283 = arith.shrsi %get3A_280, %shift_right_arithmetic3A_282 : vector<16xi32>
      %add3A_284 = vector.broadcast %mul3A_46 : i32 to vector<16xi32>
      %add3A_285 = arith.addi %shift_right_arithmetic3A_283, %add3A_284 : vector<16xi32>
      %swap3A_286 = arith.constant 0 : i32
      %swap3A_287 = arith.index_cast %swap3A_286 : i32 to index
      %swap3A_288 = arith.constant 96 : index
      %swap3A_289 = tpu.vector_load %arg8[%swap3A_287, %swap3A_288] {strides = array<i32>} : memref<3x128xi32, #tpu.memory_space<vmem>>, vector<1x16xi32>,
      %swap3A_290 = vector.shape_cast %swap3A_289 : vector<1x16xi32> to vector<16xi32>
      %swap3A_291 = vector.shape_cast %add3A_285 : vector<16xi32> to vector<1x16xi32>
      tpu.vector_store %arg8[%swap3A_287, %swap3A_288], %swap3A_291 {strides = array<i32>} : memref<3x128xi32, #tpu.memory_space<vmem>>, vector<1x16xi32>,
      %shift_right_arithmetic3A_292 = arith.constant 10 : i32
      %shift_right_arithmetic3A_293 = vector.broadcast %shift_right_arithmetic3A_292 : i32 to vector<16xi32>
      %shift_right_arithmetic3A_294 = arith.shrsi %get3A_280, %shift_right_arithmetic3A_293 : vector<16xi32>
      %and3A_295 = arith.constant 1023 : i32
      %and3A_296 = vector.broadcast %and3A_295 : i32 to vector<16xi32>
      %and3A_297 = arith.andi %shift_right_arithmetic3A_294, %and3A_296 : vector<16xi32>
      %add3A_298 = vector.broadcast %mul3A_46 : i32 to vector<16xi32>
      %add3A_299 = arith.addi %and3A_297, %add3A_298 : vector<16xi32>
      %swap3A_300 = arith.constant 1 : i32
      %swap3A_301 = arith.index_cast %swap3A_300 : i32 to index
      %swap3A_302 = arith.constant 96 : index
      %swap3A_303 = tpu.vector_load %arg8[%swap3A_301, %swap3A_302] {strides = array<i32>} : memref<3x128xi32, #tpu.memory_space<vmem>>, vector<1x16xi32>,
      %swap3A_304 = vector.shape_cast %swap3A_303 : vector<1x16xi32> to vector<16xi32>
      %swap3A_305 = vector.shape_cast %add3A_299 : vector<16xi32> to vector<1x16xi32>
      tpu.vector_store %arg8[%swap3A_301, %swap3A_302], %swap3A_305 {strides = array<i32>} : memref<3x128xi32, #tpu.memory_space<vmem>>, vector<1x16xi32>,
      %and3A_306 = arith.constant 1023 : i32
      %and3A_307 = vector.broadcast %and3A_306 : i32 to vector<16xi32>
      %and3A_308 = arith.andi %get3A_280, %and3A_307 : vector<16xi32>
      %add3A_309 = vector.broadcast %mul3A_46 : i32 to vector<16xi32>
      %add3A_310 = arith.addi %and3A_308, %add3A_309 : vector<16xi32>
      %swap3A_311 = arith.constant 2 : i32
      %swap3A_312 = arith.index_cast %swap3A_311 : i32 to index
      %swap3A_313 = arith.constant 96 : index
      %swap3A_314 = tpu.vector_load %arg8[%swap3A_312, %swap3A_313] {strides = array<i32>} : memref<3x128xi32, #tpu.memory_space<vmem>>, vector<1x16xi32>,
      %swap3A_315 = vector.shape_cast %swap3A_314 : vector<1x16xi32> to vector<16xi32>
      %swap3A_316 = vector.shape_cast %add3A_310 : vector<16xi32> to vector<1x16xi32>
      tpu.vector_store %arg8[%swap3A_312, %swap3A_313], %swap3A_316 {strides = array<i32>} : memref<3x128xi32, #tpu.memory_space<vmem>>, vector<1x16xi32>,
      %get3A_317 = arith.constant 112 : index
      %get3A_318 = tpu.vector_load %arg7[%get3A_317] {strides = array<i32>} : memref<128xi32, #tpu.memory_space<vmem>>, vector<16xi32>,
      %get3A_319 = vector.shape_cast %get3A_318 : vector<16xi32> to vector<16xi32>
      %shift_right_arithmetic3A_320 = arith.constant 20 : i32
      %shift_right_arithmetic3A_321 = vector.broadcast %shift_right_arithmetic3A_320 : i32 to vector<16xi32>
      %shift_right_arithmetic3A_322 = arith.shrsi %get3A_319, %shift_right_arithmetic3A_321 : vector<16xi32>
      %add3A_323 = vector.broadcast %mul3A_46 : i32 to vector<16xi32>
      %add3A_324 = arith.addi %shift_right_arithmetic3A_322, %add3A_323 : vector<16xi32>
      %swap3A_325 = arith.constant 0 : i32
      %swap3A_326 = arith.index_cast %swap3A_325 : i32 to index
      %swap3A_327 = arith.constant 112 : index
      %swap3A_328 = tpu.vector_load %arg8[%swap3A_326, %swap3A_327] {strides = array<i32>} : memref<3x128xi32, #tpu.memory_space<vmem>>, vector<1x16xi32>,
      %swap3A_329 = vector.shape_cast %swap3A_328 : vector<1x16xi32> to vector<16xi32>
      %swap3A_330 = vector.shape_cast %add3A_324 : vector<16xi32> to vector<1x16xi32>
      tpu.vector_store %arg8[%swap3A_326, %swap3A_327], %swap3A_330 {strides = array<i32>} : memref<3x128xi32, #tpu.memory_space<vmem>>, vector<1x16xi32>,
      %shift_right_arithmetic3A_331 = arith.constant 10 : i32
      %shift_right_arithmetic3A_332 = vector.broadcast %shift_right_arithmetic3A_331 : i32 to vector<16xi32>
      %shift_right_arithmetic3A_333 = arith.shrsi %get3A_319, %shift_right_arithmetic3A_332 : vector<16xi32>
      %and3A_334 = arith.constant 1023 : i32
      %and3A_335 = vector.broadcast %and3A_334 : i32 to vector<16xi32>
      %and3A_336 = arith.andi %shift_right_arithmetic3A_333, %and3A_335 : vector<16xi32>
      %add3A_337 = vector.broadcast %mul3A_46 : i32 to vector<16xi32>
      %add3A_338 = arith.addi %and3A_336, %add3A_337 : vector<16xi32>
      %swap3A_339 = arith.constant 1 : i32
      %swap3A_340 = arith.index_cast %swap3A_339 : i32 to index
      %swap3A_341 = arith.constant 112 : index
      %swap3A_342 = tpu.vector_load %arg8[%swap3A_340, %swap3A_341] {strides = array<i32>} : memref<3x128xi32, #tpu.memory_space<vmem>>, vector<1x16xi32>,
      %swap3A_343 = vector.shape_cast %swap3A_342 : vector<1x16xi32> to vector<16xi32>
      %swap3A_344 = vector.shape_cast %add3A_338 : vector<16xi32> to vector<1x16xi32>
      tpu.vector_store %arg8[%swap3A_340, %swap3A_341], %swap3A_344 {strides = array<i32>} : memref<3x128xi32, #tpu.memory_space<vmem>>, vector<1x16xi32>,
      %and3A_345 = arith.constant 1023 : i32
      %and3A_346 = vector.broadcast %and3A_345 : i32 to vector<16xi32>
      %and3A_347 = arith.andi %get3A_319, %and3A_346 : vector<16xi32>
      %add3A_348 = vector.broadcast %mul3A_46 : i32 to vector<16xi32>
      %add3A_349 = arith.addi %and3A_347, %add3A_348 : vector<16xi32>
      %swap3A_350 = arith.constant 2 : i32
      %swap3A_351 = arith.index_cast %swap3A_350 : i32 to index
      %swap3A_352 = arith.constant 112 : index
      %swap3A_353 = tpu.vector_load %arg8[%swap3A_351, %swap3A_352] {strides = array<i32>} : memref<3x128xi32, #tpu.memory_space<vmem>>, vector<1x16xi32>,
      %swap3A_354 = vector.shape_cast %swap3A_353 : vector<1x16xi32> to vector<16xi32>
      %swap3A_355 = vector.shape_cast %add3A_349 : vector<16xi32> to vector<1x16xi32>
      tpu.vector_store %arg8[%swap3A_351, %swap3A_352], %swap3A_355 {strides = array<i32>} : memref<3x128xi32, #tpu.memory_space<vmem>>, vector<1x16xi32>,
      %dma_start3A = arith.constant 0 : i32
      %dma_start3A_356 = arith.constant 0 : i32
      %dma_start3A_357 = arith.constant 0 : i32
      %dma_start3A_358 = arith.constant 0 : i32
      %dma_start3A_359 = tpu.memref_slice %arg9[%dma_start3A_356, %dma_start3A_357, %dma_start3A_358] : memref<3x128x256xf32, #tpu.memory_space<vmem>> -> memref<1x128x256xf32, #tpu.memory_space<vmem>>
      %dma_start3A_360 = tpu.memref_squeeze %dma_start3A_359 : memref<1x128x256xf32, #tpu.memory_space<vmem>> -> memref<128x256xf32, #tpu.memory_space<vmem>>
      %dma_start3A_361 = arith.constant 0 : i32
      %dma_start3A_362 = tpu.memref_slice %arg8[%dma_start3A, %dma_start3A_361] : memref<3x128xi32, #tpu.memory_space<vmem>> -> memref<1x128xi32, #tpu.memory_space<vmem>>
      %dma_start3A_363 = tpu.memref_squeeze %dma_start3A_362 : memref<1x128xi32, #tpu.memory_space<vmem>> -> memref<128xi32, #tpu.memory_space<vmem>>
      %dma_start3A_364 = arith.constant 0 : i32
      %dma_start3A_365 = arith.constant 0 : i32
      %dma_start3A_366 = tpu.memref_slice %arg2[%dma_start3A_364, %dma_start3A_365] : memref<2048x256xf32, #tpu.memory_space<hbm>> -> memref<2048x256xf32, #tpu.memory_space<hbm>>
      tpu.enqueue_indirect_dma source(%dma_start3A_366 : memref<2048x256xf32, #tpu.memory_space<hbm>>) target(%dma_start3A_360 : memref<128x256xf32, #tpu.memory_space<vmem>>) offsets(%dma_start3A_363 : memref<128xi32, #tpu.memory_space<vmem>>) semaphore(%arg10 : memref<!tpu.dma_semaphore, #tpu.memory_space<semaphore_mem>>)
      %dma_wait3A = arith.constant 0 : i32
      %dma_wait3A_367 = arith.constant 0 : i32
      %dma_wait3A_368 = arith.constant 0 : i32
      %dma_wait3A_369 = arith.constant 0 : i32
      %dma_wait3A_370 = tpu.memref_slice %arg9[%dma_wait3A_367, %dma_wait3A_368, %dma_wait3A_369] : memref<3x128x256xf32, #tpu.memory_space<vmem>> -> memref<1x128x256xf32, #tpu.memory_space<vmem>>
      %dma_wait3A_371 = tpu.memref_squeeze %dma_wait3A_370 : memref<1x128x256xf32, #tpu.memory_space<vmem>> -> memref<128x256xf32, #tpu.memory_space<vmem>>
      %dma_wait3A_372 = arith.constant 0 : i32
      %dma_wait3A_373 = tpu.memref_slice %arg8[%dma_wait3A, %dma_wait3A_372] : memref<3x128xi32, #tpu.memory_space<vmem>> -> memref<1x128xi32, #tpu.memory_space<vmem>>
      %dma_wait3A_374 = tpu.memref_squeeze %dma_wait3A_373 : memref<1x128xi32, #tpu.memory_space<vmem>> -> memref<128xi32, #tpu.memory_space<vmem>>
      %dma_wait3A_375 = arith.constant 0 : i32
      %dma_wait3A_376 = arith.constant 0 : i32
      %dma_wait3A_377 = tpu.memref_slice %arg2[%dma_wait3A_375, %dma_wait3A_376] : memref<2048x256xf32, #tpu.memory_space<hbm>> -> memref<2048x256xf32, #tpu.memory_space<hbm>>
      tpu.wait_indirect_dma semaphore(%arg10 : memref<!tpu.dma_semaphore, #tpu.memory_space<semaphore_mem>>) src(%dma_wait3A_377 : memref<2048x256xf32, #tpu.memory_space<hbm>>) dst(%dma_wait3A_371 : memref<128x256xf32, #tpu.memory_space<vmem>>)
      %run_scoped3A_378 = arith.constant 0 : i32
      "tpu.region"() ({
        %run_scoped3A_429 = tpu.sem_alloc : memref<!tpu.dma_semaphore, #tpu.memory_space<semaphore_mem>>
        %dma_start3A_430 = arith.constant 0 : i32
        %dma_start3A_431 = arith.constant 0 : i32
        %dma_start3A_432 = tpu.memref_slice %arg9[%run_scoped3A_378, %dma_start3A_430, %dma_start3A_431] : memref<3x128x256xf32, #tpu.memory_space<vmem>> -> memref<1x128x256xf32, #tpu.memory_space<vmem>>
        %dma_start3A_433 = tpu.memref_squeeze %dma_start3A_432 : memref<1x128x256xf32, #tpu.memory_space<vmem>> -> memref<128x256xf32, #tpu.memory_space<vmem>>
        %dma_start3A_434 = arith.constant 0 : i32
        %dma_start3A_435 = tpu.memref_slice %arg4[%add3A_44, %dma_start3A_434] : memref<8192x256xf32, #tpu.memory_space<hbm>> -> memref<128x256xf32, #tpu.memory_space<hbm>>
        %dma_start3A_436 = arith.constant 0 : i32
        %dma_start3A_437 = tpu.memref_slice %arg4[%add3A_44, %dma_start3A_436] : memref<8192x256xf32, #tpu.memory_space<hbm>> -> memref<128x256xf32, #tpu.memory_space<hbm>>
        %dma_start3A_438 = arith.constant 0 : i32
        %dma_start3A_439 = arith.constant 0 : i32
        %dma_start3A_440 = tpu.memref_slice %arg9[%run_scoped3A_378, %dma_start3A_438, %dma_start3A_439] : memref<3x128x256xf32, #tpu.memory_space<vmem>> -> memref<1x128x256xf32, #tpu.memory_space<vmem>>
        %dma_start3A_441 = tpu.memref_squeeze %dma_start3A_440 : memref<1x128x256xf32, #tpu.memory_space<vmem>> -> memref<128x256xf32, #tpu.memory_space<vmem>>
        tpu.enqueue_dma source(%dma_start3A_441 : memref<128x256xf32, #tpu.memory_space<vmem>>) target(%dma_start3A_437 : memref<128x256xf32, #tpu.memory_space<hbm>>) target_semaphore(%run_scoped3A_429 : memref<!tpu.dma_semaphore, #tpu.memory_space<semaphore_mem>>)
        %dma_wait3A_442 = arith.constant 0 : i32
        %dma_wait3A_443 = arith.constant 0 : i32
        %dma_wait3A_444 = tpu.memref_slice %arg9[%run_scoped3A_378, %dma_wait3A_442, %dma_wait3A_443] : memref<3x128x256xf32, #tpu.memory_space<vmem>> -> memref<1x128x256xf32, #tpu.memory_space<vmem>>
        %dma_wait3A_445 = tpu.memref_squeeze %dma_wait3A_444 : memref<1x128x256xf32, #tpu.memory_space<vmem>> -> memref<128x256xf32, #tpu.memory_space<vmem>>
        %dma_wait3A_446 = arith.constant 0 : i32
        %dma_wait3A_447 = tpu.memref_slice %arg4[%add3A_44, %dma_wait3A_446] : memref<8192x256xf32, #tpu.memory_space<hbm>> -> memref<128x256xf32, #tpu.memory_space<hbm>>
        %dma_wait3A_448 = arith.constant 0 : i32
        %dma_wait3A_449 = tpu.memref_slice %arg4[%add3A_44, %dma_wait3A_448] : memref<8192x256xf32, #tpu.memory_space<hbm>> -> memref<128x256xf32, #tpu.memory_space<hbm>>
        %dma_wait3A_450 = arith.constant 0 : i32
        %dma_wait3A_451 = arith.constant 0 : i32
        %dma_wait3A_452 = tpu.memref_slice %arg9[%run_scoped3A_378, %dma_wait3A_450, %dma_wait3A_451] : memref<3x128x256xf32, #tpu.memory_space<vmem>> -> memref<1x128x256xf32, #tpu.memory_space<vmem>>
        %dma_wait3A_453 = tpu.memref_squeeze %dma_wait3A_452 : memref<1x128x256xf32, #tpu.memory_space<vmem>> -> memref<128x256xf32, #tpu.memory_space<vmem>>
        tpu.wait_dma2 semaphore(%run_scoped3A_429 : memref<!tpu.dma_semaphore, #tpu.memory_space<semaphore_mem>>) src(%dma_wait3A_453 : memref<128x256xf32, #tpu.memory_space<vmem>>) dst(%dma_wait3A_449 : memref<128x256xf32, #tpu.memory_space<hbm>>)
        tpu.yield
      }) : () -> ()
      %dma_start3A_379 = arith.constant 1 : i32
      %dma_start3A_380 = arith.constant 1 : i32
      %dma_start3A_381 = arith.constant 0 : i32
      %dma_start3A_382 = arith.constant 0 : i32
      %dma_start3A_383 = tpu.memref_slice %arg9[%dma_start3A_380, %dma_start3A_381, %dma_start3A_382] : memref<3x128x256xf32, #tpu.memory_space<vmem>> -> memref<1x128x256xf32, #tpu.memory_space<vmem>>
      %dma_start3A_384 = tpu.memref_squeeze %dma_start3A_383 : memref<1x128x256xf32, #tpu.memory_space<vmem>> -> memref<128x256xf32, #tpu.memory_space<vmem>>
      %dma_start3A_385 = arith.constant 0 : i32
      %dma_start3A_386 = tpu.memref_slice %arg8[%dma_start3A_379, %dma_start3A_385] : memref<3x128xi32, #tpu.memory_space<vmem>> -> memref<1x128xi32, #tpu.memory_space<vmem>>
      %dma_start3A_387 = tpu.memref_squeeze %dma_start3A_386 : memref<1x128xi32, #tpu.memory_space<vmem>> -> memref<128xi32, #tpu.memory_space<vmem>>
      %dma_start3A_388 = arith.constant 0 : i32
      %dma_start3A_389 = arith.constant 0 : i32
      %dma_start3A_390 = tpu.memref_slice %arg2[%dma_start3A_388, %dma_start3A_389] : memref<2048x256xf32, #tpu.memory_space<hbm>> -> memref<2048x256xf32, #tpu.memory_space<hbm>>
      tpu.enqueue_indirect_dma source(%dma_start3A_390 : memref<2048x256xf32, #tpu.memory_space<hbm>>) target(%dma_start3A_384 : memref<128x256xf32, #tpu.memory_space<vmem>>) offsets(%dma_start3A_387 : memref<128xi32, #tpu.memory_space<vmem>>) semaphore(%arg10 : memref<!tpu.dma_semaphore, #tpu.memory_space<semaphore_mem>>)
      %dma_wait3A_391 = arith.constant 1 : i32
      %dma_wait3A_392 = arith.constant 1 : i32
      %dma_wait3A_393 = arith.constant 0 : i32
      %dma_wait3A_394 = arith.constant 0 : i32
      %dma_wait3A_395 = tpu.memref_slice %arg9[%dma_wait3A_392, %dma_wait3A_393, %dma_wait3A_394] : memref<3x128x256xf32, #tpu.memory_space<vmem>> -> memref<1x128x256xf32, #tpu.memory_space<vmem>>
      %dma_wait3A_396 = tpu.memref_squeeze %dma_wait3A_395 : memref<1x128x256xf32, #tpu.memory_space<vmem>> -> memref<128x256xf32, #tpu.memory_space<vmem>>
      %dma_wait3A_397 = arith.constant 0 : i32
      %dma_wait3A_398 = tpu.memref_slice %arg8[%dma_wait3A_391, %dma_wait3A_397] : memref<3x128xi32, #tpu.memory_space<vmem>> -> memref<1x128xi32, #tpu.memory_space<vmem>>
      %dma_wait3A_399 = tpu.memref_squeeze %dma_wait3A_398 : memref<1x128xi32, #tpu.memory_space<vmem>> -> memref<128xi32, #tpu.memory_space<vmem>>
      %dma_wait3A_400 = arith.constant 0 : i32
      %dma_wait3A_401 = arith.constant 0 : i32
      %dma_wait3A_402 = tpu.memref_slice %arg2[%dma_wait3A_400, %dma_wait3A_401] : memref<2048x256xf32, #tpu.memory_space<hbm>> -> memref<2048x256xf32, #tpu.memory_space<hbm>>
      tpu.wait_indirect_dma semaphore(%arg10 : memref<!tpu.dma_semaphore, #tpu.memory_space<semaphore_mem>>) src(%dma_wait3A_402 : memref<2048x256xf32, #tpu.memory_space<hbm>>) dst(%dma_wait3A_396 : memref<128x256xf32, #tpu.memory_space<vmem>>)
      %run_scoped3A_403 = arith.constant 1 : i32
      "tpu.region"() ({
        %run_scoped3A_429 = tpu.sem_alloc : memref<!tpu.dma_semaphore, #tpu.memory_space<semaphore_mem>>
        %dma_start3A_430 = arith.constant 0 : i32
        %dma_start3A_431 = arith.constant 0 : i32
        %dma_start3A_432 = tpu.memref_slice %arg9[%run_scoped3A_403, %dma_start3A_430, %dma_start3A_431] : memref<3x128x256xf32, #tpu.memory_space<vmem>> -> memref<1x128x256xf32, #tpu.memory_space<vmem>>
        %dma_start3A_433 = tpu.memref_squeeze %dma_start3A_432 : memref<1x128x256xf32, #tpu.memory_space<vmem>> -> memref<128x256xf32, #tpu.memory_space<vmem>>
        %dma_start3A_434 = arith.constant 0 : i32
        %dma_start3A_435 = tpu.memref_slice %arg5[%add3A_44, %dma_start3A_434] : memref<8192x256xf32, #tpu.memory_space<hbm>> -> memref<128x256xf32, #tpu.memory_space<hbm>>
        %dma_start3A_436 = arith.constant 0 : i32
        %dma_start3A_437 = tpu.memref_slice %arg5[%add3A_44, %dma_start3A_436] : memref<8192x256xf32, #tpu.memory_space<hbm>> -> memref<128x256xf32, #tpu.memory_space<hbm>>
        %dma_start3A_438 = arith.constant 0 : i32
        %dma_start3A_439 = arith.constant 0 : i32
        %dma_start3A_440 = tpu.memref_slice %arg9[%run_scoped3A_403, %dma_start3A_438, %dma_start3A_439] : memref<3x128x256xf32, #tpu.memory_space<vmem>> -> memref<1x128x256xf32, #tpu.memory_space<vmem>>
        %dma_start3A_441 = tpu.memref_squeeze %dma_start3A_440 : memref<1x128x256xf32, #tpu.memory_space<vmem>> -> memref<128x256xf32, #tpu.memory_space<vmem>>
        tpu.enqueue_dma source(%dma_start3A_441 : memref<128x256xf32, #tpu.memory_space<vmem>>) target(%dma_start3A_437 : memref<128x256xf32, #tpu.memory_space<hbm>>) target_semaphore(%run_scoped3A_429 : memref<!tpu.dma_semaphore, #tpu.memory_space<semaphore_mem>>)
        %dma_wait3A_442 = arith.constant 0 : i32
        %dma_wait3A_443 = arith.constant 0 : i32
        %dma_wait3A_444 = tpu.memref_slice %arg9[%run_scoped3A_403, %dma_wait3A_442, %dma_wait3A_443] : memref<3x128x256xf32, #tpu.memory_space<vmem>> -> memref<1x128x256xf32, #tpu.memory_space<vmem>>
        %dma_wait3A_445 = tpu.memref_squeeze %dma_wait3A_444 : memref<1x128x256xf32, #tpu.memory_space<vmem>> -> memref<128x256xf32, #tpu.memory_space<vmem>>
        %dma_wait3A_446 = arith.constant 0 : i32
        %dma_wait3A_447 = tpu.memref_slice %arg5[%add3A_44, %dma_wait3A_446] : memref<8192x256xf32, #tpu.memory_space<hbm>> -> memref<128x256xf32, #tpu.memory_space<hbm>>
        %dma_wait3A_448 = arith.constant 0 : i32
        %dma_wait3A_449 = tpu.memref_slice %arg5[%add3A_44, %dma_wait3A_448] : memref<8192x256xf32, #tpu.memory_space<hbm>> -> memref<128x256xf32, #tpu.memory_space<hbm>>
        %dma_wait3A_450 = arith.constant 0 : i32
        %dma_wait3A_451 = arith.constant 0 : i32
        %dma_wait3A_452 = tpu.memref_slice %arg9[%run_scoped3A_403, %dma_wait3A_450, %dma_wait3A_451] : memref<3x128x256xf32, #tpu.memory_space<vmem>> -> memref<1x128x256xf32, #tpu.memory_space<vmem>>
        %dma_wait3A_453 = tpu.memref_squeeze %dma_wait3A_452 : memref<1x128x256xf32, #tpu.memory_space<vmem>> -> memref<128x256xf32, #tpu.memory_space<vmem>>
        tpu.wait_dma2 semaphore(%run_scoped3A_429 : memref<!tpu.dma_semaphore, #tpu.memory_space<semaphore_mem>>) src(%dma_wait3A_453 : memref<128x256xf32, #tpu.memory_space<vmem>>) dst(%dma_wait3A_449 : memref<128x256xf32, #tpu.memory_space<hbm>>)
        tpu.yield
      }) : () -> ()
      %dma_start3A_404 = arith.constant 2 : i32
      %dma_start3A_405 = arith.constant 2 : i32
      %dma_start3A_406 = arith.constant 0 : i32
      %dma_start3A_407 = arith.constant 0 : i32
      %dma_start3A_408 = tpu.memref_slice %arg9[%dma_start3A_405, %dma_start3A_406, %dma_start3A_407] : memref<3x128x256xf32, #tpu.memory_space<vmem>> -> memref<1x128x256xf32, #tpu.memory_space<vmem>>
      %dma_start3A_409 = tpu.memref_squeeze %dma_start3A_408 : memref<1x128x256xf32, #tpu.memory_space<vmem>> -> memref<128x256xf32, #tpu.memory_space<vmem>>
      %dma_start3A_410 = arith.constant 0 : i32
      %dma_start3A_411 = tpu.memref_slice %arg8[%dma_start3A_404, %dma_start3A_410] : memref<3x128xi32, #tpu.memory_space<vmem>> -> memref<1x128xi32, #tpu.memory_space<vmem>>
      %dma_start3A_412 = tpu.memref_squeeze %dma_start3A_411 : memref<1x128xi32, #tpu.memory_space<vmem>> -> memref<128xi32, #tpu.memory_space<vmem>>
      %dma_start3A_413 = arith.constant 0 : i32
      %dma_start3A_414 = arith.constant 0 : i32
      %dma_start3A_415 = tpu.memref_slice %arg2[%dma_start3A_413, %dma_start3A_414] : memref<2048x256xf32, #tpu.memory_space<hbm>> -> memref<2048x256xf32, #tpu.memory_space<hbm>>
      tpu.enqueue_indirect_dma source(%dma_start3A_415 : memref<2048x256xf32, #tpu.memory_space<hbm>>) target(%dma_start3A_409 : memref<128x256xf32, #tpu.memory_space<vmem>>) offsets(%dma_start3A_412 : memref<128xi32, #tpu.memory_space<vmem>>) semaphore(%arg10 : memref<!tpu.dma_semaphore, #tpu.memory_space<semaphore_mem>>)
      %dma_wait3A_416 = arith.constant 2 : i32
      %dma_wait3A_417 = arith.constant 2 : i32
      %dma_wait3A_418 = arith.constant 0 : i32
      %dma_wait3A_419 = arith.constant 0 : i32
      %dma_wait3A_420 = tpu.memref_slice %arg9[%dma_wait3A_417, %dma_wait3A_418, %dma_wait3A_419] : memref<3x128x256xf32, #tpu.memory_space<vmem>> -> memref<1x128x256xf32, #tpu.memory_space<vmem>>
      %dma_wait3A_421 = tpu.memref_squeeze %dma_wait3A_420 : memref<1x128x256xf32, #tpu.memory_space<vmem>> -> memref<128x256xf32, #tpu.memory_space<vmem>>
      %dma_wait3A_422 = arith.constant 0 : i32
      %dma_wait3A_423 = tpu.memref_slice %arg8[%dma_wait3A_416, %dma_wait3A_422] : memref<3x128xi32, #tpu.memory_space<vmem>> -> memref<1x128xi32, #tpu.memory_space<vmem>>
      %dma_wait3A_424 = tpu.memref_squeeze %dma_wait3A_423 : memref<1x128xi32, #tpu.memory_space<vmem>> -> memref<128xi32, #tpu.memory_space<vmem>>
      %dma_wait3A_425 = arith.constant 0 : i32
      %dma_wait3A_426 = arith.constant 0 : i32
      %dma_wait3A_427 = tpu.memref_slice %arg2[%dma_wait3A_425, %dma_wait3A_426] : memref<2048x256xf32, #tpu.memory_space<hbm>> -> memref<2048x256xf32, #tpu.memory_space<hbm>>
      tpu.wait_indirect_dma semaphore(%arg10 : memref<!tpu.dma_semaphore, #tpu.memory_space<semaphore_mem>>) src(%dma_wait3A_427 : memref<2048x256xf32, #tpu.memory_space<hbm>>) dst(%dma_wait3A_421 : memref<128x256xf32, #tpu.memory_space<vmem>>)
      %run_scoped3A_428 = arith.constant 2 : i32
      "tpu.region"() ({
        %run_scoped3A_429 = tpu.sem_alloc : memref<!tpu.dma_semaphore, #tpu.memory_space<semaphore_mem>>
        %dma_start3A_430 = arith.constant 0 : i32
        %dma_start3A_431 = arith.constant 0 : i32
        %dma_start3A_432 = tpu.memref_slice %arg9[%run_scoped3A_428, %dma_start3A_430, %dma_start3A_431] : memref<3x128x256xf32, #tpu.memory_space<vmem>> -> memref<1x128x256xf32, #tpu.memory_space<vmem>>
        %dma_start3A_433 = tpu.memref_squeeze %dma_start3A_432 : memref<1x128x256xf32, #tpu.memory_space<vmem>> -> memref<128x256xf32, #tpu.memory_space<vmem>>
        %dma_start3A_434 = arith.constant 0 : i32
        %dma_start3A_435 = tpu.memref_slice %arg6[%add3A_44, %dma_start3A_434] : memref<8192x256xf32, #tpu.memory_space<hbm>> -> memref<128x256xf32, #tpu.memory_space<hbm>>
        %dma_start3A_436 = arith.constant 0 : i32
        %dma_start3A_437 = tpu.memref_slice %arg6[%add3A_44, %dma_start3A_436] : memref<8192x256xf32, #tpu.memory_space<hbm>> -> memref<128x256xf32, #tpu.memory_space<hbm>>
        %dma_start3A_438 = arith.constant 0 : i32
        %dma_start3A_439 = arith.constant 0 : i32
        %dma_start3A_440 = tpu.memref_slice %arg9[%run_scoped3A_428, %dma_start3A_438, %dma_start3A_439] : memref<3x128x256xf32, #tpu.memory_space<vmem>> -> memref<1x128x256xf32, #tpu.memory_space<vmem>>
        %dma_start3A_441 = tpu.memref_squeeze %dma_start3A_440 : memref<1x128x256xf32, #tpu.memory_space<vmem>> -> memref<128x256xf32, #tpu.memory_space<vmem>>
        tpu.enqueue_dma source(%dma_start3A_441 : memref<128x256xf32, #tpu.memory_space<vmem>>) target(%dma_start3A_437 : memref<128x256xf32, #tpu.memory_space<hbm>>) target_semaphore(%run_scoped3A_429 : memref<!tpu.dma_semaphore, #tpu.memory_space<semaphore_mem>>)
        %dma_wait3A_442 = arith.constant 0 : i32
        %dma_wait3A_443 = arith.constant 0 : i32
        %dma_wait3A_444 = tpu.memref_slice %arg9[%run_scoped3A_428, %dma_wait3A_442, %dma_wait3A_443] : memref<3x128x256xf32, #tpu.memory_space<vmem>> -> memref<1x128x256xf32, #tpu.memory_space<vmem>>
        %dma_wait3A_445 = tpu.memref_squeeze %dma_wait3A_444 : memref<1x128x256xf32, #tpu.memory_space<vmem>> -> memref<128x256xf32, #tpu.memory_space<vmem>>
        %dma_wait3A_446 = arith.constant 0 : i32
        %dma_wait3A_447 = tpu.memref_slice %arg6[%add3A_44, %dma_wait3A_446] : memref<8192x256xf32, #tpu.memory_space<hbm>> -> memref<128x256xf32, #tpu.memory_space<hbm>>
        %dma_wait3A_448 = arith.constant 0 : i32
        %dma_wait3A_449 = tpu.memref_slice %arg6[%add3A_44, %dma_wait3A_448] : memref<8192x256xf32, #tpu.memory_space<hbm>> -> memref<128x256xf32, #tpu.memory_space<hbm>>
        %dma_wait3A_450 = arith.constant 0 : i32
        %dma_wait3A_451 = arith.constant 0 : i32
        %dma_wait3A_452 = tpu.memref_slice %arg9[%run_scoped3A_428, %dma_wait3A_450, %dma_wait3A_451] : memref<3x128x256xf32, #tpu.memory_space<vmem>> -> memref<1x128x256xf32, #tpu.memory_space<vmem>>
        %dma_wait3A_453 = tpu.memref_squeeze %dma_wait3A_452 : memref<1x128x256xf32, #tpu.memory_space<vmem>> -> memref<128x256xf32, #tpu.memory_space<vmem>>
        tpu.wait_dma2 semaphore(%run_scoped3A_429 : memref<!tpu.dma_semaphore, #tpu.memory_space<semaphore_mem>>) src(%dma_wait3A_453 : memref<128x256xf32, #tpu.memory_space<vmem>>) dst(%dma_wait3A_449 : memref<128x256xf32, #tpu.memory_space<hbm>>)
        tpu.yield
      }) : () -> ()
    }
    %scan3A_37 = arith.constant 2 : i32
    return
  }
}

#map = affine_map<(d0, d1) -> (0, 0)>
#map1 = affine_map<(d0, d1) -> (0, 0, 0)>
module attributes {stable_mosaic.version = 14 : i64} {
  func.func @_sc_gather_body(%arg0: i32, %arg1: i32, %arg2: memref<2048x256xf32, #tpu.memory_space<hbm>>, %arg3: memref<2x1x4096xi32, #tpu.memory_space<hbm>>, %arg4: memref<8192x256xf32, #tpu.memory_space<hbm>>, %arg5: memref<8192x256xf32, #tpu.memory_space<hbm>>, %arg6: memref<8192x256xf32, #tpu.memory_space<hbm>>, %arg7: memref<128xi32, #tpu.memory_space<vmem>>, %arg8: memref<3x128xi32, #tpu.memory_space<vmem>>, %arg9: memref<3x128x256xf32, #tpu.memory_space<vmem>>, %arg10: memref<!tpu.dma_semaphore, #tpu.memory_space<semaphore_mem>>) attributes {dimension_semantics = [#tpu.dimension_semantics<core_parallel>, #tpu.dimension_semantics<subcore_parallel>], iteration_bounds = array<i64: 2, 16>, scalar_prefetch = 0 : i64, scratch_operands = 4 : i64, tpu.core_type = #tpu.core_type<sc_vector_subcore>, window_params = [{transform_indices = #map}, {transform_indices = #map1}, {transform_indices = #map}, {transform_indices = #map}, {transform_indices = #map}]} {
    %mul3A = arith.constant 2 : i32
    %mul3A_0 = arith.muli %arg1, %mul3A : i32
    %add3A = arith.addi %mul3A_0, %arg0 : i32
    %jit3A = arith.constant 16 : i32
    %div3A = arith.divsi %add3A, %jit3A : i32
    %sign3A = arith.constant 0 : i32
    %sign3A_1 = arith.cmpi sgt, %add3A, %sign3A : i32
    %sign3A_2 = arith.extui %sign3A_1 : i1 to i32
    %sign3A_3 = arith.constant 0 : i32
    %sign3A_4 = arith.cmpi slt, %add3A, %sign3A_3 : i32
    %sign3A_5 = arith.extui %sign3A_4 : i1 to i32
    %sign3A_6 = arith.subi %sign3A_2, %sign3A_5 : i32
    %sign3A_7 = arith.constant 0 : i32
    %sign3A_8 = arith.cmpi sgt, %jit3A, %sign3A_7 : i32
    %sign3A_9 = arith.extui %sign3A_8 : i1 to i32
    %sign3A_10 = arith.constant 0 : i32
    %sign3A_11 = arith.cmpi slt, %jit3A, %sign3A_10 : i32
    %sign3A_12 = arith.extui %sign3A_11 : i1 to i32
    %sign3A_13 = arith.subi %sign3A_9, %sign3A_12 : i32
    %ne3A = arith.cmpi ne, %sign3A_6, %sign3A_13 : i32
    %rem3A = arith.remsi %add3A, %jit3A : i32
    %ne3A_14 = arith.constant 0 : i32
    %ne3A_15 = arith.cmpi ne, %rem3A, %ne3A_14 : i32
    %and3A = arith.andi %ne3A, %ne3A_15 : i1
    %sub3A = arith.constant 1 : i32
    %sub3A_16 = arith.subi %div3A, %sub3A : i32
    %select_n3A = arith.select %and3A, %sub3A_16, %div3A : i32
    %jit3A_17 = arith.constant 16 : i32
    %eq3A = arith.constant 0 : i32
    %eq3A_18 = arith.cmpi eq, %jit3A_17, %eq3A : i32
    %jit3A_19 = arith.constant 1 : i32
    %select_n3A_20 = arith.select %eq3A_18, %jit3A_19, %jit3A_17 : i32
    %rem3A_21 = arith.remsi %add3A, %select_n3A_20 : i32
    %ne3A_22 = arith.constant 0 : i32
    %ne3A_23 = arith.cmpi ne, %rem3A_21, %ne3A_22 : i32
    %lt3A = arith.constant 0 : i32
    %lt3A_24 = arith.cmpi slt, %rem3A_21, %lt3A : i32
    %lt3A_25 = arith.constant 0 : i32
    %lt3A_26 = arith.cmpi slt, %select_n3A_20, %lt3A_25 : i32
    %ne3A_27 = arith.xori %lt3A_24, %lt3A_26 : i1
    %and3A_28 = arith.andi %ne3A_27, %ne3A_23 : i1
    %add3A_29 = arith.addi %rem3A_21, %select_n3A_20 : i32
    %select_n3A_30 = arith.select %and3A_28, %add3A_29, %rem3A_21 : i32
    %mul3A_31 = arith.constant 256 : i32
    %mul3A_32 = arith.muli %select_n3A_30, %mul3A_31 : i32
    %scan3A = arith.constant 0 : i32
    %scan3A_33 = arith.constant 0 : i32
    %scan3A_34 = arith.constant 2 : i32
    %scan3A_35 = arith.addi %scan3A_33, %scan3A_34 : i32
    %scan3A_36 = arith.constant 1 : i32
    scf.for %scan3A_38 = %scan3A_33 to %scan3A_35 step %scan3A_36  : i32 {
      %mul3A_39 = arith.constant 128 : i32
      %mul3A_40 = arith.muli %scan3A_38, %mul3A_39 : i32
      %add3A_41 = arith.addi %mul3A_32, %mul3A_40 : i32
      %mul3A_42 = arith.constant 4096 : i32
      %mul3A_43 = arith.muli %select_n3A, %mul3A_42 : i32
      %add3A_44 = arith.addi %mul3A_43, %add3A_41 : i32
      %run_scoped3A = arith.constant 0 : i32
      "tpu.region"() ({
        %run_scoped3A_429 = tpu.sem_alloc : memref<!tpu.dma_semaphore, #tpu.memory_space<semaphore_mem>>
        %dma_start3A_430 = tpu.memref_slice %arg3[%select_n3A, %run_scoped3A, %add3A_41] : memref<2x1x4096xi32, #tpu.memory_space<hbm>> -> memref<1x1x128xi32, #tpu.memory_space<hbm>>
        %dma_start3A_431 = tpu.memref_squeeze %dma_start3A_430 : memref<1x1x128xi32, #tpu.memory_space<hbm>> -> memref<128xi32, #tpu.memory_space<hbm>>
        %dma_start3A_432 = tpu.memref_slice %arg3[%select_n3A, %run_scoped3A, %add3A_41] : memref<2x1x4096xi32, #tpu.memory_space<hbm>> -> memref<1x1x128xi32, #tpu.memory_space<hbm>>
        %dma_start3A_433 = tpu.memref_squeeze %dma_start3A_432 : memref<1x1x128xi32, #tpu.memory_space<hbm>> -> memref<128xi32, #tpu.memory_space<hbm>>
        tpu.enqueue_dma source(%dma_start3A_433 : memref<128xi32, #tpu.memory_space<hbm>>) target(%arg7 : memref<128xi32, #tpu.memory_space<vmem>>) target_semaphore(%run_scoped3A_429 : memref<!tpu.dma_semaphore, #tpu.memory_space<semaphore_mem>>)
        %dma_wait3A_434 = tpu.memref_slice %arg3[%select_n3A, %run_scoped3A, %add3A_41] : memref<2x1x4096xi32, #tpu.memory_space<hbm>> -> memref<1x1x128xi32, #tpu.memory_space<hbm>>
        %dma_wait3A_435 = tpu.memref_squeeze %dma_wait3A_434 : memref<1x1x128xi32, #tpu.memory_space<hbm>> -> memref<128xi32, #tpu.memory_space<hbm>>
        %dma_wait3A_436 = tpu.memref_slice %arg3[%select_n3A, %run_scoped3A, %add3A_41] : memref<2x1x4096xi32, #tpu.memory_space<hbm>> -> memref<1x1x128xi32, #tpu.memory_space<hbm>>
        %dma_wait3A_437 = tpu.memref_squeeze %dma_wait3A_436 : memref<1x1x128xi32, #tpu.memory_space<hbm>> -> memref<128xi32, #tpu.memory_space<hbm>>
        tpu.wait_dma2 semaphore(%run_scoped3A_429 : memref<!tpu.dma_semaphore, #tpu.memory_space<semaphore_mem>>) src(%dma_wait3A_437 : memref<128xi32, #tpu.memory_space<hbm>>) dst(%arg7 : memref<128xi32, #tpu.memory_space<vmem>>)
        tpu.yield
      }) : () -> ()
      %mul3A_45 = arith.constant 1024 : i32
      %mul3A_46 = arith.muli %select_n3A, %mul3A_45 : i32
      %get3A = arith.constant 0 : index
      %get3A_47 = tpu.vector_load %arg7[%get3A] {strides = array<i32>} : memref<128xi32, #tpu.memory_space<vmem>>, vector<16xi32>,
      %get3A_48 = vector.shape_cast %get3A_47 : vector<16xi32> to vector<16xi32>
      %shift_right_arithmetic3A = arith.constant 20 : i32
      %shift_right_arithmetic3A_49 = vector.broadcast %shift_right_arithmetic3A : i32 to vector<16xi32>
      %shift_right_arithmetic3A_50 = arith.shrsi %get3A_48, %shift_right_arithmetic3A_49 : vector<16xi32>
      %add3A_51 = vector.broadcast %mul3A_46 : i32 to vector<16xi32>
      %add3A_52 = arith.addi %shift_right_arithmetic3A_50, %add3A_51 : vector<16xi32>
      %swap3A = arith.constant 0 : i32
      %swap3A_53 = arith.index_cast %swap3A : i32 to index
      %swap3A_54 = arith.constant 0 : index
      %swap3A_55 = tpu.vector_load %arg8[%swap3A_53, %swap3A_54] {strides = array<i32>} : memref<3x128xi32, #tpu.memory_space<vmem>>, vector<1x16xi32>,
      %swap3A_56 = vector.shape_cast %swap3A_55 : vector<1x16xi32> to vector<16xi32>
      %swap3A_57 = vector.shape_cast %add3A_52 : vector<16xi32> to vector<1x16xi32>
      tpu.vector_store %arg8[%swap3A_53, %swap3A_54], %swap3A_57 {strides = array<i32>} : memref<3x128xi32, #tpu.memory_space<vmem>>, vector<1x16xi32>,
      %shift_right_arithmetic3A_58 = arith.constant 10 : i32
      %shift_right_arithmetic3A_59 = vector.broadcast %shift_right_arithmetic3A_58 : i32 to vector<16xi32>
      %shift_right_arithmetic3A_60 = arith.shrsi %get3A_48, %shift_right_arithmetic3A_59 : vector<16xi32>
      %and3A_61 = arith.constant 1023 : i32
      %and3A_62 = vector.broadcast %and3A_61 : i32 to vector<16xi32>
      %and3A_63 = arith.andi %shift_right_arithmetic3A_60, %and3A_62 : vector<16xi32>
      %add3A_64 = vector.broadcast %mul3A_46 : i32 to vector<16xi32>
      %add3A_65 = arith.addi %and3A_63, %add3A_64 : vector<16xi32>
      %swap3A_66 = arith.constant 1 : i32
      %swap3A_67 = arith.index_cast %swap3A_66 : i32 to index
      %swap3A_68 = arith.constant 0 : index
      %swap3A_69 = tpu.vector_load %arg8[%swap3A_67, %swap3A_68] {strides = array<i32>} : memref<3x128xi32, #tpu.memory_space<vmem>>, vector<1x16xi32>,
      %swap3A_70 = vector.shape_cast %swap3A_69 : vector<1x16xi32> to vector<16xi32>
      %swap3A_71 = vector.shape_cast %add3A_65 : vector<16xi32> to vector<1x16xi32>
      tpu.vector_store %arg8[%swap3A_67, %swap3A_68], %swap3A_71 {strides = array<i32>} : memref<3x128xi32, #tpu.memory_space<vmem>>, vector<1x16xi32>,
      %and3A_72 = arith.constant 1023 : i32
      %and3A_73 = vector.broadcast %and3A_72 : i32 to vector<16xi32>
      %and3A_74 = arith.andi %get3A_48, %and3A_73 : vector<16xi32>
      %add3A_75 = vector.broadcast %mul3A_46 : i32 to vector<16xi32>
      %add3A_76 = arith.addi %and3A_74, %add3A_75 : vector<16xi32>
      %swap3A_77 = arith.constant 2 : i32
      %swap3A_78 = arith.index_cast %swap3A_77 : i32 to index
      %swap3A_79 = arith.constant 0 : index
      %swap3A_80 = tpu.vector_load %arg8[%swap3A_78, %swap3A_79] {strides = array<i32>} : memref<3x128xi32, #tpu.memory_space<vmem>>, vector<1x16xi32>,
      %swap3A_81 = vector.shape_cast %swap3A_80 : vector<1x16xi32> to vector<16xi32>
      %swap3A_82 = vector.shape_cast %add3A_76 : vector<16xi32> to vector<1x16xi32>
      tpu.vector_store %arg8[%swap3A_78, %swap3A_79], %swap3A_82 {strides = array<i32>} : memref<3x128xi32, #tpu.memory_space<vmem>>, vector<1x16xi32>,
      %get3A_83 = arith.constant 16 : index
      %get3A_84 = tpu.vector_load %arg7[%get3A_83] {strides = array<i32>} : memref<128xi32, #tpu.memory_space<vmem>>, vector<16xi32>,
      %get3A_85 = vector.shape_cast %get3A_84 : vector<16xi32> to vector<16xi32>
      %shift_right_arithmetic3A_86 = arith.constant 20 : i32
      %shift_right_arithmetic3A_87 = vector.broadcast %shift_right_arithmetic3A_86 : i32 to vector<16xi32>
      %shift_right_arithmetic3A_88 = arith.shrsi %get3A_85, %shift_right_arithmetic3A_87 : vector<16xi32>
      %add3A_89 = vector.broadcast %mul3A_46 : i32 to vector<16xi32>
      %add3A_90 = arith.addi %shift_right_arithmetic3A_88, %add3A_89 : vector<16xi32>
      %swap3A_91 = arith.constant 0 : i32
      %swap3A_92 = arith.index_cast %swap3A_91 : i32 to index
      %swap3A_93 = arith.constant 16 : index
      %swap3A_94 = tpu.vector_load %arg8[%swap3A_92, %swap3A_93] {strides = array<i32>} : memref<3x128xi32, #tpu.memory_space<vmem>>, vector<1x16xi32>,
      %swap3A_95 = vector.shape_cast %swap3A_94 : vector<1x16xi32> to vector<16xi32>
      %swap3A_96 = vector.shape_cast %add3A_90 : vector<16xi32> to vector<1x16xi32>
      tpu.vector_store %arg8[%swap3A_92, %swap3A_93], %swap3A_96 {strides = array<i32>} : memref<3x128xi32, #tpu.memory_space<vmem>>, vector<1x16xi32>,
      %shift_right_arithmetic3A_97 = arith.constant 10 : i32
      %shift_right_arithmetic3A_98 = vector.broadcast %shift_right_arithmetic3A_97 : i32 to vector<16xi32>
      %shift_right_arithmetic3A_99 = arith.shrsi %get3A_85, %shift_right_arithmetic3A_98 : vector<16xi32>
      %and3A_100 = arith.constant 1023 : i32
      %and3A_101 = vector.broadcast %and3A_100 : i32 to vector<16xi32>
      %and3A_102 = arith.andi %shift_right_arithmetic3A_99, %and3A_101 : vector<16xi32>
      %add3A_103 = vector.broadcast %mul3A_46 : i32 to vector<16xi32>
      %add3A_104 = arith.addi %and3A_102, %add3A_103 : vector<16xi32>
      %swap3A_105 = arith.constant 1 : i32
      %swap3A_106 = arith.index_cast %swap3A_105 : i32 to index
      %swap3A_107 = arith.constant 16 : index
      %swap3A_108 = tpu.vector_load %arg8[%swap3A_106, %swap3A_107] {strides = array<i32>} : memref<3x128xi32, #tpu.memory_space<vmem>>, vector<1x16xi32>,
      %swap3A_109 = vector.shape_cast %swap3A_108 : vector<1x16xi32> to vector<16xi32>
      %swap3A_110 = vector.shape_cast %add3A_104 : vector<16xi32> to vector<1x16xi32>
      tpu.vector_store %arg8[%swap3A_106, %swap3A_107], %swap3A_110 {strides = array<i32>} : memref<3x128xi32, #tpu.memory_space<vmem>>, vector<1x16xi32>,
      %and3A_111 = arith.constant 1023 : i32
      %and3A_112 = vector.broadcast %and3A_111 : i32 to vector<16xi32>
      %and3A_113 = arith.andi %get3A_85, %and3A_112 : vector<16xi32>
      %add3A_114 = vector.broadcast %mul3A_46 : i32 to vector<16xi32>
      %add3A_115 = arith.addi %and3A_113, %add3A_114 : vector<16xi32>
      %swap3A_116 = arith.constant 2 : i32
      %swap3A_117 = arith.index_cast %swap3A_116 : i32 to index
      %swap3A_118 = arith.constant 16 : index
      %swap3A_119 = tpu.vector_load %arg8[%swap3A_117, %swap3A_118] {strides = array<i32>} : memref<3x128xi32, #tpu.memory_space<vmem>>, vector<1x16xi32>,
      %swap3A_120 = vector.shape_cast %swap3A_119 : vector<1x16xi32> to vector<16xi32>
      %swap3A_121 = vector.shape_cast %add3A_115 : vector<16xi32> to vector<1x16xi32>
      tpu.vector_store %arg8[%swap3A_117, %swap3A_118], %swap3A_121 {strides = array<i32>} : memref<3x128xi32, #tpu.memory_space<vmem>>, vector<1x16xi32>,
      %get3A_122 = arith.constant 32 : index
      %get3A_123 = tpu.vector_load %arg7[%get3A_122] {strides = array<i32>} : memref<128xi32, #tpu.memory_space<vmem>>, vector<16xi32>,
      %get3A_124 = vector.shape_cast %get3A_123 : vector<16xi32> to vector<16xi32>
      %shift_right_arithmetic3A_125 = arith.constant 20 : i32
      %shift_right_arithmetic3A_126 = vector.broadcast %shift_right_arithmetic3A_125 : i32 to vector<16xi32>
      %shift_right_arithmetic3A_127 = arith.shrsi %get3A_124, %shift_right_arithmetic3A_126 : vector<16xi32>
      %add3A_128 = vector.broadcast %mul3A_46 : i32 to vector<16xi32>
      %add3A_129 = arith.addi %shift_right_arithmetic3A_127, %add3A_128 : vector<16xi32>
      %swap3A_130 = arith.constant 0 : i32
      %swap3A_131 = arith.index_cast %swap3A_130 : i32 to index
      %swap3A_132 = arith.constant 32 : index
      %swap3A_133 = tpu.vector_load %arg8[%swap3A_131, %swap3A_132] {strides = array<i32>} : memref<3x128xi32, #tpu.memory_space<vmem>>, vector<1x16xi32>,
      %swap3A_134 = vector.shape_cast %swap3A_133 : vector<1x16xi32> to vector<16xi32>
      %swap3A_135 = vector.shape_cast %add3A_129 : vector<16xi32> to vector<1x16xi32>
      tpu.vector_store %arg8[%swap3A_131, %swap3A_132], %swap3A_135 {strides = array<i32>} : memref<3x128xi32, #tpu.memory_space<vmem>>, vector<1x16xi32>,
      %shift_right_arithmetic3A_136 = arith.constant 10 : i32
      %shift_right_arithmetic3A_137 = vector.broadcast %shift_right_arithmetic3A_136 : i32 to vector<16xi32>
      %shift_right_arithmetic3A_138 = arith.shrsi %get3A_124, %shift_right_arithmetic3A_137 : vector<16xi32>
      %and3A_139 = arith.constant 1023 : i32
      %and3A_140 = vector.broadcast %and3A_139 : i32 to vector<16xi32>
      %and3A_141 = arith.andi %shift_right_arithmetic3A_138, %and3A_140 : vector<16xi32>
      %add3A_142 = vector.broadcast %mul3A_46 : i32 to vector<16xi32>
      %add3A_143 = arith.addi %and3A_141, %add3A_142 : vector<16xi32>
      %swap3A_144 = arith.constant 1 : i32
      %swap3A_145 = arith.index_cast %swap3A_144 : i32 to index
      %swap3A_146 = arith.constant 32 : index
      %swap3A_147 = tpu.vector_load %arg8[%swap3A_145, %swap3A_146] {strides = array<i32>} : memref<3x128xi32, #tpu.memory_space<vmem>>, vector<1x16xi32>,
      %swap3A_148 = vector.shape_cast %swap3A_147 : vector<1x16xi32> to vector<16xi32>
      %swap3A_149 = vector.shape_cast %add3A_143 : vector<16xi32> to vector<1x16xi32>
      tpu.vector_store %arg8[%swap3A_145, %swap3A_146], %swap3A_149 {strides = array<i32>} : memref<3x128xi32, #tpu.memory_space<vmem>>, vector<1x16xi32>,
      %and3A_150 = arith.constant 1023 : i32
      %and3A_151 = vector.broadcast %and3A_150 : i32 to vector<16xi32>
      %and3A_152 = arith.andi %get3A_124, %and3A_151 : vector<16xi32>
      %add3A_153 = vector.broadcast %mul3A_46 : i32 to vector<16xi32>
      %add3A_154 = arith.addi %and3A_152, %add3A_153 : vector<16xi32>
      %swap3A_155 = arith.constant 2 : i32
      %swap3A_156 = arith.index_cast %swap3A_155 : i32 to index
      %swap3A_157 = arith.constant 32 : index
      %swap3A_158 = tpu.vector_load %arg8[%swap3A_156, %swap3A_157] {strides = array<i32>} : memref<3x128xi32, #tpu.memory_space<vmem>>, vector<1x16xi32>,
      %swap3A_159 = vector.shape_cast %swap3A_158 : vector<1x16xi32> to vector<16xi32>
      %swap3A_160 = vector.shape_cast %add3A_154 : vector<16xi32> to vector<1x16xi32>
      tpu.vector_store %arg8[%swap3A_156, %swap3A_157], %swap3A_160 {strides = array<i32>} : memref<3x128xi32, #tpu.memory_space<vmem>>, vector<1x16xi32>,
      %get3A_161 = arith.constant 48 : index
      %get3A_162 = tpu.vector_load %arg7[%get3A_161] {strides = array<i32>} : memref<128xi32, #tpu.memory_space<vmem>>, vector<16xi32>,
      %get3A_163 = vector.shape_cast %get3A_162 : vector<16xi32> to vector<16xi32>
      %shift_right_arithmetic3A_164 = arith.constant 20 : i32
      %shift_right_arithmetic3A_165 = vector.broadcast %shift_right_arithmetic3A_164 : i32 to vector<16xi32>
      %shift_right_arithmetic3A_166 = arith.shrsi %get3A_163, %shift_right_arithmetic3A_165 : vector<16xi32>
      %add3A_167 = vector.broadcast %mul3A_46 : i32 to vector<16xi32>
      %add3A_168 = arith.addi %shift_right_arithmetic3A_166, %add3A_167 : vector<16xi32>
      %swap3A_169 = arith.constant 0 : i32
      %swap3A_170 = arith.index_cast %swap3A_169 : i32 to index
      %swap3A_171 = arith.constant 48 : index
      %swap3A_172 = tpu.vector_load %arg8[%swap3A_170, %swap3A_171] {strides = array<i32>} : memref<3x128xi32, #tpu.memory_space<vmem>>, vector<1x16xi32>,
      %swap3A_173 = vector.shape_cast %swap3A_172 : vector<1x16xi32> to vector<16xi32>
      %swap3A_174 = vector.shape_cast %add3A_168 : vector<16xi32> to vector<1x16xi32>
      tpu.vector_store %arg8[%swap3A_170, %swap3A_171], %swap3A_174 {strides = array<i32>} : memref<3x128xi32, #tpu.memory_space<vmem>>, vector<1x16xi32>,
      %shift_right_arithmetic3A_175 = arith.constant 10 : i32
      %shift_right_arithmetic3A_176 = vector.broadcast %shift_right_arithmetic3A_175 : i32 to vector<16xi32>
      %shift_right_arithmetic3A_177 = arith.shrsi %get3A_163, %shift_right_arithmetic3A_176 : vector<16xi32>
      %and3A_178 = arith.constant 1023 : i32
      %and3A_179 = vector.broadcast %and3A_178 : i32 to vector<16xi32>
      %and3A_180 = arith.andi %shift_right_arithmetic3A_177, %and3A_179 : vector<16xi32>
      %add3A_181 = vector.broadcast %mul3A_46 : i32 to vector<16xi32>
      %add3A_182 = arith.addi %and3A_180, %add3A_181 : vector<16xi32>
      %swap3A_183 = arith.constant 1 : i32
      %swap3A_184 = arith.index_cast %swap3A_183 : i32 to index
      %swap3A_185 = arith.constant 48 : index
      %swap3A_186 = tpu.vector_load %arg8[%swap3A_184, %swap3A_185] {strides = array<i32>} : memref<3x128xi32, #tpu.memory_space<vmem>>, vector<1x16xi32>,
      %swap3A_187 = vector.shape_cast %swap3A_186 : vector<1x16xi32> to vector<16xi32>
      %swap3A_188 = vector.shape_cast %add3A_182 : vector<16xi32> to vector<1x16xi32>
      tpu.vector_store %arg8[%swap3A_184, %swap3A_185], %swap3A_188 {strides = array<i32>} : memref<3x128xi32, #tpu.memory_space<vmem>>, vector<1x16xi32>,
      %and3A_189 = arith.constant 1023 : i32
      %and3A_190 = vector.broadcast %and3A_189 : i32 to vector<16xi32>
      %and3A_191 = arith.andi %get3A_163, %and3A_190 : vector<16xi32>
      %add3A_192 = vector.broadcast %mul3A_46 : i32 to vector<16xi32>
      %add3A_193 = arith.addi %and3A_191, %add3A_192 : vector<16xi32>
      %swap3A_194 = arith.constant 2 : i32
      %swap3A_195 = arith.index_cast %swap3A_194 : i32 to index
      %swap3A_196 = arith.constant 48 : index
      %swap3A_197 = tpu.vector_load %arg8[%swap3A_195, %swap3A_196] {strides = array<i32>} : memref<3x128xi32, #tpu.memory_space<vmem>>, vector<1x16xi32>,
      %swap3A_198 = vector.shape_cast %swap3A_197 : vector<1x16xi32> to vector<16xi32>
      %swap3A_199 = vector.shape_cast %add3A_193 : vector<16xi32> to vector<1x16xi32>
      tpu.vector_store %arg8[%swap3A_195, %swap3A_196], %swap3A_199 {strides = array<i32>} : memref<3x128xi32, #tpu.memory_space<vmem>>, vector<1x16xi32>,
      %get3A_200 = arith.constant 64 : index
      %get3A_201 = tpu.vector_load %arg7[%get3A_200] {strides = array<i32>} : memref<128xi32, #tpu.memory_space<vmem>>, vector<16xi32>,
      %get3A_202 = vector.shape_cast %get3A_201 : vector<16xi32> to vector<16xi32>
      %shift_right_arithmetic3A_203 = arith.constant 20 : i32
      %shift_right_arithmetic3A_204 = vector.broadcast %shift_right_arithmetic3A_203 : i32 to vector<16xi32>
      %shift_right_arithmetic3A_205 = arith.shrsi %get3A_202, %shift_right_arithmetic3A_204 : vector<16xi32>
      %add3A_206 = vector.broadcast %mul3A_46 : i32 to vector<16xi32>
      %add3A_207 = arith.addi %shift_right_arithmetic3A_205, %add3A_206 : vector<16xi32>
      %swap3A_208 = arith.constant 0 : i32
      %swap3A_209 = arith.index_cast %swap3A_208 : i32 to index
      %swap3A_210 = arith.constant 64 : index
      %swap3A_211 = tpu.vector_load %arg8[%swap3A_209, %swap3A_210] {strides = array<i32>} : memref<3x128xi32, #tpu.memory_space<vmem>>, vector<1x16xi32>,
      %swap3A_212 = vector.shape_cast %swap3A_211 : vector<1x16xi32> to vector<16xi32>
      %swap3A_213 = vector.shape_cast %add3A_207 : vector<16xi32> to vector<1x16xi32>
      tpu.vector_store %arg8[%swap3A_209, %swap3A_210], %swap3A_213 {strides = array<i32>} : memref<3x128xi32, #tpu.memory_space<vmem>>, vector<1x16xi32>,
      %shift_right_arithmetic3A_214 = arith.constant 10 : i32
      %shift_right_arithmetic3A_215 = vector.broadcast %shift_right_arithmetic3A_214 : i32 to vector<16xi32>
      %shift_right_arithmetic3A_216 = arith.shrsi %get3A_202, %shift_right_arithmetic3A_215 : vector<16xi32>
      %and3A_217 = arith.constant 1023 : i32
      %and3A_218 = vector.broadcast %and3A_217 : i32 to vector<16xi32>
      %and3A_219 = arith.andi %shift_right_arithmetic3A_216, %and3A_218 : vector<16xi32>
      %add3A_220 = vector.broadcast %mul3A_46 : i32 to vector<16xi32>
      %add3A_221 = arith.addi %and3A_219, %add3A_220 : vector<16xi32>
      %swap3A_222 = arith.constant 1 : i32
      %swap3A_223 = arith.index_cast %swap3A_222 : i32 to index
      %swap3A_224 = arith.constant 64 : index
      %swap3A_225 = tpu.vector_load %arg8[%swap3A_223, %swap3A_224] {strides = array<i32>} : memref<3x128xi32, #tpu.memory_space<vmem>>, vector<1x16xi32>,
      %swap3A_226 = vector.shape_cast %swap3A_225 : vector<1x16xi32> to vector<16xi32>
      %swap3A_227 = vector.shape_cast %add3A_221 : vector<16xi32> to vector<1x16xi32>
      tpu.vector_store %arg8[%swap3A_223, %swap3A_224], %swap3A_227 {strides = array<i32>} : memref<3x128xi32, #tpu.memory_space<vmem>>, vector<1x16xi32>,
      %and3A_228 = arith.constant 1023 : i32
      %and3A_229 = vector.broadcast %and3A_228 : i32 to vector<16xi32>
      %and3A_230 = arith.andi %get3A_202, %and3A_229 : vector<16xi32>
      %add3A_231 = vector.broadcast %mul3A_46 : i32 to vector<16xi32>
      %add3A_232 = arith.addi %and3A_230, %add3A_231 : vector<16xi32>
      %swap3A_233 = arith.constant 2 : i32
      %swap3A_234 = arith.index_cast %swap3A_233 : i32 to index
      %swap3A_235 = arith.constant 64 : index
      %swap3A_236 = tpu.vector_load %arg8[%swap3A_234, %swap3A_235] {strides = array<i32>} : memref<3x128xi32, #tpu.memory_space<vmem>>, vector<1x16xi32>,
      %swap3A_237 = vector.shape_cast %swap3A_236 : vector<1x16xi32> to vector<16xi32>
      %swap3A_238 = vector.shape_cast %add3A_232 : vector<16xi32> to vector<1x16xi32>
      tpu.vector_store %arg8[%swap3A_234, %swap3A_235], %swap3A_238 {strides = array<i32>} : memref<3x128xi32, #tpu.memory_space<vmem>>, vector<1x16xi32>,
      %get3A_239 = arith.constant 80 : index
      %get3A_240 = tpu.vector_load %arg7[%get3A_239] {strides = array<i32>} : memref<128xi32, #tpu.memory_space<vmem>>, vector<16xi32>,
      %get3A_241 = vector.shape_cast %get3A_240 : vector<16xi32> to vector<16xi32>
      %shift_right_arithmetic3A_242 = arith.constant 20 : i32
      %shift_right_arithmetic3A_243 = vector.broadcast %shift_right_arithmetic3A_242 : i32 to vector<16xi32>
      %shift_right_arithmetic3A_244 = arith.shrsi %get3A_241, %shift_right_arithmetic3A_243 : vector<16xi32>
      %add3A_245 = vector.broadcast %mul3A_46 : i32 to vector<16xi32>
      %add3A_246 = arith.addi %shift_right_arithmetic3A_244, %add3A_245 : vector<16xi32>
      %swap3A_247 = arith.constant 0 : i32
      %swap3A_248 = arith.index_cast %swap3A_247 : i32 to index
      %swap3A_249 = arith.constant 80 : index
      %swap3A_250 = tpu.vector_load %arg8[%swap3A_248, %swap3A_249] {strides = array<i32>} : memref<3x128xi32, #tpu.memory_space<vmem>>, vector<1x16xi32>,
      %swap3A_251 = vector.shape_cast %swap3A_250 : vector<1x16xi32> to vector<16xi32>
      %swap3A_252 = vector.shape_cast %add3A_246 : vector<16xi32> to vector<1x16xi32>
      tpu.vector_store %arg8[%swap3A_248, %swap3A_249], %swap3A_252 {strides = array<i32>} : memref<3x128xi32, #tpu.memory_space<vmem>>, vector<1x16xi32>,
      %shift_right_arithmetic3A_253 = arith.constant 10 : i32
      %shift_right_arithmetic3A_254 = vector.broadcast %shift_right_arithmetic3A_253 : i32 to vector<16xi32>
      %shift_right_arithmetic3A_255 = arith.shrsi %get3A_241, %shift_right_arithmetic3A_254 : vector<16xi32>
      %and3A_256 = arith.constant 1023 : i32
      %and3A_257 = vector.broadcast %and3A_256 : i32 to vector<16xi32>
      %and3A_258 = arith.andi %shift_right_arithmetic3A_255, %and3A_257 : vector<16xi32>
      %add3A_259 = vector.broadcast %mul3A_46 : i32 to vector<16xi32>
      %add3A_260 = arith.addi %and3A_258, %add3A_259 : vector<16xi32>
      %swap3A_261 = arith.constant 1 : i32
      %swap3A_262 = arith.index_cast %swap3A_261 : i32 to index
      %swap3A_263 = arith.constant 80 : index
      %swap3A_264 = tpu.vector_load %arg8[%swap3A_262, %swap3A_263] {strides = array<i32>} : memref<3x128xi32, #tpu.memory_space<vmem>>, vector<1x16xi32>,
      %swap3A_265 = vector.shape_cast %swap3A_264 : vector<1x16xi32> to vector<16xi32>
      %swap3A_266 = vector.shape_cast %add3A_260 : vector<16xi32> to vector<1x16xi32>
      tpu.vector_store %arg8[%swap3A_262, %swap3A_263], %swap3A_266 {strides = array<i32>} : memref<3x128xi32, #tpu.memory_space<vmem>>, vector<1x16xi32>,
      %and3A_267 = arith.constant 1023 : i32
      %and3A_268 = vector.broadcast %and3A_267 : i32 to vector<16xi32>
      %and3A_269 = arith.andi %get3A_241, %and3A_268 : vector<16xi32>
      %add3A_270 = vector.broadcast %mul3A_46 : i32 to vector<16xi32>
      %add3A_271 = arith.addi %and3A_269, %add3A_270 : vector<16xi32>
      %swap3A_272 = arith.constant 2 : i32
      %swap3A_273 = arith.index_cast %swap3A_272 : i32 to index
      %swap3A_274 = arith.constant 80 : index
      %swap3A_275 = tpu.vector_load %arg8[%swap3A_273, %swap3A_274] {strides = array<i32>} : memref<3x128xi32, #tpu.memory_space<vmem>>, vector<1x16xi32>,
      %swap3A_276 = vector.shape_cast %swap3A_275 : vector<1x16xi32> to vector<16xi32>
      %swap3A_277 = vector.shape_cast %add3A_271 : vector<16xi32> to vector<1x16xi32>
      tpu.vector_store %arg8[%swap3A_273, %swap3A_274], %swap3A_277 {strides = array<i32>} : memref<3x128xi32, #tpu.memory_space<vmem>>, vector<1x16xi32>,
      %get3A_278 = arith.constant 96 : index
      %get3A_279 = tpu.vector_load %arg7[%get3A_278] {strides = array<i32>} : memref<128xi32, #tpu.memory_space<vmem>>, vector<16xi32>,
      %get3A_280 = vector.shape_cast %get3A_279 : vector<16xi32> to vector<16xi32>
      %shift_right_arithmetic3A_281 = arith.constant 20 : i32
      %shift_right_arithmetic3A_282 = vector.broadcast %shift_right_arithmetic3A_281 : i32 to vector<16xi32>
      %shift_right_arithmetic3A_283 = arith.shrsi %get3A_280, %shift_right_arithmetic3A_282 : vector<16xi32>
      %add3A_284 = vector.broadcast %mul3A_46 : i32 to vector<16xi32>
      %add3A_285 = arith.addi %shift_right_arithmetic3A_283, %add3A_284 : vector<16xi32>
      %swap3A_286 = arith.constant 0 : i32
      %swap3A_287 = arith.index_cast %swap3A_286 : i32 to index
      %swap3A_288 = arith.constant 96 : index
      %swap3A_289 = tpu.vector_load %arg8[%swap3A_287, %swap3A_288] {strides = array<i32>} : memref<3x128xi32, #tpu.memory_space<vmem>>, vector<1x16xi32>,
      %swap3A_290 = vector.shape_cast %swap3A_289 : vector<1x16xi32> to vector<16xi32>
      %swap3A_291 = vector.shape_cast %add3A_285 : vector<16xi32> to vector<1x16xi32>
      tpu.vector_store %arg8[%swap3A_287, %swap3A_288], %swap3A_291 {strides = array<i32>} : memref<3x128xi32, #tpu.memory_space<vmem>>, vector<1x16xi32>,
      %shift_right_arithmetic3A_292 = arith.constant 10 : i32
      %shift_right_arithmetic3A_293 = vector.broadcast %shift_right_arithmetic3A_292 : i32 to vector<16xi32>
      %shift_right_arithmetic3A_294 = arith.shrsi %get3A_280, %shift_right_arithmetic3A_293 : vector<16xi32>
      %and3A_295 = arith.constant 1023 : i32
      %and3A_296 = vector.broadcast %and3A_295 : i32 to vector<16xi32>
      %and3A_297 = arith.andi %shift_right_arithmetic3A_294, %and3A_296 : vector<16xi32>
      %add3A_298 = vector.broadcast %mul3A_46 : i32 to vector<16xi32>
      %add3A_299 = arith.addi %and3A_297, %add3A_298 : vector<16xi32>
      %swap3A_300 = arith.constant 1 : i32
      %swap3A_301 = arith.index_cast %swap3A_300 : i32 to index
      %swap3A_302 = arith.constant 96 : index
      %swap3A_303 = tpu.vector_load %arg8[%swap3A_301, %swap3A_302] {strides = array<i32>} : memref<3x128xi32, #tpu.memory_space<vmem>>, vector<1x16xi32>,
      %swap3A_304 = vector.shape_cast %swap3A_303 : vector<1x16xi32> to vector<16xi32>
      %swap3A_305 = vector.shape_cast %add3A_299 : vector<16xi32> to vector<1x16xi32>
      tpu.vector_store %arg8[%swap3A_301, %swap3A_302], %swap3A_305 {strides = array<i32>} : memref<3x128xi32, #tpu.memory_space<vmem>>, vector<1x16xi32>,
      %and3A_306 = arith.constant 1023 : i32
      %and3A_307 = vector.broadcast %and3A_306 : i32 to vector<16xi32>
      %and3A_308 = arith.andi %get3A_280, %and3A_307 : vector<16xi32>
      %add3A_309 = vector.broadcast %mul3A_46 : i32 to vector<16xi32>
      %add3A_310 = arith.addi %and3A_308, %add3A_309 : vector<16xi32>
      %swap3A_311 = arith.constant 2 : i32
      %swap3A_312 = arith.index_cast %swap3A_311 : i32 to index
      %swap3A_313 = arith.constant 96 : index
      %swap3A_314 = tpu.vector_load %arg8[%swap3A_312, %swap3A_313] {strides = array<i32>} : memref<3x128xi32, #tpu.memory_space<vmem>>, vector<1x16xi32>,
      %swap3A_315 = vector.shape_cast %swap3A_314 : vector<1x16xi32> to vector<16xi32>
      %swap3A_316 = vector.shape_cast %add3A_310 : vector<16xi32> to vector<1x16xi32>
      tpu.vector_store %arg8[%swap3A_312, %swap3A_313], %swap3A_316 {strides = array<i32>} : memref<3x128xi32, #tpu.memory_space<vmem>>, vector<1x16xi32>,
      %get3A_317 = arith.constant 112 : index
      %get3A_318 = tpu.vector_load %arg7[%get3A_317] {strides = array<i32>} : memref<128xi32, #tpu.memory_space<vmem>>, vector<16xi32>,
      %get3A_319 = vector.shape_cast %get3A_318 : vector<16xi32> to vector<16xi32>
      %shift_right_arithmetic3A_320 = arith.constant 20 : i32
      %shift_right_arithmetic3A_321 = vector.broadcast %shift_right_arithmetic3A_320 : i32 to vector<16xi32>
      %shift_right_arithmetic3A_322 = arith.shrsi %get3A_319, %shift_right_arithmetic3A_321 : vector<16xi32>
      %add3A_323 = vector.broadcast %mul3A_46 : i32 to vector<16xi32>
      %add3A_324 = arith.addi %shift_right_arithmetic3A_322, %add3A_323 : vector<16xi32>
      %swap3A_325 = arith.constant 0 : i32
      %swap3A_326 = arith.index_cast %swap3A_325 : i32 to index
      %swap3A_327 = arith.constant 112 : index
      %swap3A_328 = tpu.vector_load %arg8[%swap3A_326, %swap3A_327] {strides = array<i32>} : memref<3x128xi32, #tpu.memory_space<vmem>>, vector<1x16xi32>,
      %swap3A_329 = vector.shape_cast %swap3A_328 : vector<1x16xi32> to vector<16xi32>
      %swap3A_330 = vector.shape_cast %add3A_324 : vector<16xi32> to vector<1x16xi32>
      tpu.vector_store %arg8[%swap3A_326, %swap3A_327], %swap3A_330 {strides = array<i32>} : memref<3x128xi32, #tpu.memory_space<vmem>>, vector<1x16xi32>,
      %shift_right_arithmetic3A_331 = arith.constant 10 : i32
      %shift_right_arithmetic3A_332 = vector.broadcast %shift_right_arithmetic3A_331 : i32 to vector<16xi32>
      %shift_right_arithmetic3A_333 = arith.shrsi %get3A_319, %shift_right_arithmetic3A_332 : vector<16xi32>
      %and3A_334 = arith.constant 1023 : i32
      %and3A_335 = vector.broadcast %and3A_334 : i32 to vector<16xi32>
      %and3A_336 = arith.andi %shift_right_arithmetic3A_333, %and3A_335 : vector<16xi32>
      %add3A_337 = vector.broadcast %mul3A_46 : i32 to vector<16xi32>
      %add3A_338 = arith.addi %and3A_336, %add3A_337 : vector<16xi32>
      %swap3A_339 = arith.constant 1 : i32
      %swap3A_340 = arith.index_cast %swap3A_339 : i32 to index
      %swap3A_341 = arith.constant 112 : index
      %swap3A_342 = tpu.vector_load %arg8[%swap3A_340, %swap3A_341] {strides = array<i32>} : memref<3x128xi32, #tpu.memory_space<vmem>>, vector<1x16xi32>,
      %swap3A_343 = vector.shape_cast %swap3A_342 : vector<1x16xi32> to vector<16xi32>
      %swap3A_344 = vector.shape_cast %add3A_338 : vector<16xi32> to vector<1x16xi32>
      tpu.vector_store %arg8[%swap3A_340, %swap3A_341], %swap3A_344 {strides = array<i32>} : memref<3x128xi32, #tpu.memory_space<vmem>>, vector<1x16xi32>,
      %and3A_345 = arith.constant 1023 : i32
      %and3A_346 = vector.broadcast %and3A_345 : i32 to vector<16xi32>
      %and3A_347 = arith.andi %get3A_319, %and3A_346 : vector<16xi32>
      %add3A_348 = vector.broadcast %mul3A_46 : i32 to vector<16xi32>
      %add3A_349 = arith.addi %and3A_347, %add3A_348 : vector<16xi32>
      %swap3A_350 = arith.constant 2 : i32
      %swap3A_351 = arith.index_cast %swap3A_350 : i32 to index
      %swap3A_352 = arith.constant 112 : index
      %swap3A_353 = tpu.vector_load %arg8[%swap3A_351, %swap3A_352] {strides = array<i32>} : memref<3x128xi32, #tpu.memory_space<vmem>>, vector<1x16xi32>,
      %swap3A_354 = vector.shape_cast %swap3A_353 : vector<1x16xi32> to vector<16xi32>
      %swap3A_355 = vector.shape_cast %add3A_349 : vector<16xi32> to vector<1x16xi32>
      tpu.vector_store %arg8[%swap3A_351, %swap3A_352], %swap3A_355 {strides = array<i32>} : memref<3x128xi32, #tpu.memory_space<vmem>>, vector<1x16xi32>,
      %dma_start3A = arith.constant 0 : i32
      %dma_start3A_356 = arith.constant 0 : i32
      %dma_start3A_357 = arith.constant 0 : i32
      %dma_start3A_358 = arith.constant 0 : i32
      %dma_start3A_359 = tpu.memref_slice %arg9[%dma_start3A_356, %dma_start3A_357, %dma_start3A_358] : memref<3x128x256xf32, #tpu.memory_space<vmem>> -> memref<1x128x256xf32, #tpu.memory_space<vmem>>
      %dma_start3A_360 = tpu.memref_squeeze %dma_start3A_359 : memref<1x128x256xf32, #tpu.memory_space<vmem>> -> memref<128x256xf32, #tpu.memory_space<vmem>>
      %dma_start3A_361 = arith.constant 0 : i32
      %dma_start3A_362 = tpu.memref_slice %arg8[%dma_start3A, %dma_start3A_361] : memref<3x128xi32, #tpu.memory_space<vmem>> -> memref<1x128xi32, #tpu.memory_space<vmem>>
      %dma_start3A_363 = tpu.memref_squeeze %dma_start3A_362 : memref<1x128xi32, #tpu.memory_space<vmem>> -> memref<128xi32, #tpu.memory_space<vmem>>
      %dma_start3A_364 = arith.constant 0 : i32
      %dma_start3A_365 = arith.constant 0 : i32
      %dma_start3A_366 = tpu.memref_slice %arg2[%dma_start3A_364, %dma_start3A_365] : memref<2048x256xf32, #tpu.memory_space<hbm>> -> memref<2048x256xf32, #tpu.memory_space<hbm>>
      tpu.enqueue_indirect_dma source(%dma_start3A_366 : memref<2048x256xf32, #tpu.memory_space<hbm>>) target(%dma_start3A_360 : memref<128x256xf32, #tpu.memory_space<vmem>>) offsets(%dma_start3A_363 : memref<128xi32, #tpu.memory_space<vmem>>) semaphore(%arg10 : memref<!tpu.dma_semaphore, #tpu.memory_space<semaphore_mem>>)
      %dma_wait3A = arith.constant 0 : i32
      %dma_wait3A_367 = arith.constant 0 : i32
      %dma_wait3A_368 = arith.constant 0 : i32
      %dma_wait3A_369 = arith.constant 0 : i32
      %dma_wait3A_370 = tpu.memref_slice %arg9[%dma_wait3A_367, %dma_wait3A_368, %dma_wait3A_369] : memref<3x128x256xf32, #tpu.memory_space<vmem>> -> memref<1x128x256xf32, #tpu.memory_space<vmem>>
      %dma_wait3A_371 = tpu.memref_squeeze %dma_wait3A_370 : memref<1x128x256xf32, #tpu.memory_space<vmem>> -> memref<128x256xf32, #tpu.memory_space<vmem>>
      %dma_wait3A_372 = arith.constant 0 : i32
      %dma_wait3A_373 = tpu.memref_slice %arg8[%dma_wait3A, %dma_wait3A_372] : memref<3x128xi32, #tpu.memory_space<vmem>> -> memref<1x128xi32, #tpu.memory_space<vmem>>
      %dma_wait3A_374 = tpu.memref_squeeze %dma_wait3A_373 : memref<1x128xi32, #tpu.memory_space<vmem>> -> memref<128xi32, #tpu.memory_space<vmem>>
      %dma_wait3A_375 = arith.constant 0 : i32
      %dma_wait3A_376 = arith.constant 0 : i32
      %dma_wait3A_377 = tpu.memref_slice %arg2[%dma_wait3A_375, %dma_wait3A_376] : memref<2048x256xf32, #tpu.memory_space<hbm>> -> memref<2048x256xf32, #tpu.memory_space<hbm>>
      tpu.wait_indirect_dma semaphore(%arg10 : memref<!tpu.dma_semaphore, #tpu.memory_space<semaphore_mem>>) src(%dma_wait3A_377 : memref<2048x256xf32, #tpu.memory_space<hbm>>) dst(%dma_wait3A_371 : memref<128x256xf32, #tpu.memory_space<vmem>>)
      %run_scoped3A_378 = arith.constant 0 : i32
      "tpu.region"() ({
        %run_scoped3A_429 = tpu.sem_alloc : memref<!tpu.dma_semaphore, #tpu.memory_space<semaphore_mem>>
        %dma_start3A_430 = arith.constant 0 : i32
        %dma_start3A_431 = arith.constant 0 : i32
        %dma_start3A_432 = tpu.memref_slice %arg9[%run_scoped3A_378, %dma_start3A_430, %dma_start3A_431] : memref<3x128x256xf32, #tpu.memory_space<vmem>> -> memref<1x128x256xf32, #tpu.memory_space<vmem>>
        %dma_start3A_433 = tpu.memref_squeeze %dma_start3A_432 : memref<1x128x256xf32, #tpu.memory_space<vmem>> -> memref<128x256xf32, #tpu.memory_space<vmem>>
        %dma_start3A_434 = arith.constant 0 : i32
        %dma_start3A_435 = tpu.memref_slice %arg4[%add3A_44, %dma_start3A_434] : memref<8192x256xf32, #tpu.memory_space<hbm>> -> memref<128x256xf32, #tpu.memory_space<hbm>>
        %dma_start3A_436 = arith.constant 0 : i32
        %dma_start3A_437 = tpu.memref_slice %arg4[%add3A_44, %dma_start3A_436] : memref<8192x256xf32, #tpu.memory_space<hbm>> -> memref<128x256xf32, #tpu.memory_space<hbm>>
        %dma_start3A_438 = arith.constant 0 : i32
        %dma_start3A_439 = arith.constant 0 : i32
        %dma_start3A_440 = tpu.memref_slice %arg9[%run_scoped3A_378, %dma_start3A_438, %dma_start3A_439] : memref<3x128x256xf32, #tpu.memory_space<vmem>> -> memref<1x128x256xf32, #tpu.memory_space<vmem>>
        %dma_start3A_441 = tpu.memref_squeeze %dma_start3A_440 : memref<1x128x256xf32, #tpu.memory_space<vmem>> -> memref<128x256xf32, #tpu.memory_space<vmem>>
        tpu.enqueue_dma source(%dma_start3A_441 : memref<128x256xf32, #tpu.memory_space<vmem>>) target(%dma_start3A_437 : memref<128x256xf32, #tpu.memory_space<hbm>>) target_semaphore(%run_scoped3A_429 : memref<!tpu.dma_semaphore, #tpu.memory_space<semaphore_mem>>)
        %dma_wait3A_442 = arith.constant 0 : i32
        %dma_wait3A_443 = arith.constant 0 : i32
        %dma_wait3A_444 = tpu.memref_slice %arg9[%run_scoped3A_378, %dma_wait3A_442, %dma_wait3A_443] : memref<3x128x256xf32, #tpu.memory_space<vmem>> -> memref<1x128x256xf32, #tpu.memory_space<vmem>>
        %dma_wait3A_445 = tpu.memref_squeeze %dma_wait3A_444 : memref<1x128x256xf32, #tpu.memory_space<vmem>> -> memref<128x256xf32, #tpu.memory_space<vmem>>
        %dma_wait3A_446 = arith.constant 0 : i32
        %dma_wait3A_447 = tpu.memref_slice %arg4[%add3A_44, %dma_wait3A_446] : memref<8192x256xf32, #tpu.memory_space<hbm>> -> memref<128x256xf32, #tpu.memory_space<hbm>>
        %dma_wait3A_448 = arith.constant 0 : i32
        %dma_wait3A_449 = tpu.memref_slice %arg4[%add3A_44, %dma_wait3A_448] : memref<8192x256xf32, #tpu.memory_space<hbm>> -> memref<128x256xf32, #tpu.memory_space<hbm>>
        %dma_wait3A_450 = arith.constant 0 : i32
        %dma_wait3A_451 = arith.constant 0 : i32
        %dma_wait3A_452 = tpu.memref_slice %arg9[%run_scoped3A_378, %dma_wait3A_450, %dma_wait3A_451] : memref<3x128x256xf32, #tpu.memory_space<vmem>> -> memref<1x128x256xf32, #tpu.memory_space<vmem>>
        %dma_wait3A_453 = tpu.memref_squeeze %dma_wait3A_452 : memref<1x128x256xf32, #tpu.memory_space<vmem>> -> memref<128x256xf32, #tpu.memory_space<vmem>>
        tpu.wait_dma2 semaphore(%run_scoped3A_429 : memref<!tpu.dma_semaphore, #tpu.memory_space<semaphore_mem>>) src(%dma_wait3A_453 : memref<128x256xf32, #tpu.memory_space<vmem>>) dst(%dma_wait3A_449 : memref<128x256xf32, #tpu.memory_space<hbm>>)
        tpu.yield
      }) : () -> ()
      %dma_start3A_379 = arith.constant 1 : i32
      %dma_start3A_380 = arith.constant 1 : i32
      %dma_start3A_381 = arith.constant 0 : i32
      %dma_start3A_382 = arith.constant 0 : i32
      %dma_start3A_383 = tpu.memref_slice %arg9[%dma_start3A_380, %dma_start3A_381, %dma_start3A_382] : memref<3x128x256xf32, #tpu.memory_space<vmem>> -> memref<1x128x256xf32, #tpu.memory_space<vmem>>
      %dma_start3A_384 = tpu.memref_squeeze %dma_start3A_383 : memref<1x128x256xf32, #tpu.memory_space<vmem>> -> memref<128x256xf32, #tpu.memory_space<vmem>>
      %dma_start3A_385 = arith.constant 0 : i32
      %dma_start3A_386 = tpu.memref_slice %arg8[%dma_start3A_379, %dma_start3A_385] : memref<3x128xi32, #tpu.memory_space<vmem>> -> memref<1x128xi32, #tpu.memory_space<vmem>>
      %dma_start3A_387 = tpu.memref_squeeze %dma_start3A_386 : memref<1x128xi32, #tpu.memory_space<vmem>> -> memref<128xi32, #tpu.memory_space<vmem>>
      %dma_start3A_388 = arith.constant 0 : i32
      %dma_start3A_389 = arith.constant 0 : i32
      %dma_start3A_390 = tpu.memref_slice %arg2[%dma_start3A_388, %dma_start3A_389] : memref<2048x256xf32, #tpu.memory_space<hbm>> -> memref<2048x256xf32, #tpu.memory_space<hbm>>
      tpu.enqueue_indirect_dma source(%dma_start3A_390 : memref<2048x256xf32, #tpu.memory_space<hbm>>) target(%dma_start3A_384 : memref<128x256xf32, #tpu.memory_space<vmem>>) offsets(%dma_start3A_387 : memref<128xi32, #tpu.memory_space<vmem>>) semaphore(%arg10 : memref<!tpu.dma_semaphore, #tpu.memory_space<semaphore_mem>>)
      %dma_wait3A_391 = arith.constant 1 : i32
      %dma_wait3A_392 = arith.constant 1 : i32
      %dma_wait3A_393 = arith.constant 0 : i32
      %dma_wait3A_394 = arith.constant 0 : i32
      %dma_wait3A_395 = tpu.memref_slice %arg9[%dma_wait3A_392, %dma_wait3A_393, %dma_wait3A_394] : memref<3x128x256xf32, #tpu.memory_space<vmem>> -> memref<1x128x256xf32, #tpu.memory_space<vmem>>
      %dma_wait3A_396 = tpu.memref_squeeze %dma_wait3A_395 : memref<1x128x256xf32, #tpu.memory_space<vmem>> -> memref<128x256xf32, #tpu.memory_space<vmem>>
      %dma_wait3A_397 = arith.constant 0 : i32
      %dma_wait3A_398 = tpu.memref_slice %arg8[%dma_wait3A_391, %dma_wait3A_397] : memref<3x128xi32, #tpu.memory_space<vmem>> -> memref<1x128xi32, #tpu.memory_space<vmem>>
      %dma_wait3A_399 = tpu.memref_squeeze %dma_wait3A_398 : memref<1x128xi32, #tpu.memory_space<vmem>> -> memref<128xi32, #tpu.memory_space<vmem>>
      %dma_wait3A_400 = arith.constant 0 : i32
      %dma_wait3A_401 = arith.constant 0 : i32
      %dma_wait3A_402 = tpu.memref_slice %arg2[%dma_wait3A_400, %dma_wait3A_401] : memref<2048x256xf32, #tpu.memory_space<hbm>> -> memref<2048x256xf32, #tpu.memory_space<hbm>>
      tpu.wait_indirect_dma semaphore(%arg10 : memref<!tpu.dma_semaphore, #tpu.memory_space<semaphore_mem>>) src(%dma_wait3A_402 : memref<2048x256xf32, #tpu.memory_space<hbm>>) dst(%dma_wait3A_396 : memref<128x256xf32, #tpu.memory_space<vmem>>)
      %run_scoped3A_403 = arith.constant 1 : i32
      "tpu.region"() ({
        %run_scoped3A_429 = tpu.sem_alloc : memref<!tpu.dma_semaphore, #tpu.memory_space<semaphore_mem>>
        %dma_start3A_430 = arith.constant 0 : i32
        %dma_start3A_431 = arith.constant 0 : i32
        %dma_start3A_432 = tpu.memref_slice %arg9[%run_scoped3A_403, %dma_start3A_430, %dma_start3A_431] : memref<3x128x256xf32, #tpu.memory_space<vmem>> -> memref<1x128x256xf32, #tpu.memory_space<vmem>>
        %dma_start3A_433 = tpu.memref_squeeze %dma_start3A_432 : memref<1x128x256xf32, #tpu.memory_space<vmem>> -> memref<128x256xf32, #tpu.memory_space<vmem>>
        %dma_start3A_434 = arith.constant 0 : i32
        %dma_start3A_435 = tpu.memref_slice %arg5[%add3A_44, %dma_start3A_434] : memref<8192x256xf32, #tpu.memory_space<hbm>> -> memref<128x256xf32, #tpu.memory_space<hbm>>
        %dma_start3A_436 = arith.constant 0 : i32
        %dma_start3A_437 = tpu.memref_slice %arg5[%add3A_44, %dma_start3A_436] : memref<8192x256xf32, #tpu.memory_space<hbm>> -> memref<128x256xf32, #tpu.memory_space<hbm>>
        %dma_start3A_438 = arith.constant 0 : i32
        %dma_start3A_439 = arith.constant 0 : i32
        %dma_start3A_440 = tpu.memref_slice %arg9[%run_scoped3A_403, %dma_start3A_438, %dma_start3A_439] : memref<3x128x256xf32, #tpu.memory_space<vmem>> -> memref<1x128x256xf32, #tpu.memory_space<vmem>>
        %dma_start3A_441 = tpu.memref_squeeze %dma_start3A_440 : memref<1x128x256xf32, #tpu.memory_space<vmem>> -> memref<128x256xf32, #tpu.memory_space<vmem>>
        tpu.enqueue_dma source(%dma_start3A_441 : memref<128x256xf32, #tpu.memory_space<vmem>>) target(%dma_start3A_437 : memref<128x256xf32, #tpu.memory_space<hbm>>) target_semaphore(%run_scoped3A_429 : memref<!tpu.dma_semaphore, #tpu.memory_space<semaphore_mem>>)
        %dma_wait3A_442 = arith.constant 0 : i32
        %dma_wait3A_443 = arith.constant 0 : i32
        %dma_wait3A_444 = tpu.memref_slice %arg9[%run_scoped3A_403, %dma_wait3A_442, %dma_wait3A_443] : memref<3x128x256xf32, #tpu.memory_space<vmem>> -> memref<1x128x256xf32, #tpu.memory_space<vmem>>
        %dma_wait3A_445 = tpu.memref_squeeze %dma_wait3A_444 : memref<1x128x256xf32, #tpu.memory_space<vmem>> -> memref<128x256xf32, #tpu.memory_space<vmem>>
        %dma_wait3A_446 = arith.constant 0 : i32
        %dma_wait3A_447 = tpu.memref_slice %arg5[%add3A_44, %dma_wait3A_446] : memref<8192x256xf32, #tpu.memory_space<hbm>> -> memref<128x256xf32, #tpu.memory_space<hbm>>
        %dma_wait3A_448 = arith.constant 0 : i32
        %dma_wait3A_449 = tpu.memref_slice %arg5[%add3A_44, %dma_wait3A_448] : memref<8192x256xf32, #tpu.memory_space<hbm>> -> memref<128x256xf32, #tpu.memory_space<hbm>>
        %dma_wait3A_450 = arith.constant 0 : i32
        %dma_wait3A_451 = arith.constant 0 : i32
        %dma_wait3A_452 = tpu.memref_slice %arg9[%run_scoped3A_403, %dma_wait3A_450, %dma_wait3A_451] : memref<3x128x256xf32, #tpu.memory_space<vmem>> -> memref<1x128x256xf32, #tpu.memory_space<vmem>>
        %dma_wait3A_453 = tpu.memref_squeeze %dma_wait3A_452 : memref<1x128x256xf32, #tpu.memory_space<vmem>> -> memref<128x256xf32, #tpu.memory_space<vmem>>
        tpu.wait_dma2 semaphore(%run_scoped3A_429 : memref<!tpu.dma_semaphore, #tpu.memory_space<semaphore_mem>>) src(%dma_wait3A_453 : memref<128x256xf32, #tpu.memory_space<vmem>>) dst(%dma_wait3A_449 : memref<128x256xf32, #tpu.memory_space<hbm>>)
        tpu.yield
      }) : () -> ()
      %dma_start3A_404 = arith.constant 2 : i32
      %dma_start3A_405 = arith.constant 2 : i32
      %dma_start3A_406 = arith.constant 0 : i32
      %dma_start3A_407 = arith.constant 0 : i32
      %dma_start3A_408 = tpu.memref_slice %arg9[%dma_start3A_405, %dma_start3A_406, %dma_start3A_407] : memref<3x128x256xf32, #tpu.memory_space<vmem>> -> memref<1x128x256xf32, #tpu.memory_space<vmem>>
      %dma_start3A_409 = tpu.memref_squeeze %dma_start3A_408 : memref<1x128x256xf32, #tpu.memory_space<vmem>> -> memref<128x256xf32, #tpu.memory_space<vmem>>
      %dma_start3A_410 = arith.constant 0 : i32
      %dma_start3A_411 = tpu.memref_slice %arg8[%dma_start3A_404, %dma_start3A_410] : memref<3x128xi32, #tpu.memory_space<vmem>> -> memref<1x128xi32, #tpu.memory_space<vmem>>
      %dma_start3A_412 = tpu.memref_squeeze %dma_start3A_411 : memref<1x128xi32, #tpu.memory_space<vmem>> -> memref<128xi32, #tpu.memory_space<vmem>>
      %dma_start3A_413 = arith.constant 0 : i32
      %dma_start3A_414 = arith.constant 0 : i32
      %dma_start3A_415 = tpu.memref_slice %arg2[%dma_start3A_413, %dma_start3A_414] : memref<2048x256xf32, #tpu.memory_space<hbm>> -> memref<2048x256xf32, #tpu.memory_space<hbm>>
      tpu.enqueue_indirect_dma source(%dma_start3A_415 : memref<2048x256xf32, #tpu.memory_space<hbm>>) target(%dma_start3A_409 : memref<128x256xf32, #tpu.memory_space<vmem>>) offsets(%dma_start3A_412 : memref<128xi32, #tpu.memory_space<vmem>>) semaphore(%arg10 : memref<!tpu.dma_semaphore, #tpu.memory_space<semaphore_mem>>)
      %dma_wait3A_416 = arith.constant 2 : i32
      %dma_wait3A_417 = arith.constant 2 : i32
      %dma_wait3A_418 = arith.constant 0 : i32
      %dma_wait3A_419 = arith.constant 0 : i32
      %dma_wait3A_420 = tpu.memref_slice %arg9[%dma_wait3A_417, %dma_wait3A_418, %dma_wait3A_419] : memref<3x128x256xf32, #tpu.memory_space<vmem>> -> memref<1x128x256xf32, #tpu.memory_space<vmem>>
      %dma_wait3A_421 = tpu.memref_squeeze %dma_wait3A_420 : memref<1x128x256xf32, #tpu.memory_space<vmem>> -> memref<128x256xf32, #tpu.memory_space<vmem>>
      %dma_wait3A_422 = arith.constant 0 : i32
      %dma_wait3A_423 = tpu.memref_slice %arg8[%dma_wait3A_416, %dma_wait3A_422] : memref<3x128xi32, #tpu.memory_space<vmem>> -> memref<1x128xi32, #tpu.memory_space<vmem>>
      %dma_wait3A_424 = tpu.memref_squeeze %dma_wait3A_423 : memref<1x128xi32, #tpu.memory_space<vmem>> -> memref<128xi32, #tpu.memory_space<vmem>>
      %dma_wait3A_425 = arith.constant 0 : i32
      %dma_wait3A_426 = arith.constant 0 : i32
      %dma_wait3A_427 = tpu.memref_slice %arg2[%dma_wait3A_425, %dma_wait3A_426] : memref<2048x256xf32, #tpu.memory_space<hbm>> -> memref<2048x256xf32, #tpu.memory_space<hbm>>
      tpu.wait_indirect_dma semaphore(%arg10 : memref<!tpu.dma_semaphore, #tpu.memory_space<semaphore_mem>>) src(%dma_wait3A_427 : memref<2048x256xf32, #tpu.memory_space<hbm>>) dst(%dma_wait3A_421 : memref<128x256xf32, #tpu.memory_space<vmem>>)
      %run_scoped3A_428 = arith.constant 2 : i32
      "tpu.region"() ({
        %run_scoped3A_429 = tpu.sem_alloc : memref<!tpu.dma_semaphore, #tpu.memory_space<semaphore_mem>>
        %dma_start3A_430 = arith.constant 0 : i32
        %dma_start3A_431 = arith.constant 0 : i32
        %dma_start3A_432 = tpu.memref_slice %arg9[%run_scoped3A_428, %dma_start3A_430, %dma_start3A_431] : memref<3x128x256xf32, #tpu.memory_space<vmem>> -> memref<1x128x256xf32, #tpu.memory_space<vmem>>
        %dma_start3A_433 = tpu.memref_squeeze %dma_start3A_432 : memref<1x128x256xf32, #tpu.memory_space<vmem>> -> memref<128x256xf32, #tpu.memory_space<vmem>>
        %dma_start3A_434 = arith.constant 0 : i32
        %dma_start3A_435 = tpu.memref_slice %arg6[%add3A_44, %dma_start3A_434] : memref<8192x256xf32, #tpu.memory_space<hbm>> -> memref<128x256xf32, #tpu.memory_space<hbm>>
        %dma_start3A_436 = arith.constant 0 : i32
        %dma_start3A_437 = tpu.memref_slice %arg6[%add3A_44, %dma_start3A_436] : memref<8192x256xf32, #tpu.memory_space<hbm>> -> memref<128x256xf32, #tpu.memory_space<hbm>>
        %dma_start3A_438 = arith.constant 0 : i32
        %dma_start3A_439 = arith.constant 0 : i32
        %dma_start3A_440 = tpu.memref_slice %arg9[%run_scoped3A_428, %dma_start3A_438, %dma_start3A_439] : memref<3x128x256xf32, #tpu.memory_space<vmem>> -> memref<1x128x256xf32, #tpu.memory_space<vmem>>
        %dma_start3A_441 = tpu.memref_squeeze %dma_start3A_440 : memref<1x128x256xf32, #tpu.memory_space<vmem>> -> memref<128x256xf32, #tpu.memory_space<vmem>>
        tpu.enqueue_dma source(%dma_start3A_441 : memref<128x256xf32, #tpu.memory_space<vmem>>) target(%dma_start3A_437 : memref<128x256xf32, #tpu.memory_space<hbm>>) target_semaphore(%run_scoped3A_429 : memref<!tpu.dma_semaphore, #tpu.memory_space<semaphore_mem>>)
        %dma_wait3A_442 = arith.constant 0 : i32
        %dma_wait3A_443 = arith.constant 0 : i32
        %dma_wait3A_444 = tpu.memref_slice %arg9[%run_scoped3A_428, %dma_wait3A_442, %dma_wait3A_443] : memref<3x128x256xf32, #tpu.memory_space<vmem>> -> memref<1x128x256xf32, #tpu.memory_space<vmem>>
        %dma_wait3A_445 = tpu.memref_squeeze %dma_wait3A_444 : memref<1x128x256xf32, #tpu.memory_space<vmem>> -> memref<128x256xf32, #tpu.memory_space<vmem>>
        %dma_wait3A_446 = arith.constant 0 : i32
        %dma_wait3A_447 = tpu.memref_slice %arg6[%add3A_44, %dma_wait3A_446] : memref<8192x256xf32, #tpu.memory_space<hbm>> -> memref<128x256xf32, #tpu.memory_space<hbm>>
        %dma_wait3A_448 = arith.constant 0 : i32
        %dma_wait3A_449 = tpu.memref_slice %arg6[%add3A_44, %dma_wait3A_448] : memref<8192x256xf32, #tpu.memory_space<hbm>> -> memref<128x256xf32, #tpu.memory_space<hbm>>
        %dma_wait3A_450 = arith.constant 0 : i32
        %dma_wait3A_451 = arith.constant 0 : i32
        %dma_wait3A_452 = tpu.memref_slice %arg9[%run_scoped3A_428, %dma_wait3A_450, %dma_wait3A_451] : memref<3x128x256xf32, #tpu.memory_space<vmem>> -> memref<1x128x256xf32, #tpu.memory_space<vmem>>
        %dma_wait3A_453 = tpu.memref_squeeze %dma_wait3A_452 : memref<1x128x256xf32, #tpu.memory_space<vmem>> -> memref<128x256xf32, #tpu.memory_space<vmem>>
        tpu.wait_dma2 semaphore(%run_scoped3A_429 : memref<!tpu.dma_semaphore, #tpu.memory_space<semaphore_mem>>) src(%dma_wait3A_453 : memref<128x256xf32, #tpu.memory_space<vmem>>) dst(%dma_wait3A_449 : memref<128x256xf32, #tpu.memory_space<hbm>>)
        tpu.yield
      }) : () -> ()
    }
    %scan3A_37 = arith.constant 2 : i32
    return
  }
}

module attributes {stable_mosaic.version = 14 : i64} {
  func.func @_nn_body(%arg0: i32, %arg1: i32, %arg2: memref<1x2048x3xf32, #tpu.memory_space<vmem>>, %arg3: memref<1x3x1024xf32, #tpu.memory_space<vmem>>, %arg4: memref<1x256x512xf32, #tpu.memory_space<vmem>>, %arg5: memref<1x1x2048xi32, #tpu.memory_space<vmem>>, %arg6: memref<1x2048x3xf32, #tpu.memory_space<vmem>>, %arg7: memref<512x256xf32, #tpu.memory_space<vmem>>) attributes {dimension_semantics = [#tpu.dimension_semantics<arbitrary>, #tpu.dimension_semantics<arbitrary>], iteration_bounds = array<i64: 2, 2>, scalar_prefetch = 0 : i64, scratch_operands = 0 : i64, tpu.core_type = #tpu.core_type<tc>, window_params = [{transform_indices = @transform_0, window_bounds = array<i64: 1, 2048, 3>}, {transform_indices = @transform_1, window_bounds = array<i64: 1, 3, 1024>}, {transform_indices = @transform_2, window_bounds = array<i64: 1, 256, 512>}, {transform_indices = @transform_3, window_bounds = array<i64: 1, 1, 2048>}, {transform_indices = @transform_4, window_bounds = array<i64: 1, 2048, 3>}, {transform_indices = @transform_5, window_bounds = array<i64: 512, 256>}]} {
    %get3A = arith.constant 0 : index
    %get3A_0 = arith.constant 0 : index
    %get3A_1 = arith.constant 0 : index
    %get3A_2 = vector.load %arg2[%get3A, %get3A_0, %get3A_1] : memref<1x2048x3xf32, #tpu.memory_space<vmem>>, vector<1x2048x3xf32>
    %get3A_3 = vector.shape_cast %get3A_2 : vector<1x2048x3xf32> to vector<2048x3xf32>
    %get3A_4 = arith.constant 0 : index
    %get3A_5 = arith.constant 0 : index
    %get3A_6 = arith.constant 0 : index
    %get3A_7 = vector.load %arg3[%get3A_4, %get3A_5, %get3A_6] : memref<1x3x1024xf32, #tpu.memory_space<vmem>>, vector<1x3x1024xf32>
    %get3A_8 = vector.shape_cast %get3A_7 : vector<1x3x1024xf32> to vector<3x1024xf32>
    %broadcast_in_dim3A = arith.constant 0.000000e+00 : f32
    %broadcast_in_dim3A_9 = vector.broadcast %broadcast_in_dim3A : f32 to vector<2048x1024xf32>
    %slice3A = vector.extract_strided_slice %get3A_3 {offsets = [0, 0], sizes = [2048, 1], strides = [1, 1]} : vector<2048x3xf32> to vector<2048x1xf32>
    %slice3A_10 = vector.extract_strided_slice %get3A_8 {offsets = [0, 0], sizes = [1, 1024], strides = [1, 1]} : vector<3x1024xf32> to vector<1x1024xf32>
    %sub3A = vector.broadcast %slice3A : vector<2048x1xf32> to vector<2048x1024xf32>
    %sub3A_11 = vector.broadcast %slice3A_10 : vector<1x1024xf32> to vector<2048x1024xf32>
    %sub3A_12 = arith.subf %sub3A, %sub3A_11 : vector<2048x1024xf32>
    %mul3A = arith.mulf %sub3A_12, %sub3A_12 : vector<2048x1024xf32>
    %add3A = arith.addf %broadcast_in_dim3A_9, %mul3A : vector<2048x1024xf32>
    %slice3A_13 = vector.extract_strided_slice %get3A_3 {offsets = [0, 1], sizes = [2048, 1], strides = [1, 1]} : vector<2048x3xf32> to vector<2048x1xf32>
    %slice3A_14 = vector.extract_strided_slice %get3A_8 {offsets = [1, 0], sizes = [1, 1024], strides = [1, 1]} : vector<3x1024xf32> to vector<1x1024xf32>
    %sub3A_15 = vector.broadcast %slice3A_13 : vector<2048x1xf32> to vector<2048x1024xf32>
    %sub3A_16 = vector.broadcast %slice3A_14 : vector<1x1024xf32> to vector<2048x1024xf32>
    %sub3A_17 = arith.subf %sub3A_15, %sub3A_16 : vector<2048x1024xf32>
    %mul3A_18 = arith.mulf %sub3A_17, %sub3A_17 : vector<2048x1024xf32>
    %add3A_19 = arith.addf %add3A, %mul3A_18 : vector<2048x1024xf32>
    %slice3A_20 = vector.extract_strided_slice %get3A_3 {offsets = [0, 2], sizes = [2048, 1], strides = [1, 1]} : vector<2048x3xf32> to vector<2048x1xf32>
    %slice3A_21 = vector.extract_strided_slice %get3A_8 {offsets = [2, 0], sizes = [1, 1024], strides = [1, 1]} : vector<3x1024xf32> to vector<1x1024xf32>
    %sub3A_22 = vector.broadcast %slice3A_20 : vector<2048x1xf32> to vector<2048x1024xf32>
    %sub3A_23 = vector.broadcast %slice3A_21 : vector<1x1024xf32> to vector<2048x1024xf32>
    %sub3A_24 = arith.subf %sub3A_22, %sub3A_23 : vector<2048x1024xf32>
    %mul3A_25 = arith.mulf %sub3A_24, %sub3A_24 : vector<2048x1024xf32>
    %add3A_26 = arith.addf %add3A_19, %mul3A_25 : vector<2048x1024xf32>
    %iota3A = tpu.iota {dimensions = array<i32: 1>} : vector<2048x1024xi32>
    %convert_element_type3A = arith.sitofp %iota3A : vector<2048x1024xi32> to vector<2048x1024xf32>
    %reduce_min3A = arith.constant dense<0x7F800000> : vector<2048xf32>
    %reduce_min3A_27 = vector.multi_reduction <minimumf>, %add3A_26, %reduce_min3A [1] : vector<2048x1024xf32> to vector<2048xf32>
    %broadcast_in_dim3A_28 = vector.shape_cast %reduce_min3A_27 : vector<2048xf32> to vector<2048x1xf32>
    %eq3A = vector.broadcast %broadcast_in_dim3A_28 : vector<2048x1xf32> to vector<2048x1024xf32>
    %eq3A_29 = arith.cmpf oeq, %add3A_26, %eq3A : vector<2048x1024xf32>
    %jit3A = arith.constant 1.024000e+03 : f32
    %broadcast_in_dim3A_30 = vector.broadcast %jit3A : f32 to vector<2048x1024xf32>
    %select_n3A = arith.select %eq3A_29, %convert_element_type3A, %broadcast_in_dim3A_30 : vector<2048x1024xi1>, vector<2048x1024xf32>
    %reduce_min3A_31 = arith.constant dense<0x7F800000> : vector<2048xf32>
    %reduce_min3A_32 = vector.multi_reduction <minimumf>, %select_n3A, %reduce_min3A_31 [1] : vector<2048x1024xf32> to vector<2048xf32>
    %broadcast_in_dim3A_33 = vector.shape_cast %reduce_min3A_32 : vector<2048xf32> to vector<2048x1xf32>
    %convert_element_type3A_34 = arith.fptosi %broadcast_in_dim3A_33 : vector<2048x1xf32> to vector<2048x1xi32>
    %jit3A_35 = arith.constant 3.000000e+38 : f32
    %broadcast_in_dim3A_36 = vector.broadcast %jit3A_35 : f32 to vector<2048x1024xf32>
    %select_n3A_37 = arith.select %eq3A_29, %broadcast_in_dim3A_36, %add3A_26 : vector<2048x1024xi1>, vector<2048x1024xf32>
    %reduce_min3A_38 = arith.constant dense<0x7F800000> : vector<2048xf32>
    %reduce_min3A_39 = vector.multi_reduction <minimumf>, %select_n3A_37, %reduce_min3A_38 [1] : vector<2048x1024xf32> to vector<2048xf32>
    %broadcast_in_dim3A_40 = vector.shape_cast %reduce_min3A_39 : vector<2048xf32> to vector<2048x1xf32>
    %eq3A_41 = vector.broadcast %broadcast_in_dim3A_40 : vector<2048x1xf32> to vector<2048x1024xf32>
    %eq3A_42 = arith.cmpf oeq, %select_n3A_37, %eq3A_41 : vector<2048x1024xf32>
    %jit3A_43 = arith.constant 1.024000e+03 : f32
    %broadcast_in_dim3A_44 = vector.broadcast %jit3A_43 : f32 to vector<2048x1024xf32>
    %select_n3A_45 = arith.select %eq3A_42, %convert_element_type3A, %broadcast_in_dim3A_44 : vector<2048x1024xi1>, vector<2048x1024xf32>
    %reduce_min3A_46 = arith.constant dense<0x7F800000> : vector<2048xf32>
    %reduce_min3A_47 = vector.multi_reduction <minimumf>, %select_n3A_45, %reduce_min3A_46 [1] : vector<2048x1024xf32> to vector<2048xf32>
    %broadcast_in_dim3A_48 = vector.shape_cast %reduce_min3A_47 : vector<2048xf32> to vector<2048x1xf32>
    %convert_element_type3A_49 = arith.fptosi %broadcast_in_dim3A_48 : vector<2048x1xf32> to vector<2048x1xi32>
    %jit3A_50 = arith.constant 3.000000e+38 : f32
    %broadcast_in_dim3A_51 = vector.broadcast %jit3A_50 : f32 to vector<2048x1024xf32>
    %select_n3A_52 = arith.select %eq3A_42, %broadcast_in_dim3A_51, %select_n3A_37 : vector<2048x1024xi1>, vector<2048x1024xf32>
    %reduce_min3A_53 = arith.constant dense<0x7F800000> : vector<2048xf32>
    %reduce_min3A_54 = vector.multi_reduction <minimumf>, %select_n3A_52, %reduce_min3A_53 [1] : vector<2048x1024xf32> to vector<2048xf32>
    %broadcast_in_dim3A_55 = vector.shape_cast %reduce_min3A_54 : vector<2048xf32> to vector<2048x1xf32>
    %eq3A_56 = vector.broadcast %broadcast_in_dim3A_55 : vector<2048x1xf32> to vector<2048x1024xf32>
    %eq3A_57 = arith.cmpf oeq, %select_n3A_52, %eq3A_56 : vector<2048x1024xf32>
    %jit3A_58 = arith.constant 1.024000e+03 : f32
    %broadcast_in_dim3A_59 = vector.broadcast %jit3A_58 : f32 to vector<2048x1024xf32>
    %select_n3A_60 = arith.select %eq3A_57, %convert_element_type3A, %broadcast_in_dim3A_59 : vector<2048x1024xi1>, vector<2048x1024xf32>
    %reduce_min3A_61 = arith.constant dense<0x7F800000> : vector<2048xf32>
    %reduce_min3A_62 = vector.multi_reduction <minimumf>, %select_n3A_60, %reduce_min3A_61 [1] : vector<2048x1024xf32> to vector<2048xf32>
    %broadcast_in_dim3A_63 = vector.shape_cast %reduce_min3A_62 : vector<2048xf32> to vector<2048x1xf32>
    %convert_element_type3A_64 = arith.fptosi %broadcast_in_dim3A_63 : vector<2048x1xf32> to vector<2048x1xi32>
    %add3A_65 = arith.constant 9.99999993E-9 : f32
    %add3A_66 = vector.broadcast %add3A_65 : f32 to vector<2048x1xf32>
    %add3A_67 = arith.addf %broadcast_in_dim3A_28, %add3A_66 : vector<2048x1xf32>
    %div3A = arith.constant 1.000000e+00 : f32
    %div3A_68 = vector.broadcast %div3A : f32 to vector<2048x1xf32>
    %div3A_69 = arith.divf %div3A_68, %add3A_67 : vector<2048x1xf32>
    %add3A_70 = arith.constant 9.99999993E-9 : f32
    %add3A_71 = vector.broadcast %add3A_70 : f32 to vector<2048x1xf32>
    %add3A_72 = arith.addf %broadcast_in_dim3A_40, %add3A_71 : vector<2048x1xf32>
    %div3A_73 = arith.constant 1.000000e+00 : f32
    %div3A_74 = vector.broadcast %div3A_73 : f32 to vector<2048x1xf32>
    %div3A_75 = arith.divf %div3A_74, %add3A_72 : vector<2048x1xf32>
    %add3A_76 = arith.constant 9.99999993E-9 : f32
    %add3A_77 = vector.broadcast %add3A_76 : f32 to vector<2048x1xf32>
    %add3A_78 = arith.addf %broadcast_in_dim3A_55, %add3A_77 : vector<2048x1xf32>
    %div3A_79 = arith.constant 1.000000e+00 : f32
    %div3A_80 = vector.broadcast %div3A_79 : f32 to vector<2048x1xf32>
    %div3A_81 = arith.divf %div3A_80, %add3A_78 : vector<2048x1xf32>
    %add3A_82 = arith.addf %div3A_69, %div3A_75 : vector<2048x1xf32>
    %add3A_83 = arith.addf %add3A_82, %div3A_81 : vector<2048x1xf32>
    %shift_left3A = arith.constant 20 : i32
    %shift_left3A_84 = vector.broadcast %shift_left3A : i32 to vector<2048x1xi32>
    %shift_left3A_85 = arith.shli %convert_element_type3A_34, %shift_left3A_84 : vector<2048x1xi32>
    %shift_left3A_86 = arith.constant 10 : i32
    %shift_left3A_87 = vector.broadcast %shift_left3A_86 : i32 to vector<2048x1xi32>
    %shift_left3A_88 = arith.shli %convert_element_type3A_49, %shift_left3A_87 : vector<2048x1xi32>
    %add3A_89 = arith.addi %shift_left3A_85, %shift_left3A_88 : vector<2048x1xi32>
    %add3A_90 = arith.addi %add3A_89, %convert_element_type3A_64 : vector<2048x1xi32>
    %reshape3A = vector.shape_cast %add3A_90 : vector<2048x1xi32> to vector<2048xi32>
    %swap3A = arith.constant 0 : index
    %swap3A_91 = arith.constant 0 : index
    %swap3A_92 = arith.constant 0 : index
    %swap3A_93 = vector.load %arg5[%swap3A, %swap3A_91, %swap3A_92] : memref<1x1x2048xi32, #tpu.memory_space<vmem>>, vector<1x1x2048xi32>
    %swap3A_94 = vector.shape_cast %swap3A_93 : vector<1x1x2048xi32> to vector<2048xi32>
    %swap3A_95 = vector.shape_cast %reshape3A : vector<2048xi32> to vector<1x1x2048xi32>
    tpu.vector_store %arg5[%swap3A, %swap3A_91, %swap3A_92], %swap3A_95 {strides = array<i32>} : memref<1x1x2048xi32, #tpu.memory_space<vmem>>, vector<1x1x2048xi32>,
    %div3A_96 = arith.divf %div3A_69, %add3A_83 : vector<2048x1xf32>
    %div3A_97 = arith.divf %div3A_75, %add3A_83 : vector<2048x1xf32>
    %div3A_98 = arith.divf %div3A_81, %add3A_83 : vector<2048x1xf32>
    %concatenate3A = tpu.concatenate %div3A_96, %div3A_97, %div3A_98 in 1 : vector<2048x1xf32>, vector<2048x1xf32>, vector<2048x1xf32> -> vector<2048x3xf32>
    %swap3A_99 = arith.constant 0 : index
    %swap3A_100 = arith.constant 0 : index
    %swap3A_101 = arith.constant 0 : index
    %swap3A_102 = vector.load %arg6[%swap3A_99, %swap3A_100, %swap3A_101] : memref<1x2048x3xf32, #tpu.memory_space<vmem>>, vector<1x2048x3xf32>
    %swap3A_103 = vector.shape_cast %swap3A_102 : vector<1x2048x3xf32> to vector<2048x3xf32>
    %swap3A_104 = vector.shape_cast %concatenate3A : vector<2048x3xf32> to vector<1x2048x3xf32>
    tpu.vector_store %arg6[%swap3A_99, %swap3A_100, %swap3A_101], %swap3A_104 {strides = array<i32>} : memref<1x2048x3xf32, #tpu.memory_space<vmem>>, vector<1x2048x3xf32>,
    %get3A_105 = arith.constant 0 : index
    %get3A_106 = arith.constant 0 : index
    %get3A_107 = arith.constant 0 : index
    %get3A_108 = vector.load %arg4[%get3A_105, %get3A_106, %get3A_107] : memref<1x256x512xf32, #tpu.memory_space<vmem>>, vector<1x256x512xf32>
    %get3A_109 = vector.shape_cast %get3A_108 : vector<1x256x512xf32> to vector<256x512xf32>
    %transpose3A = tpu.transpose %get3A_109, [1, 0] : vector<256x512xf32> -> vector<512x256xf32>
    %swap3A_110 = arith.constant 0 : index
    %swap3A_111 = arith.constant 0 : index
    %swap3A_112 = vector.load %arg7[%swap3A_110, %swap3A_111] : memref<512x256xf32, #tpu.memory_space<vmem>>, vector<512x256xf32>
    tpu.vector_store %arg7[%swap3A_110, %swap3A_111], %transpose3A {strides = array<i32>} : memref<512x256xf32, #tpu.memory_space<vmem>>, vector<512x256xf32>,
    return
  }
  func.func @transform_0(%arg0: i32, %arg1: i32) -> (i32, i32, i32) {
    %add3A = arith.constant 2 : i32
    %add3A_0 = arith.addi %arg0, %add3A : i32
    %c0_i32 = arith.constant 0 : i32
    %c0_i32_1 = arith.constant 0 : i32
    return %add3A_0, %arg1, %c0_i32 : i32, i32, i32
  }
  func.func @transform_1(%arg0: i32, %arg1: i32) -> (i32, i32, i32) {
    %add3A = arith.constant 2 : i32
    %add3A_0 = arith.addi %arg0, %add3A : i32
    %c0_i32 = arith.constant 0 : i32
    %c0_i32_1 = arith.constant 0 : i32
    %c0_i32_2 = arith.constant 0 : i32
    return %add3A_0, %c0_i32, %c0_i32_1 : i32, i32, i32
  }
  func.func @transform_2(%arg0: i32, %arg1: i32) -> (i32, i32, i32) {
    %add3A = arith.constant 2 : i32
    %add3A_0 = arith.addi %arg0, %add3A : i32
    %c0_i32 = arith.constant 0 : i32
    %c0_i32_1 = arith.constant 0 : i32
    return %add3A_0, %c0_i32, %arg1 : i32, i32, i32
  }
  func.func @transform_3(%arg0: i32, %arg1: i32) -> (i32, i32, i32) {
    %c0_i32 = arith.constant 0 : i32
    %c0_i32_0 = arith.constant 0 : i32
    return %arg0, %c0_i32, %arg1 : i32, i32, i32
  }
  func.func @transform_4(%arg0: i32, %arg1: i32) -> (i32, i32, i32) {
    %c0_i32 = arith.constant 0 : i32
    %c0_i32_0 = arith.constant 0 : i32
    return %arg0, %arg1, %c0_i32 : i32, i32, i32
  }
  func.func @transform_5(%arg0: i32, %arg1: i32) -> (i32, i32) {
    %mul3A = arith.constant 2 : i32
    %mul3A_0 = arith.muli %arg0, %mul3A : i32
    %add3A = arith.addi %mul3A_0, %arg1 : i32
    %c0_i32 = arith.constant 0 : i32
    %c0_i32_1 = arith.constant 0 : i32
    return %add3A, %c0_i32 : i32, i32
  }
}

module attributes {stable_mosaic.version = 14 : i64} {
  func.func @_nn_body(%arg0: i32, %arg1: i32, %arg2: memref<1x2048x3xf32, #tpu.memory_space<vmem>>, %arg3: memref<1x3x1024xf32, #tpu.memory_space<vmem>>, %arg4: memref<1x256x512xf32, #tpu.memory_space<vmem>>, %arg5: memref<1x1x2048xi32, #tpu.memory_space<vmem>>, %arg6: memref<1x2048x3xf32, #tpu.memory_space<vmem>>, %arg7: memref<512x256xf32, #tpu.memory_space<vmem>>) attributes {dimension_semantics = [#tpu.dimension_semantics<arbitrary>, #tpu.dimension_semantics<arbitrary>], iteration_bounds = array<i64: 2, 2>, scalar_prefetch = 0 : i64, scratch_operands = 0 : i64, tpu.core_type = #tpu.core_type<tc>, window_params = [{transform_indices = @transform_0, window_bounds = array<i64: 1, 2048, 3>}, {transform_indices = @transform_1, window_bounds = array<i64: 1, 3, 1024>}, {transform_indices = @transform_2, window_bounds = array<i64: 1, 256, 512>}, {transform_indices = @transform_3, window_bounds = array<i64: 1, 1, 2048>}, {transform_indices = @transform_4, window_bounds = array<i64: 1, 2048, 3>}, {transform_indices = @transform_5, window_bounds = array<i64: 512, 256>}]} {
    %get3A = arith.constant 0 : index
    %get3A_0 = arith.constant 0 : index
    %get3A_1 = arith.constant 0 : index
    %get3A_2 = vector.load %arg2[%get3A, %get3A_0, %get3A_1] : memref<1x2048x3xf32, #tpu.memory_space<vmem>>, vector<1x2048x3xf32>
    %get3A_3 = vector.shape_cast %get3A_2 : vector<1x2048x3xf32> to vector<2048x3xf32>
    %get3A_4 = arith.constant 0 : index
    %get3A_5 = arith.constant 0 : index
    %get3A_6 = arith.constant 0 : index
    %get3A_7 = vector.load %arg3[%get3A_4, %get3A_5, %get3A_6] : memref<1x3x1024xf32, #tpu.memory_space<vmem>>, vector<1x3x1024xf32>
    %get3A_8 = vector.shape_cast %get3A_7 : vector<1x3x1024xf32> to vector<3x1024xf32>
    %broadcast_in_dim3A = arith.constant 0.000000e+00 : f32
    %broadcast_in_dim3A_9 = vector.broadcast %broadcast_in_dim3A : f32 to vector<2048x1024xf32>
    %slice3A = vector.extract_strided_slice %get3A_3 {offsets = [0, 0], sizes = [2048, 1], strides = [1, 1]} : vector<2048x3xf32> to vector<2048x1xf32>
    %slice3A_10 = vector.extract_strided_slice %get3A_8 {offsets = [0, 0], sizes = [1, 1024], strides = [1, 1]} : vector<3x1024xf32> to vector<1x1024xf32>
    %sub3A = vector.broadcast %slice3A : vector<2048x1xf32> to vector<2048x1024xf32>
    %sub3A_11 = vector.broadcast %slice3A_10 : vector<1x1024xf32> to vector<2048x1024xf32>
    %sub3A_12 = arith.subf %sub3A, %sub3A_11 : vector<2048x1024xf32>
    %mul3A = arith.mulf %sub3A_12, %sub3A_12 : vector<2048x1024xf32>
    %add3A = arith.addf %broadcast_in_dim3A_9, %mul3A : vector<2048x1024xf32>
    %slice3A_13 = vector.extract_strided_slice %get3A_3 {offsets = [0, 1], sizes = [2048, 1], strides = [1, 1]} : vector<2048x3xf32> to vector<2048x1xf32>
    %slice3A_14 = vector.extract_strided_slice %get3A_8 {offsets = [1, 0], sizes = [1, 1024], strides = [1, 1]} : vector<3x1024xf32> to vector<1x1024xf32>
    %sub3A_15 = vector.broadcast %slice3A_13 : vector<2048x1xf32> to vector<2048x1024xf32>
    %sub3A_16 = vector.broadcast %slice3A_14 : vector<1x1024xf32> to vector<2048x1024xf32>
    %sub3A_17 = arith.subf %sub3A_15, %sub3A_16 : vector<2048x1024xf32>
    %mul3A_18 = arith.mulf %sub3A_17, %sub3A_17 : vector<2048x1024xf32>
    %add3A_19 = arith.addf %add3A, %mul3A_18 : vector<2048x1024xf32>
    %slice3A_20 = vector.extract_strided_slice %get3A_3 {offsets = [0, 2], sizes = [2048, 1], strides = [1, 1]} : vector<2048x3xf32> to vector<2048x1xf32>
    %slice3A_21 = vector.extract_strided_slice %get3A_8 {offsets = [2, 0], sizes = [1, 1024], strides = [1, 1]} : vector<3x1024xf32> to vector<1x1024xf32>
    %sub3A_22 = vector.broadcast %slice3A_20 : vector<2048x1xf32> to vector<2048x1024xf32>
    %sub3A_23 = vector.broadcast %slice3A_21 : vector<1x1024xf32> to vector<2048x1024xf32>
    %sub3A_24 = arith.subf %sub3A_22, %sub3A_23 : vector<2048x1024xf32>
    %mul3A_25 = arith.mulf %sub3A_24, %sub3A_24 : vector<2048x1024xf32>
    %add3A_26 = arith.addf %add3A_19, %mul3A_25 : vector<2048x1024xf32>
    %iota3A = tpu.iota {dimensions = array<i32: 1>} : vector<2048x1024xi32>
    %convert_element_type3A = arith.sitofp %iota3A : vector<2048x1024xi32> to vector<2048x1024xf32>
    %reduce_min3A = arith.constant dense<0x7F800000> : vector<2048xf32>
    %reduce_min3A_27 = vector.multi_reduction <minimumf>, %add3A_26, %reduce_min3A [1] : vector<2048x1024xf32> to vector<2048xf32>
    %broadcast_in_dim3A_28 = vector.shape_cast %reduce_min3A_27 : vector<2048xf32> to vector<2048x1xf32>
    %eq3A = vector.broadcast %broadcast_in_dim3A_28 : vector<2048x1xf32> to vector<2048x1024xf32>
    %eq3A_29 = arith.cmpf oeq, %add3A_26, %eq3A : vector<2048x1024xf32>
    %jit3A = arith.constant 1.024000e+03 : f32
    %broadcast_in_dim3A_30 = vector.broadcast %jit3A : f32 to vector<2048x1024xf32>
    %select_n3A = arith.select %eq3A_29, %convert_element_type3A, %broadcast_in_dim3A_30 : vector<2048x1024xi1>, vector<2048x1024xf32>
    %reduce_min3A_31 = arith.constant dense<0x7F800000> : vector<2048xf32>
    %reduce_min3A_32 = vector.multi_reduction <minimumf>, %select_n3A, %reduce_min3A_31 [1] : vector<2048x1024xf32> to vector<2048xf32>
    %broadcast_in_dim3A_33 = vector.shape_cast %reduce_min3A_32 : vector<2048xf32> to vector<2048x1xf32>
    %convert_element_type3A_34 = arith.fptosi %broadcast_in_dim3A_33 : vector<2048x1xf32> to vector<2048x1xi32>
    %jit3A_35 = arith.constant 3.000000e+38 : f32
    %broadcast_in_dim3A_36 = vector.broadcast %jit3A_35 : f32 to vector<2048x1024xf32>
    %select_n3A_37 = arith.select %eq3A_29, %broadcast_in_dim3A_36, %add3A_26 : vector<2048x1024xi1>, vector<2048x1024xf32>
    %reduce_min3A_38 = arith.constant dense<0x7F800000> : vector<2048xf32>
    %reduce_min3A_39 = vector.multi_reduction <minimumf>, %select_n3A_37, %reduce_min3A_38 [1] : vector<2048x1024xf32> to vector<2048xf32>
    %broadcast_in_dim3A_40 = vector.shape_cast %reduce_min3A_39 : vector<2048xf32> to vector<2048x1xf32>
    %eq3A_41 = vector.broadcast %broadcast_in_dim3A_40 : vector<2048x1xf32> to vector<2048x1024xf32>
    %eq3A_42 = arith.cmpf oeq, %select_n3A_37, %eq3A_41 : vector<2048x1024xf32>
    %jit3A_43 = arith.constant 1.024000e+03 : f32
    %broadcast_in_dim3A_44 = vector.broadcast %jit3A_43 : f32 to vector<2048x1024xf32>
    %select_n3A_45 = arith.select %eq3A_42, %convert_element_type3A, %broadcast_in_dim3A_44 : vector<2048x1024xi1>, vector<2048x1024xf32>
    %reduce_min3A_46 = arith.constant dense<0x7F800000> : vector<2048xf32>
    %reduce_min3A_47 = vector.multi_reduction <minimumf>, %select_n3A_45, %reduce_min3A_46 [1] : vector<2048x1024xf32> to vector<2048xf32>
    %broadcast_in_dim3A_48 = vector.shape_cast %reduce_min3A_47 : vector<2048xf32> to vector<2048x1xf32>
    %convert_element_type3A_49 = arith.fptosi %broadcast_in_dim3A_48 : vector<2048x1xf32> to vector<2048x1xi32>
    %jit3A_50 = arith.constant 3.000000e+38 : f32
    %broadcast_in_dim3A_51 = vector.broadcast %jit3A_50 : f32 to vector<2048x1024xf32>
    %select_n3A_52 = arith.select %eq3A_42, %broadcast_in_dim3A_51, %select_n3A_37 : vector<2048x1024xi1>, vector<2048x1024xf32>
    %reduce_min3A_53 = arith.constant dense<0x7F800000> : vector<2048xf32>
    %reduce_min3A_54 = vector.multi_reduction <minimumf>, %select_n3A_52, %reduce_min3A_53 [1] : vector<2048x1024xf32> to vector<2048xf32>
    %broadcast_in_dim3A_55 = vector.shape_cast %reduce_min3A_54 : vector<2048xf32> to vector<2048x1xf32>
    %eq3A_56 = vector.broadcast %broadcast_in_dim3A_55 : vector<2048x1xf32> to vector<2048x1024xf32>
    %eq3A_57 = arith.cmpf oeq, %select_n3A_52, %eq3A_56 : vector<2048x1024xf32>
    %jit3A_58 = arith.constant 1.024000e+03 : f32
    %broadcast_in_dim3A_59 = vector.broadcast %jit3A_58 : f32 to vector<2048x1024xf32>
    %select_n3A_60 = arith.select %eq3A_57, %convert_element_type3A, %broadcast_in_dim3A_59 : vector<2048x1024xi1>, vector<2048x1024xf32>
    %reduce_min3A_61 = arith.constant dense<0x7F800000> : vector<2048xf32>
    %reduce_min3A_62 = vector.multi_reduction <minimumf>, %select_n3A_60, %reduce_min3A_61 [1] : vector<2048x1024xf32> to vector<2048xf32>
    %broadcast_in_dim3A_63 = vector.shape_cast %reduce_min3A_62 : vector<2048xf32> to vector<2048x1xf32>
    %convert_element_type3A_64 = arith.fptosi %broadcast_in_dim3A_63 : vector<2048x1xf32> to vector<2048x1xi32>
    %add3A_65 = arith.constant 9.99999993E-9 : f32
    %add3A_66 = vector.broadcast %add3A_65 : f32 to vector<2048x1xf32>
    %add3A_67 = arith.addf %broadcast_in_dim3A_28, %add3A_66 : vector<2048x1xf32>
    %div3A = arith.constant 1.000000e+00 : f32
    %div3A_68 = vector.broadcast %div3A : f32 to vector<2048x1xf32>
    %div3A_69 = arith.divf %div3A_68, %add3A_67 : vector<2048x1xf32>
    %add3A_70 = arith.constant 9.99999993E-9 : f32
    %add3A_71 = vector.broadcast %add3A_70 : f32 to vector<2048x1xf32>
    %add3A_72 = arith.addf %broadcast_in_dim3A_40, %add3A_71 : vector<2048x1xf32>
    %div3A_73 = arith.constant 1.000000e+00 : f32
    %div3A_74 = vector.broadcast %div3A_73 : f32 to vector<2048x1xf32>
    %div3A_75 = arith.divf %div3A_74, %add3A_72 : vector<2048x1xf32>
    %add3A_76 = arith.constant 9.99999993E-9 : f32
    %add3A_77 = vector.broadcast %add3A_76 : f32 to vector<2048x1xf32>
    %add3A_78 = arith.addf %broadcast_in_dim3A_55, %add3A_77 : vector<2048x1xf32>
    %div3A_79 = arith.constant 1.000000e+00 : f32
    %div3A_80 = vector.broadcast %div3A_79 : f32 to vector<2048x1xf32>
    %div3A_81 = arith.divf %div3A_80, %add3A_78 : vector<2048x1xf32>
    %add3A_82 = arith.addf %div3A_69, %div3A_75 : vector<2048x1xf32>
    %add3A_83 = arith.addf %add3A_82, %div3A_81 : vector<2048x1xf32>
    %shift_left3A = arith.constant 20 : i32
    %shift_left3A_84 = vector.broadcast %shift_left3A : i32 to vector<2048x1xi32>
    %shift_left3A_85 = arith.shli %convert_element_type3A_34, %shift_left3A_84 : vector<2048x1xi32>
    %shift_left3A_86 = arith.constant 10 : i32
    %shift_left3A_87 = vector.broadcast %shift_left3A_86 : i32 to vector<2048x1xi32>
    %shift_left3A_88 = arith.shli %convert_element_type3A_49, %shift_left3A_87 : vector<2048x1xi32>
    %add3A_89 = arith.addi %shift_left3A_85, %shift_left3A_88 : vector<2048x1xi32>
    %add3A_90 = arith.addi %add3A_89, %convert_element_type3A_64 : vector<2048x1xi32>
    %reshape3A = vector.shape_cast %add3A_90 : vector<2048x1xi32> to vector<2048xi32>
    %swap3A = arith.constant 0 : index
    %swap3A_91 = arith.constant 0 : index
    %swap3A_92 = arith.constant 0 : index
    %swap3A_93 = vector.load %arg5[%swap3A, %swap3A_91, %swap3A_92] : memref<1x1x2048xi32, #tpu.memory_space<vmem>>, vector<1x1x2048xi32>
    %swap3A_94 = vector.shape_cast %swap3A_93 : vector<1x1x2048xi32> to vector<2048xi32>
    %swap3A_95 = vector.shape_cast %reshape3A : vector<2048xi32> to vector<1x1x2048xi32>
    tpu.vector_store %arg5[%swap3A, %swap3A_91, %swap3A_92], %swap3A_95 {strides = array<i32>} : memref<1x1x2048xi32, #tpu.memory_space<vmem>>, vector<1x1x2048xi32>,
    %div3A_96 = arith.divf %div3A_69, %add3A_83 : vector<2048x1xf32>
    %div3A_97 = arith.divf %div3A_75, %add3A_83 : vector<2048x1xf32>
    %div3A_98 = arith.divf %div3A_81, %add3A_83 : vector<2048x1xf32>
    %concatenate3A = tpu.concatenate %div3A_96, %div3A_97, %div3A_98 in 1 : vector<2048x1xf32>, vector<2048x1xf32>, vector<2048x1xf32> -> vector<2048x3xf32>
    %swap3A_99 = arith.constant 0 : index
    %swap3A_100 = arith.constant 0 : index
    %swap3A_101 = arith.constant 0 : index
    %swap3A_102 = vector.load %arg6[%swap3A_99, %swap3A_100, %swap3A_101] : memref<1x2048x3xf32, #tpu.memory_space<vmem>>, vector<1x2048x3xf32>
    %swap3A_103 = vector.shape_cast %swap3A_102 : vector<1x2048x3xf32> to vector<2048x3xf32>
    %swap3A_104 = vector.shape_cast %concatenate3A : vector<2048x3xf32> to vector<1x2048x3xf32>
    tpu.vector_store %arg6[%swap3A_99, %swap3A_100, %swap3A_101], %swap3A_104 {strides = array<i32>} : memref<1x2048x3xf32, #tpu.memory_space<vmem>>, vector<1x2048x3xf32>,
    %get3A_105 = arith.constant 0 : index
    %get3A_106 = arith.constant 0 : index
    %get3A_107 = arith.constant 0 : index
    %get3A_108 = vector.load %arg4[%get3A_105, %get3A_106, %get3A_107] : memref<1x256x512xf32, #tpu.memory_space<vmem>>, vector<1x256x512xf32>
    %get3A_109 = vector.shape_cast %get3A_108 : vector<1x256x512xf32> to vector<256x512xf32>
    %transpose3A = tpu.transpose %get3A_109, [1, 0] : vector<256x512xf32> -> vector<512x256xf32>
    %swap3A_110 = arith.constant 0 : index
    %swap3A_111 = arith.constant 0 : index
    %swap3A_112 = vector.load %arg7[%swap3A_110, %swap3A_111] : memref<512x256xf32, #tpu.memory_space<vmem>>, vector<512x256xf32>
    tpu.vector_store %arg7[%swap3A_110, %swap3A_111], %transpose3A {strides = array<i32>} : memref<512x256xf32, #tpu.memory_space<vmem>>, vector<512x256xf32>,
    return
  }
  func.func @transform_0(%arg0: i32, %arg1: i32) -> (i32, i32, i32) {
    %add3A = arith.constant 0 : i32
    %add3A_0 = arith.addi %arg0, %add3A : i32
    %c0_i32 = arith.constant 0 : i32
    %c0_i32_1 = arith.constant 0 : i32
    return %add3A_0, %arg1, %c0_i32 : i32, i32, i32
  }
  func.func @transform_1(%arg0: i32, %arg1: i32) -> (i32, i32, i32) {
    %add3A = arith.constant 0 : i32
    %add3A_0 = arith.addi %arg0, %add3A : i32
    %c0_i32 = arith.constant 0 : i32
    %c0_i32_1 = arith.constant 0 : i32
    %c0_i32_2 = arith.constant 0 : i32
    return %add3A_0, %c0_i32, %c0_i32_1 : i32, i32, i32
  }
  func.func @transform_2(%arg0: i32, %arg1: i32) -> (i32, i32, i32) {
    %add3A = arith.constant 0 : i32
    %add3A_0 = arith.addi %arg0, %add3A : i32
    %c0_i32 = arith.constant 0 : i32
    %c0_i32_1 = arith.constant 0 : i32
    return %add3A_0, %c0_i32, %arg1 : i32, i32, i32
  }
  func.func @transform_3(%arg0: i32, %arg1: i32) -> (i32, i32, i32) {
    %c0_i32 = arith.constant 0 : i32
    %c0_i32_0 = arith.constant 0 : i32
    return %arg0, %c0_i32, %arg1 : i32, i32, i32
  }
  func.func @transform_4(%arg0: i32, %arg1: i32) -> (i32, i32, i32) {
    %c0_i32 = arith.constant 0 : i32
    %c0_i32_0 = arith.constant 0 : i32
    return %arg0, %arg1, %c0_i32 : i32, i32, i32
  }
  func.func @transform_5(%arg0: i32, %arg1: i32) -> (i32, i32) {
    %mul3A = arith.constant 2 : i32
    %mul3A_0 = arith.muli %arg0, %mul3A : i32
    %add3A = arith.addi %mul3A_0, %arg1 : i32
    %c0_i32 = arith.constant 0 : i32
    %c0_i32_1 = arith.constant 0 : i32
    return %add3A, %c0_i32 : i32, i32
  }
}

module attributes {stable_mosaic.version = 14 : i64} {
  func.func @_nn_body(%arg0: i32, %arg1: i32, %arg2: memref<1x2048x3xf32, #tpu.memory_space<vmem>>, %arg3: memref<1x3x1024xf32, #tpu.memory_space<vmem>>, %arg4: memref<1x256x512xf32, #tpu.memory_space<vmem>>, %arg5: memref<1x1x2048xi32, #tpu.memory_space<vmem>>, %arg6: memref<1x2048x3xf32, #tpu.memory_space<vmem>>, %arg7: memref<512x256xf32, #tpu.memory_space<vmem>>) attributes {dimension_semantics = [#tpu.dimension_semantics<arbitrary>, #tpu.dimension_semantics<arbitrary>], iteration_bounds = array<i64: 2, 2>, scalar_prefetch = 0 : i64, scratch_operands = 0 : i64, tpu.core_type = #tpu.core_type<tc>, window_params = [{transform_indices = @transform_0, window_bounds = array<i64: 1, 2048, 3>}, {transform_indices = @transform_1, window_bounds = array<i64: 1, 3, 1024>}, {transform_indices = @transform_2, window_bounds = array<i64: 1, 256, 512>}, {transform_indices = @transform_3, window_bounds = array<i64: 1, 1, 2048>}, {transform_indices = @transform_4, window_bounds = array<i64: 1, 2048, 3>}, {transform_indices = @transform_5, window_bounds = array<i64: 512, 256>}]} {
    %get3A = arith.constant 0 : index
    %get3A_0 = arith.constant 0 : index
    %get3A_1 = arith.constant 0 : index
    %get3A_2 = vector.load %arg2[%get3A, %get3A_0, %get3A_1] : memref<1x2048x3xf32, #tpu.memory_space<vmem>>, vector<1x2048x3xf32>
    %get3A_3 = vector.shape_cast %get3A_2 : vector<1x2048x3xf32> to vector<2048x3xf32>
    %get3A_4 = arith.constant 0 : index
    %get3A_5 = arith.constant 0 : index
    %get3A_6 = arith.constant 0 : index
    %get3A_7 = vector.load %arg3[%get3A_4, %get3A_5, %get3A_6] : memref<1x3x1024xf32, #tpu.memory_space<vmem>>, vector<1x3x1024xf32>
    %get3A_8 = vector.shape_cast %get3A_7 : vector<1x3x1024xf32> to vector<3x1024xf32>
    %broadcast_in_dim3A = arith.constant 0.000000e+00 : f32
    %broadcast_in_dim3A_9 = vector.broadcast %broadcast_in_dim3A : f32 to vector<2048x1024xf32>
    %slice3A = vector.extract_strided_slice %get3A_3 {offsets = [0, 0], sizes = [2048, 1], strides = [1, 1]} : vector<2048x3xf32> to vector<2048x1xf32>
    %slice3A_10 = vector.extract_strided_slice %get3A_8 {offsets = [0, 0], sizes = [1, 1024], strides = [1, 1]} : vector<3x1024xf32> to vector<1x1024xf32>
    %sub3A = vector.broadcast %slice3A : vector<2048x1xf32> to vector<2048x1024xf32>
    %sub3A_11 = vector.broadcast %slice3A_10 : vector<1x1024xf32> to vector<2048x1024xf32>
    %sub3A_12 = arith.subf %sub3A, %sub3A_11 : vector<2048x1024xf32>
    %mul3A = arith.mulf %sub3A_12, %sub3A_12 : vector<2048x1024xf32>
    %add3A = arith.addf %broadcast_in_dim3A_9, %mul3A : vector<2048x1024xf32>
    %slice3A_13 = vector.extract_strided_slice %get3A_3 {offsets = [0, 1], sizes = [2048, 1], strides = [1, 1]} : vector<2048x3xf32> to vector<2048x1xf32>
    %slice3A_14 = vector.extract_strided_slice %get3A_8 {offsets = [1, 0], sizes = [1, 1024], strides = [1, 1]} : vector<3x1024xf32> to vector<1x1024xf32>
    %sub3A_15 = vector.broadcast %slice3A_13 : vector<2048x1xf32> to vector<2048x1024xf32>
    %sub3A_16 = vector.broadcast %slice3A_14 : vector<1x1024xf32> to vector<2048x1024xf32>
    %sub3A_17 = arith.subf %sub3A_15, %sub3A_16 : vector<2048x1024xf32>
    %mul3A_18 = arith.mulf %sub3A_17, %sub3A_17 : vector<2048x1024xf32>
    %add3A_19 = arith.addf %add3A, %mul3A_18 : vector<2048x1024xf32>
    %slice3A_20 = vector.extract_strided_slice %get3A_3 {offsets = [0, 2], sizes = [2048, 1], strides = [1, 1]} : vector<2048x3xf32> to vector<2048x1xf32>
    %slice3A_21 = vector.extract_strided_slice %get3A_8 {offsets = [2, 0], sizes = [1, 1024], strides = [1, 1]} : vector<3x1024xf32> to vector<1x1024xf32>
    %sub3A_22 = vector.broadcast %slice3A_20 : vector<2048x1xf32> to vector<2048x1024xf32>
    %sub3A_23 = vector.broadcast %slice3A_21 : vector<1x1024xf32> to vector<2048x1024xf32>
    %sub3A_24 = arith.subf %sub3A_22, %sub3A_23 : vector<2048x1024xf32>
    %mul3A_25 = arith.mulf %sub3A_24, %sub3A_24 : vector<2048x1024xf32>
    %add3A_26 = arith.addf %add3A_19, %mul3A_25 : vector<2048x1024xf32>
    %iota3A = tpu.iota {dimensions = array<i32: 1>} : vector<2048x1024xi32>
    %convert_element_type3A = arith.sitofp %iota3A : vector<2048x1024xi32> to vector<2048x1024xf32>
    %reduce_min3A = arith.constant dense<0x7F800000> : vector<2048xf32>
    %reduce_min3A_27 = vector.multi_reduction <minimumf>, %add3A_26, %reduce_min3A [1] : vector<2048x1024xf32> to vector<2048xf32>
    %broadcast_in_dim3A_28 = vector.shape_cast %reduce_min3A_27 : vector<2048xf32> to vector<2048x1xf32>
    %eq3A = vector.broadcast %broadcast_in_dim3A_28 : vector<2048x1xf32> to vector<2048x1024xf32>
    %eq3A_29 = arith.cmpf oeq, %add3A_26, %eq3A : vector<2048x1024xf32>
    %jit3A = arith.constant 1.024000e+03 : f32
    %broadcast_in_dim3A_30 = vector.broadcast %jit3A : f32 to vector<2048x1024xf32>
    %select_n3A = arith.select %eq3A_29, %convert_element_type3A, %broadcast_in_dim3A_30 : vector<2048x1024xi1>, vector<2048x1024xf32>
    %reduce_min3A_31 = arith.constant dense<0x7F800000> : vector<2048xf32>
    %reduce_min3A_32 = vector.multi_reduction <minimumf>, %select_n3A, %reduce_min3A_31 [1] : vector<2048x1024xf32> to vector<2048xf32>
    %broadcast_in_dim3A_33 = vector.shape_cast %reduce_min3A_32 : vector<2048xf32> to vector<2048x1xf32>
    %convert_element_type3A_34 = arith.fptosi %broadcast_in_dim3A_33 : vector<2048x1xf32> to vector<2048x1xi32>
    %jit3A_35 = arith.constant 3.000000e+38 : f32
    %broadcast_in_dim3A_36 = vector.broadcast %jit3A_35 : f32 to vector<2048x1024xf32>
    %select_n3A_37 = arith.select %eq3A_29, %broadcast_in_dim3A_36, %add3A_26 : vector<2048x1024xi1>, vector<2048x1024xf32>
    %reduce_min3A_38 = arith.constant dense<0x7F800000> : vector<2048xf32>
    %reduce_min3A_39 = vector.multi_reduction <minimumf>, %select_n3A_37, %reduce_min3A_38 [1] : vector<2048x1024xf32> to vector<2048xf32>
    %broadcast_in_dim3A_40 = vector.shape_cast %reduce_min3A_39 : vector<2048xf32> to vector<2048x1xf32>
    %eq3A_41 = vector.broadcast %broadcast_in_dim3A_40 : vector<2048x1xf32> to vector<2048x1024xf32>
    %eq3A_42 = arith.cmpf oeq, %select_n3A_37, %eq3A_41 : vector<2048x1024xf32>
    %jit3A_43 = arith.constant 1.024000e+03 : f32
    %broadcast_in_dim3A_44 = vector.broadcast %jit3A_43 : f32 to vector<2048x1024xf32>
    %select_n3A_45 = arith.select %eq3A_42, %convert_element_type3A, %broadcast_in_dim3A_44 : vector<2048x1024xi1>, vector<2048x1024xf32>
    %reduce_min3A_46 = arith.constant dense<0x7F800000> : vector<2048xf32>
    %reduce_min3A_47 = vector.multi_reduction <minimumf>, %select_n3A_45, %reduce_min3A_46 [1] : vector<2048x1024xf32> to vector<2048xf32>
    %broadcast_in_dim3A_48 = vector.shape_cast %reduce_min3A_47 : vector<2048xf32> to vector<2048x1xf32>
    %convert_element_type3A_49 = arith.fptosi %broadcast_in_dim3A_48 : vector<2048x1xf32> to vector<2048x1xi32>
    %jit3A_50 = arith.constant 3.000000e+38 : f32
    %broadcast_in_dim3A_51 = vector.broadcast %jit3A_50 : f32 to vector<2048x1024xf32>
    %select_n3A_52 = arith.select %eq3A_42, %broadcast_in_dim3A_51, %select_n3A_37 : vector<2048x1024xi1>, vector<2048x1024xf32>
    %reduce_min3A_53 = arith.constant dense<0x7F800000> : vector<2048xf32>
    %reduce_min3A_54 = vector.multi_reduction <minimumf>, %select_n3A_52, %reduce_min3A_53 [1] : vector<2048x1024xf32> to vector<2048xf32>
    %broadcast_in_dim3A_55 = vector.shape_cast %reduce_min3A_54 : vector<2048xf32> to vector<2048x1xf32>
    %eq3A_56 = vector.broadcast %broadcast_in_dim3A_55 : vector<2048x1xf32> to vector<2048x1024xf32>
    %eq3A_57 = arith.cmpf oeq, %select_n3A_52, %eq3A_56 : vector<2048x1024xf32>
    %jit3A_58 = arith.constant 1.024000e+03 : f32
    %broadcast_in_dim3A_59 = vector.broadcast %jit3A_58 : f32 to vector<2048x1024xf32>
    %select_n3A_60 = arith.select %eq3A_57, %convert_element_type3A, %broadcast_in_dim3A_59 : vector<2048x1024xi1>, vector<2048x1024xf32>
    %reduce_min3A_61 = arith.constant dense<0x7F800000> : vector<2048xf32>
    %reduce_min3A_62 = vector.multi_reduction <minimumf>, %select_n3A_60, %reduce_min3A_61 [1] : vector<2048x1024xf32> to vector<2048xf32>
    %broadcast_in_dim3A_63 = vector.shape_cast %reduce_min3A_62 : vector<2048xf32> to vector<2048x1xf32>
    %convert_element_type3A_64 = arith.fptosi %broadcast_in_dim3A_63 : vector<2048x1xf32> to vector<2048x1xi32>
    %add3A_65 = arith.constant 9.99999993E-9 : f32
    %add3A_66 = vector.broadcast %add3A_65 : f32 to vector<2048x1xf32>
    %add3A_67 = arith.addf %broadcast_in_dim3A_28, %add3A_66 : vector<2048x1xf32>
    %div3A = arith.constant 1.000000e+00 : f32
    %div3A_68 = vector.broadcast %div3A : f32 to vector<2048x1xf32>
    %div3A_69 = arith.divf %div3A_68, %add3A_67 : vector<2048x1xf32>
    %add3A_70 = arith.constant 9.99999993E-9 : f32
    %add3A_71 = vector.broadcast %add3A_70 : f32 to vector<2048x1xf32>
    %add3A_72 = arith.addf %broadcast_in_dim3A_40, %add3A_71 : vector<2048x1xf32>
    %div3A_73 = arith.constant 1.000000e+00 : f32
    %div3A_74 = vector.broadcast %div3A_73 : f32 to vector<2048x1xf32>
    %div3A_75 = arith.divf %div3A_74, %add3A_72 : vector<2048x1xf32>
    %add3A_76 = arith.constant 9.99999993E-9 : f32
    %add3A_77 = vector.broadcast %add3A_76 : f32 to vector<2048x1xf32>
    %add3A_78 = arith.addf %broadcast_in_dim3A_55, %add3A_77 : vector<2048x1xf32>
    %div3A_79 = arith.constant 1.000000e+00 : f32
    %div3A_80 = vector.broadcast %div3A_79 : f32 to vector<2048x1xf32>
    %div3A_81 = arith.divf %div3A_80, %add3A_78 : vector<2048x1xf32>
    %add3A_82 = arith.addf %div3A_69, %div3A_75 : vector<2048x1xf32>
    %add3A_83 = arith.addf %add3A_82, %div3A_81 : vector<2048x1xf32>
    %shift_left3A = arith.constant 20 : i32
    %shift_left3A_84 = vector.broadcast %shift_left3A : i32 to vector<2048x1xi32>
    %shift_left3A_85 = arith.shli %convert_element_type3A_34, %shift_left3A_84 : vector<2048x1xi32>
    %shift_left3A_86 = arith.constant 10 : i32
    %shift_left3A_87 = vector.broadcast %shift_left3A_86 : i32 to vector<2048x1xi32>
    %shift_left3A_88 = arith.shli %convert_element_type3A_49, %shift_left3A_87 : vector<2048x1xi32>
    %add3A_89 = arith.addi %shift_left3A_85, %shift_left3A_88 : vector<2048x1xi32>
    %add3A_90 = arith.addi %add3A_89, %convert_element_type3A_64 : vector<2048x1xi32>
    %reshape3A = vector.shape_cast %add3A_90 : vector<2048x1xi32> to vector<2048xi32>
    %swap3A = arith.constant 0 : index
    %swap3A_91 = arith.constant 0 : index
    %swap3A_92 = arith.constant 0 : index
    %swap3A_93 = vector.load %arg5[%swap3A, %swap3A_91, %swap3A_92] : memref<1x1x2048xi32, #tpu.memory_space<vmem>>, vector<1x1x2048xi32>
    %swap3A_94 = vector.shape_cast %swap3A_93 : vector<1x1x2048xi32> to vector<2048xi32>
    %swap3A_95 = vector.shape_cast %reshape3A : vector<2048xi32> to vector<1x1x2048xi32>
    tpu.vector_store %arg5[%swap3A, %swap3A_91, %swap3A_92], %swap3A_95 {strides = array<i32>} : memref<1x1x2048xi32, #tpu.memory_space<vmem>>, vector<1x1x2048xi32>,
    %div3A_96 = arith.divf %div3A_69, %add3A_83 : vector<2048x1xf32>
    %div3A_97 = arith.divf %div3A_75, %add3A_83 : vector<2048x1xf32>
    %div3A_98 = arith.divf %div3A_81, %add3A_83 : vector<2048x1xf32>
    %concatenate3A = tpu.concatenate %div3A_96, %div3A_97, %div3A_98 in 1 : vector<2048x1xf32>, vector<2048x1xf32>, vector<2048x1xf32> -> vector<2048x3xf32>
    %swap3A_99 = arith.constant 0 : index
    %swap3A_100 = arith.constant 0 : index
    %swap3A_101 = arith.constant 0 : index
    %swap3A_102 = vector.load %arg6[%swap3A_99, %swap3A_100, %swap3A_101] : memref<1x2048x3xf32, #tpu.memory_space<vmem>>, vector<1x2048x3xf32>
    %swap3A_103 = vector.shape_cast %swap3A_102 : vector<1x2048x3xf32> to vector<2048x3xf32>
    %swap3A_104 = vector.shape_cast %concatenate3A : vector<2048x3xf32> to vector<1x2048x3xf32>
    tpu.vector_store %arg6[%swap3A_99, %swap3A_100, %swap3A_101], %swap3A_104 {strides = array<i32>} : memref<1x2048x3xf32, #tpu.memory_space<vmem>>, vector<1x2048x3xf32>,
    %get3A_105 = arith.constant 0 : index
    %get3A_106 = arith.constant 0 : index
    %get3A_107 = arith.constant 0 : index
    %get3A_108 = vector.load %arg4[%get3A_105, %get3A_106, %get3A_107] : memref<1x256x512xf32, #tpu.memory_space<vmem>>, vector<1x256x512xf32>
    %get3A_109 = vector.shape_cast %get3A_108 : vector<1x256x512xf32> to vector<256x512xf32>
    %transpose3A = tpu.transpose %get3A_109, [1, 0] : vector<256x512xf32> -> vector<512x256xf32>
    %swap3A_110 = arith.constant 0 : index
    %swap3A_111 = arith.constant 0 : index
    %swap3A_112 = vector.load %arg7[%swap3A_110, %swap3A_111] : memref<512x256xf32, #tpu.memory_space<vmem>>, vector<512x256xf32>
    tpu.vector_store %arg7[%swap3A_110, %swap3A_111], %transpose3A {strides = array<i32>} : memref<512x256xf32, #tpu.memory_space<vmem>>, vector<512x256xf32>,
    return
  }
  func.func @transform_0(%arg0: i32, %arg1: i32) -> (i32, i32, i32) {
    %add3A = arith.constant 4 : i32
    %add3A_0 = arith.addi %arg0, %add3A : i32
    %c0_i32 = arith.constant 0 : i32
    %c0_i32_1 = arith.constant 0 : i32
    return %add3A_0, %arg1, %c0_i32 : i32, i32, i32
  }
  func.func @transform_1(%arg0: i32, %arg1: i32) -> (i32, i32, i32) {
    %add3A = arith.constant 4 : i32
    %add3A_0 = arith.addi %arg0, %add3A : i32
    %c0_i32 = arith.constant 0 : i32
    %c0_i32_1 = arith.constant 0 : i32
    %c0_i32_2 = arith.constant 0 : i32
    return %add3A_0, %c0_i32, %c0_i32_1 : i32, i32, i32
  }
  func.func @transform_2(%arg0: i32, %arg1: i32) -> (i32, i32, i32) {
    %add3A = arith.constant 4 : i32
    %add3A_0 = arith.addi %arg0, %add3A : i32
    %c0_i32 = arith.constant 0 : i32
    %c0_i32_1 = arith.constant 0 : i32
    return %add3A_0, %c0_i32, %arg1 : i32, i32, i32
  }
  func.func @transform_3(%arg0: i32, %arg1: i32) -> (i32, i32, i32) {
    %c0_i32 = arith.constant 0 : i32
    %c0_i32_0 = arith.constant 0 : i32
    return %arg0, %c0_i32, %arg1 : i32, i32, i32
  }
  func.func @transform_4(%arg0: i32, %arg1: i32) -> (i32, i32, i32) {
    %c0_i32 = arith.constant 0 : i32
    %c0_i32_0 = arith.constant 0 : i32
    return %arg0, %arg1, %c0_i32 : i32, i32, i32
  }
  func.func @transform_5(%arg0: i32, %arg1: i32) -> (i32, i32) {
    %mul3A = arith.constant 2 : i32
    %mul3A_0 = arith.muli %arg0, %mul3A : i32
    %add3A = arith.addi %mul3A_0, %arg1 : i32
    %c0_i32 = arith.constant 0 : i32
    %c0_i32_1 = arith.constant 0 : i32
    return %add3A, %c0_i32 : i32, i32
  }
}

module attributes {stable_mosaic.version = 14 : i64} {
  func.func @_nn_body(%arg0: i32, %arg1: i32, %arg2: memref<1x2048x3xf32, #tpu.memory_space<vmem>>, %arg3: memref<1x3x1024xf32, #tpu.memory_space<vmem>>, %arg4: memref<1x256x512xf32, #tpu.memory_space<vmem>>, %arg5: memref<1x1x2048xi32, #tpu.memory_space<vmem>>, %arg6: memref<1x2048x3xf32, #tpu.memory_space<vmem>>, %arg7: memref<512x256xf32, #tpu.memory_space<vmem>>) attributes {dimension_semantics = [#tpu.dimension_semantics<arbitrary>, #tpu.dimension_semantics<arbitrary>], iteration_bounds = array<i64: 2, 2>, scalar_prefetch = 0 : i64, scratch_operands = 0 : i64, tpu.core_type = #tpu.core_type<tc>, window_params = [{transform_indices = @transform_0, window_bounds = array<i64: 1, 2048, 3>}, {transform_indices = @transform_1, window_bounds = array<i64: 1, 3, 1024>}, {transform_indices = @transform_2, window_bounds = array<i64: 1, 256, 512>}, {transform_indices = @transform_3, window_bounds = array<i64: 1, 1, 2048>}, {transform_indices = @transform_4, window_bounds = array<i64: 1, 2048, 3>}, {transform_indices = @transform_5, window_bounds = array<i64: 512, 256>}]} {
    %get3A = arith.constant 0 : index
    %get3A_0 = arith.constant 0 : index
    %get3A_1 = arith.constant 0 : index
    %get3A_2 = vector.load %arg2[%get3A, %get3A_0, %get3A_1] : memref<1x2048x3xf32, #tpu.memory_space<vmem>>, vector<1x2048x3xf32>
    %get3A_3 = vector.shape_cast %get3A_2 : vector<1x2048x3xf32> to vector<2048x3xf32>
    %get3A_4 = arith.constant 0 : index
    %get3A_5 = arith.constant 0 : index
    %get3A_6 = arith.constant 0 : index
    %get3A_7 = vector.load %arg3[%get3A_4, %get3A_5, %get3A_6] : memref<1x3x1024xf32, #tpu.memory_space<vmem>>, vector<1x3x1024xf32>
    %get3A_8 = vector.shape_cast %get3A_7 : vector<1x3x1024xf32> to vector<3x1024xf32>
    %broadcast_in_dim3A = arith.constant 0.000000e+00 : f32
    %broadcast_in_dim3A_9 = vector.broadcast %broadcast_in_dim3A : f32 to vector<2048x1024xf32>
    %slice3A = vector.extract_strided_slice %get3A_3 {offsets = [0, 0], sizes = [2048, 1], strides = [1, 1]} : vector<2048x3xf32> to vector<2048x1xf32>
    %slice3A_10 = vector.extract_strided_slice %get3A_8 {offsets = [0, 0], sizes = [1, 1024], strides = [1, 1]} : vector<3x1024xf32> to vector<1x1024xf32>
    %sub3A = vector.broadcast %slice3A : vector<2048x1xf32> to vector<2048x1024xf32>
    %sub3A_11 = vector.broadcast %slice3A_10 : vector<1x1024xf32> to vector<2048x1024xf32>
    %sub3A_12 = arith.subf %sub3A, %sub3A_11 : vector<2048x1024xf32>
    %mul3A = arith.mulf %sub3A_12, %sub3A_12 : vector<2048x1024xf32>
    %add3A = arith.addf %broadcast_in_dim3A_9, %mul3A : vector<2048x1024xf32>
    %slice3A_13 = vector.extract_strided_slice %get3A_3 {offsets = [0, 1], sizes = [2048, 1], strides = [1, 1]} : vector<2048x3xf32> to vector<2048x1xf32>
    %slice3A_14 = vector.extract_strided_slice %get3A_8 {offsets = [1, 0], sizes = [1, 1024], strides = [1, 1]} : vector<3x1024xf32> to vector<1x1024xf32>
    %sub3A_15 = vector.broadcast %slice3A_13 : vector<2048x1xf32> to vector<2048x1024xf32>
    %sub3A_16 = vector.broadcast %slice3A_14 : vector<1x1024xf32> to vector<2048x1024xf32>
    %sub3A_17 = arith.subf %sub3A_15, %sub3A_16 : vector<2048x1024xf32>
    %mul3A_18 = arith.mulf %sub3A_17, %sub3A_17 : vector<2048x1024xf32>
    %add3A_19 = arith.addf %add3A, %mul3A_18 : vector<2048x1024xf32>
    %slice3A_20 = vector.extract_strided_slice %get3A_3 {offsets = [0, 2], sizes = [2048, 1], strides = [1, 1]} : vector<2048x3xf32> to vector<2048x1xf32>
    %slice3A_21 = vector.extract_strided_slice %get3A_8 {offsets = [2, 0], sizes = [1, 1024], strides = [1, 1]} : vector<3x1024xf32> to vector<1x1024xf32>
    %sub3A_22 = vector.broadcast %slice3A_20 : vector<2048x1xf32> to vector<2048x1024xf32>
    %sub3A_23 = vector.broadcast %slice3A_21 : vector<1x1024xf32> to vector<2048x1024xf32>
    %sub3A_24 = arith.subf %sub3A_22, %sub3A_23 : vector<2048x1024xf32>
    %mul3A_25 = arith.mulf %sub3A_24, %sub3A_24 : vector<2048x1024xf32>
    %add3A_26 = arith.addf %add3A_19, %mul3A_25 : vector<2048x1024xf32>
    %iota3A = tpu.iota {dimensions = array<i32: 1>} : vector<2048x1024xi32>
    %convert_element_type3A = arith.sitofp %iota3A : vector<2048x1024xi32> to vector<2048x1024xf32>
    %reduce_min3A = arith.constant dense<0x7F800000> : vector<2048xf32>
    %reduce_min3A_27 = vector.multi_reduction <minimumf>, %add3A_26, %reduce_min3A [1] : vector<2048x1024xf32> to vector<2048xf32>
    %broadcast_in_dim3A_28 = vector.shape_cast %reduce_min3A_27 : vector<2048xf32> to vector<2048x1xf32>
    %eq3A = vector.broadcast %broadcast_in_dim3A_28 : vector<2048x1xf32> to vector<2048x1024xf32>
    %eq3A_29 = arith.cmpf oeq, %add3A_26, %eq3A : vector<2048x1024xf32>
    %jit3A = arith.constant 1.024000e+03 : f32
    %broadcast_in_dim3A_30 = vector.broadcast %jit3A : f32 to vector<2048x1024xf32>
    %select_n3A = arith.select %eq3A_29, %convert_element_type3A, %broadcast_in_dim3A_30 : vector<2048x1024xi1>, vector<2048x1024xf32>
    %reduce_min3A_31 = arith.constant dense<0x7F800000> : vector<2048xf32>
    %reduce_min3A_32 = vector.multi_reduction <minimumf>, %select_n3A, %reduce_min3A_31 [1] : vector<2048x1024xf32> to vector<2048xf32>
    %broadcast_in_dim3A_33 = vector.shape_cast %reduce_min3A_32 : vector<2048xf32> to vector<2048x1xf32>
    %convert_element_type3A_34 = arith.fptosi %broadcast_in_dim3A_33 : vector<2048x1xf32> to vector<2048x1xi32>
    %jit3A_35 = arith.constant 3.000000e+38 : f32
    %broadcast_in_dim3A_36 = vector.broadcast %jit3A_35 : f32 to vector<2048x1024xf32>
    %select_n3A_37 = arith.select %eq3A_29, %broadcast_in_dim3A_36, %add3A_26 : vector<2048x1024xi1>, vector<2048x1024xf32>
    %reduce_min3A_38 = arith.constant dense<0x7F800000> : vector<2048xf32>
    %reduce_min3A_39 = vector.multi_reduction <minimumf>, %select_n3A_37, %reduce_min3A_38 [1] : vector<2048x1024xf32> to vector<2048xf32>
    %broadcast_in_dim3A_40 = vector.shape_cast %reduce_min3A_39 : vector<2048xf32> to vector<2048x1xf32>
    %eq3A_41 = vector.broadcast %broadcast_in_dim3A_40 : vector<2048x1xf32> to vector<2048x1024xf32>
    %eq3A_42 = arith.cmpf oeq, %select_n3A_37, %eq3A_41 : vector<2048x1024xf32>
    %jit3A_43 = arith.constant 1.024000e+03 : f32
    %broadcast_in_dim3A_44 = vector.broadcast %jit3A_43 : f32 to vector<2048x1024xf32>
    %select_n3A_45 = arith.select %eq3A_42, %convert_element_type3A, %broadcast_in_dim3A_44 : vector<2048x1024xi1>, vector<2048x1024xf32>
    %reduce_min3A_46 = arith.constant dense<0x7F800000> : vector<2048xf32>
    %reduce_min3A_47 = vector.multi_reduction <minimumf>, %select_n3A_45, %reduce_min3A_46 [1] : vector<2048x1024xf32> to vector<2048xf32>
    %broadcast_in_dim3A_48 = vector.shape_cast %reduce_min3A_47 : vector<2048xf32> to vector<2048x1xf32>
    %convert_element_type3A_49 = arith.fptosi %broadcast_in_dim3A_48 : vector<2048x1xf32> to vector<2048x1xi32>
    %jit3A_50 = arith.constant 3.000000e+38 : f32
    %broadcast_in_dim3A_51 = vector.broadcast %jit3A_50 : f32 to vector<2048x1024xf32>
    %select_n3A_52 = arith.select %eq3A_42, %broadcast_in_dim3A_51, %select_n3A_37 : vector<2048x1024xi1>, vector<2048x1024xf32>
    %reduce_min3A_53 = arith.constant dense<0x7F800000> : vector<2048xf32>
    %reduce_min3A_54 = vector.multi_reduction <minimumf>, %select_n3A_52, %reduce_min3A_53 [1] : vector<2048x1024xf32> to vector<2048xf32>
    %broadcast_in_dim3A_55 = vector.shape_cast %reduce_min3A_54 : vector<2048xf32> to vector<2048x1xf32>
    %eq3A_56 = vector.broadcast %broadcast_in_dim3A_55 : vector<2048x1xf32> to vector<2048x1024xf32>
    %eq3A_57 = arith.cmpf oeq, %select_n3A_52, %eq3A_56 : vector<2048x1024xf32>
    %jit3A_58 = arith.constant 1.024000e+03 : f32
    %broadcast_in_dim3A_59 = vector.broadcast %jit3A_58 : f32 to vector<2048x1024xf32>
    %select_n3A_60 = arith.select %eq3A_57, %convert_element_type3A, %broadcast_in_dim3A_59 : vector<2048x1024xi1>, vector<2048x1024xf32>
    %reduce_min3A_61 = arith.constant dense<0x7F800000> : vector<2048xf32>
    %reduce_min3A_62 = vector.multi_reduction <minimumf>, %select_n3A_60, %reduce_min3A_61 [1] : vector<2048x1024xf32> to vector<2048xf32>
    %broadcast_in_dim3A_63 = vector.shape_cast %reduce_min3A_62 : vector<2048xf32> to vector<2048x1xf32>
    %convert_element_type3A_64 = arith.fptosi %broadcast_in_dim3A_63 : vector<2048x1xf32> to vector<2048x1xi32>
    %add3A_65 = arith.constant 9.99999993E-9 : f32
    %add3A_66 = vector.broadcast %add3A_65 : f32 to vector<2048x1xf32>
    %add3A_67 = arith.addf %broadcast_in_dim3A_28, %add3A_66 : vector<2048x1xf32>
    %div3A = arith.constant 1.000000e+00 : f32
    %div3A_68 = vector.broadcast %div3A : f32 to vector<2048x1xf32>
    %div3A_69 = arith.divf %div3A_68, %add3A_67 : vector<2048x1xf32>
    %add3A_70 = arith.constant 9.99999993E-9 : f32
    %add3A_71 = vector.broadcast %add3A_70 : f32 to vector<2048x1xf32>
    %add3A_72 = arith.addf %broadcast_in_dim3A_40, %add3A_71 : vector<2048x1xf32>
    %div3A_73 = arith.constant 1.000000e+00 : f32
    %div3A_74 = vector.broadcast %div3A_73 : f32 to vector<2048x1xf32>
    %div3A_75 = arith.divf %div3A_74, %add3A_72 : vector<2048x1xf32>
    %add3A_76 = arith.constant 9.99999993E-9 : f32
    %add3A_77 = vector.broadcast %add3A_76 : f32 to vector<2048x1xf32>
    %add3A_78 = arith.addf %broadcast_in_dim3A_55, %add3A_77 : vector<2048x1xf32>
    %div3A_79 = arith.constant 1.000000e+00 : f32
    %div3A_80 = vector.broadcast %div3A_79 : f32 to vector<2048x1xf32>
    %div3A_81 = arith.divf %div3A_80, %add3A_78 : vector<2048x1xf32>
    %add3A_82 = arith.addf %div3A_69, %div3A_75 : vector<2048x1xf32>
    %add3A_83 = arith.addf %add3A_82, %div3A_81 : vector<2048x1xf32>
    %shift_left3A = arith.constant 20 : i32
    %shift_left3A_84 = vector.broadcast %shift_left3A : i32 to vector<2048x1xi32>
    %shift_left3A_85 = arith.shli %convert_element_type3A_34, %shift_left3A_84 : vector<2048x1xi32>
    %shift_left3A_86 = arith.constant 10 : i32
    %shift_left3A_87 = vector.broadcast %shift_left3A_86 : i32 to vector<2048x1xi32>
    %shift_left3A_88 = arith.shli %convert_element_type3A_49, %shift_left3A_87 : vector<2048x1xi32>
    %add3A_89 = arith.addi %shift_left3A_85, %shift_left3A_88 : vector<2048x1xi32>
    %add3A_90 = arith.addi %add3A_89, %convert_element_type3A_64 : vector<2048x1xi32>
    %reshape3A = vector.shape_cast %add3A_90 : vector<2048x1xi32> to vector<2048xi32>
    %swap3A = arith.constant 0 : index
    %swap3A_91 = arith.constant 0 : index
    %swap3A_92 = arith.constant 0 : index
    %swap3A_93 = vector.load %arg5[%swap3A, %swap3A_91, %swap3A_92] : memref<1x1x2048xi32, #tpu.memory_space<vmem>>, vector<1x1x2048xi32>
    %swap3A_94 = vector.shape_cast %swap3A_93 : vector<1x1x2048xi32> to vector<2048xi32>
    %swap3A_95 = vector.shape_cast %reshape3A : vector<2048xi32> to vector<1x1x2048xi32>
    tpu.vector_store %arg5[%swap3A, %swap3A_91, %swap3A_92], %swap3A_95 {strides = array<i32>} : memref<1x1x2048xi32, #tpu.memory_space<vmem>>, vector<1x1x2048xi32>,
    %div3A_96 = arith.divf %div3A_69, %add3A_83 : vector<2048x1xf32>
    %div3A_97 = arith.divf %div3A_75, %add3A_83 : vector<2048x1xf32>
    %div3A_98 = arith.divf %div3A_81, %add3A_83 : vector<2048x1xf32>
    %concatenate3A = tpu.concatenate %div3A_96, %div3A_97, %div3A_98 in 1 : vector<2048x1xf32>, vector<2048x1xf32>, vector<2048x1xf32> -> vector<2048x3xf32>
    %swap3A_99 = arith.constant 0 : index
    %swap3A_100 = arith.constant 0 : index
    %swap3A_101 = arith.constant 0 : index
    %swap3A_102 = vector.load %arg6[%swap3A_99, %swap3A_100, %swap3A_101] : memref<1x2048x3xf32, #tpu.memory_space<vmem>>, vector<1x2048x3xf32>
    %swap3A_103 = vector.shape_cast %swap3A_102 : vector<1x2048x3xf32> to vector<2048x3xf32>
    %swap3A_104 = vector.shape_cast %concatenate3A : vector<2048x3xf32> to vector<1x2048x3xf32>
    tpu.vector_store %arg6[%swap3A_99, %swap3A_100, %swap3A_101], %swap3A_104 {strides = array<i32>} : memref<1x2048x3xf32, #tpu.memory_space<vmem>>, vector<1x2048x3xf32>,
    %get3A_105 = arith.constant 0 : index
    %get3A_106 = arith.constant 0 : index
    %get3A_107 = arith.constant 0 : index
    %get3A_108 = vector.load %arg4[%get3A_105, %get3A_106, %get3A_107] : memref<1x256x512xf32, #tpu.memory_space<vmem>>, vector<1x256x512xf32>
    %get3A_109 = vector.shape_cast %get3A_108 : vector<1x256x512xf32> to vector<256x512xf32>
    %transpose3A = tpu.transpose %get3A_109, [1, 0] : vector<256x512xf32> -> vector<512x256xf32>
    %swap3A_110 = arith.constant 0 : index
    %swap3A_111 = arith.constant 0 : index
    %swap3A_112 = vector.load %arg7[%swap3A_110, %swap3A_111] : memref<512x256xf32, #tpu.memory_space<vmem>>, vector<512x256xf32>
    tpu.vector_store %arg7[%swap3A_110, %swap3A_111], %transpose3A {strides = array<i32>} : memref<512x256xf32, #tpu.memory_space<vmem>>, vector<512x256xf32>,
    return
  }
  func.func @transform_0(%arg0: i32, %arg1: i32) -> (i32, i32, i32) {
    %add3A = arith.constant 6 : i32
    %add3A_0 = arith.addi %arg0, %add3A : i32
    %c0_i32 = arith.constant 0 : i32
    %c0_i32_1 = arith.constant 0 : i32
    return %add3A_0, %arg1, %c0_i32 : i32, i32, i32
  }
  func.func @transform_1(%arg0: i32, %arg1: i32) -> (i32, i32, i32) {
    %add3A = arith.constant 6 : i32
    %add3A_0 = arith.addi %arg0, %add3A : i32
    %c0_i32 = arith.constant 0 : i32
    %c0_i32_1 = arith.constant 0 : i32
    %c0_i32_2 = arith.constant 0 : i32
    return %add3A_0, %c0_i32, %c0_i32_1 : i32, i32, i32
  }
  func.func @transform_2(%arg0: i32, %arg1: i32) -> (i32, i32, i32) {
    %add3A = arith.constant 6 : i32
    %add3A_0 = arith.addi %arg0, %add3A : i32
    %c0_i32 = arith.constant 0 : i32
    %c0_i32_1 = arith.constant 0 : i32
    return %add3A_0, %c0_i32, %arg1 : i32, i32, i32
  }
  func.func @transform_3(%arg0: i32, %arg1: i32) -> (i32, i32, i32) {
    %c0_i32 = arith.constant 0 : i32
    %c0_i32_0 = arith.constant 0 : i32
    return %arg0, %c0_i32, %arg1 : i32, i32, i32
  }
  func.func @transform_4(%arg0: i32, %arg1: i32) -> (i32, i32, i32) {
    %c0_i32 = arith.constant 0 : i32
    %c0_i32_0 = arith.constant 0 : i32
    return %arg0, %arg1, %c0_i32 : i32, i32, i32
  }
  func.func @transform_5(%arg0: i32, %arg1: i32) -> (i32, i32) {
    %mul3A = arith.constant 2 : i32
    %mul3A_0 = arith.muli %arg0, %mul3A : i32
    %add3A = arith.addi %mul3A_0, %arg1 : i32
    %c0_i32 = arith.constant 0 : i32
    %c0_i32_1 = arith.constant 0 : i32
    return %add3A, %c0_i32 : i32, i32
  }
}

module attributes {stable_mosaic.version = 14 : i64} {
  func.func @_mlp_body(%arg0: i32, %arg1: i32, %arg2: memref<2048x256xf32, #tpu.memory_space<vmem>>, %arg3: memref<2048x256xf32, #tpu.memory_space<vmem>>, %arg4: memref<2048x256xf32, #tpu.memory_space<vmem>>, %arg5: memref<1x2048x3xf32, #tpu.memory_space<vmem>>, %arg6: memref<1x128x2048xf32, #tpu.memory_space<vmem>>, %arg7: memref<384x256xf32, #tpu.memory_space<vmem>>, %arg8: memref<256x256xf32, #tpu.memory_space<vmem>>, %arg9: memref<1x256x2048xf32, #tpu.memory_space<vmem>>) attributes {dimension_semantics = [#tpu.dimension_semantics<arbitrary>, #tpu.dimension_semantics<arbitrary>], iteration_bounds = array<i64: 2, 2>, scalar_prefetch = 0 : i64, scratch_operands = 0 : i64, tpu.core_type = #tpu.core_type<tc>, window_params = [{transform_indices = @transform_0, window_bounds = array<i64: 2048, 256>}, {transform_indices = @transform_1, window_bounds = array<i64: 2048, 256>}, {transform_indices = @transform_2, window_bounds = array<i64: 2048, 256>}, {transform_indices = @transform_3, window_bounds = array<i64: 1, 2048, 3>}, {transform_indices = @transform_4, window_bounds = array<i64: 1, 128, 2048>}, {pipeline_mode = #tpu.pipeline_mode<synchronous>, transform_indices = @transform_5, window_bounds = array<i64: 384, 256>}, {pipeline_mode = #tpu.pipeline_mode<synchronous>, transform_indices = @transform_6, window_bounds = array<i64: 256, 256>}, {transform_indices = @transform_7, window_bounds = array<i64: 1, 256, 2048>}]} {
    %get3A = arith.constant 0 : index
    %get3A_0 = arith.constant 0 : index
    %get3A_1 = arith.constant 0 : index
    %get3A_2 = vector.load %arg5[%get3A, %get3A_0, %get3A_1] : memref<1x2048x3xf32, #tpu.memory_space<vmem>>, vector<1x2048x3xf32>
    %get3A_3 = vector.shape_cast %get3A_2 : vector<1x2048x3xf32> to vector<2048x3xf32>
    %slice3A = vector.extract_strided_slice %get3A_3 {offsets = [0, 0], sizes = [2048, 1], strides = [1, 1]} : vector<2048x3xf32> to vector<2048x1xf32>
    %get3A_4 = arith.constant 0 : index
    %get3A_5 = arith.constant 0 : index
    %get3A_6 = vector.load %arg2[%get3A_4, %get3A_5] : memref<2048x256xf32, #tpu.memory_space<vmem>>, vector<2048x256xf32>
    %mul3A = vector.broadcast %slice3A : vector<2048x1xf32> to vector<2048x256xf32>
    %mul3A_7 = arith.mulf %mul3A, %get3A_6 : vector<2048x256xf32>
    %slice3A_8 = vector.extract_strided_slice %get3A_3 {offsets = [0, 1], sizes = [2048, 1], strides = [1, 1]} : vector<2048x3xf32> to vector<2048x1xf32>
    %get3A_9 = arith.constant 0 : index
    %get3A_10 = arith.constant 0 : index
    %get3A_11 = vector.load %arg3[%get3A_9, %get3A_10] : memref<2048x256xf32, #tpu.memory_space<vmem>>, vector<2048x256xf32>
    %mul3A_12 = vector.broadcast %slice3A_8 : vector<2048x1xf32> to vector<2048x256xf32>
    %mul3A_13 = arith.mulf %mul3A_12, %get3A_11 : vector<2048x256xf32>
    %add3A = arith.addf %mul3A_7, %mul3A_13 : vector<2048x256xf32>
    %slice3A_14 = vector.extract_strided_slice %get3A_3 {offsets = [0, 2], sizes = [2048, 1], strides = [1, 1]} : vector<2048x3xf32> to vector<2048x1xf32>
    %get3A_15 = arith.constant 0 : index
    %get3A_16 = arith.constant 0 : index
    %get3A_17 = vector.load %arg4[%get3A_15, %get3A_16] : memref<2048x256xf32, #tpu.memory_space<vmem>>, vector<2048x256xf32>
    %mul3A_18 = vector.broadcast %slice3A_14 : vector<2048x1xf32> to vector<2048x256xf32>
    %mul3A_19 = arith.mulf %mul3A_18, %get3A_17 : vector<2048x256xf32>
    %add3A_20 = arith.addf %add3A, %mul3A_19 : vector<2048x256xf32>
    %get3A_21 = arith.constant 0 : index
    %get3A_22 = arith.constant 0 : index
    %get3A_23 = vector.load %arg7[%get3A_21, %get3A_22] : memref<384x256xf32, #tpu.memory_space<vmem>>, vector<256x256xf32>
    %get3A_24 = arith.constant 256 : index
    %get3A_25 = arith.constant 0 : index
    %get3A_26 = vector.load %arg7[%get3A_24, %get3A_25] : memref<384x256xf32, #tpu.memory_space<vmem>>, vector<128x256xf32>
    %dot_general3A = arith.constant dense<0.000000e+00> : vector<256x2048xf32>
    %dot_general3A_27 = tpu.matmul %get3A_23, %add3A_20, %dot_general3A {dimension_numbers = #tpu.dot_dimension_numbers<[0], [1], [1], [0], [0, 1, 1, 0], [], []>, transpose_lhs_hint = false} : vector<256x256xf32>, vector<2048x256xf32>, vector<256x2048xf32> -> vector<256x2048xf32>
    %get3A_28 = arith.constant 0 : index
    %get3A_29 = arith.constant 0 : index
    %get3A_30 = arith.constant 0 : index
    %get3A_31 = vector.load %arg6[%get3A_28, %get3A_29, %get3A_30] : memref<1x128x2048xf32, #tpu.memory_space<vmem>>, vector<1x128x2048xf32>
    %get3A_32 = vector.shape_cast %get3A_31 : vector<1x128x2048xf32> to vector<128x2048xf32>
    %dot_general3A_33 = arith.constant dense<0.000000e+00> : vector<256x2048xf32>
    %dot_general3A_34 = tpu.matmul %get3A_26, %get3A_32, %dot_general3A_33 {dimension_numbers = #tpu.dot_dimension_numbers<[0], [0], [1], [1], [0, 1, 1, 1], [], []>, transpose_lhs_hint = false} : vector<128x256xf32>, vector<128x2048xf32>, vector<256x2048xf32> -> vector<256x2048xf32>
    %add3A_35 = arith.addf %dot_general3A_27, %dot_general3A_34 : vector<256x2048xf32>
    %max3A = arith.constant 0.000000e+00 : f32
    %max3A_36 = vector.broadcast %max3A : f32 to vector<256x2048xf32>
    %max3A_37 = arith.maximumf %add3A_35, %max3A_36 : vector<256x2048xf32>
    %get3A_38 = arith.constant 0 : index
    %get3A_39 = arith.constant 0 : index
    %get3A_40 = vector.load %arg8[%get3A_38, %get3A_39] : memref<256x256xf32, #tpu.memory_space<vmem>>, vector<256x256xf32>
    %dot_general3A_41 = arith.constant dense<0.000000e+00> : vector<256x2048xf32>
    %dot_general3A_42 = tpu.matmul %get3A_40, %max3A_37, %dot_general3A_41 {dimension_numbers = #tpu.dot_dimension_numbers<[0], [0], [1], [1], [0, 1, 1, 1], [], []>, transpose_lhs_hint = false} : vector<256x256xf32>, vector<256x2048xf32>, vector<256x2048xf32> -> vector<256x2048xf32>
    %max3A_43 = arith.constant 0.000000e+00 : f32
    %max3A_44 = vector.broadcast %max3A_43 : f32 to vector<256x2048xf32>
    %max3A_45 = arith.maximumf %dot_general3A_42, %max3A_44 : vector<256x2048xf32>
    %swap3A = arith.constant 0 : index
    %swap3A_46 = arith.constant 0 : index
    %swap3A_47 = arith.constant 0 : index
    %swap3A_48 = vector.load %arg9[%swap3A, %swap3A_46, %swap3A_47] : memref<1x256x2048xf32, #tpu.memory_space<vmem>>, vector<1x256x2048xf32>
    %swap3A_49 = vector.shape_cast %swap3A_48 : vector<1x256x2048xf32> to vector<256x2048xf32>
    %swap3A_50 = vector.shape_cast %max3A_45 : vector<256x2048xf32> to vector<1x256x2048xf32>
    tpu.vector_store %arg9[%swap3A, %swap3A_46, %swap3A_47], %swap3A_50 {strides = array<i32>} : memref<1x256x2048xf32, #tpu.memory_space<vmem>>, vector<1x256x2048xf32>,
    return
  }
  func.func @transform_0(%arg0: i32, %arg1: i32) -> (i32, i32) {
    %mul3A = arith.constant 2 : i32
    %mul3A_0 = arith.muli %arg0, %mul3A : i32
    %add3A = arith.addi %mul3A_0, %arg1 : i32
    %c0_i32 = arith.constant 0 : i32
    %c0_i32_1 = arith.constant 0 : i32
    return %add3A, %c0_i32 : i32, i32
  }
  func.func @transform_1(%arg0: i32, %arg1: i32) -> (i32, i32) {
    %mul3A = arith.constant 2 : i32
    %mul3A_0 = arith.muli %arg0, %mul3A : i32
    %add3A = arith.addi %mul3A_0, %arg1 : i32
    %c0_i32 = arith.constant 0 : i32
    %c0_i32_1 = arith.constant 0 : i32
    return %add3A, %c0_i32 : i32, i32
  }
  func.func @transform_2(%arg0: i32, %arg1: i32) -> (i32, i32) {
    %mul3A = arith.constant 2 : i32
    %mul3A_0 = arith.muli %arg0, %mul3A : i32
    %add3A = arith.addi %mul3A_0, %arg1 : i32
    %c0_i32 = arith.constant 0 : i32
    %c0_i32_1 = arith.constant 0 : i32
    return %add3A, %c0_i32 : i32, i32
  }
  func.func @transform_3(%arg0: i32, %arg1: i32) -> (i32, i32, i32) {
    %c0_i32 = arith.constant 0 : i32
    %c0_i32_0 = arith.constant 0 : i32
    return %arg0, %arg1, %c0_i32 : i32, i32, i32
  }
  func.func @transform_4(%arg0: i32, %arg1: i32) -> (i32, i32, i32) {
    %add3A = arith.constant 0 : i32
    %add3A_0 = arith.addi %arg0, %add3A : i32
    %c0_i32 = arith.constant 0 : i32
    %c0_i32_1 = arith.constant 0 : i32
    return %add3A_0, %c0_i32, %arg1 : i32, i32, i32
  }
  func.func @transform_5(%arg0: i32, %arg1: i32) -> (i32, i32) {
    %c0_i32 = arith.constant 0 : i32
    %c0_i32_0 = arith.constant 0 : i32
    %c0_i32_1 = arith.constant 0 : i32
    return %c0_i32, %c0_i32_0 : i32, i32
  }
  func.func @transform_6(%arg0: i32, %arg1: i32) -> (i32, i32) {
    %c0_i32 = arith.constant 0 : i32
    %c0_i32_0 = arith.constant 0 : i32
    %c0_i32_1 = arith.constant 0 : i32
    return %c0_i32, %c0_i32_0 : i32, i32
  }
  func.func @transform_7(%arg0: i32, %arg1: i32) -> (i32, i32, i32) {
    %add3A = arith.constant 0 : i32
    %add3A_0 = arith.addi %arg0, %add3A : i32
    %c0_i32 = arith.constant 0 : i32
    %c0_i32_1 = arith.constant 0 : i32
    return %add3A_0, %c0_i32, %arg1 : i32, i32, i32
  }
}

module attributes {stable_mosaic.version = 14 : i64} {
  func.func @_mlp_body(%arg0: i32, %arg1: i32, %arg2: memref<2048x256xf32, #tpu.memory_space<vmem>>, %arg3: memref<2048x256xf32, #tpu.memory_space<vmem>>, %arg4: memref<2048x256xf32, #tpu.memory_space<vmem>>, %arg5: memref<1x2048x3xf32, #tpu.memory_space<vmem>>, %arg6: memref<1x128x2048xf32, #tpu.memory_space<vmem>>, %arg7: memref<384x256xf32, #tpu.memory_space<vmem>>, %arg8: memref<256x256xf32, #tpu.memory_space<vmem>>, %arg9: memref<8x256x4096xf32, #tpu.memory_space<any>>, %arg10: memref<1x256x2048xf32, #tpu.memory_space<vmem>>) attributes {dimension_semantics = [#tpu.dimension_semantics<arbitrary>, #tpu.dimension_semantics<arbitrary>], iteration_bounds = array<i64: 2, 2>, scalar_prefetch = 0 : i64, scratch_operands = 0 : i64, tpu.core_type = #tpu.core_type<tc>, window_params = [{transform_indices = @transform_0, window_bounds = array<i64: 2048, 256>}, {transform_indices = @transform_1, window_bounds = array<i64: 2048, 256>}, {transform_indices = @transform_2, window_bounds = array<i64: 2048, 256>}, {transform_indices = @transform_3, window_bounds = array<i64: 1, 2048, 3>}, {transform_indices = @transform_4, window_bounds = array<i64: 1, 128, 2048>}, {pipeline_mode = #tpu.pipeline_mode<synchronous>, transform_indices = @transform_5, window_bounds = array<i64: 384, 256>}, {pipeline_mode = #tpu.pipeline_mode<synchronous>, transform_indices = @transform_6, window_bounds = array<i64: 256, 256>}, {}, {transform_indices = @transform_8, window_bounds = array<i64: 1, 256, 2048>}]} {
    %get3A = arith.constant 0 : index
    %get3A_0 = arith.constant 0 : index
    %get3A_1 = arith.constant 0 : index
    %get3A_2 = vector.load %arg5[%get3A, %get3A_0, %get3A_1] : memref<1x2048x3xf32, #tpu.memory_space<vmem>>, vector<1x2048x3xf32>
    %get3A_3 = vector.shape_cast %get3A_2 : vector<1x2048x3xf32> to vector<2048x3xf32>
    %slice3A = vector.extract_strided_slice %get3A_3 {offsets = [0, 0], sizes = [2048, 1], strides = [1, 1]} : vector<2048x3xf32> to vector<2048x1xf32>
    %get3A_4 = arith.constant 0 : index
    %get3A_5 = arith.constant 0 : index
    %get3A_6 = vector.load %arg2[%get3A_4, %get3A_5] : memref<2048x256xf32, #tpu.memory_space<vmem>>, vector<2048x256xf32>
    %mul3A = vector.broadcast %slice3A : vector<2048x1xf32> to vector<2048x256xf32>
    %mul3A_7 = arith.mulf %mul3A, %get3A_6 : vector<2048x256xf32>
    %slice3A_8 = vector.extract_strided_slice %get3A_3 {offsets = [0, 1], sizes = [2048, 1], strides = [1, 1]} : vector<2048x3xf32> to vector<2048x1xf32>
    %get3A_9 = arith.constant 0 : index
    %get3A_10 = arith.constant 0 : index
    %get3A_11 = vector.load %arg3[%get3A_9, %get3A_10] : memref<2048x256xf32, #tpu.memory_space<vmem>>, vector<2048x256xf32>
    %mul3A_12 = vector.broadcast %slice3A_8 : vector<2048x1xf32> to vector<2048x256xf32>
    %mul3A_13 = arith.mulf %mul3A_12, %get3A_11 : vector<2048x256xf32>
    %add3A = arith.addf %mul3A_7, %mul3A_13 : vector<2048x256xf32>
    %slice3A_14 = vector.extract_strided_slice %get3A_3 {offsets = [0, 2], sizes = [2048, 1], strides = [1, 1]} : vector<2048x3xf32> to vector<2048x1xf32>
    %get3A_15 = arith.constant 0 : index
    %get3A_16 = arith.constant 0 : index
    %get3A_17 = vector.load %arg4[%get3A_15, %get3A_16] : memref<2048x256xf32, #tpu.memory_space<vmem>>, vector<2048x256xf32>
    %mul3A_18 = vector.broadcast %slice3A_14 : vector<2048x1xf32> to vector<2048x256xf32>
    %mul3A_19 = arith.mulf %mul3A_18, %get3A_17 : vector<2048x256xf32>
    %add3A_20 = arith.addf %add3A, %mul3A_19 : vector<2048x256xf32>
    %get3A_21 = arith.constant 0 : index
    %get3A_22 = arith.constant 0 : index
    %get3A_23 = vector.load %arg7[%get3A_21, %get3A_22] : memref<384x256xf32, #tpu.memory_space<vmem>>, vector<256x256xf32>
    %get3A_24 = arith.constant 256 : index
    %get3A_25 = arith.constant 0 : index
    %get3A_26 = vector.load %arg7[%get3A_24, %get3A_25] : memref<384x256xf32, #tpu.memory_space<vmem>>, vector<128x256xf32>
    %dot_general3A = arith.constant dense<0.000000e+00> : vector<256x2048xf32>
    %dot_general3A_27 = tpu.matmul %get3A_23, %add3A_20, %dot_general3A {dimension_numbers = #tpu.dot_dimension_numbers<[0], [1], [1], [0], [0, 1, 1, 0], [], []>, transpose_lhs_hint = false} : vector<256x256xf32>, vector<2048x256xf32>, vector<256x2048xf32> -> vector<256x2048xf32>
    %get3A_28 = arith.constant 0 : index
    %get3A_29 = arith.constant 0 : index
    %get3A_30 = arith.constant 0 : index
    %get3A_31 = vector.load %arg6[%get3A_28, %get3A_29, %get3A_30] : memref<1x128x2048xf32, #tpu.memory_space<vmem>>, vector<1x128x2048xf32>
    %get3A_32 = vector.shape_cast %get3A_31 : vector<1x128x2048xf32> to vector<128x2048xf32>
    %dot_general3A_33 = arith.constant dense<0.000000e+00> : vector<256x2048xf32>
    %dot_general3A_34 = tpu.matmul %get3A_26, %get3A_32, %dot_general3A_33 {dimension_numbers = #tpu.dot_dimension_numbers<[0], [0], [1], [1], [0, 1, 1, 1], [], []>, transpose_lhs_hint = false} : vector<128x256xf32>, vector<128x2048xf32>, vector<256x2048xf32> -> vector<256x2048xf32>
    %add3A_35 = arith.addf %dot_general3A_27, %dot_general3A_34 : vector<256x2048xf32>
    %max3A = arith.constant 0.000000e+00 : f32
    %max3A_36 = vector.broadcast %max3A : f32 to vector<256x2048xf32>
    %max3A_37 = arith.maximumf %add3A_35, %max3A_36 : vector<256x2048xf32>
    %get3A_38 = arith.constant 0 : index
    %get3A_39 = arith.constant 0 : index
    %get3A_40 = vector.load %arg8[%get3A_38, %get3A_39] : memref<256x256xf32, #tpu.memory_space<vmem>>, vector<256x256xf32>
    %dot_general3A_41 = arith.constant dense<0.000000e+00> : vector<256x2048xf32>
    %dot_general3A_42 = tpu.matmul %get3A_40, %max3A_37, %dot_general3A_41 {dimension_numbers = #tpu.dot_dimension_numbers<[0], [0], [1], [1], [0, 1, 1, 1], [], []>, transpose_lhs_hint = false} : vector<256x256xf32>, vector<256x2048xf32>, vector<256x2048xf32> -> vector<256x2048xf32>
    %max3A_43 = arith.constant 0.000000e+00 : f32
    %max3A_44 = vector.broadcast %max3A_43 : f32 to vector<256x2048xf32>
    %max3A_45 = arith.maximumf %dot_general3A_42, %max3A_44 : vector<256x2048xf32>
    %swap3A = arith.constant 0 : index
    %swap3A_46 = arith.constant 0 : index
    %swap3A_47 = arith.constant 0 : index
    %swap3A_48 = vector.load %arg10[%swap3A, %swap3A_46, %swap3A_47] : memref<1x256x2048xf32, #tpu.memory_space<vmem>>, vector<1x256x2048xf32>
    %swap3A_49 = vector.shape_cast %swap3A_48 : vector<1x256x2048xf32> to vector<256x2048xf32>
    %swap3A_50 = vector.shape_cast %max3A_45 : vector<256x2048xf32> to vector<1x256x2048xf32>
    tpu.vector_store %arg10[%swap3A, %swap3A_46, %swap3A_47], %swap3A_50 {strides = array<i32>} : memref<1x256x2048xf32, #tpu.memory_space<vmem>>, vector<1x256x2048xf32>,
    return
  }
  func.func @transform_0(%arg0: i32, %arg1: i32) -> (i32, i32) {
    %mul3A = arith.constant 2 : i32
    %mul3A_0 = arith.muli %arg0, %mul3A : i32
    %add3A = arith.addi %mul3A_0, %arg1 : i32
    %c0_i32 = arith.constant 0 : i32
    %c0_i32_1 = arith.constant 0 : i32
    return %add3A, %c0_i32 : i32, i32
  }
  func.func @transform_1(%arg0: i32, %arg1: i32) -> (i32, i32) {
    %mul3A = arith.constant 2 : i32
    %mul3A_0 = arith.muli %arg0, %mul3A : i32
    %add3A = arith.addi %mul3A_0, %arg1 : i32
    %c0_i32 = arith.constant 0 : i32
    %c0_i32_1 = arith.constant 0 : i32
    return %add3A, %c0_i32 : i32, i32
  }
  func.func @transform_2(%arg0: i32, %arg1: i32) -> (i32, i32) {
    %mul3A = arith.constant 2 : i32
    %mul3A_0 = arith.muli %arg0, %mul3A : i32
    %add3A = arith.addi %mul3A_0, %arg1 : i32
    %c0_i32 = arith.constant 0 : i32
    %c0_i32_1 = arith.constant 0 : i32
    return %add3A, %c0_i32 : i32, i32
  }
  func.func @transform_3(%arg0: i32, %arg1: i32) -> (i32, i32, i32) {
    %c0_i32 = arith.constant 0 : i32
    %c0_i32_0 = arith.constant 0 : i32
    return %arg0, %arg1, %c0_i32 : i32, i32, i32
  }
  func.func @transform_4(%arg0: i32, %arg1: i32) -> (i32, i32, i32) {
    %add3A = arith.constant 2 : i32
    %add3A_0 = arith.addi %arg0, %add3A : i32
    %c0_i32 = arith.constant 0 : i32
    %c0_i32_1 = arith.constant 0 : i32
    return %add3A_0, %c0_i32, %arg1 : i32, i32, i32
  }
  func.func @transform_5(%arg0: i32, %arg1: i32) -> (i32, i32) {
    %c0_i32 = arith.constant 0 : i32
    %c0_i32_0 = arith.constant 0 : i32
    %c0_i32_1 = arith.constant 0 : i32
    return %c0_i32, %c0_i32_0 : i32, i32
  }
  func.func @transform_6(%arg0: i32, %arg1: i32) -> (i32, i32) {
    %c0_i32 = arith.constant 0 : i32
    %c0_i32_0 = arith.constant 0 : i32
    %c0_i32_1 = arith.constant 0 : i32
    return %c0_i32, %c0_i32_0 : i32, i32
  }
  func.func @transform_8(%arg0: i32, %arg1: i32) -> (i32, i32, i32) {
    %add3A = arith.constant 2 : i32
    %add3A_0 = arith.addi %arg0, %add3A : i32
    %c0_i32 = arith.constant 0 : i32
    %c0_i32_1 = arith.constant 0 : i32
    return %add3A_0, %c0_i32, %arg1 : i32, i32, i32
  }
}

module attributes {stable_mosaic.version = 14 : i64} {
  func.func @_mlp_body(%arg0: i32, %arg1: i32, %arg2: memref<2048x256xf32, #tpu.memory_space<vmem>>, %arg3: memref<2048x256xf32, #tpu.memory_space<vmem>>, %arg4: memref<2048x256xf32, #tpu.memory_space<vmem>>, %arg5: memref<1x2048x3xf32, #tpu.memory_space<vmem>>, %arg6: memref<1x128x2048xf32, #tpu.memory_space<vmem>>, %arg7: memref<384x256xf32, #tpu.memory_space<vmem>>, %arg8: memref<256x256xf32, #tpu.memory_space<vmem>>, %arg9: memref<8x256x4096xf32, #tpu.memory_space<any>>, %arg10: memref<1x256x2048xf32, #tpu.memory_space<vmem>>) attributes {dimension_semantics = [#tpu.dimension_semantics<arbitrary>, #tpu.dimension_semantics<arbitrary>], iteration_bounds = array<i64: 2, 2>, scalar_prefetch = 0 : i64, scratch_operands = 0 : i64, tpu.core_type = #tpu.core_type<tc>, window_params = [{transform_indices = @transform_0, window_bounds = array<i64: 2048, 256>}, {transform_indices = @transform_1, window_bounds = array<i64: 2048, 256>}, {transform_indices = @transform_2, window_bounds = array<i64: 2048, 256>}, {transform_indices = @transform_3, window_bounds = array<i64: 1, 2048, 3>}, {transform_indices = @transform_4, window_bounds = array<i64: 1, 128, 2048>}, {pipeline_mode = #tpu.pipeline_mode<synchronous>, transform_indices = @transform_5, window_bounds = array<i64: 384, 256>}, {pipeline_mode = #tpu.pipeline_mode<synchronous>, transform_indices = @transform_6, window_bounds = array<i64: 256, 256>}, {}, {transform_indices = @transform_8, window_bounds = array<i64: 1, 256, 2048>}]} {
    %get3A = arith.constant 0 : index
    %get3A_0 = arith.constant 0 : index
    %get3A_1 = arith.constant 0 : index
    %get3A_2 = vector.load %arg5[%get3A, %get3A_0, %get3A_1] : memref<1x2048x3xf32, #tpu.memory_space<vmem>>, vector<1x2048x3xf32>
    %get3A_3 = vector.shape_cast %get3A_2 : vector<1x2048x3xf32> to vector<2048x3xf32>
    %slice3A = vector.extract_strided_slice %get3A_3 {offsets = [0, 0], sizes = [2048, 1], strides = [1, 1]} : vector<2048x3xf32> to vector<2048x1xf32>
    %get3A_4 = arith.constant 0 : index
    %get3A_5 = arith.constant 0 : index
    %get3A_6 = vector.load %arg2[%get3A_4, %get3A_5] : memref<2048x256xf32, #tpu.memory_space<vmem>>, vector<2048x256xf32>
    %mul3A = vector.broadcast %slice3A : vector<2048x1xf32> to vector<2048x256xf32>
    %mul3A_7 = arith.mulf %mul3A, %get3A_6 : vector<2048x256xf32>
    %slice3A_8 = vector.extract_strided_slice %get3A_3 {offsets = [0, 1], sizes = [2048, 1], strides = [1, 1]} : vector<2048x3xf32> to vector<2048x1xf32>
    %get3A_9 = arith.constant 0 : index
    %get3A_10 = arith.constant 0 : index
    %get3A_11 = vector.load %arg3[%get3A_9, %get3A_10] : memref<2048x256xf32, #tpu.memory_space<vmem>>, vector<2048x256xf32>
    %mul3A_12 = vector.broadcast %slice3A_8 : vector<2048x1xf32> to vector<2048x256xf32>
    %mul3A_13 = arith.mulf %mul3A_12, %get3A_11 : vector<2048x256xf32>
    %add3A = arith.addf %mul3A_7, %mul3A_13 : vector<2048x256xf32>
    %slice3A_14 = vector.extract_strided_slice %get3A_3 {offsets = [0, 2], sizes = [2048, 1], strides = [1, 1]} : vector<2048x3xf32> to vector<2048x1xf32>
    %get3A_15 = arith.constant 0 : index
    %get3A_16 = arith.constant 0 : index
    %get3A_17 = vector.load %arg4[%get3A_15, %get3A_16] : memref<2048x256xf32, #tpu.memory_space<vmem>>, vector<2048x256xf32>
    %mul3A_18 = vector.broadcast %slice3A_14 : vector<2048x1xf32> to vector<2048x256xf32>
    %mul3A_19 = arith.mulf %mul3A_18, %get3A_17 : vector<2048x256xf32>
    %add3A_20 = arith.addf %add3A, %mul3A_19 : vector<2048x256xf32>
    %get3A_21 = arith.constant 0 : index
    %get3A_22 = arith.constant 0 : index
    %get3A_23 = vector.load %arg7[%get3A_21, %get3A_22] : memref<384x256xf32, #tpu.memory_space<vmem>>, vector<256x256xf32>
    %get3A_24 = arith.constant 256 : index
    %get3A_25 = arith.constant 0 : index
    %get3A_26 = vector.load %arg7[%get3A_24, %get3A_25] : memref<384x256xf32, #tpu.memory_space<vmem>>, vector<128x256xf32>
    %dot_general3A = arith.constant dense<0.000000e+00> : vector<256x2048xf32>
    %dot_general3A_27 = tpu.matmul %get3A_23, %add3A_20, %dot_general3A {dimension_numbers = #tpu.dot_dimension_numbers<[0], [1], [1], [0], [0, 1, 1, 0], [], []>, transpose_lhs_hint = false} : vector<256x256xf32>, vector<2048x256xf32>, vector<256x2048xf32> -> vector<256x2048xf32>
    %get3A_28 = arith.constant 0 : index
    %get3A_29 = arith.constant 0 : index
    %get3A_30 = arith.constant 0 : index
    %get3A_31 = vector.load %arg6[%get3A_28, %get3A_29, %get3A_30] : memref<1x128x2048xf32, #tpu.memory_space<vmem>>, vector<1x128x2048xf32>
    %get3A_32 = vector.shape_cast %get3A_31 : vector<1x128x2048xf32> to vector<128x2048xf32>
    %dot_general3A_33 = arith.constant dense<0.000000e+00> : vector<256x2048xf32>
    %dot_general3A_34 = tpu.matmul %get3A_26, %get3A_32, %dot_general3A_33 {dimension_numbers = #tpu.dot_dimension_numbers<[0], [0], [1], [1], [0, 1, 1, 1], [], []>, transpose_lhs_hint = false} : vector<128x256xf32>, vector<128x2048xf32>, vector<256x2048xf32> -> vector<256x2048xf32>
    %add3A_35 = arith.addf %dot_general3A_27, %dot_general3A_34 : vector<256x2048xf32>
    %max3A = arith.constant 0.000000e+00 : f32
    %max3A_36 = vector.broadcast %max3A : f32 to vector<256x2048xf32>
    %max3A_37 = arith.maximumf %add3A_35, %max3A_36 : vector<256x2048xf32>
    %get3A_38 = arith.constant 0 : index
    %get3A_39 = arith.constant 0 : index
    %get3A_40 = vector.load %arg8[%get3A_38, %get3A_39] : memref<256x256xf32, #tpu.memory_space<vmem>>, vector<256x256xf32>
    %dot_general3A_41 = arith.constant dense<0.000000e+00> : vector<256x2048xf32>
    %dot_general3A_42 = tpu.matmul %get3A_40, %max3A_37, %dot_general3A_41 {dimension_numbers = #tpu.dot_dimension_numbers<[0], [0], [1], [1], [0, 1, 1, 1], [], []>, transpose_lhs_hint = false} : vector<256x256xf32>, vector<256x2048xf32>, vector<256x2048xf32> -> vector<256x2048xf32>
    %max3A_43 = arith.constant 0.000000e+00 : f32
    %max3A_44 = vector.broadcast %max3A_43 : f32 to vector<256x2048xf32>
    %max3A_45 = arith.maximumf %dot_general3A_42, %max3A_44 : vector<256x2048xf32>
    %swap3A = arith.constant 0 : index
    %swap3A_46 = arith.constant 0 : index
    %swap3A_47 = arith.constant 0 : index
    %swap3A_48 = vector.load %arg10[%swap3A, %swap3A_46, %swap3A_47] : memref<1x256x2048xf32, #tpu.memory_space<vmem>>, vector<1x256x2048xf32>
    %swap3A_49 = vector.shape_cast %swap3A_48 : vector<1x256x2048xf32> to vector<256x2048xf32>
    %swap3A_50 = vector.shape_cast %max3A_45 : vector<256x2048xf32> to vector<1x256x2048xf32>
    tpu.vector_store %arg10[%swap3A, %swap3A_46, %swap3A_47], %swap3A_50 {strides = array<i32>} : memref<1x256x2048xf32, #tpu.memory_space<vmem>>, vector<1x256x2048xf32>,
    return
  }
  func.func @transform_0(%arg0: i32, %arg1: i32) -> (i32, i32) {
    %mul3A = arith.constant 2 : i32
    %mul3A_0 = arith.muli %arg0, %mul3A : i32
    %add3A = arith.addi %mul3A_0, %arg1 : i32
    %c0_i32 = arith.constant 0 : i32
    %c0_i32_1 = arith.constant 0 : i32
    return %add3A, %c0_i32 : i32, i32
  }
  func.func @transform_1(%arg0: i32, %arg1: i32) -> (i32, i32) {
    %mul3A = arith.constant 2 : i32
    %mul3A_0 = arith.muli %arg0, %mul3A : i32
    %add3A = arith.addi %mul3A_0, %arg1 : i32
    %c0_i32 = arith.constant 0 : i32
    %c0_i32_1 = arith.constant 0 : i32
    return %add3A, %c0_i32 : i32, i32
  }
  func.func @transform_2(%arg0: i32, %arg1: i32) -> (i32, i32) {
    %mul3A = arith.constant 2 : i32
    %mul3A_0 = arith.muli %arg0, %mul3A : i32
    %add3A = arith.addi %mul3A_0, %arg1 : i32
    %c0_i32 = arith.constant 0 : i32
    %c0_i32_1 = arith.constant 0 : i32
    return %add3A, %c0_i32 : i32, i32
  }
  func.func @transform_3(%arg0: i32, %arg1: i32) -> (i32, i32, i32) {
    %c0_i32 = arith.constant 0 : i32
    %c0_i32_0 = arith.constant 0 : i32
    return %arg0, %arg1, %c0_i32 : i32, i32, i32
  }
  func.func @transform_4(%arg0: i32, %arg1: i32) -> (i32, i32, i32) {
    %add3A = arith.constant 4 : i32
    %add3A_0 = arith.addi %arg0, %add3A : i32
    %c0_i32 = arith.constant 0 : i32
    %c0_i32_1 = arith.constant 0 : i32
    return %add3A_0, %c0_i32, %arg1 : i32, i32, i32
  }
  func.func @transform_5(%arg0: i32, %arg1: i32) -> (i32, i32) {
    %c0_i32 = arith.constant 0 : i32
    %c0_i32_0 = arith.constant 0 : i32
    %c0_i32_1 = arith.constant 0 : i32
    return %c0_i32, %c0_i32_0 : i32, i32
  }
  func.func @transform_6(%arg0: i32, %arg1: i32) -> (i32, i32) {
    %c0_i32 = arith.constant 0 : i32
    %c0_i32_0 = arith.constant 0 : i32
    %c0_i32_1 = arith.constant 0 : i32
    return %c0_i32, %c0_i32_0 : i32, i32
  }
  func.func @transform_8(%arg0: i32, %arg1: i32) -> (i32, i32, i32) {
    %add3A = arith.constant 4 : i32
    %add3A_0 = arith.addi %arg0, %add3A : i32
    %c0_i32 = arith.constant 0 : i32
    %c0_i32_1 = arith.constant 0 : i32
    return %add3A_0, %c0_i32, %arg1 : i32, i32, i32
  }
}

module attributes {stable_mosaic.version = 14 : i64} {
  func.func @_mlp_body(%arg0: i32, %arg1: i32, %arg2: memref<2048x256xf32, #tpu.memory_space<vmem>>, %arg3: memref<2048x256xf32, #tpu.memory_space<vmem>>, %arg4: memref<2048x256xf32, #tpu.memory_space<vmem>>, %arg5: memref<1x2048x3xf32, #tpu.memory_space<vmem>>, %arg6: memref<1x128x2048xf32, #tpu.memory_space<vmem>>, %arg7: memref<384x256xf32, #tpu.memory_space<vmem>>, %arg8: memref<256x256xf32, #tpu.memory_space<vmem>>, %arg9: memref<8x256x4096xf32, #tpu.memory_space<any>>, %arg10: memref<1x256x2048xf32, #tpu.memory_space<vmem>>) attributes {dimension_semantics = [#tpu.dimension_semantics<arbitrary>, #tpu.dimension_semantics<arbitrary>], iteration_bounds = array<i64: 2, 2>, scalar_prefetch = 0 : i64, scratch_operands = 0 : i64, tpu.core_type = #tpu.core_type<tc>, window_params = [{transform_indices = @transform_0, window_bounds = array<i64: 2048, 256>}, {transform_indices = @transform_1, window_bounds = array<i64: 2048, 256>}, {transform_indices = @transform_2, window_bounds = array<i64: 2048, 256>}, {transform_indices = @transform_3, window_bounds = array<i64: 1, 2048, 3>}, {transform_indices = @transform_4, window_bounds = array<i64: 1, 128, 2048>}, {pipeline_mode = #tpu.pipeline_mode<synchronous>, transform_indices = @transform_5, window_bounds = array<i64: 384, 256>}, {pipeline_mode = #tpu.pipeline_mode<synchronous>, transform_indices = @transform_6, window_bounds = array<i64: 256, 256>}, {}, {transform_indices = @transform_8, window_bounds = array<i64: 1, 256, 2048>}]} {
    %get3A = arith.constant 0 : index
    %get3A_0 = arith.constant 0 : index
    %get3A_1 = arith.constant 0 : index
    %get3A_2 = vector.load %arg5[%get3A, %get3A_0, %get3A_1] : memref<1x2048x3xf32, #tpu.memory_space<vmem>>, vector<1x2048x3xf32>
    %get3A_3 = vector.shape_cast %get3A_2 : vector<1x2048x3xf32> to vector<2048x3xf32>
    %slice3A = vector.extract_strided_slice %get3A_3 {offsets = [0, 0], sizes = [2048, 1], strides = [1, 1]} : vector<2048x3xf32> to vector<2048x1xf32>
    %get3A_4 = arith.constant 0 : index
    %get3A_5 = arith.constant 0 : index
    %get3A_6 = vector.load %arg2[%get3A_4, %get3A_5] : memref<2048x256xf32, #tpu.memory_space<vmem>>, vector<2048x256xf32>
    %mul3A = vector.broadcast %slice3A : vector<2048x1xf32> to vector<2048x256xf32>
    %mul3A_7 = arith.mulf %mul3A, %get3A_6 : vector<2048x256xf32>
    %slice3A_8 = vector.extract_strided_slice %get3A_3 {offsets = [0, 1], sizes = [2048, 1], strides = [1, 1]} : vector<2048x3xf32> to vector<2048x1xf32>
    %get3A_9 = arith.constant 0 : index
    %get3A_10 = arith.constant 0 : index
    %get3A_11 = vector.load %arg3[%get3A_9, %get3A_10] : memref<2048x256xf32, #tpu.memory_space<vmem>>, vector<2048x256xf32>
    %mul3A_12 = vector.broadcast %slice3A_8 : vector<2048x1xf32> to vector<2048x256xf32>
    %mul3A_13 = arith.mulf %mul3A_12, %get3A_11 : vector<2048x256xf32>
    %add3A = arith.addf %mul3A_7, %mul3A_13 : vector<2048x256xf32>
    %slice3A_14 = vector.extract_strided_slice %get3A_3 {offsets = [0, 2], sizes = [2048, 1], strides = [1, 1]} : vector<2048x3xf32> to vector<2048x1xf32>
    %get3A_15 = arith.constant 0 : index
    %get3A_16 = arith.constant 0 : index
    %get3A_17 = vector.load %arg4[%get3A_15, %get3A_16] : memref<2048x256xf32, #tpu.memory_space<vmem>>, vector<2048x256xf32>
    %mul3A_18 = vector.broadcast %slice3A_14 : vector<2048x1xf32> to vector<2048x256xf32>
    %mul3A_19 = arith.mulf %mul3A_18, %get3A_17 : vector<2048x256xf32>
    %add3A_20 = arith.addf %add3A, %mul3A_19 : vector<2048x256xf32>
    %get3A_21 = arith.constant 0 : index
    %get3A_22 = arith.constant 0 : index
    %get3A_23 = vector.load %arg7[%get3A_21, %get3A_22] : memref<384x256xf32, #tpu.memory_space<vmem>>, vector<256x256xf32>
    %get3A_24 = arith.constant 256 : index
    %get3A_25 = arith.constant 0 : index
    %get3A_26 = vector.load %arg7[%get3A_24, %get3A_25] : memref<384x256xf32, #tpu.memory_space<vmem>>, vector<128x256xf32>
    %dot_general3A = arith.constant dense<0.000000e+00> : vector<256x2048xf32>
    %dot_general3A_27 = tpu.matmul %get3A_23, %add3A_20, %dot_general3A {dimension_numbers = #tpu.dot_dimension_numbers<[0], [1], [1], [0], [0, 1, 1, 0], [], []>, transpose_lhs_hint = false} : vector<256x256xf32>, vector<2048x256xf32>, vector<256x2048xf32> -> vector<256x2048xf32>
    %get3A_28 = arith.constant 0 : index
    %get3A_29 = arith.constant 0 : index
    %get3A_30 = arith.constant 0 : index
    %get3A_31 = vector.load %arg6[%get3A_28, %get3A_29, %get3A_30] : memref<1x128x2048xf32, #tpu.memory_space<vmem>>, vector<1x128x2048xf32>
    %get3A_32 = vector.shape_cast %get3A_31 : vector<1x128x2048xf32> to vector<128x2048xf32>
    %dot_general3A_33 = arith.constant dense<0.000000e+00> : vector<256x2048xf32>
    %dot_general3A_34 = tpu.matmul %get3A_26, %get3A_32, %dot_general3A_33 {dimension_numbers = #tpu.dot_dimension_numbers<[0], [0], [1], [1], [0, 1, 1, 1], [], []>, transpose_lhs_hint = false} : vector<128x256xf32>, vector<128x2048xf32>, vector<256x2048xf32> -> vector<256x2048xf32>
    %add3A_35 = arith.addf %dot_general3A_27, %dot_general3A_34 : vector<256x2048xf32>
    %max3A = arith.constant 0.000000e+00 : f32
    %max3A_36 = vector.broadcast %max3A : f32 to vector<256x2048xf32>
    %max3A_37 = arith.maximumf %add3A_35, %max3A_36 : vector<256x2048xf32>
    %get3A_38 = arith.constant 0 : index
    %get3A_39 = arith.constant 0 : index
    %get3A_40 = vector.load %arg8[%get3A_38, %get3A_39] : memref<256x256xf32, #tpu.memory_space<vmem>>, vector<256x256xf32>
    %dot_general3A_41 = arith.constant dense<0.000000e+00> : vector<256x2048xf32>
    %dot_general3A_42 = tpu.matmul %get3A_40, %max3A_37, %dot_general3A_41 {dimension_numbers = #tpu.dot_dimension_numbers<[0], [0], [1], [1], [0, 1, 1, 1], [], []>, transpose_lhs_hint = false} : vector<256x256xf32>, vector<256x2048xf32>, vector<256x2048xf32> -> vector<256x2048xf32>
    %max3A_43 = arith.constant 0.000000e+00 : f32
    %max3A_44 = vector.broadcast %max3A_43 : f32 to vector<256x2048xf32>
    %max3A_45 = arith.maximumf %dot_general3A_42, %max3A_44 : vector<256x2048xf32>
    %swap3A = arith.constant 0 : index
    %swap3A_46 = arith.constant 0 : index
    %swap3A_47 = arith.constant 0 : index
    %swap3A_48 = vector.load %arg10[%swap3A, %swap3A_46, %swap3A_47] : memref<1x256x2048xf32, #tpu.memory_space<vmem>>, vector<1x256x2048xf32>
    %swap3A_49 = vector.shape_cast %swap3A_48 : vector<1x256x2048xf32> to vector<256x2048xf32>
    %swap3A_50 = vector.shape_cast %max3A_45 : vector<256x2048xf32> to vector<1x256x2048xf32>
    tpu.vector_store %arg10[%swap3A, %swap3A_46, %swap3A_47], %swap3A_50 {strides = array<i32>} : memref<1x256x2048xf32, #tpu.memory_space<vmem>>, vector<1x256x2048xf32>,
    return
  }
  func.func @transform_0(%arg0: i32, %arg1: i32) -> (i32, i32) {
    %mul3A = arith.constant 2 : i32
    %mul3A_0 = arith.muli %arg0, %mul3A : i32
    %add3A = arith.addi %mul3A_0, %arg1 : i32
    %c0_i32 = arith.constant 0 : i32
    %c0_i32_1 = arith.constant 0 : i32
    return %add3A, %c0_i32 : i32, i32
  }
  func.func @transform_1(%arg0: i32, %arg1: i32) -> (i32, i32) {
    %mul3A = arith.constant 2 : i32
    %mul3A_0 = arith.muli %arg0, %mul3A : i32
    %add3A = arith.addi %mul3A_0, %arg1 : i32
    %c0_i32 = arith.constant 0 : i32
    %c0_i32_1 = arith.constant 0 : i32
    return %add3A, %c0_i32 : i32, i32
  }
  func.func @transform_2(%arg0: i32, %arg1: i32) -> (i32, i32) {
    %mul3A = arith.constant 2 : i32
    %mul3A_0 = arith.muli %arg0, %mul3A : i32
    %add3A = arith.addi %mul3A_0, %arg1 : i32
    %c0_i32 = arith.constant 0 : i32
    %c0_i32_1 = arith.constant 0 : i32
    return %add3A, %c0_i32 : i32, i32
  }
  func.func @transform_3(%arg0: i32, %arg1: i32) -> (i32, i32, i32) {
    %c0_i32 = arith.constant 0 : i32
    %c0_i32_0 = arith.constant 0 : i32
    return %arg0, %arg1, %c0_i32 : i32, i32, i32
  }
  func.func @transform_4(%arg0: i32, %arg1: i32) -> (i32, i32, i32) {
    %add3A = arith.constant 6 : i32
    %add3A_0 = arith.addi %arg0, %add3A : i32
    %c0_i32 = arith.constant 0 : i32
    %c0_i32_1 = arith.constant 0 : i32
    return %add3A_0, %c0_i32, %arg1 : i32, i32, i32
  }
  func.func @transform_5(%arg0: i32, %arg1: i32) -> (i32, i32) {
    %c0_i32 = arith.constant 0 : i32
    %c0_i32_0 = arith.constant 0 : i32
    %c0_i32_1 = arith.constant 0 : i32
    return %c0_i32, %c0_i32_0 : i32, i32
  }
  func.func @transform_6(%arg0: i32, %arg1: i32) -> (i32, i32) {
    %c0_i32 = arith.constant 0 : i32
    %c0_i32_0 = arith.constant 0 : i32
    %c0_i32_1 = arith.constant 0 : i32
    return %c0_i32, %c0_i32_0 : i32, i32
  }
  func.func @transform_8(%arg0: i32, %arg1: i32) -> (i32, i32, i32) {
    %add3A = arith.constant 6 : i32
    %add3A_0 = arith.addi %arg0, %add3A : i32
    %c0_i32 = arith.constant 0 : i32
    %c0_i32_1 = arith.constant 0 : i32
    return %add3A_0, %c0_i32, %arg1 : i32, i32, i32
  }
}

</mosaic_0001>

<sc_bundles>
// kernel: kernel.14.cloned.1.call-start
scs
__scs_entry_jumppad:
0x0: {  	(pc) =	sbr.rel $0x88, $3  }
0x1: {  	(tag) =	ssettag $0x0;
	lr =	simm.s32 $0x1  }
0x2: {  	[smem:$0x3F9B] =	sst lr;
	_ =	strace $0xD0000000  }
0x3: {  	_ = 	snop  }
0x4: {  	_ = 	snop  }
0x5: {  	_ = 	snop  }
0x6: {  	_ = 	snop  }
0x7: {  	_ = 	snop  }
__scs_overlays_trampoline_lowered:
0x8: {  	[smem:$0x3FAA] =	sst s0  }
0x9: {  	[smem:$0x3FAB] =	sst s1  }
0xa: {  	[smem:$0x3FAC] =	sst s2  }
0xb: {  	[smem:$0x3FAD] =	sst s3  }
0xc: {  	[smem:$0x3FAE] =	sst s4  }
0xd: {  	[smem:$0x3FAF] =	sst s5  }
0xe: {  	[smem:$0x3FB0] =	sst s6  }
0xf: {  	[smem:$0x3FB1] =	sst s7  }
0x10: {  	[smem:$0x3FB2] =	sst s8  }
0x11: {  	[smem:$0x3FB3] =	sst s9;
	s0 =	simm.s32 @!p0 $0x0  }
0x12: {  	s1 =	sld [smem:$0x3F99];
	s0 =	simm.s32 @p0 $0x1  }
0x13: {  	[smem:$0x3FB4] =	sst s0;
	s0 =	simm.s32 @!p1 $0x0  }
0x14: {  	s2 =	sld [smem:$0x3F98];
	s0 =	simm.s32 @p1 $0x1  }
0x15: {  	[smem:$0x3FB5] =	sst s0;
	s0 =	simm.s32 @!p2 $0x0  }
0x16: {  	s3 =	sld [smem:$0x3FDB];
	s0 =	simm.s32 @p2 $0x1  }
0x17: {  	s4 =	simm.s32 $0x1BF5;
	[smem:$0x3FB7] =	sst s0  }
0x18: {  	s0 =	sld [smem:$0x3F9A];
	_ =	swait.ge [sflag:s4], $0x0  }
0x19: {  	s7 =	sld [smem:$0x3F9B]  }
0x1a: {  	s8 =	sadd.s32 $0xFFFFE003, lr  }
0x1b: {  	s9 =	sadd.s32 $0xFFFFFEF7, lr;
	s5 =	simm.s32 $0xFFFFFFFF;
	p2 =	slt.u32 s8, $0xFFFFF086  }
0x1c: {  	p1 =	slt.u32 s9, $0xF7A;
	s5 =	simm.s32 @!p2 $0x0  }
0x1d: {  	s5 =	simm.s32 @p1 $0x1;
	p0 =	seq.s32 s7, s2  }
0x1e: {  	s7 =	smul.u32 @!p0 $0xF7A, s2;
	p2 =	seq.s32 @!p0 s5, $0x0  }
0x1f: {  	s9 =	smul.u32 $0xF7A, s1;
	s8 =	simm.s32 @!p0 $0x1BF5;
	p2 =	por !p2, p0  }
0x20: {  	[sflag:s8] =	ssyncset.s32 @!p0 $0xFFFFF086;
	s6 =	sadd.s32 @!p0 s3, s7;
	s7 =	simm.s32 @!p0 $0x108  }
0x21: {  	s3 =	sadd.s32 s3, s9;
	s6 =	sadd.s32 @!p0 $0x88, s6;
	s7 =	simm.s32 @p2 $0x1082  }
0x22: {  	[simem:s7], [sflag:s8] =	dma.local @!p0 [hbm:s6], $0xF7A  }
0x23: {  	s9 =	sor.u32 $0xD0000000, s2;
	s6 =	simm.s32 $0x108;
	_ =	swait.ge @!p0 [sflag:s8], $0x0  }
0x24: {  	s3 =	sadd.s32 $0x88, s3;
	s6 =	simm.s32 @!p1 $0x1082;
	[sflag:s4] =	ssyncset.s32 $0xFFFFF086  }
0x25: {  	[simem:s6], [sflag:s4] =	dma.local [hbm:s3], $0xF7A  }
0x26: {  	[smem:$0x3F9B] =	sst s1;
	(tag) =	ssettag s2;
	_ =	strace s9  }
0x27: {  	s1 =	sld [smem:$0x3FAB]  }
0x28: {  	s2 =	sld [smem:$0x3FAC]  }
0x29: {  	s4 =	sld [smem:$0x3FAE]  }
0x2a: {  	p0 =	seq.s32 s5, $0x0;
	s5 =	sld [smem:$0x3FAF]  }
0x2b: {  	s6 =	sld [smem:$0x3FB0]  }
0x2c: {  	s7 =	sld [smem:$0x3FB1]  }
0x2d: {  	s3 =	simm.s32 $0x108;
	s8 =	sld [smem:$0x3FB2]  }
0x2e: {  	s3 =	simm.s32 @!p0 $0x1082;
	s9 =	sld [smem:$0x3FB3]  }
0x2f: {  	lr =	sadd.s32 s0, s3;
	s0 =	sld [smem:$0x3FAA]  }
0x30: {  	s3 =	sld [smem:$0x3FAD]  }
0x31: {  	[smem:$0x3FB6] =	sst s10  }
0x32: {  	s10 =	sld [smem:$0x3FB4];
	_ =	sdelay $0x3  }
0x33: {  	p0 =	seq.s32 s10, $0x1;
	s10 =	sld [smem:$0x3FB6];
	_ =	sdelay $0x3  }
0x34: {  	[smem:$0x3FB6] =	sst s10  }
0x35: {  	s10 =	sld [smem:$0x3FB5];
	_ =	sdelay $0x3  }
0x36: {  	p1 =	seq.s32 s10, $0x1;
	s10 =	sld [smem:$0x3FB6];
	_ =	sdelay $0x3  }
0x37: {  	[smem:$0x3FB6] =	sst s10  }
0x38: {  	s10 =	sld [smem:$0x3FB7]  }
0x39: {  	_ = 	snop;
	(pc) =	sbr.ind lr, $3  }
0x3a: {  	_ = 	snop  }
0x3b: {  	_ = 	snop  }
0x3c: {  	p2 =	seq.s32 s10, $0x1;
	s10 =	sld [smem:$0x3FB6]  }
0x3d: {  	_ =	shalt  }
0x3e: {  	_ =	shalt  }
0x3f: {  	_ =	shalt  }
0x40: {  	_ =	shalt  }
0x41: {  	_ =	shalt  }
0x42: {  	_ =	shalt  }
0x43: {  	_ =	shalt  }
0x44: {  	_ =	shalt  }
0x45: {  	_ =	shalt  }
0x46: {  	_ =	shalt  }
0x47: {  	_ =	shalt  }
0x48: {  	_ =	shalt  }
0x49: {  	_ =	shalt  }
0x4a: {  	_ =	shalt  }
0x4b: {  	_ =	shalt  }
0x4c: {  	_ =	shalt  }
0x4d: {  	_ =	shalt  }
0x4e: {  	_ =	shalt  }
0x4f: {  	_ =	shalt  }
0x50: {  	_ =	shalt  }
0x51: {  	_ =	shalt  }
0x52: {  	_ =	shalt  }
0x53: {  	_ =	shalt  }
0x54: {  	_ =	shalt  }
0x55: {  	_ =	shalt  }
0x56: {  	_ =	shalt  }
0x57: {  	_ =	shalt  }
0x58: {  	_ =	shalt  }
0x59: {  	_ =	shalt  }
0x5a: {  	_ =	shalt  }
0x5b: {  	_ =	shalt  }
0x5c: {  	_ =	shalt  }
0x5d: {  	_ =	shalt  }
0x5e: {  	_ =	shalt  }
0x5f: {  	_ =	shalt  }
0x60: {  	_ =	shalt  }
0x61: {  	_ =	shalt  }
0x62: {  	_ =	shalt  }
0x63: {  	_ =	shalt  }
0x64: {  	_ =	shalt  }
0x65: {  	_ =	shalt  }
0x66: {  	_ =	shalt  }
0x67: {  	_ =	shalt  }
0x68: {  	_ =	shalt  }
0x69: {  	_ =	shalt  }
0x6a: {  	_ =	shalt  }
0x6b: {  	_ =	shalt  }
0x6c: {  	_ =	shalt  }
0x6d: {  	_ =	shalt  }
0x6e: {  	_ =	shalt  }
0x6f: {  	_ =	shalt  }
0x70: {  	_ =	shalt  }
0x71: {  	_ =	shalt  }
0x72: {  	_ =	shalt  }
0x73: {  	_ =	shalt  }
0x74: {  	_ =	shalt  }
0x75: {  	_ =	shalt  }
0x76: {  	_ =	shalt  }
0x77: {  	_ =	shalt  }
0x78: {  	_ =	shalt  }
0x79: {  	_ =	shalt  }
0x7a: {  	_ =	shalt  }
0x7b: {  	_ =	shalt  }
0x7c: {  	_ =	shalt  }
0x7d: {  	_ =	shalt  }
0x7e: {  	_ =	shalt  }
0x7f: {  	_ =	shalt  }
0x80: {  	_ =	shalt  }
0x81: {  	_ =	shalt  }
0x82: {  	_ =	shalt  }
0x83: {  	_ =	shalt  }
0x84: {  	_ =	shalt  }
0x85: {  	_ =	shalt  }
0x86: {  	_ =	shalt  }
0x87: {  	_ =	shalt  }
.Lfunc_end0:
.L_simem_size_0:
called_computation_lowered:
.L_overlay_start_0:
0x88: {  	s2 =	sld [smem:$0x3FD9]  }
0x89: {  	s3 =	sld [smem:$0x3FFE];
	_ =	sdelay $0x1  }
0x8a: {  	s1 =	srdreg.scid  }
0x8b: {  	s0 =	sand.u32 $0x1, s1  }
0x8c: {  	s16 =	sshll.u32 s0, $0xA;
	s2 =	sadd.s32 s3, s2  }
0x8d: {  	s2 =	sadd.s32 s2, s16  }
0x8e: {  	[smem:$0x3FC2] =	sst s2  }
0x8f: {  	_ = 	snop  }
0x90: {  	(tm) =	ssettm $0x1  }
0x91: {  	s17 =	sld [smem:$0x3FFB];
	_ =	sdelay $0x3  }
0x92: {  	_ =	strace s17  }
0x93: {  	s2 =	sld [smem:$0x3FFC];
	_ =	sdelay $0x3  }
0x94: {  	_ =	strace s2  }
0x95: {  	s2 =	sld [smem:$0x3FFD];
	_ =	sdelay $0x3  }
0x96: {  	_ =	strace s2  }
0x97: {  	_ =	strace $0x8FFFFFFF  }
0x98: {  	s18 =	sld [smem:$0x3FDB];
	_ =	sdelay $0x1  }
0x99: {  	s19 =	simm.s32 $_scs_section_size  }
0x9a: {  	s4 =	simm.s32 $_size__tile_overlayer_lowered;
	s5 =	simm.s32 $_tile_overlayer_lowered  }
0x9b: {  	s22 =	simm.s32 $0x1BFF;
	s21 =	sshll.u32 s5, $0x1;
	s2 =	sadd.s32 s19, s18  }
0x9c: {  	s6 =	simm.s32 $0x0;
	s20 =	sshll.u32 s4, $0x1;
	s4 =	sadd.s32 s21, s2  }
0x9d: {  	[timem:s6], [sflag:s22] =	dma.local [hbm:s4], s20  }
0x9e: {  	_ =	swait.ge [sflag:s22], s20  }
0x9f: {  	s3 =	ssub.s32 $0x0, s20;
	[sflag:s22] =	ssyncset.done $0x0  }
0xa0: {  	[sflag:s22] =	ssyncadd.s32 s3;
	_ =	sdelay $0x1  }
0xa1: {  	s23 =	simm.s32 $0x1B8B  }
0xa2: {  	_ =	swait.ge [sflag:s23], $0x1  }
0xa3: {  	[sflag:s23] =	ssyncset.done $0x0  }
0xa4: {  	s25 =	simm.s32 $0x1B8E;
	s24 =	sld [smem:$0x3FFE];
	[sflag:s23] =	ssyncadd.s32 $0xFFFFFFFF  }
0xa5: {  	s26 =	simm.s32 $execute0_lowered;
	[smem:$0x3FD2] =	sst s25  }
0xa6: {  	s4 =	sshll.u32 s26, $0x1;
	_ =	strace $0x80000046;
	[dreg:$0x1] =	wrdreg $0xFFFFFFFF  }
0xa7: {  	s28 =	simm.s32 $_size_execute0_lowered;
	s2 =	sadd.s32 s2, s4;
	[dreg:$0x0] =	wrdreg $0x0  }
0xa8: {  	s4 =	sshll.u32 s28, $0x1;
	[dreg:$0x2] =	wrdreg s2  }
0xa9: {  	[dreg:$0x3] =	wrdreg s4  }
0xaa: {  	[dreg:$0x4] =	wrdreg $0xC0  }
0xab: {  	_ =	task [dreg:s6], $0x5FFFF  }
0xac: {  	[dreg:$0x1] =	wrdreg $0xFFFFFFFF  }
0xad: {  	[dreg:$0x0] =	wrdreg $0x60  }
0xae: {  	[dreg:$0x2] =	wrdreg s24  }
0xaf: {  	[dreg:$0x3] =	wrdreg $0x9  }
0xb0: {  	_ =	task.clear_ibuf [dreg:s6], $0x4FFFF;
	_ =	strace $0x90000046  }
0xb1: {  	s29 =	simm.s32 $0x9;
	_ =	strace $0x80000048  }
0xb2: {  	_ =	swait.ge [sflag:s29], $0x1  }
0xb3: {  	[sflag:s29] =	ssyncadd.s32 $0xFFFFFFFF  }
0xb4: {  	_ =	strace $0x90000048  }
0xb5: {  	_ =	sfence  }
0xb6: {  	s30 =	sld [smem:$0x0];
	_ =	sdelay $0x2  }
0xb7: {  	s31 =	sshll.u32 s1, $0xD;
	s1 =	sshrl.u32 s1, $0x2  }
0xb8: {  	s3 =	sand.u32 $0x4000, s31;
	s1 =	sadd.s32 s1, s30  }
0xb9: {  	s0 =	sor.u32 s3, s0;
	s1 =	sshll.u32 s1, $0x11  }
0xba: {  	s0 =	sor.u32 s1, s0  }
0xbb: {  	s0 =	sadd.s32 $0x8F2B, s0  }
0xbc: {  	[sflag:s0] =	ssyncadd.remote.s32 $0x1  }
0xbd: {  	_ =	sfence.sel $0xFFFF  }
0xbe: {  	[dreg:$0x0] =	wrdreg $0xFFFFFFFF;
	(pc) =	sbr.abs _section_cstart, $3  }
0xbf: {  	[dreg:$0x1] =	wrdreg $0xFFFFFFFF  }
0xc0: {  	_ =	task.clear_ibuf [dreg:s6], $0x2FFFF;
	_ =	strace $0x9FFFFFFF  }
0xc1: {  	(tm) =	ssettm $0x7FFFFFFF  }
tec
execute0_lowered:
.L_overlay_start_1:
0x0: {  	(tag) =	ssettag $0x1  }
0x1: {  	s0 =	rddreg [dreg:$0x0];
	s1 =	simm.s32 $0x0  }
0x2: {  	s2 =	srdreg.scid;
	s10 =	stileid.u32;
	s11 =	simm.s32 $0x280  }
0x3: {  	s28 =	simm.s32 $0x1;
	s29 =	simm.s32 $0x8280;
	s22 =	simm.s32 $0x10280  }
0x4: {  	s14 =	simm.s32 $0x7280;
	s15 =	simm.s32 $0x7A80;
	s16 =	simm.s32 $0x8A80  }
0x5: {  	s17 =	simm.s32 $0x9280;
	s20 =	simm.s32 $0x9A80;
	s21 =	simm.s32 $0xA280  }
0x6: {  	s23 =	simm.s32 $0xAA80;
	s24 =	simm.s32 $0xB280;
	s30 =	simm.s32 $0xCA80  }
0x7: {  	s31 =	simm.s32 $0xD280;
	s12 =	simm.s32 $0xF280;
	[smem:$0x7FF] =	sst s1  }
0x8: {  	s3 =	sadd.s32 $0x5800, s0;
	s4 =	sadd.s32 $0x15800, s0;
	s5 =	sadd.s32 $0x15C00, s0  }
0x9: {  	s6 =	sadd.s32 $0x55C00, s0;
	s2 =	sand.u32 $0x1, s2;
	s8 =	sshll.u32 s10, $0x1  }
0xa: {  	s7 =	sadd.s32 $0x95C00, s0;
	s10 =	sshrl.u32 s10, $0x3;
	_ =	strace $0x80000047  }
0xb: {  	s25 =	ssub.s32 $0x2, s2;
	s8 =	sand.u32 $0xE, s8;
	s26 =	sshll.u32 s10, $0xC  }
0xc: {  	s13 =	sshll.u32 s10, $0xA;
	s10 =	simm.s32 $0x2;
	s9 =	sshrl.u32 s25, $0x1  }
0xd: {  	s2 =	sor.u32 s2, s8;
	v0 =	vmov s13;
	s13 =	simm.s32 $0xFA80;
	s0 =	ssub.s32 s25, s9  }
0xe: {  	v3 =	vlaneseq.u32;
	s2 =	sshll.u32 s2, $0x8;
	s25 =	simm.s32 $0xBA80;
	s9 =	simm.s32 $0xEA80  }
0xf: {  	vm0 =	vmmov $0xffff;
	v2 =	vshrl.u32 v3, $0x3;
	s8 =	sor.u32 s26, s2;
	s0 =	smax.u32 s0, $0x1;
	s26 =	simm.s32 $0xC280  }
0x10: {  	v1 =	vand.u32 $0x7, v3;
	v3 =	vor.u32 $0x8, v3;
	v2 =	vmul.u32 $0x8, v2;
	s2 =	simm.s32 $0xE280;
	[dreg:$0x2] =	wrdreg s0;
	s0 =	simm.s32 $0x0  }
.LBB2_1:
0x11: {  	[dreg:$0x3] =	wrdreg s0  }
0x12: {  	p0 =	por $0x1, $0x1;
	s18 =	simm.s32 $0x0;
	s0 =	simm.s32 $0xDA80  }
.LBB2_2:
0x13: {  	s18 =	sor.u32 s8, s18  }
0x14: {  	s19 =	sshrl.u32 s18, $0x3  }
0x15: {  	s19 =	sadd.s32 s4, s19  }
0x16: {  	[tilespmem:s1], [sflag:$0x2] =	stream.linear.gather [hbm4b:s19+s1], $0x80, $0x38;
	[tilespmem:$0x18280] =	vst v63  }
0x17: {  	_ =	swait.ge [sflag:s10], $0x80  }
0x18: {  	[sflag:s10] =	ssyncset.done $0x0  }
0x19: {  	[sflag:s10] =	ssyncadd.s32 $0xFFFFFF80  }
0x1a: {  	v4 =	vld [tilespmem:$0x0]  }
0x1b: {  	v5 =	vld [tilespmem:$0x10]  }
0x1c: {  	v7 =	vld [tilespmem:$0x20];
	_ =	sdelay $0x1  }
0x1d: {  	v46 =	vld [tilespmem:$0x50]  }
0x1e: {  	v51 =	vld [tilespmem:$0x60];
	v6 =	vshrl.u32 v4, $0xA;
	v8 =	vand.u32 $0x3FF, v4  }
0x1f: {  	v33 =	vshra.s32 v5, $0x14;
	v9 =	vshrl.u32 v5, $0xA;
	v32 =	vor.u32 v0, v8  }
0x20: {  	v5 =	vand.u32 $0x3FF, v5;
	v38 =	vshra.s32 v7, $0x14;
	v34 =	vadd.s32 v0, v33;
	[tilespmem:$0x180] =	vst v32  }
0x21: {  	v39 =	vshrl.u32 v7, $0xA;
	v4 =	vshra.s32 v4, $0x14;
	v5 =	vor.u32 v0, v5;
	[tilespmem:$0x90] =	vst v34  }
0x22: {  	v42 =	vand.u32 $0x3FF, v7;
	v7 =	vand.u32 $0x3FF, v46;
	v10 =	vadd.s32 v0, v4;
	[tilespmem:$0x190] =	vst v5  }
0x23: {  	v36 =	vld [tilespmem:$0x30];
	v58 =	vand.u32 $0x3FF, v51;
	v7 =	vor.u32 v0, v7;
	[tilespmem:$0x80] =	vst v10  }
0x24: {  	v6 =	vand.u32 $0x3FF, v6;
	v60 =	vor.u32 v0, v58;
	[tilespmem:$0x1D0] =	vst v7  }
0x25: {  	v41 =	vld [tilespmem:$0x40];
	v6 =	vor.u32 v0, v6;
	[tilespmem:$0x1E0] =	vst v60  }
0x26: {  	v40 =	vand.u32 $0x3FF, v39;
	v5 =	vadd.s32 v0, v38;
	[tilespmem:$0x100] =	vst v6  }
0x27: {  	[tilespmem:$0xA0] =	vst v5;
	v5 =	vor.u32 v0, v40  }
0x28: {  	v56 =	vld [tilespmem:$0x70];
	v43 =	vshra.s32 v36, $0x14;
	v44 =	vshrl.u32 v36, $0xA;
	[tilespmem:$0x120] =	vst v5;
	v5 =	vor.u32 v0, v42  }
0x29: {  	v47 =	vand.u32 $0x3FF, v36;
	v45 =	vand.u32 $0x3FF, v44;
	[tilespmem:$0x1A0] =	vst v5;
	v5 =	vadd.s32 v0, v43  }
0x2a: {  	v48 =	vshra.s32 v41, $0x14;
	v49 =	vshrl.u32 v41, $0xA;
	[tilespmem:$0xB0] =	vst v5;
	v5 =	vor.u32 v0, v45  }
0x2b: {  	v52 =	vand.u32 $0x3FF, v41;
	v53 =	vshra.s32 v46, $0x14;
	[tilespmem:$0x130] =	vst v5;
	v5 =	vor.u32 v0, v47  }
0x2c: {  	v54 =	vshrl.u32 v46, $0xA;
	v50 =	vand.u32 $0x3FF, v49;
	[tilespmem:$0x1B0] =	vst v5;
	v5 =	vadd.s32 v0, v48  }
0x2d: {  	v57 =	vshrl.u32 v51, $0xA;
	v61 =	vshra.s32 v56, $0x14;
	[tilespmem:$0xC0] =	vst v5;
	v5 =	vor.u32 v0, v50  }
0x2e: {  	v55 =	vand.u32 $0x3FF, v54;
	v10 =	vshll.u32 v10, $0x1;
	[tilespmem:$0x140] =	vst v5;
	v5 =	vor.u32 v0, v52  }
0x2f: {  	v4 =	vand.u32 $0x7, v4;
	v10 =	vand.u32 $0xFFFFFFF0, v10;
	[tilespmem:$0x1C0] =	vst v5;
	v5 =	vadd.s32 v0, v53  }
0x30: {  	v6 =	vor.u32 v0, v55;
	v4 =	vor.u32 v4, v10;
	[tilespmem:$0xD0] =	vst v5;
	v5 =	vshra.s32 v51, $0x14  }
0x31: {  	[tilespmem:$0x150] =	vst v6;
	v6 =	vand.u32 $0x3FF, v57;
	v59 =	vperm.xlane v4, v1;
	v5 =	vadd.s32 v0, v5  }
0x32: {  	v35 =	vand.u32 $0x3FF, v9;
	v62 =	vadd.s32 v0, v61;
	[tilespmem:$0xE0] =	vst v5;
	v5 =	vor.u32 v0, v6  }
0x33: {  	v4 =	vperm.xlane v4, v3;
	v9 =	vadd.s32 v2, v59;
	[tilespmem:$0x160] =	vst v5;
	v5 =	vshrl.u32 v56, $0xA  }
0x34: {  	v37 =	vor.u32 v0, v35;
	[tilespmem:$0xF0] =	vst v62;
	v5 =	vand.u32 $0x3FF, v5  }
0x35: {  	v63 =	vand.u32 $0x3FF, v56;
	[tilespmem:$0x110] =	vst v37;
	v4 =	vadd.s32 v2, v4;
	v5 =	vor.u32 v0, v5  }
0x36: {  	[tilespmem:$0x170] =	vst v5;
	v5 =	vor.u32 v0, v63  }
0x37: {  	[tilespmem:$0x1F0] =	vst v5  }
0x38: {  	[tilespmem:s11], [sflag:$0x1] =	stream.indirect_vreg.gather [hbm4b:s3+s1], $0x80, v9, vm0, $0xb8;
	[tilespmem:$0x18280] =	vst v63  }
0x39: {  	s19 =	simm.s32 $0xA80  }
0x3a: {  	[tilespmem:s19], [sflag:$0x1] =	stream.indirect_vreg.gather [hbm4b:s3+s1], $0x80, v4, vm0, $0xb8;
	[tilespmem:$0x18280] =	vst v63  }
0x3b: {  	v4 =	vld [tilespmem:$0x90];
	_ =	sdelay $0x4  }
0x3c: {  	v5 =	vshll.u32 v4, $0x1  }
0x3d: {  	v4 =	vand.u32 $0x7, v4;
	v5 =	vand.u32 $0xFFFFFFF0, v5  }
0x3e: {  	v4 =	vor.u32 v4, v5  }
0x3f: {  	v5 =	vperm.xlane v4, v1;
	_ =	sdelay $0x1  }
0x40: {  	v4 =	vperm.xlane v4, v3;
	v5 =	vadd.s32 v2, v5;
	_ =	sdelay $0x1  }
0x41: {  	v4 =	vadd.s32 v2, v4;
	_ =	sdelay $0x1  }
0x42: {  	s19 =	simm.s32 $0x1280  }
0x43: {  	[tilespmem:s19], [sflag:$0x1] =	stream.indirect_vreg.gather [hbm4b:s3+s1], $0x80, v5, vm0, $0xb8;
	[tilespmem:$0x18280] =	vst v63  }
0x44: {  	s19 =	simm.s32 $0x1A80  }
0x45: {  	[tilespmem:s19], [sflag:$0x1] =	stream.indirect_vreg.gather [hbm4b:s3+s1], $0x80, v4, vm0, $0xb8;
	[tilespmem:$0x18280] =	vst v63  }
0x46: {  	v4 =	vld [tilespmem:$0xA0];
	_ =	sdelay $0x4  }
0x47: {  	v5 =	vshll.u32 v4, $0x1  }
0x48: {  	v4 =	vand.u32 $0x7, v4;
	v5 =	vand.u32 $0xFFFFFFF0, v5  }
0x49: {  	v4 =	vor.u32 v4, v5  }
0x4a: {  	v5 =	vperm.xlane v4, v1;
	_ =	sdelay $0x1  }
0x4b: {  	v4 =	vperm.xlane v4, v3;
	v5 =	vadd.s32 v2, v5;
	_ =	sdelay $0x1  }
0x4c: {  	v4 =	vadd.s32 v2, v4;
	_ =	sdelay $0x1  }
0x4d: {  	s19 =	simm.s32 $0x2280  }
0x4e: {  	[tilespmem:s19], [sflag:$0x1] =	stream.indirect_vreg.gather [hbm4b:s3+s1], $0x80, v5, vm0, $0xb8;
	[tilespmem:$0x18280] =	vst v63  }
0x4f: {  	s19 =	simm.s32 $0x2A80  }
0x50: {  	[tilespmem:s19], [sflag:$0x1] =	stream.indirect_vreg.gather [hbm4b:s3+s1], $0x80, v4, vm0, $0xb8;
	[tilespmem:$0x18280] =	vst v63  }
0x51: {  	v4 =	vld [tilespmem:$0xB0];
	_ =	sdelay $0x4  }
0x52: {  	v5 =	vshll.u32 v4, $0x1  }
0x53: {  	v4 =	vand.u32 $0x7, v4;
	v5 =	vand.u32 $0xFFFFFFF0, v5  }
0x54: {  	v4 =	vor.u32 v4, v5  }
0x55: {  	v5 =	vperm.xlane v4, v1;
	_ =	sdelay $0x1  }
0x56: {  	v4 =	vperm.xlane v4, v3;
	v5 =	vadd.s32 v2, v5;
	_ =	sdelay $0x1  }
0x57: {  	v4 =	vadd.s32 v2, v4;
	_ =	sdelay $0x1  }
0x58: {  	s19 =	simm.s32 $0x3280  }
0x59: {  	[tilespmem:s19], [sflag:$0x1] =	stream.indirect_vreg.gather [hbm4b:s3+s1], $0x80, v5, vm0, $0xb8;
	[tilespmem:$0x18280] =	vst v63  }
0x5a: {  	s19 =	simm.s32 $0x3A80  }
0x5b: {  	[tilespmem:s19], [sflag:$0x1] =	stream.indirect_vreg.gather [hbm4b:s3+s1], $0x80, v4, vm0, $0xb8;
	[tilespmem:$0x18280] =	vst v63  }
0x5c: {  	v4 =	vld [tilespmem:$0xC0];
	_ =	sdelay $0x4  }
0x5d: {  	v5 =	vshll.u32 v4, $0x1  }
0x5e: {  	v4 =	vand.u32 $0x7, v4;
	v5 =	vand.u32 $0xFFFFFFF0, v5  }
0x5f: {  	v4 =	vor.u32 v4, v5  }
0x60: {  	v5 =	vperm.xlane v4, v1;
	_ =	sdelay $0x1  }
0x61: {  	v4 =	vperm.xlane v4, v3;
	v5 =	vadd.s32 v2, v5;
	_ =	sdelay $0x1  }
0x62: {  	v4 =	vadd.s32 v2, v4;
	_ =	sdelay $0x1  }
0x63: {  	s19 =	simm.s32 $0x4280  }
0x64: {  	[tilespmem:s19], [sflag:$0x1] =	stream.indirect_vreg.gather [hbm4b:s3+s1], $0x80, v5, vm0, $0xb8;
	[tilespmem:$0x18280] =	vst v63  }
0x65: {  	s19 =	simm.s32 $0x4A80  }
0x66: {  	[tilespmem:s19], [sflag:$0x1] =	stream.indirect_vreg.gather [hbm4b:s3+s1], $0x80, v4, vm0, $0xb8;
	[tilespmem:$0x18280] =	vst v63  }
0x67: {  	v4 =	vld [tilespmem:$0xD0];
	_ =	sdelay $0x4  }
0x68: {  	v5 =	vshll.u32 v4, $0x1  }
0x69: {  	v4 =	vand.u32 $0x7, v4;
	v5 =	vand.u32 $0xFFFFFFF0, v5  }
0x6a: {  	v4 =	vor.u32 v4, v5  }
0x6b: {  	v5 =	vperm.xlane v4, v1;
	_ =	sdelay $0x1  }
0x6c: {  	v4 =	vperm.xlane v4, v3;
	v5 =	vadd.s32 v2, v5;
	_ =	sdelay $0x1  }
0x6d: {  	v4 =	vadd.s32 v2, v4;
	_ =	sdelay $0x1  }
0x6e: {  	s19 =	simm.s32 $0x5280  }
0x6f: {  	[tilespmem:s19], [sflag:$0x1] =	stream.indirect_vreg.gather [hbm4b:s3+s1], $0x80, v5, vm0, $0xb8;
	[tilespmem:$0x18280] =	vst v63  }
0x70: {  	s19 =	simm.s32 $0x5A80  }
0x71: {  	[tilespmem:s19], [sflag:$0x1] =	stream.indirect_vreg.gather [hbm4b:s3+s1], $0x80, v4, vm0, $0xb8;
	[tilespmem:$0x18280] =	vst v63  }
0x72: {  	v4 =	vld [tilespmem:$0xE0];
	_ =	sdelay $0x4  }
0x73: {  	v5 =	vshll.u32 v4, $0x1  }
0x74: {  	v4 =	vand.u32 $0x7, v4;
	v5 =	vand.u32 $0xFFFFFFF0, v5  }
0x75: {  	v4 =	vor.u32 v4, v5  }
0x76: {  	v5 =	vperm.xlane v4, v1;
	_ =	sdelay $0x1  }
0x77: {  	v4 =	vperm.xlane v4, v3;
	v5 =	vadd.s32 v2, v5;
	_ =	sdelay $0x1  }
0x78: {  	v4 =	vadd.s32 v2, v4;
	_ =	sdelay $0x1  }
0x79: {  	s19 =	simm.s32 $0x6280  }
0x7a: {  	[tilespmem:s19], [sflag:$0x1] =	stream.indirect_vreg.gather [hbm4b:s3+s1], $0x80, v5, vm0, $0xb8;
	[tilespmem:$0x18280] =	vst v63  }
0x7b: {  	s19 =	simm.s32 $0x6A80  }
0x7c: {  	[tilespmem:s19], [sflag:$0x1] =	stream.indirect_vreg.gather [hbm4b:s3+s1], $0x80, v4, vm0, $0xb8;
	[tilespmem:$0x18280] =	vst v63  }
0x7d: {  	v4 =	vld [tilespmem:$0xF0];
	_ =	sdelay $0x4  }
0x7e: {  	v5 =	vshll.u32 v4, $0x1  }
0x7f: {  	v4 =	vand.u32 $0x7, v4;
	v5 =	vand.u32 $0xFFFFFFF0, v5  }
0x80: {  	v4 =	vor.u32 v4, v5  }
0x81: {  	v5 =	vperm.xlane v4, v1;
	_ =	sdelay $0x1  }
0x82: {  	v4 =	vperm.xlane v4, v3;
	v5 =	vadd.s32 v2, v5;
	_ =	sdelay $0x1  }
0x83: {  	v4 =	vadd.s32 v2, v4;
	_ =	sdelay $0x2  }
0x84: {  	[tilespmem:s14], [sflag:$0x1] =	stream.indirect_vreg.gather [hbm4b:s3+s1], $0x80, v5, vm0, $0xb8;
	[tilespmem:$0x18280] =	vst v63  }
0x85: {  	_ = 	snop  }
0x86: {  	[tilespmem:s15], [sflag:$0x1] =	stream.indirect_vreg.gather [hbm4b:s3+s1], $0x80, v4, vm0, $0xb8;
	[tilespmem:$0x18280] =	vst v63  }
0x87: {  	_ =	swait.ge [sflag:s28], $0x8000  }
0x88: {  	s18 =	sshll.u32 s18, $0x5;
	[sflag:s28] =	ssyncset.done $0x0  }
0x89: {  	s19 =	sadd.s32 s5, s18;
	[sflag:s28] =	ssyncadd.s32 $0xFFFF8000  }
0x8a: {  	[hbm4b:s19+s1] =	stream.linear.scatter [tilespmem:s11], [sflag:$0x2], $0x8000, $0x38;
	[tilespmem:$0x18280] =	vst v63  }
0x8b: {  	_ =	swait.ge [sflag:s10], $0x8000  }
0x8c: {  	[sflag:s10] =	ssyncset.done $0x0  }
0x8d: {  	[sflag:s10] =	ssyncadd.s32 $0xFFFF8000  }
0x8e: {  	v4 =	vld [tilespmem:$0x100];
	_ =	sdelay $0x4  }
0x8f: {  	v5 =	vshll.u32 v4, $0x1  }
0x90: {  	v4 =	vand.u32 $0x7, v4;
	v5 =	vand.u32 $0xFFFFFFF0, v5  }
0x91: {  	v4 =	vor.u32 v4, v5  }
0x92: {  	v5 =	vperm.xlane v4, v1;
	_ =	sdelay $0x1  }
0x93: {  	v4 =	vperm.xlane v4, v3;
	v5 =	vadd.s32 v2, v5;
	_ =	sdelay $0x1  }
0x94: {  	v4 =	vadd.s32 v2, v4;
	_ =	sdelay $0x2  }
0x95: {  	[tilespmem:s29], [sflag:$0x1] =	stream.indirect_vreg.gather [hbm4b:s3+s1], $0x80, v5, vm0, $0xb8;
	[tilespmem:$0x18280] =	vst v63  }
0x96: {  	_ = 	snop  }
0x97: {  	[tilespmem:s16], [sflag:$0x1] =	stream.indirect_vreg.gather [hbm4b:s3+s1], $0x80, v4, vm0, $0xb8;
	[tilespmem:$0x18280] =	vst v63  }
0x98: {  	v4 =	vld [tilespmem:$0x110];
	_ =	sdelay $0x4  }
0x99: {  	v5 =	vshll.u32 v4, $0x1  }
0x9a: {  	v4 =	vand.u32 $0x7, v4;
	v5 =	vand.u32 $0xFFFFFFF0, v5  }
0x9b: {  	v4 =	vor.u32 v4, v5  }
0x9c: {  	v5 =	vperm.xlane v4, v1;
	_ =	sdelay $0x1  }
0x9d: {  	v4 =	vperm.xlane v4, v3;
	v5 =	vadd.s32 v2, v5;
	_ =	sdelay $0x1  }
0x9e: {  	v4 =	vadd.s32 v2, v4;
	_ =	sdelay $0x2  }
0x9f: {  	[tilespmem:s17], [sflag:$0x1] =	stream.indirect_vreg.gather [hbm4b:s3+s1], $0x80, v5, vm0, $0xb8;
	[tilespmem:$0x18280] =	vst v63  }
0xa0: {  	_ = 	snop  }
0xa1: {  	[tilespmem:s20], [sflag:$0x1] =	stream.indirect_vreg.gather [hbm4b:s3+s1], $0x80, v4, vm0, $0xb8;
	[tilespmem:$0x18280] =	vst v63  }
0xa2: {  	v4 =	vld [tilespmem:$0x120];
	_ =	sdelay $0x4  }
0xa3: {  	v5 =	vshll.u32 v4, $0x1  }
0xa4: {  	v4 =	vand.u32 $0x7, v4;
	v5 =	vand.u32 $0xFFFFFFF0, v5  }
0xa5: {  	v4 =	vor.u32 v4, v5  }
0xa6: {  	v5 =	vperm.xlane v4, v1;
	_ =	sdelay $0x1  }
0xa7: {  	v4 =	vperm.xlane v4, v3;
	v5 =	vadd.s32 v2, v5;
	_ =	sdelay $0x1  }
0xa8: {  	v4 =	vadd.s32 v2, v4;
	_ =	sdelay $0x2  }
0xa9: {  	[tilespmem:s21], [sflag:$0x1] =	stream.indirect_vreg.gather [hbm4b:s3+s1], $0x80, v5, vm0, $0xb8;
	[tilespmem:$0x18280] =	vst v63  }
0xaa: {  	_ = 	snop  }
0xab: {  	[tilespmem:s23], [sflag:$0x1] =	stream.indirect_vreg.gather [hbm4b:s3+s1], $0x80, v4, vm0, $0xb8;
	[tilespmem:$0x18280] =	vst v63  }
0xac: {  	v4 =	vld [tilespmem:$0x130];
	_ =	sdelay $0x4  }
0xad: {  	v5 =	vshll.u32 v4, $0x1  }
0xae: {  	v4 =	vand.u32 $0x7, v4;
	v5 =	vand.u32 $0xFFFFFFF0, v5  }
0xaf: {  	v4 =	vor.u32 v4, v5  }
0xb0: {  	v5 =	vperm.xlane v4, v1;
	_ =	sdelay $0x1  }
0xb1: {  	v4 =	vperm.xlane v4, v3;
	v5 =	vadd.s32 v2, v5;
	_ =	sdelay $0x1  }
0xb2: {  	v4 =	vadd.s32 v2, v4;
	_ =	sdelay $0x2  }
0xb3: {  	[tilespmem:s24], [sflag:$0x1] =	stream.indirect_vreg.gather [hbm4b:s3+s1], $0x80, v5, vm0, $0xb8;
	[tilespmem:$0x18280] =	vst v63  }
0xb4: {  	_ = 	snop  }
0xb5: {  	[tilespmem:s25], [sflag:$0x1] =	stream.indirect_vreg.gather [hbm4b:s3+s1], $0x80, v4, vm0, $0xb8;
	[tilespmem:$0x18280] =	vst v63  }
0xb6: {  	v4 =	vld [tilespmem:$0x140];
	_ =	sdelay $0x4  }
0xb7: {  	v5 =	vshll.u32 v4, $0x1  }
0xb8: {  	v4 =	vand.u32 $0x7, v4;
	v5 =	vand.u32 $0xFFFFFFF0, v5  }
0xb9: {  	v4 =	vor.u32 v4, v5  }
0xba: {  	v5 =	vperm.xlane v4, v1;
	_ =	sdelay $0x1  }
0xbb: {  	v4 =	vperm.xlane v4, v3;
	v5 =	vadd.s32 v2, v5;
	_ =	sdelay $0x1  }
0xbc: {  	v4 =	vadd.s32 v2, v4;
	_ =	sdelay $0x2  }
0xbd: {  	[tilespmem:s26], [sflag:$0x1] =	stream.indirect_vreg.gather [hbm4b:s3+s1], $0x80, v5, vm0, $0xb8;
	[tilespmem:$0x18280] =	vst v63  }
0xbe: {  	_ = 	snop  }
0xbf: {  	[tilespmem:s30], [sflag:$0x1] =	stream.indirect_vreg.gather [hbm4b:s3+s1], $0x80, v4, vm0, $0xb8;
	[tilespmem:$0x18280] =	vst v63  }
0xc0: {  	v4 =	vld [tilespmem:$0x150];
	_ =	sdelay $0x4  }
0xc1: {  	v5 =	vshll.u32 v4, $0x1  }
0xc2: {  	v4 =	vand.u32 $0x7, v4;
	v5 =	vand.u32 $0xFFFFFFF0, v5  }
0xc3: {  	v4 =	vor.u32 v4, v5  }
0xc4: {  	v5 =	vperm.xlane v4, v1;
	_ =	sdelay $0x1  }
0xc5: {  	v4 =	vperm.xlane v4, v3;
	v5 =	vadd.s32 v2, v5;
	_ =	sdelay $0x1  }
0xc6: {  	v4 =	vadd.s32 v2, v4;
	_ =	sdelay $0x2  }
0xc7: {  	[tilespmem:s31], [sflag:$0x1] =	stream.indirect_vreg.gather [hbm4b:s3+s1], $0x80, v5, vm0, $0xb8;
	[tilespmem:$0x18280] =	vst v63  }
0xc8: {  	_ = 	snop  }
0xc9: {  	[tilespmem:s0], [sflag:$0x1] =	stream.indirect_vreg.gather [hbm4b:s3+s1], $0x80, v4, vm0, $0xb8;
	[tilespmem:$0x18280] =	vst v63  }
0xca: {  	v4 =	vld [tilespmem:$0x160];
	_ =	sdelay $0x4  }
0xcb: {  	v5 =	vshll.u32 v4, $0x1  }
0xcc: {  	v4 =	vand.u32 $0x7, v4;
	v5 =	vand.u32 $0xFFFFFFF0, v5  }
0xcd: {  	v4 =	vor.u32 v4, v5  }
0xce: {  	v5 =	vperm.xlane v4, v1;
	_ =	sdelay $0x1  }
0xcf: {  	v4 =	vperm.xlane v4, v3;
	v5 =	vadd.s32 v2, v5;
	_ =	sdelay $0x1  }
0xd0: {  	v4 =	vadd.s32 v2, v4;
	_ =	sdelay $0x2  }
0xd1: {  	[tilespmem:s2], [sflag:$0x1] =	stream.indirect_vreg.gather [hbm4b:s3+s1], $0x80, v5, vm0, $0xb8;
	[tilespmem:$0x18280] =	vst v63  }
0xd2: {  	_ = 	snop  }
0xd3: {  	[tilespmem:s9], [sflag:$0x1] =	stream.indirect_vreg.gather [hbm4b:s3+s1], $0x80, v4, vm0, $0xb8;
	[tilespmem:$0x18280] =	vst v63  }
0xd4: {  	v4 =	vld [tilespmem:$0x170];
	_ =	sdelay $0x4  }
0xd5: {  	v5 =	vshll.u32 v4, $0x1  }
0xd6: {  	v4 =	vand.u32 $0x7, v4;
	v5 =	vand.u32 $0xFFFFFFF0, v5  }
0xd7: {  	v4 =	vor.u32 v4, v5  }
0xd8: {  	v5 =	vperm.xlane v4, v1;
	_ =	sdelay $0x1  }
0xd9: {  	v4 =	vperm.xlane v4, v3;
	v5 =	vadd.s32 v2, v5;
	_ =	sdelay $0x1  }
0xda: {  	v4 =	vadd.s32 v2, v4;
	_ =	sdelay $0x2  }
0xdb: {  	[tilespmem:s12], [sflag:$0x1] =	stream.indirect_vreg.gather [hbm4b:s3+s1], $0x80, v5, vm0, $0xb8;
	[tilespmem:$0x18280] =	vst v63  }
0xdc: {  	_ = 	snop  }
0xdd: {  	[tilespmem:s13], [sflag:$0x1] =	stream.indirect_vreg.gather [hbm4b:s3+s1], $0x80, v4, vm0, $0xb8;
	[tilespmem:$0x18280] =	vst v63  }
0xde: {  	_ =	swait.ge [sflag:s28], $0x8000  }
0xdf: {  	[sflag:s28] =	ssyncset.done $0x0  }
0xe0: {  	s19 =	sadd.s32 s6, s18;
	[sflag:s28] =	ssyncadd.s32 $0xFFFF8000  }
0xe1: {  	[hbm4b:s19+s1] =	stream.linear.scatter [tilespmem:s29], [sflag:$0x2], $0x8000, $0x38;
	[tilespmem:$0x18280] =	vst v63  }
0xe2: {  	_ =	swait.ge [sflag:s10], $0x8000  }
0xe3: {  	[sflag:s10] =	ssyncset.done $0x0  }
0xe4: {  	[sflag:s10] =	ssyncadd.s32 $0xFFFF8000  }
0xe5: {  	v4 =	vld [tilespmem:$0x180];
	_ =	sdelay $0x4  }
0xe6: {  	v5 =	vshll.u32 v4, $0x1  }
0xe7: {  	v4 =	vand.u32 $0x7, v4;
	v5 =	vand.u32 $0xFFFFFFF0, v5  }
0xe8: {  	v4 =	vor.u32 v4, v5  }
0xe9: {  	v5 =	vperm.xlane v4, v1;
	_ =	sdelay $0x1  }
0xea: {  	v4 =	vperm.xlane v4, v3;
	v5 =	vadd.s32 v2, v5;
	_ =	sdelay $0x1  }
0xeb: {  	v4 =	vadd.s32 v2, v4;
	_ =	sdelay $0x2  }
0xec: {  	[tilespmem:s22], [sflag:$0x1] =	stream.indirect_vreg.gather [hbm4b:s3+s1], $0x80, v5, vm0, $0xb8;
	[tilespmem:$0x18280] =	vst v63  }
0xed: {  	s19 =	simm.s32 $0x10A80  }
0xee: {  	[tilespmem:s19], [sflag:$0x1] =	stream.indirect_vreg.gather [hbm4b:s3+s1], $0x80, v4, vm0, $0xb8;
	[tilespmem:$0x18280] =	vst v63  }
0xef: {  	v4 =	vld [tilespmem:$0x190];
	_ =	sdelay $0x4  }
0xf0: {  	v5 =	vshll.u32 v4, $0x1  }
0xf1: {  	v4 =	vand.u32 $0x7, v4;
	v5 =	vand.u32 $0xFFFFFFF0, v5  }
0xf2: {  	v4 =	vor.u32 v4, v5  }
0xf3: {  	v5 =	vperm.xlane v4, v1;
	_ =	sdelay $0x1  }
0xf4: {  	v4 =	vperm.xlane v4, v3;
	v5 =	vadd.s32 v2, v5;
	_ =	sdelay $0x1  }
0xf5: {  	v4 =	vadd.s32 v2, v4;
	_ =	sdelay $0x1  }
0xf6: {  	s19 =	simm.s32 $0x11280  }
0xf7: {  	[tilespmem:s19], [sflag:$0x1] =	stream.indirect_vreg.gather [hbm4b:s3+s1], $0x80, v5, vm0, $0xb8;
	[tilespmem:$0x18280] =	vst v63  }
0xf8: {  	s19 =	simm.s32 $0x11A80  }
0xf9: {  	[tilespmem:s19], [sflag:$0x1] =	stream.indirect_vreg.gather [hbm4b:s3+s1], $0x80, v4, vm0, $0xb8;
	[tilespmem:$0x18280] =	vst v63  }
0xfa: {  	v4 =	vld [tilespmem:$0x1A0];
	_ =	sdelay $0x4  }
0xfb: {  	v5 =	vshll.u32 v4, $0x1  }
0xfc: {  	v4 =	vand.u32 $0x7, v4;
	v5 =	vand.u32 $0xFFFFFFF0, v5  }
0xfd: {  	v4 =	vor.u32 v4, v5  }
0xfe: {  	v5 =	vperm.xlane v4, v1;
	_ =	sdelay $0x1  }
0xff: {  	v4 =	vperm.xlane v4, v3;
	v5 =	vadd.s32 v2, v5;
	_ =	sdelay $0x1  }
0x100: {  	v4 =	vadd.s32 v2, v4;
	_ =	sdelay $0x1  }
0x101: {  	s19 =	simm.s32 $0x12280  }
0x102: {  	[tilespmem:s19], [sflag:$0x1] =	stream.indirect_vreg.gather [hbm4b:s3+s1], $0x80, v5, vm0, $0xb8;
	[tilespmem:$0x18280] =	vst v63  }
0x103: {  	s19 =	simm.s32 $0x12A80  }
0x104: {  	[tilespmem:s19], [sflag:$0x1] =	stream.indirect_vreg.gather [hbm4b:s3+s1], $0x80, v4, vm0, $0xb8;
	[tilespmem:$0x18280] =	vst v63  }
0x105: {  	v4 =	vld [tilespmem:$0x1B0];
	_ =	sdelay $0x4  }
0x106: {  	v5 =	vshll.u32 v4, $0x1  }
0x107: {  	v4 =	vand.u32 $0x7, v4;
	v5 =	vand.u32 $0xFFFFFFF0, v5  }
0x108: {  	v4 =	vor.u32 v4, v5  }
0x109: {  	v5 =	vperm.xlane v4, v1;
	_ =	sdelay $0x1  }
0x10a: {  	v4 =	vperm.xlane v4, v3;
	v5 =	vadd.s32 v2, v5;
	_ =	sdelay $0x1  }
0x10b: {  	v4 =	vadd.s32 v2, v4;
	_ =	sdelay $0x1  }
0x10c: {  	s19 =	simm.s32 $0x13280  }
0x10d: {  	[tilespmem:s19], [sflag:$0x1] =	stream.indirect_vreg.gather [hbm4b:s3+s1], $0x80, v5, vm0, $0xb8;
	[tilespmem:$0x18280] =	vst v63  }
0x10e: {  	s19 =	simm.s32 $0x13A80  }
0x10f: {  	[tilespmem:s19], [sflag:$0x1] =	stream.indirect_vreg.gather [hbm4b:s3+s1], $0x80, v4, vm0, $0xb8;
	[tilespmem:$0x18280] =	vst v63  }
0x110: {  	v4 =	vld [tilespmem:$0x1C0];
	_ =	sdelay $0x4  }
0x111: {  	v5 =	vshll.u32 v4, $0x1  }
0x112: {  	v4 =	vand.u32 $0x7, v4;
	v5 =	vand.u32 $0xFFFFFFF0, v5  }
0x113: {  	v4 =	vor.u32 v4, v5  }
0x114: {  	v5 =	vperm.xlane v4, v1;
	_ =	sdelay $0x1  }
0x115: {  	v4 =	vperm.xlane v4, v3;
	v5 =	vadd.s32 v2, v5;
	_ =	sdelay $0x1  }
0x116: {  	v4 =	vadd.s32 v2, v4;
	_ =	sdelay $0x1  }
0x117: {  	s19 =	simm.s32 $0x14280  }
0x118: {  	[tilespmem:s19], [sflag:$0x1] =	stream.indirect_vreg.gather [hbm4b:s3+s1], $0x80, v5, vm0, $0xb8;
	[tilespmem:$0x18280] =	vst v63  }
0x119: {  	s19 =	simm.s32 $0x14A80  }
0x11a: {  	[tilespmem:s19], [sflag:$0x1] =	stream.indirect_vreg.gather [hbm4b:s3+s1], $0x80, v4, vm0, $0xb8;
	[tilespmem:$0x18280] =	vst v63  }
0x11b: {  	v4 =	vld [tilespmem:$0x1D0];
	_ =	sdelay $0x4  }
0x11c: {  	v5 =	vshll.u32 v4, $0x1  }
0x11d: {  	v4 =	vand.u32 $0x7, v4;
	v5 =	vand.u32 $0xFFFFFFF0, v5  }
0x11e: {  	v4 =	vor.u32 v4, v5  }
0x11f: {  	v5 =	vperm.xlane v4, v1;
	_ =	sdelay $0x1  }
0x120: {  	v4 =	vperm.xlane v4, v3;
	v5 =	vadd.s32 v2, v5;
	_ =	sdelay $0x1  }
0x121: {  	v4 =	vadd.s32 v2, v4;
	_ =	sdelay $0x1  }
0x122: {  	s19 =	simm.s32 $0x15280  }
0x123: {  	[tilespmem:s19], [sflag:$0x1] =	stream.indirect_vreg.gather [hbm4b:s3+s1], $0x80, v5, vm0, $0xb8;
	[tilespmem:$0x18280] =	vst v63  }
0x124: {  	s19 =	simm.s32 $0x15A80  }
0x125: {  	[tilespmem:s19], [sflag:$0x1] =	stream.indirect_vreg.gather [hbm4b:s3+s1], $0x80, v4, vm0, $0xb8;
	[tilespmem:$0x18280] =	vst v63  }
0x126: {  	v4 =	vld [tilespmem:$0x1E0];
	_ =	sdelay $0x4  }
0x127: {  	v5 =	vshll.u32 v4, $0x1  }
0x128: {  	v4 =	vand.u32 $0x7, v4;
	v5 =	vand.u32 $0xFFFFFFF0, v5  }
0x129: {  	v4 =	vor.u32 v4, v5  }
0x12a: {  	v5 =	vperm.xlane v4, v1;
	_ =	sdelay $0x1  }
0x12b: {  	v4 =	vperm.xlane v4, v3;
	v5 =	vadd.s32 v2, v5;
	_ =	sdelay $0x1  }
0x12c: {  	v4 =	vadd.s32 v2, v4;
	_ =	sdelay $0x1  }
0x12d: {  	s19 =	simm.s32 $0x16280  }
0x12e: {  	[tilespmem:s19], [sflag:$0x1] =	stream.indirect_vreg.gather [hbm4b:s3+s1], $0x80, v5, vm0, $0xb8;
	[tilespmem:$0x18280] =	vst v63  }
0x12f: {  	s19 =	simm.s32 $0x16A80  }
0x130: {  	[tilespmem:s19], [sflag:$0x1] =	stream.indirect_vreg.gather [hbm4b:s3+s1], $0x80, v4, vm0, $0xb8;
	[tilespmem:$0x18280] =	vst v63  }
0x131: {  	v4 =	vld [tilespmem:$0x1F0];
	_ =	sdelay $0x4  }
0x132: {  	v5 =	vshll.u32 v4, $0x1  }
0x133: {  	v4 =	vand.u32 $0x7, v4;
	v5 =	vand.u32 $0xFFFFFFF0, v5  }
0x134: {  	v4 =	vor.u32 v4, v5  }
0x135: {  	v5 =	vperm.xlane v4, v1;
	_ =	sdelay $0x1  }
0x136: {  	v4 =	vperm.xlane v4, v3;
	v5 =	vadd.s32 v2, v5;
	_ =	sdelay $0x1  }
0x137: {  	v4 =	vadd.s32 v2, v4;
	_ =	sdelay $0x1  }
0x138: {  	s19 =	simm.s32 $0x17280  }
0x139: {  	[tilespmem:s19], [sflag:$0x1] =	stream.indirect_vreg.gather [hbm4b:s3+s1], $0x80, v5, vm0, $0xb8;
	[tilespmem:$0x18280] =	vst v63  }
0x13a: {  	s19 =	simm.s32 $0x17A80  }
0x13b: {  	[tilespmem:s19], [sflag:$0x1] =	stream.indirect_vreg.gather [hbm4b:s3+s1], $0x80, v4, vm0, $0xb8;
	[tilespmem:$0x18280] =	vst v63  }
0x13c: {  	_ =	swait.ge [sflag:s28], $0x8000  }
0x13d: {  	p1 =	por p0, p0;
	[sflag:s28] =	ssyncset.done $0x0  }
.Ltmp0:
0x13e: {  	s18 =	sadd.s32 s7, s18;
	[sflag:s28] =	ssyncadd.s32 $0xFFFF8000;
	(pc) =	sbr.rel @p1 .LBB2_2-.Ltmp0, $4  }
0x13f: {  	[hbm4b:s18+s1] =	stream.linear.scatter [tilespmem:s22], [sflag:$0x2], $0x8000, $0x38;
	[tilespmem:$0x18280] =	vst v63  }
0x140: {  	_ =	swait.ge [sflag:s10], $0x8000  }
0x141: {  	[sflag:s10] =	ssyncset.done $0x0  }
0x142: {  	p0 =	por $0x0, $0x0;
	s18 =	simm.s32 $0x80;
	[sflag:s10] =	ssyncadd.s32 $0xFFFF8000  }
0x143: {  	s0 =	rddreg [dreg:$0x3]  }
0x144: {  	s18 =	rddreg [dreg:$0x2];
	s0 =	sadd.s32 $0x1, s0  }
0x145: {  	p0 =	sne.s32 s0, s18  }
.Ltmp1:
0x146: {  	_ = 	snop;
	(pc) =	sbr.rel @p0 .LBB2_1-.Ltmp1, $1  }
0x147: {  	_ =	sdelay $0x3  }
0x148: {  	_ =	sfence.sel $0x180000  }
0x149: {  	[bflag:$0x0] =	sbarrier.arrive $0xFFFF  }
0x14a: {  	_ =	strace $0x90000047  }
0x14b: {  	s0 =	stileid.u32;
	[bflag:$0x2] =	sbarrier.arrive $0xFFFF  }
0x14c: {  	p0 =	sne.s32 s0, $0x0;
	s0 =	rddreg [dreg:$0x1]  }
0x14d: {  	s0 =	sadd.s32 @!p0 $0x100000, s0  }
0x14e: {  	[sflag:s0] =	ssyncadd.tile.s32 @!p0 $0x1;
	_ =	shalt  }
.Lfunc_end2:
_tile_overlayer_lowered:
.L_overlay_start_2:
0x14f: {  	(tag) =	ssettag $0x2  }
0x150: {  	s0 =	rddreg [dreg:$0x0];
	s2 =	stileid.u32  }
0x151: {  	s1 =	rddreg [dreg:$0x1];
	p0 =	sne.s32 s2, $0x0  }
0x152: {  	s3 =	rddreg [dreg:$0x2];
	[bflag:$0x3] =	sbarrier.arrive $0xFFFF;
	s2 =	simm.s32 @!p0 $0x1C02  }
0x153: {  	[timem:s3], [sflag:s2] =	dma.local @!p0 [hbm:s0], s1  }
0x154: {  	s0 =	simm.s32 @!p0 $0x2  }
0x155: {  	_ =	swait.ge @!p0 [sflag:s0], s1  }
0x156: {  	s1 =	ssub.s32 @!p0 $0x0, s1;
	[sflag:s0] =	ssyncset.done @!p0 $0x0  }
0x157: {  	[sflag:s0] =	ssyncadd.s32 @!p0 s1  }
0x158: {  	[bflag:$0x3] =	sbarrier.arrive $0xFFFF  }
0x159: {  	_ =	shalt  }

// kernel: kernel.17.cloned.1.call-start
scs
__scs_entry_jumppad:
0x0: {  	(pc) =	sbr.rel $0x88, $3  }
0x1: {  	(tag) =	ssettag $0x0;
	lr =	simm.s32 $0x1  }
0x2: {  	[smem:$0x3F9B] =	sst lr;
	_ =	strace $0xD0000000  }
0x3: {  	_ = 	snop  }
0x4: {  	_ = 	snop  }
0x5: {  	_ = 	snop  }
0x6: {  	_ = 	snop  }
0x7: {  	_ = 	snop  }
__scs_overlays_trampoline_lowered:
0x8: {  	[smem:$0x3FAA] =	sst s0  }
0x9: {  	[smem:$0x3FAB] =	sst s1  }
0xa: {  	[smem:$0x3FAC] =	sst s2  }
0xb: {  	[smem:$0x3FAD] =	sst s3  }
0xc: {  	[smem:$0x3FAE] =	sst s4  }
0xd: {  	[smem:$0x3FAF] =	sst s5  }
0xe: {  	[smem:$0x3FB0] =	sst s6  }
0xf: {  	[smem:$0x3FB1] =	sst s7  }
0x10: {  	[smem:$0x3FB2] =	sst s8  }
0x11: {  	[smem:$0x3FB3] =	sst s9;
	s0 =	simm.s32 @!p0 $0x0  }
0x12: {  	s1 =	sld [smem:$0x3F99];
	s0 =	simm.s32 @p0 $0x1  }
0x13: {  	[smem:$0x3FB4] =	sst s0;
	s0 =	simm.s32 @!p1 $0x0  }
0x14: {  	s2 =	sld [smem:$0x3F98];
	s0 =	simm.s32 @p1 $0x1  }
0x15: {  	[smem:$0x3FB5] =	sst s0;
	s0 =	simm.s32 @!p2 $0x0  }
0x16: {  	s3 =	sld [smem:$0x3FDB];
	s0 =	simm.s32 @p2 $0x1  }
0x17: {  	s4 =	simm.s32 $0x1BF5;
	[smem:$0x3FB7] =	sst s0  }
0x18: {  	s0 =	sld [smem:$0x3F9A];
	_ =	swait.ge [sflag:s4], $0x0  }
0x19: {  	s7 =	sld [smem:$0x3F9B]  }
0x1a: {  	s8 =	sadd.s32 $0xFFFFE003, lr  }
0x1b: {  	s9 =	sadd.s32 $0xFFFFFEF7, lr;
	s5 =	simm.s32 $0xFFFFFFFF;
	p2 =	slt.u32 s8, $0xFFFFF086  }
0x1c: {  	p1 =	slt.u32 s9, $0xF7A;
	s5 =	simm.s32 @!p2 $0x0  }
0x1d: {  	s5 =	simm.s32 @p1 $0x1;
	p0 =	seq.s32 s7, s2  }
0x1e: {  	s7 =	smul.u32 @!p0 $0xF7A, s2;
	p2 =	seq.s32 @!p0 s5, $0x0  }
0x1f: {  	s9 =	smul.u32 $0xF7A, s1;
	s8 =	simm.s32 @!p0 $0x1BF5;
	p2 =	por !p2, p0  }
0x20: {  	[sflag:s8] =	ssyncset.s32 @!p0 $0xFFFFF086;
	s6 =	sadd.s32 @!p0 s3, s7;
	s7 =	simm.s32 @!p0 $0x108  }
0x21: {  	s3 =	sadd.s32 s3, s9;
	s6 =	sadd.s32 @!p0 $0x88, s6;
	s7 =	simm.s32 @p2 $0x1082  }
0x22: {  	[simem:s7], [sflag:s8] =	dma.local @!p0 [hbm:s6], $0xF7A  }
0x23: {  	s9 =	sor.u32 $0xD0000000, s2;
	s6 =	simm.s32 $0x108;
	_ =	swait.ge @!p0 [sflag:s8], $0x0  }
0x24: {  	s3 =	sadd.s32 $0x88, s3;
	s6 =	simm.s32 @!p1 $0x1082;
	[sflag:s4] =	ssyncset.s32 $0xFFFFF086  }
0x25: {  	[simem:s6], [sflag:s4] =	dma.local [hbm:s3], $0xF7A  }
0x26: {  	[smem:$0x3F9B] =	sst s1;
	(tag) =	ssettag s2;
	_ =	strace s9  }
0x27: {  	s1 =	sld [smem:$0x3FAB]  }
0x28: {  	s2 =	sld [smem:$0x3FAC]  }
0x29: {  	s4 =	sld [smem:$0x3FAE]  }
0x2a: {  	p0 =	seq.s32 s5, $0x0;
	s5 =	sld [smem:$0x3FAF]  }
0x2b: {  	s6 =	sld [smem:$0x3FB0]  }
0x2c: {  	s7 =	sld [smem:$0x3FB1]  }
0x2d: {  	s3 =	simm.s32 $0x108;
	s8 =	sld [smem:$0x3FB2]  }
0x2e: {  	s3 =	simm.s32 @!p0 $0x1082;
	s9 =	sld [smem:$0x3FB3]  }
0x2f: {  	lr =	sadd.s32 s0, s3;
	s0 =	sld [smem:$0x3FAA]  }
0x30: {  	s3 =	sld [smem:$0x3FAD]  }
0x31: {  	[smem:$0x3FB6] =	sst s10  }
0x32: {  	s10 =	sld [smem:$0x3FB4];
	_ =	sdelay $0x3  }
0x33: {  	p0 =	seq.s32 s10, $0x1;
	s10 =	sld [smem:$0x3FB6];
	_ =	sdelay $0x3  }
0x34: {  	[smem:$0x3FB6] =	sst s10  }
0x35: {  	s10 =	sld [smem:$0x3FB5];
	_ =	sdelay $0x3  }
0x36: {  	p1 =	seq.s32 s10, $0x1;
	s10 =	sld [smem:$0x3FB6];
	_ =	sdelay $0x3  }
0x37: {  	[smem:$0x3FB6] =	sst s10  }
0x38: {  	s10 =	sld [smem:$0x3FB7]  }
0x39: {  	_ = 	snop;
	(pc) =	sbr.ind lr, $3  }
0x3a: {  	_ = 	snop  }
0x3b: {  	_ = 	snop  }
0x3c: {  	p2 =	seq.s32 s10, $0x1;
	s10 =	sld [smem:$0x3FB6]  }
0x3d: {  	_ =	shalt  }
0x3e: {  	_ =	shalt  }
0x3f: {  	_ =	shalt  }
0x40: {  	_ =	shalt  }
0x41: {  	_ =	shalt  }
0x42: {  	_ =	shalt  }
0x43: {  	_ =	shalt  }
0x44: {  	_ =	shalt  }
0x45: {  	_ =	shalt  }
0x46: {  	_ =	shalt  }
0x47: {  	_ =	shalt  }
0x48: {  	_ =	shalt  }
0x49: {  	_ =	shalt  }
0x4a: {  	_ =	shalt  }
0x4b: {  	_ =	shalt  }
0x4c: {  	_ =	shalt  }
0x4d: {  	_ =	shalt  }
0x4e: {  	_ =	shalt  }
0x4f: {  	_ =	shalt  }
0x50: {  	_ =	shalt  }
0x51: {  	_ =	shalt  }
0x52: {  	_ =	shalt  }
0x53: {  	_ =	shalt  }
0x54: {  	_ =	shalt  }
0x55: {  	_ =	shalt  }
0x56: {  	_ =	shalt  }
0x57: {  	_ =	shalt  }
0x58: {  	_ =	shalt  }
0x59: {  	_ =	shalt  }
0x5a: {  	_ =	shalt  }
0x5b: {  	_ =	shalt  }
0x5c: {  	_ =	shalt  }
0x5d: {  	_ =	shalt  }
0x5e: {  	_ =	shalt  }
0x5f: {  	_ =	shalt  }
0x60: {  	_ =	shalt  }
0x61: {  	_ =	shalt  }
0x62: {  	_ =	shalt  }
0x63: {  	_ =	shalt  }
0x64: {  	_ =	shalt  }
0x65: {  	_ =	shalt  }
0x66: {  	_ =	shalt  }
0x67: {  	_ =	shalt  }
0x68: {  	_ =	shalt  }
0x69: {  	_ =	shalt  }
0x6a: {  	_ =	shalt  }
0x6b: {  	_ =	shalt  }
0x6c: {  	_ =	shalt  }
0x6d: {  	_ =	shalt  }
0x6e: {  	_ =	shalt  }
0x6f: {  	_ =	shalt  }
0x70: {  	_ =	shalt  }
0x71: {  	_ =	shalt  }
0x72: {  	_ =	shalt  }
0x73: {  	_ =	shalt  }
0x74: {  	_ =	shalt  }
0x75: {  	_ =	shalt  }
0x76: {  	_ =	shalt  }
0x77: {  	_ =	shalt  }
0x78: {  	_ =	shalt  }
0x79: {  	_ =	shalt  }
0x7a: {  	_ =	shalt  }
0x7b: {  	_ =	shalt  }
0x7c: {  	_ =	shalt  }
0x7d: {  	_ =	shalt  }
0x7e: {  	_ =	shalt  }
0x7f: {  	_ =	shalt  }
0x80: {  	_ =	shalt  }
0x81: {  	_ =	shalt  }
0x82: {  	_ =	shalt  }
0x83: {  	_ =	shalt  }
0x84: {  	_ =	shalt  }
0x85: {  	_ =	shalt  }
0x86: {  	_ =	shalt  }
0x87: {  	_ =	shalt  }
.Lfunc_end0:
.L_simem_size_0:
called_computation.1_lowered:
.L_overlay_start_0:
0x88: {  	s2 =	sld [smem:$0x3FD9]  }
0x89: {  	s3 =	sld [smem:$0x3FFE];
	_ =	sdelay $0x1  }
0x8a: {  	s1 =	srdreg.scid  }
0x8b: {  	s0 =	sand.u32 $0x1, s1  }
0x8c: {  	s17 =	sshll.u32 s0, $0xA;
	s2 =	sadd.s32 s3, s2  }
0x8d: {  	s2 =	sadd.s32 s2, s17  }
0x8e: {  	[smem:$0x3FC2] =	sst s2  }
0x8f: {  	_ = 	snop  }
0x90: {  	(tm) =	ssettm $0x1  }
0x91: {  	s18 =	sld [smem:$0x3FFB];
	_ =	sdelay $0x3  }
0x92: {  	_ =	strace s18  }
0x93: {  	s2 =	sld [smem:$0x3FFC];
	_ =	sdelay $0x3  }
0x94: {  	_ =	strace s2  }
0x95: {  	s2 =	sld [smem:$0x3FFD];
	_ =	sdelay $0x3  }
0x96: {  	_ =	strace s2  }
0x97: {  	_ =	strace $0x8FFFFFFF  }
0x98: {  	s19 =	sld [smem:$0x3FDB];
	_ =	sdelay $0x1  }
0x99: {  	s20 =	simm.s32 $_scs_section_size  }
0x9a: {  	s4 =	simm.s32 $_size__tile_overlayer_lowered;
	s5 =	simm.s32 $_tile_overlayer_lowered  }
0x9b: {  	s6 =	simm.s32 $0x1BFF;
	s21 =	sshll.u32 s5, $0x1;
	s3 =	sadd.s32 s20, s19  }
0x9c: {  	s22 =	simm.s32 $0x0;
	s4 =	sshll.u32 s4, $0x1;
	s5 =	sadd.s32 s21, s3  }
0x9d: {  	[timem:s22], [sflag:s6] =	dma.local [hbm:s5], s4  }
0x9e: {  	_ =	swait.ge [sflag:s6], s4  }
0x9f: {  	s4 =	ssub.s32 $0x0, s4;
	[sflag:s6] =	ssyncset.done $0x0  }
0xa0: {  	[sflag:s6] =	ssyncadd.s32 s4;
	_ =	sdelay $0x1  }
0xa1: {  	s23 =	simm.s32 $0x1B8B  }
0xa2: {  	_ =	swait.ge [sflag:s23], $0x1  }
0xa3: {  	[sflag:s23] =	ssyncset.done $0x0  }
0xa4: {  	[sflag:s23] =	ssyncadd.s32 $0xFFFFFFFF  }
0xa5: {  	s4 =	sld [smem:$0x0]  }
0xa6: {  	s5 =	sand.u32 $0xFFFFFFFE, s1  }
0xa7: {  	p0 =	sne.s32 s1, s5  }
0xa8: {  	s5 =	sshll.u32 @p0 s5, $0xE  }
0xa9: {  	s5 =	sadd.s32 @p0 $0x11B8D, s5;
	s6 =	sshll.u32 @p0 s4, $0x11  }
0xaa: {  	s5 =	sor.u32 @p0 s6, s5  }
0xab: {  	[sflag:s5] =	ssyncadd.remote.s32 @p0 $0x1;
	_ =	sdelay $0x1  }
0xac: {  	s5 =	simm.s32 @p0 $0x1B8D  }
0xad: {  	_ =	swait.eq @p0 [sflag:s5], $0x1  }
0xae: {  	[sflag:s5] =	ssyncadd.s32 @p0 $0xFFFFFFFF  }
0xaf: {  	s6 =	sshll.u32 @!p0 s1, $0xE  }
0xb0: {  	s6 =	sor.u32 @!p0 $0x4000, s6;
	s5 =	simm.s32 @!p0 $0x1B8D  }
0xb1: {  	s4 =	sshll.u32 @!p0 s4, $0x11;
	s6 =	sadd.s32 @!p0 $0x11B8D, s6;
	_ =	swait.eq @!p0 [sflag:s5], $0x1  }
0xb2: {  	s4 =	sor.u32 @!p0 s4, s6;
	[sflag:s5] =	ssyncadd.s32 @!p0 $0xFFFFFFFF  }
0xb3: {  	s25 =	simm.s32 $0x1B8E;
	s24 =	sld [smem:$0x3FFE];
	[sflag:s4] =	ssyncadd.remote.s32 @!p0 $0x1  }
0xb4: {  	s26 =	simm.s32 $execute0_lowered;
	[smem:$0x3FD2] =	sst s25  }
0xb5: {  	s5 =	sshll.u32 s26, $0x1;
	_ =	strace $0x80000049;
	[dreg:$0x1] =	wrdreg $0xFFFFFFFF  }
0xb6: {  	s28 =	simm.s32 $_size_execute0_lowered;
	s3 =	sadd.s32 s3, s5;
	[dreg:$0x0] =	wrdreg $0x0  }
0xb7: {  	s5 =	sshll.u32 s28, $0x1;
	[dreg:$0x2] =	wrdreg s3  }
0xb8: {  	[dreg:$0x3] =	wrdreg s5  }
0xb9: {  	[dreg:$0x4] =	wrdreg $0xC0  }
0xba: {  	_ =	task [dreg:s22], $0x5FFFF  }
0xbb: {  	[dreg:$0x1] =	wrdreg $0xFFFFFFFF  }
0xbc: {  	[dreg:$0x0] =	wrdreg $0x60  }
0xbd: {  	[dreg:$0x2] =	wrdreg s24  }
0xbe: {  	[dreg:$0x3] =	wrdreg $0xA  }
0xbf: {  	_ =	task.clear_ibuf [dreg:s22], $0x4FFFF;
	_ =	strace $0x90000049  }
0xc0: {  	s29 =	simm.s32 $0xA;
	_ =	strace $0x8000004B  }
0xc1: {  	_ =	swait.ge [sflag:s29], $0x1  }
0xc2: {  	[sflag:s29] =	ssyncadd.s32 $0xFFFFFFFF  }
0xc3: {  	_ =	strace $0x9000004B  }
0xc4: {  	_ =	sfence  }
0xc5: {  	s30 =	sld [smem:$0x0];
	_ =	sdelay $0x2  }
0xc6: {  	s31 =	sshll.u32 s1, $0xD;
	s1 =	sshrl.u32 s1, $0x2  }
0xc7: {  	s4 =	sand.u32 $0x4000, s31;
	s1 =	sadd.s32 s1, s30  }
0xc8: {  	s0 =	sor.u32 s4, s0;
	s1 =	sshll.u32 s1, $0x11  }
0xc9: {  	s0 =	sor.u32 s1, s0  }
0xca: {  	s0 =	sadd.s32 $0x8F2B, s0  }
0xcb: {  	[sflag:s0] =	ssyncadd.remote.s32 $0x1  }
0xcc: {  	_ =	sfence.sel $0xFFFF  }
0xcd: {  	[dreg:$0x0] =	wrdreg $0xFFFFFFFF;
	(pc) =	sbr.abs _section_cstart, $3  }
0xce: {  	[dreg:$0x1] =	wrdreg $0xFFFFFFFF  }
0xcf: {  	_ =	task.clear_ibuf [dreg:s22], $0x2FFFF;
	_ =	strace $0x9FFFFFFF  }
0xd0: {  	(tm) =	ssettm $0x7FFFFFFF  }
0xd1: {  	_ =	shalt  }
tec
execute0_lowered:
.L_overlay_start_1:
0x0: {  	(tag) =	ssettag $0x1  }
0x1: {  	s0 =	rddreg [dreg:$0x0];
	s1 =	simm.s32 $0x0  }
0x2: {  	s2 =	srdreg.scid;
	s10 =	stileid.u32;
	s11 =	simm.s32 $0x280  }
0x3: {  	s28 =	simm.s32 $0x1;
	s29 =	simm.s32 $0x8280;
	s22 =	simm.s32 $0x10280  }
0x4: {  	s14 =	simm.s32 $0x7280;
	s15 =	simm.s32 $0x7A80;
	s16 =	simm.s32 $0x8A80  }
0x5: {  	s17 =	simm.s32 $0x9280;
	s20 =	simm.s32 $0x9A80;
	s21 =	simm.s32 $0xA280  }
0x6: {  	s23 =	simm.s32 $0xAA80;
	s24 =	simm.s32 $0xB280;
	s30 =	simm.s32 $0xCA80  }
0x7: {  	s31 =	simm.s32 $0xD280;
	s12 =	simm.s32 $0xF280;
	[smem:$0x7FF] =	sst s1  }
0x8: {  	s3 =	sadd.s32 $0xD5C00, s0;
	s4 =	sadd.s32 $0xE5C00, s0;
	s5 =	sadd.s32 $0xE6000, s0  }
0x9: {  	s6 =	sadd.s32 $0x126000, s0;
	s2 =	sand.u32 $0x1, s2;
	s8 =	sshll.u32 s10, $0x1  }
0xa: {  	s7 =	sadd.s32 $0x166000, s0;
	s10 =	sshrl.u32 s10, $0x3;
	_ =	strace $0x8000004A  }
0xb: {  	s25 =	ssub.s32 $0x2, s2;
	s8 =	sand.u32 $0xE, s8;
	s26 =	sshll.u32 s10, $0xC  }
0xc: {  	s13 =	sshll.u32 s10, $0xA;
	s10 =	simm.s32 $0x2;
	s9 =	sshrl.u32 s25, $0x1  }
0xd: {  	s2 =	sor.u32 s2, s8;
	v0 =	vmov s13;
	s13 =	simm.s32 $0xFA80;
	s0 =	ssub.s32 s25, s9  }
0xe: {  	v3 =	vlaneseq.u32;
	s2 =	sshll.u32 s2, $0x8;
	s25 =	simm.s32 $0xBA80;
	s9 =	simm.s32 $0xEA80  }
0xf: {  	vm0 =	vmmov $0xffff;
	v2 =	vshrl.u32 v3, $0x3;
	s8 =	sor.u32 s26, s2;
	s0 =	smax.u32 s0, $0x1;
	s26 =	simm.s32 $0xC280  }
0x10: {  	v1 =	vand.u32 $0x7, v3;
	v3 =	vor.u32 $0x8, v3;
	v2 =	vmul.u32 $0x8, v2;
	s2 =	simm.s32 $0xE280;
	[dreg:$0x2] =	wrdreg s0;
	s0 =	simm.s32 $0x0  }
.LBB2_1:
0x11: {  	[dreg:$0x3] =	wrdreg s0  }
0x12: {  	p0 =	por $0x1, $0x1;
	s18 =	simm.s32 $0x0;
	s0 =	simm.s32 $0xDA80  }
.LBB2_2:
0x13: {  	s18 =	sor.u32 s8, s18  }
0x14: {  	s19 =	sshrl.u32 s18, $0x3  }
0x15: {  	s19 =	sadd.s32 s4, s19  }
0x16: {  	[tilespmem:s1], [sflag:$0x2] =	stream.linear.gather [hbm4b:s19+s1], $0x80, $0x38;
	[tilespmem:$0x18280] =	vst v63  }
0x17: {  	_ =	swait.ge [sflag:s10], $0x80  }
0x18: {  	[sflag:s10] =	ssyncset.done $0x0  }
0x19: {  	[sflag:s10] =	ssyncadd.s32 $0xFFFFFF80  }
0x1a: {  	v4 =	vld [tilespmem:$0x0]  }
0x1b: {  	v5 =	vld [tilespmem:$0x10]  }
0x1c: {  	v7 =	vld [tilespmem:$0x20];
	_ =	sdelay $0x1  }
0x1d: {  	v46 =	vld [tilespmem:$0x50]  }
0x1e: {  	v51 =	vld [tilespmem:$0x60];
	v6 =	vshrl.u32 v4, $0xA;
	v8 =	vand.u32 $0x3FF, v4  }
0x1f: {  	v33 =	vshra.s32 v5, $0x14;
	v9 =	vshrl.u32 v5, $0xA;
	v32 =	vor.u32 v0, v8  }
0x20: {  	v5 =	vand.u32 $0x3FF, v5;
	v38 =	vshra.s32 v7, $0x14;
	v34 =	vadd.s32 v0, v33;
	[tilespmem:$0x180] =	vst v32  }
0x21: {  	v39 =	vshrl.u32 v7, $0xA;
	v4 =	vshra.s32 v4, $0x14;
	v5 =	vor.u32 v0, v5;
	[tilespmem:$0x90] =	vst v34  }
0x22: {  	v42 =	vand.u32 $0x3FF, v7;
	v7 =	vand.u32 $0x3FF, v46;
	v10 =	vadd.s32 v0, v4;
	[tilespmem:$0x190] =	vst v5  }
0x23: {  	v36 =	vld [tilespmem:$0x30];
	v58 =	vand.u32 $0x3FF, v51;
	v7 =	vor.u32 v0, v7;
	[tilespmem:$0x80] =	vst v10  }
0x24: {  	v6 =	vand.u32 $0x3FF, v6;
	v60 =	vor.u32 v0, v58;
	[tilespmem:$0x1D0] =	vst v7  }
0x25: {  	v41 =	vld [tilespmem:$0x40];
	v6 =	vor.u32 v0, v6;
	[tilespmem:$0x1E0] =	vst v60  }
0x26: {  	v40 =	vand.u32 $0x3FF, v39;
	v5 =	vadd.s32 v0, v38;
	[tilespmem:$0x100] =	vst v6  }
0x27: {  	[tilespmem:$0xA0] =	vst v5;
	v5 =	vor.u32 v0, v40  }
0x28: {  	v56 =	vld [tilespmem:$0x70];
	v43 =	vshra.s32 v36, $0x14;
	v44 =	vshrl.u32 v36, $0xA;
	[tilespmem:$0x120] =	vst v5;
	v5 =	vor.u32 v0, v42  }
0x29: {  	v47 =	vand.u32 $0x3FF, v36;
	v45 =	vand.u32 $0x3FF, v44;
	[tilespmem:$0x1A0] =	vst v5;
	v5 =	vadd.s32 v0, v43  }
0x2a: {  	v48 =	vshra.s32 v41, $0x14;
	v49 =	vshrl.u32 v41, $0xA;
	[tilespmem:$0xB0] =	vst v5;
	v5 =	vor.u32 v0, v45  }
0x2b: {  	v52 =	vand.u32 $0x3FF, v41;
	v53 =	vshra.s32 v46, $0x14;
	[tilespmem:$0x130] =	vst v5;
	v5 =	vor.u32 v0, v47  }
0x2c: {  	v54 =	vshrl.u32 v46, $0xA;
	v50 =	vand.u32 $0x3FF, v49;
	[tilespmem:$0x1B0] =	vst v5;
	v5 =	vadd.s32 v0, v48  }
0x2d: {  	v57 =	vshrl.u32 v51, $0xA;
	v61 =	vshra.s32 v56, $0x14;
	[tilespmem:$0xC0] =	vst v5;
	v5 =	vor.u32 v0, v50  }
0x2e: {  	v55 =	vand.u32 $0x3FF, v54;
	v10 =	vshll.u32 v10, $0x1;
	[tilespmem:$0x140] =	vst v5;
	v5 =	vor.u32 v0, v52  }
0x2f: {  	v4 =	vand.u32 $0x7, v4;
	v10 =	vand.u32 $0xFFFFFFF0, v10;
	[tilespmem:$0x1C0] =	vst v5;
	v5 =	vadd.s32 v0, v53  }
0x30: {  	v6 =	vor.u32 v0, v55;
	v4 =	vor.u32 v4, v10;
	[tilespmem:$0xD0] =	vst v5;
	v5 =	vshra.s32 v51, $0x14  }
0x31: {  	[tilespmem:$0x150] =	vst v6;
	v6 =	vand.u32 $0x3FF, v57;
	v59 =	vperm.xlane v4, v1;
	v5 =	vadd.s32 v0, v5  }
0x32: {  	v35 =	vand.u32 $0x3FF, v9;
	v62 =	vadd.s32 v0, v61;
	[tilespmem:$0xE0] =	vst v5;
	v5 =	vor.u32 v0, v6  }
0x33: {  	v4 =	vperm.xlane v4, v3;
	v9 =	vadd.s32 v2, v59;
	[tilespmem:$0x160] =	vst v5;
	v5 =	vshrl.u32 v56, $0xA  }
0x34: {  	v37 =	vor.u32 v0, v35;
	[tilespmem:$0xF0] =	vst v62;
	v5 =	vand.u32 $0x3FF, v5  }
0x35: {  	v63 =	vand.u32 $0x3FF, v56;
	[tilespmem:$0x110] =	vst v37;
	v4 =	vadd.s32 v2, v4;
	v5 =	vor.u32 v0, v5  }
0x36: {  	[tilespmem:$0x170] =	vst v5;
	v5 =	vor.u32 v0, v63  }
0x37: {  	[tilespmem:$0x1F0] =	vst v5  }
0x38: {  	[tilespmem:s11], [sflag:$0x1] =	stream.indirect_vreg.gather [hbm4b:s3+s1], $0x80, v9, vm0, $0xb8;
	[tilespmem:$0x18280] =	vst v63  }
0x39: {  	s19 =	simm.s32 $0xA80  }
0x3a: {  	[tilespmem:s19], [sflag:$0x1] =	stream.indirect_vreg.gather [hbm4b:s3+s1], $0x80, v4, vm0, $0xb8;
	[tilespmem:$0x18280] =	vst v63  }
0x3b: {  	v4 =	vld [tilespmem:$0x90];
	_ =	sdelay $0x4  }
0x3c: {  	v5 =	vshll.u32 v4, $0x1  }
0x3d: {  	v4 =	vand.u32 $0x7, v4;
	v5 =	vand.u32 $0xFFFFFFF0, v5  }
0x3e: {  	v4 =	vor.u32 v4, v5  }
0x3f: {  	v5 =	vperm.xlane v4, v1;
	_ =	sdelay $0x1  }
0x40: {  	v4 =	vperm.xlane v4, v3;
	v5 =	vadd.s32 v2, v5;
	_ =	sdelay $0x1  }
0x41: {  	v4 =	vadd.s32 v2, v4;
	_ =	sdelay $0x1  }
0x42: {  	s19 =	simm.s32 $0x1280  }
0x43: {  	[tilespmem:s19], [sflag:$0x1] =	stream.indirect_vreg.gather [hbm4b:s3+s1], $0x80, v5, vm0, $0xb8;
	[tilespmem:$0x18280] =	vst v63  }
0x44: {  	s19 =	simm.s32 $0x1A80  }
0x45: {  	[tilespmem:s19], [sflag:$0x1] =	stream.indirect_vreg.gather [hbm4b:s3+s1], $0x80, v4, vm0, $0xb8;
	[tilespmem:$0x18280] =	vst v63  }
0x46: {  	v4 =	vld [tilespmem:$0xA0];
	_ =	sdelay $0x4  }
0x47: {  	v5 =	vshll.u32 v4, $0x1  }
0x48: {  	v4 =	vand.u32 $0x7, v4;
	v5 =	vand.u32 $0xFFFFFFF0, v5  }
0x49: {  	v4 =	vor.u32 v4, v5  }
0x4a: {  	v5 =	vperm.xlane v4, v1;
	_ =	sdelay $0x1  }
0x4b: {  	v4 =	vperm.xlane v4, v3;
	v5 =	vadd.s32 v2, v5;
	_ =	sdelay $0x1  }
0x4c: {  	v4 =	vadd.s32 v2, v4;
	_ =	sdelay $0x1  }
0x4d: {  	s19 =	simm.s32 $0x2280  }
0x4e: {  	[tilespmem:s19], [sflag:$0x1] =	stream.indirect_vreg.gather [hbm4b:s3+s1], $0x80, v5, vm0, $0xb8;
	[tilespmem:$0x18280] =	vst v63  }
0x4f: {  	s19 =	simm.s32 $0x2A80  }
0x50: {  	[tilespmem:s19], [sflag:$0x1] =	stream.indirect_vreg.gather [hbm4b:s3+s1], $0x80, v4, vm0, $0xb8;
	[tilespmem:$0x18280] =	vst v63  }
0x51: {  	v4 =	vld [tilespmem:$0xB0];
	_ =	sdelay $0x4  }
0x52: {  	v5 =	vshll.u32 v4, $0x1  }
0x53: {  	v4 =	vand.u32 $0x7, v4;
	v5 =	vand.u32 $0xFFFFFFF0, v5  }
0x54: {  	v4 =	vor.u32 v4, v5  }
0x55: {  	v5 =	vperm.xlane v4, v1;
	_ =	sdelay $0x1  }
0x56: {  	v4 =	vperm.xlane v4, v3;
	v5 =	vadd.s32 v2, v5;
	_ =	sdelay $0x1  }
0x57: {  	v4 =	vadd.s32 v2, v4;
	_ =	sdelay $0x1  }
0x58: {  	s19 =	simm.s32 $0x3280  }
0x59: {  	[tilespmem:s19], [sflag:$0x1] =	stream.indirect_vreg.gather [hbm4b:s3+s1], $0x80, v5, vm0, $0xb8;
	[tilespmem:$0x18280] =	vst v63  }
0x5a: {  	s19 =	simm.s32 $0x3A80  }
0x5b: {  	[tilespmem:s19], [sflag:$0x1] =	stream.indirect_vreg.gather [hbm4b:s3+s1], $0x80, v4, vm0, $0xb8;
	[tilespmem:$0x18280] =	vst v63  }
0x5c: {  	v4 =	vld [tilespmem:$0xC0];
	_ =	sdelay $0x4  }
0x5d: {  	v5 =	vshll.u32 v4, $0x1  }
0x5e: {  	v4 =	vand.u32 $0x7, v4;
	v5 =	vand.u32 $0xFFFFFFF0, v5  }
0x5f: {  	v4 =	vor.u32 v4, v5  }
0x60: {  	v5 =	vperm.xlane v4, v1;
	_ =	sdelay $0x1  }
0x61: {  	v4 =	vperm.xlane v4, v3;
	v5 =	vadd.s32 v2, v5;
	_ =	sdelay $0x1  }
0x62: {  	v4 =	vadd.s32 v2, v4;
	_ =	sdelay $0x1  }
0x63: {  	s19 =	simm.s32 $0x4280  }
0x64: {  	[tilespmem:s19], [sflag:$0x1] =	stream.indirect_vreg.gather [hbm4b:s3+s1], $0x80, v5, vm0, $0xb8;
	[tilespmem:$0x18280] =	vst v63  }
0x65: {  	s19 =	simm.s32 $0x4A80  }
0x66: {  	[tilespmem:s19], [sflag:$0x1] =	stream.indirect_vreg.gather [hbm4b:s3+s1], $0x80, v4, vm0, $0xb8;
	[tilespmem:$0x18280] =	vst v63  }
0x67: {  	v4 =	vld [tilespmem:$0xD0];
	_ =	sdelay $0x4  }
0x68: {  	v5 =	vshll.u32 v4, $0x1  }
0x69: {  	v4 =	vand.u32 $0x7, v4;
	v5 =	vand.u32 $0xFFFFFFF0, v5  }
0x6a: {  	v4 =	vor.u32 v4, v5  }
0x6b: {  	v5 =	vperm.xlane v4, v1;
	_ =	sdelay $0x1  }
0x6c: {  	v4 =	vperm.xlane v4, v3;
	v5 =	vadd.s32 v2, v5;
	_ =	sdelay $0x1  }
0x6d: {  	v4 =	vadd.s32 v2, v4;
	_ =	sdelay $0x1  }
0x6e: {  	s19 =	simm.s32 $0x5280  }
0x6f: {  	[tilespmem:s19], [sflag:$0x1] =	stream.indirect_vreg.gather [hbm4b:s3+s1], $0x80, v5, vm0, $0xb8;
	[tilespmem:$0x18280] =	vst v63  }
0x70: {  	s19 =	simm.s32 $0x5A80  }
0x71: {  	[tilespmem:s19], [sflag:$0x1] =	stream.indirect_vreg.gather [hbm4b:s3+s1], $0x80, v4, vm0, $0xb8;
	[tilespmem:$0x18280] =	vst v63  }
0x72: {  	v4 =	vld [tilespmem:$0xE0];
	_ =	sdelay $0x4  }
0x73: {  	v5 =	vshll.u32 v4, $0x1  }
0x74: {  	v4 =	vand.u32 $0x7, v4;
	v5 =	vand.u32 $0xFFFFFFF0, v5  }
0x75: {  	v4 =	vor.u32 v4, v5  }
0x76: {  	v5 =	vperm.xlane v4, v1;
	_ =	sdelay $0x1  }
0x77: {  	v4 =	vperm.xlane v4, v3;
	v5 =	vadd.s32 v2, v5;
	_ =	sdelay $0x1  }
0x78: {  	v4 =	vadd.s32 v2, v4;
	_ =	sdelay $0x1  }
0x79: {  	s19 =	simm.s32 $0x6280  }
0x7a: {  	[tilespmem:s19], [sflag:$0x1] =	stream.indirect_vreg.gather [hbm4b:s3+s1], $0x80, v5, vm0, $0xb8;
	[tilespmem:$0x18280] =	vst v63  }
0x7b: {  	s19 =	simm.s32 $0x6A80  }
0x7c: {  	[tilespmem:s19], [sflag:$0x1] =	stream.indirect_vreg.gather [hbm4b:s3+s1], $0x80, v4, vm0, $0xb8;
	[tilespmem:$0x18280] =	vst v63  }
0x7d: {  	v4 =	vld [tilespmem:$0xF0];
	_ =	sdelay $0x4  }
0x7e: {  	v5 =	vshll.u32 v4, $0x1  }
0x7f: {  	v4 =	vand.u32 $0x7, v4;
	v5 =	vand.u32 $0xFFFFFFF0, v5  }
0x80: {  	v4 =	vor.u32 v4, v5  }
0x81: {  	v5 =	vperm.xlane v4, v1;
	_ =	sdelay $0x1  }
0x82: {  	v4 =	vperm.xlane v4, v3;
	v5 =	vadd.s32 v2, v5;
	_ =	sdelay $0x1  }
0x83: {  	v4 =	vadd.s32 v2, v4;
	_ =	sdelay $0x2  }
0x84: {  	[tilespmem:s14], [sflag:$0x1] =	stream.indirect_vreg.gather [hbm4b:s3+s1], $0x80, v5, vm0, $0xb8;
	[tilespmem:$0x18280] =	vst v63  }
0x85: {  	_ = 	snop  }
0x86: {  	[tilespmem:s15], [sflag:$0x1] =	stream.indirect_vreg.gather [hbm4b:s3+s1], $0x80, v4, vm0, $0xb8;
	[tilespmem:$0x18280] =	vst v63  }
0x87: {  	_ =	swait.ge [sflag:s28], $0x8000  }
0x88: {  	s18 =	sshll.u32 s18, $0x5;
	[sflag:s28] =	ssyncset.done $0x0  }
0x89: {  	s19 =	sadd.s32 s5, s18;
	[sflag:s28] =	ssyncadd.s32 $0xFFFF8000  }
0x8a: {  	[hbm4b:s19+s1] =	stream.linear.scatter [tilespmem:s11], [sflag:$0x2], $0x8000, $0x38;
	[tilespmem:$0x18280] =	vst v63  }
0x8b: {  	_ =	swait.ge [sflag:s10], $0x8000  }
0x8c: {  	[sflag:s10] =	ssyncset.done $0x0  }
0x8d: {  	[sflag:s10] =	ssyncadd.s32 $0xFFFF8000  }
0x8e: {  	v4 =	vld [tilespmem:$0x100];
	_ =	sdelay $0x4  }
0x8f: {  	v5 =	vshll.u32 v4, $0x1  }
0x90: {  	v4 =	vand.u32 $0x7, v4;
	v5 =	vand.u32 $0xFFFFFFF0, v5  }
0x91: {  	v4 =	vor.u32 v4, v5  }
0x92: {  	v5 =	vperm.xlane v4, v1;
	_ =	sdelay $0x1  }
0x93: {  	v4 =	vperm.xlane v4, v3;
	v5 =	vadd.s32 v2, v5;
	_ =	sdelay $0x1  }
0x94: {  	v4 =	vadd.s32 v2, v4;
	_ =	sdelay $0x2  }
0x95: {  	[tilespmem:s29], [sflag:$0x1] =	stream.indirect_vreg.gather [hbm4b:s3+s1], $0x80, v5, vm0, $0xb8;
	[tilespmem:$0x18280] =	vst v63  }
0x96: {  	_ = 	snop  }
0x97: {  	[tilespmem:s16], [sflag:$0x1] =	stream.indirect_vreg.gather [hbm4b:s3+s1], $0x80, v4, vm0, $0xb8;
	[tilespmem:$0x18280] =	vst v63  }
0x98: {  	v4 =	vld [tilespmem:$0x110];
	_ =	sdelay $0x4  }
0x99: {  	v5 =	vshll.u32 v4, $0x1  }
0x9a: {  	v4 =	vand.u32 $0x7, v4;
	v5 =	vand.u32 $0xFFFFFFF0, v5  }
0x9b: {  	v4 =	vor.u32 v4, v5  }
0x9c: {  	v5 =	vperm.xlane v4, v1;
	_ =	sdelay $0x1  }
0x9d: {  	v4 =	vperm.xlane v4, v3;
	v5 =	vadd.s32 v2, v5;
	_ =	sdelay $0x1  }
0x9e: {  	v4 =	vadd.s32 v2, v4;
	_ =	sdelay $0x2  }
0x9f: {  	[tilespmem:s17], [sflag:$0x1] =	stream.indirect_vreg.gather [hbm4b:s3+s1], $0x80, v5, vm0, $0xb8;
	[tilespmem:$0x18280] =	vst v63  }
0xa0: {  	_ = 	snop  }
0xa1: {  	[tilespmem:s20], [sflag:$0x1] =	stream.indirect_vreg.gather [hbm4b:s3+s1], $0x80, v4, vm0, $0xb8;
	[tilespmem:$0x18280] =	vst v63  }
0xa2: {  	v4 =	vld [tilespmem:$0x120];
	_ =	sdelay $0x4  }
0xa3: {  	v5 =	vshll.u32 v4, $0x1  }
0xa4: {  	v4 =	vand.u32 $0x7, v4;
	v5 =	vand.u32 $0xFFFFFFF0, v5  }
0xa5: {  	v4 =	vor.u32 v4, v5  }
0xa6: {  	v5 =	vperm.xlane v4, v1;
	_ =	sdelay $0x1  }
0xa7: {  	v4 =	vperm.xlane v4, v3;
	v5 =	vadd.s32 v2, v5;
	_ =	sdelay $0x1  }
0xa8: {  	v4 =	vadd.s32 v2, v4;
	_ =	sdelay $0x2  }
0xa9: {  	[tilespmem:s21], [sflag:$0x1] =	stream.indirect_vreg.gather [hbm4b:s3+s1], $0x80, v5, vm0, $0xb8;
	[tilespmem:$0x18280] =	vst v63  }
0xaa: {  	_ = 	snop  }
0xab: {  	[tilespmem:s23], [sflag:$0x1] =	stream.indirect_vreg.gather [hbm4b:s3+s1], $0x80, v4, vm0, $0xb8;
	[tilespmem:$0x18280] =	vst v63  }
0xac: {  	v4 =	vld [tilespmem:$0x130];
	_ =	sdelay $0x4  }
0xad: {  	v5 =	vshll.u32 v4, $0x1  }
0xae: {  	v4 =	vand.u32 $0x7, v4;
	v5 =	vand.u32 $0xFFFFFFF0, v5  }
0xaf: {  	v4 =	vor.u32 v4, v5  }
0xb0: {  	v5 =	vperm.xlane v4, v1;
	_ =	sdelay $0x1  }
0xb1: {  	v4 =	vperm.xlane v4, v3;
	v5 =	vadd.s32 v2, v5;
	_ =	sdelay $0x1  }
0xb2: {  	v4 =	vadd.s32 v2, v4;
	_ =	sdelay $0x2  }
0xb3: {  	[tilespmem:s24], [sflag:$0x1] =	stream.indirect_vreg.gather [hbm4b:s3+s1], $0x80, v5, vm0, $0xb8;
	[tilespmem:$0x18280] =	vst v63  }
0xb4: {  	_ = 	snop  }
0xb5: {  	[tilespmem:s25], [sflag:$0x1] =	stream.indirect_vreg.gather [hbm4b:s3+s1], $0x80, v4, vm0, $0xb8;
	[tilespmem:$0x18280] =	vst v63  }
0xb6: {  	v4 =	vld [tilespmem:$0x140];
	_ =	sdelay $0x4  }
0xb7: {  	v5 =	vshll.u32 v4, $0x1  }
0xb8: {  	v4 =	vand.u32 $0x7, v4;
	v5 =	vand.u32 $0xFFFFFFF0, v5  }
0xb9: {  	v4 =	vor.u32 v4, v5  }
0xba: {  	v5 =	vperm.xlane v4, v1;
	_ =	sdelay $0x1  }
0xbb: {  	v4 =	vperm.xlane v4, v3;
	v5 =	vadd.s32 v2, v5;
	_ =	sdelay $0x1  }
0xbc: {  	v4 =	vadd.s32 v2, v4;
	_ =	sdelay $0x2  }
0xbd: {  	[tilespmem:s26], [sflag:$0x1] =	stream.indirect_vreg.gather [hbm4b:s3+s1], $0x80, v5, vm0, $0xb8;
	[tilespmem:$0x18280] =	vst v63  }
0xbe: {  	_ = 	snop  }
0xbf: {  	[tilespmem:s30], [sflag:$0x1] =	stream.indirect_vreg.gather [hbm4b:s3+s1], $0x80, v4, vm0, $0xb8;
	[tilespmem:$0x18280] =	vst v63  }
0xc0: {  	v4 =	vld [tilespmem:$0x150];
	_ =	sdelay $0x4  }
0xc1: {  	v5 =	vshll.u32 v4, $0x1  }
0xc2: {  	v4 =	vand.u32 $0x7, v4;
	v5 =	vand.u32 $0xFFFFFFF0, v5  }
0xc3: {  	v4 =	vor.u32 v4, v5  }
0xc4: {  	v5 =	vperm.xlane v4, v1;
	_ =	sdelay $0x1  }
0xc5: {  	v4 =	vperm.xlane v4, v3;
	v5 =	vadd.s32 v2, v5;
	_ =	sdelay $0x1  }
0xc6: {  	v4 =	vadd.s32 v2, v4;
	_ =	sdelay $0x2  }
0xc7: {  	[tilespmem:s31], [sflag:$0x1] =	stream.indirect_vreg.gather [hbm4b:s3+s1], $0x80, v5, vm0, $0xb8;
	[tilespmem:$0x18280] =	vst v63  }
0xc8: {  	_ = 	snop  }
0xc9: {  	[tilespmem:s0], [sflag:$0x1] =	stream.indirect_vreg.gather [hbm4b:s3+s1], $0x80, v4, vm0, $0xb8;
	[tilespmem:$0x18280] =	vst v63  }
0xca: {  	v4 =	vld [tilespmem:$0x160];
	_ =	sdelay $0x4  }
0xcb: {  	v5 =	vshll.u32 v4, $0x1  }
0xcc: {  	v4 =	vand.u32 $0x7, v4;
	v5 =	vand.u32 $0xFFFFFFF0, v5  }
0xcd: {  	v4 =	vor.u32 v4, v5  }
0xce: {  	v5 =	vperm.xlane v4, v1;
	_ =	sdelay $0x1  }
0xcf: {  	v4 =	vperm.xlane v4, v3;
	v5 =	vadd.s32 v2, v5;
	_ =	sdelay $0x1  }
0xd0: {  	v4 =	vadd.s32 v2, v4;
	_ =	sdelay $0x2  }
0xd1: {  	[tilespmem:s2], [sflag:$0x1] =	stream.indirect_vreg.gather [hbm4b:s3+s1], $0x80, v5, vm0, $0xb8;
	[tilespmem:$0x18280] =	vst v63  }
0xd2: {  	_ = 	snop  }
0xd3: {  	[tilespmem:s9], [sflag:$0x1] =	stream.indirect_vreg.gather [hbm4b:s3+s1], $0x80, v4, vm0, $0xb8;
	[tilespmem:$0x18280] =	vst v63  }
0xd4: {  	v4 =	vld [tilespmem:$0x170];
	_ =	sdelay $0x4  }
0xd5: {  	v5 =	vshll.u32 v4, $0x1  }
0xd6: {  	v4 =	vand.u32 $0x7, v4;
	v5 =	vand.u32 $0xFFFFFFF0, v5  }
0xd7: {  	v4 =	vor.u32 v4, v5  }
0xd8: {  	v5 =	vperm.xlane v4, v1;
	_ =	sdelay $0x1  }
0xd9: {  	v4 =	vperm.xlane v4, v3;
	v5 =	vadd.s32 v2, v5;
	_ =	sdelay $0x1  }
0xda: {  	v4 =	vadd.s32 v2, v4;
	_ =	sdelay $0x2  }
0xdb: {  	[tilespmem:s12], [sflag:$0x1] =	stream.indirect_vreg.gather [hbm4b:s3+s1], $0x80, v5, vm0, $0xb8;
	[tilespmem:$0x18280] =	vst v63  }
0xdc: {  	_ = 	snop  }
0xdd: {  	[tilespmem:s13], [sflag:$0x1] =	stream.indirect_vreg.gather [hbm4b:s3+s1], $0x80, v4, vm0, $0xb8;
	[tilespmem:$0x18280] =	vst v63  }
0xde: {  	_ =	swait.ge [sflag:s28], $0x8000  }
0xdf: {  	[sflag:s28] =	ssyncset.done $0x0  }
0xe0: {  	s19 =	sadd.s32 s6, s18;
	[sflag:s28] =	ssyncadd.s32 $0xFFFF8000  }
0xe1: {  	[hbm4b:s19+s1] =	stream.linear.scatter [tilespmem:s29], [sflag:$0x2], $0x8000, $0x38;
	[tilespmem:$0x18280] =	vst v63  }
0xe2: {  	_ =	swait.ge [sflag:s10], $0x8000  }
0xe3: {  	[sflag:s10] =	ssyncset.done $0x0  }
0xe4: {  	[sflag:s10] =	ssyncadd.s32 $0xFFFF8000  }
0xe5: {  	v4 =	vld [tilespmem:$0x180];
	_ =	sdelay $0x4  }
0xe6: {  	v5 =	vshll.u32 v4, $0x1  }
0xe7: {  	v4 =	vand.u32 $0x7, v4;
	v5 =	vand.u32 $0xFFFFFFF0, v5  }
0xe8: {  	v4 =	vor.u32 v4, v5  }
0xe9: {  	v5 =	vperm.xlane v4, v1;
	_ =	sdelay $0x1  }
0xea: {  	v4 =	vperm.xlane v4, v3;
	v5 =	vadd.s32 v2, v5;
	_ =	sdelay $0x1  }
0xeb: {  	v4 =	vadd.s32 v2, v4;
	_ =	sdelay $0x2  }
0xec: {  	[tilespmem:s22], [sflag:$0x1] =	stream.indirect_vreg.gather [hbm4b:s3+s1], $0x80, v5, vm0, $0xb8;
	[tilespmem:$0x18280] =	vst v63  }
0xed: {  	s19 =	simm.s32 $0x10A80  }
0xee: {  	[tilespmem:s19], [sflag:$0x1] =	stream.indirect_vreg.gather [hbm4b:s3+s1], $0x80, v4, vm0, $0xb8;
	[tilespmem:$0x18280] =	vst v63  }
0xef: {  	v4 =	vld [tilespmem:$0x190];
	_ =	sdelay $0x4  }
0xf0: {  	v5 =	vshll.u32 v4, $0x1  }
0xf1: {  	v4 =	vand.u32 $0x7, v4;
	v5 =	vand.u32 $0xFFFFFFF0, v5  }
0xf2: {  	v4 =	vor.u32 v4, v5  }
0xf3: {  	v5 =	vperm.xlane v4, v1;
	_ =	sdelay $0x1  }
0xf4: {  	v4 =	vperm.xlane v4, v3;
	v5 =	vadd.s32 v2, v5;
	_ =	sdelay $0x1  }
0xf5: {  	v4 =	vadd.s32 v2, v4;
	_ =	sdelay $0x1  }
0xf6: {  	s19 =	simm.s32 $0x11280  }
0xf7: {  	[tilespmem:s19], [sflag:$0x1] =	stream.indirect_vreg.gather [hbm4b:s3+s1], $0x80, v5, vm0, $0xb8;
	[tilespmem:$0x18280] =	vst v63  }
0xf8: {  	s19 =	simm.s32 $0x11A80  }
0xf9: {  	[tilespmem:s19], [sflag:$0x1] =	stream.indirect_vreg.gather [hbm4b:s3+s1], $0x80, v4, vm0, $0xb8;
	[tilespmem:$0x18280] =	vst v63  }
0xfa: {  	v4 =	vld [tilespmem:$0x1A0];
	_ =	sdelay $0x4  }
0xfb: {  	v5 =	vshll.u32 v4, $0x1  }
0xfc: {  	v4 =	vand.u32 $0x7, v4;
	v5 =	vand.u32 $0xFFFFFFF0, v5  }
0xfd: {  	v4 =	vor.u32 v4, v5  }
0xfe: {  	v5 =	vperm.xlane v4, v1;
	_ =	sdelay $0x1  }
0xff: {  	v4 =	vperm.xlane v4, v3;
	v5 =	vadd.s32 v2, v5;
	_ =	sdelay $0x1  }
0x100: {  	v4 =	vadd.s32 v2, v4;
	_ =	sdelay $0x1  }
0x101: {  	s19 =	simm.s32 $0x12280  }
0x102: {  	[tilespmem:s19], [sflag:$0x1] =	stream.indirect_vreg.gather [hbm4b:s3+s1], $0x80, v5, vm0, $0xb8;
	[tilespmem:$0x18280] =	vst v63  }
0x103: {  	s19 =	simm.s32 $0x12A80  }
0x104: {  	[tilespmem:s19], [sflag:$0x1] =	stream.indirect_vreg.gather [hbm4b:s3+s1], $0x80, v4, vm0, $0xb8;
	[tilespmem:$0x18280] =	vst v63  }
0x105: {  	v4 =	vld [tilespmem:$0x1B0];
	_ =	sdelay $0x4  }
0x106: {  	v5 =	vshll.u32 v4, $0x1  }
0x107: {  	v4 =	vand.u32 $0x7, v4;
	v5 =	vand.u32 $0xFFFFFFF0, v5  }
0x108: {  	v4 =	vor.u32 v4, v5  }
0x109: {  	v5 =	vperm.xlane v4, v1;
	_ =	sdelay $0x1  }
0x10a: {  	v4 =	vperm.xlane v4, v3;
	v5 =	vadd.s32 v2, v5;
	_ =	sdelay $0x1  }
0x10b: {  	v4 =	vadd.s32 v2, v4;
	_ =	sdelay $0x1  }
0x10c: {  	s19 =	simm.s32 $0x13280  }
0x10d: {  	[tilespmem:s19], [sflag:$0x1] =	stream.indirect_vreg.gather [hbm4b:s3+s1], $0x80, v5, vm0, $0xb8;
	[tilespmem:$0x18280] =	vst v63  }
0x10e: {  	s19 =	simm.s32 $0x13A80  }
0x10f: {  	[tilespmem:s19], [sflag:$0x1] =	stream.indirect_vreg.gather [hbm4b:s3+s1], $0x80, v4, vm0, $0xb8;
	[tilespmem:$0x18280] =	vst v63  }
0x110: {  	v4 =	vld [tilespmem:$0x1C0];
	_ =	sdelay $0x4  }
0x111: {  	v5 =	vshll.u32 v4, $0x1  }
0x112: {  	v4 =	vand.u32 $0x7, v4;
	v5 =	vand.u32 $0xFFFFFFF0, v5  }
0x113: {  	v4 =	vor.u32 v4, v5  }
0x114: {  	v5 =	vperm.xlane v4, v1;
	_ =	sdelay $0x1  }
0x115: {  	v4 =	vperm.xlane v4, v3;
	v5 =	vadd.s32 v2, v5;
	_ =	sdelay $0x1  }
0x116: {  	v4 =	vadd.s32 v2, v4;
	_ =	sdelay $0x1  }
0x117: {  	s19 =	simm.s32 $0x14280  }
0x118: {  	[tilespmem:s19], [sflag:$0x1] =	stream.indirect_vreg.gather [hbm4b:s3+s1], $0x80, v5, vm0, $0xb8;
	[tilespmem:$0x18280] =	vst v63  }
0x119: {  	s19 =	simm.s32 $0x14A80  }
0x11a: {  	[tilespmem:s19], [sflag:$0x1] =	stream.indirect_vreg.gather [hbm4b:s3+s1], $0x80, v4, vm0, $0xb8;
	[tilespmem:$0x18280] =	vst v63  }
0x11b: {  	v4 =	vld [tilespmem:$0x1D0];
	_ =	sdelay $0x4  }
0x11c: {  	v5 =	vshll.u32 v4, $0x1  }
0x11d: {  	v4 =	vand.u32 $0x7, v4;
	v5 =	vand.u32 $0xFFFFFFF0, v5  }
0x11e: {  	v4 =	vor.u32 v4, v5  }
0x11f: {  	v5 =	vperm.xlane v4, v1;
	_ =	sdelay $0x1  }
0x120: {  	v4 =	vperm.xlane v4, v3;
	v5 =	vadd.s32 v2, v5;
	_ =	sdelay $0x1  }
0x121: {  	v4 =	vadd.s32 v2, v4;
	_ =	sdelay $0x1  }
0x122: {  	s19 =	simm.s32 $0x15280  }
0x123: {  	[tilespmem:s19], [sflag:$0x1] =	stream.indirect_vreg.gather [hbm4b:s3+s1], $0x80, v5, vm0, $0xb8;
	[tilespmem:$0x18280] =	vst v63  }
0x124: {  	s19 =	simm.s32 $0x15A80  }
0x125: {  	[tilespmem:s19], [sflag:$0x1] =	stream.indirect_vreg.gather [hbm4b:s3+s1], $0x80, v4, vm0, $0xb8;
	[tilespmem:$0x18280] =	vst v63  }
0x126: {  	v4 =	vld [tilespmem:$0x1E0];
	_ =	sdelay $0x4  }
0x127: {  	v5 =	vshll.u32 v4, $0x1  }
0x128: {  	v4 =	vand.u32 $0x7, v4;
	v5 =	vand.u32 $0xFFFFFFF0, v5  }
0x129: {  	v4 =	vor.u32 v4, v5  }
0x12a: {  	v5 =	vperm.xlane v4, v1;
	_ =	sdelay $0x1  }
0x12b: {  	v4 =	vperm.xlane v4, v3;
	v5 =	vadd.s32 v2, v5;
	_ =	sdelay $0x1  }
0x12c: {  	v4 =	vadd.s32 v2, v4;
	_ =	sdelay $0x1  }
0x12d: {  	s19 =	simm.s32 $0x16280  }
0x12e: {  	[tilespmem:s19], [sflag:$0x1] =	stream.indirect_vreg.gather [hbm4b:s3+s1], $0x80, v5, vm0, $0xb8;
	[tilespmem:$0x18280] =	vst v63  }
0x12f: {  	s19 =	simm.s32 $0x16A80  }
0x130: {  	[tilespmem:s19], [sflag:$0x1] =	stream.indirect_vreg.gather [hbm4b:s3+s1], $0x80, v4, vm0, $0xb8;
	[tilespmem:$0x18280] =	vst v63  }
0x131: {  	v4 =	vld [tilespmem:$0x1F0];
	_ =	sdelay $0x4  }
0x132: {  	v5 =	vshll.u32 v4, $0x1  }
0x133: {  	v4 =	vand.u32 $0x7, v4;
	v5 =	vand.u32 $0xFFFFFFF0, v5  }
0x134: {  	v4 =	vor.u32 v4, v5  }
0x135: {  	v5 =	vperm.xlane v4, v1;
	_ =	sdelay $0x1  }
0x136: {  	v4 =	vperm.xlane v4, v3;
	v5 =	vadd.s32 v2, v5;
	_ =	sdelay $0x1  }
0x137: {  	v4 =	vadd.s32 v2, v4;
	_ =	sdelay $0x1  }
0x138: {  	s19 =	simm.s32 $0x17280  }
0x139: {  	[tilespmem:s19], [sflag:$0x1] =	stream.indirect_vreg.gather [hbm4b:s3+s1], $0x80, v5, vm0, $0xb8;
	[tilespmem:$0x18280] =	vst v63  }
0x13a: {  	s19 =	simm.s32 $0x17A80  }
0x13b: {  	[tilespmem:s19], [sflag:$0x1] =	stream.indirect_vreg.gather [hbm4b:s3+s1], $0x80, v4, vm0, $0xb8;
	[tilespmem:$0x18280] =	vst v63  }
0x13c: {  	_ =	swait.ge [sflag:s28], $0x8000  }
0x13d: {  	p1 =	por p0, p0;
	[sflag:s28] =	ssyncset.done $0x0  }
.Ltmp0:
0x13e: {  	s18 =	sadd.s32 s7, s18;
	[sflag:s28] =	ssyncadd.s32 $0xFFFF8000;
	(pc) =	sbr.rel @p1 .LBB2_2-.Ltmp0, $4  }
0x13f: {  	[hbm4b:s18+s1] =	stream.linear.scatter [tilespmem:s22], [sflag:$0x2], $0x8000, $0x38;
	[tilespmem:$0x18280] =	vst v63  }
0x140: {  	_ =	swait.ge [sflag:s10], $0x8000  }
0x141: {  	[sflag:s10] =	ssyncset.done $0x0  }
0x142: {  	p0 =	por $0x0, $0x0;
	s18 =	simm.s32 $0x80;
	[sflag:s10] =	ssyncadd.s32 $0xFFFF8000  }
0x143: {  	s0 =	rddreg [dreg:$0x3]  }
0x144: {  	s18 =	rddreg [dreg:$0x2];
	s0 =	sadd.s32 $0x1, s0  }
0x145: {  	p0 =	sne.s32 s0, s18  }
.Ltmp1:
0x146: {  	_ = 	snop;
	(pc) =	sbr.rel @p0 .LBB2_1-.Ltmp1, $1  }
0x147: {  	_ =	sdelay $0x3  }
0x148: {  	_ =	sfence.sel $0x180000  }
0x149: {  	[bflag:$0x0] =	sbarrier.arrive $0xFFFF  }
0x14a: {  	_ =	strace $0x9000004A  }
0x14b: {  	s0 =	stileid.u32;
	[bflag:$0x2] =	sbarrier.arrive $0xFFFF  }
0x14c: {  	p0 =	sne.s32 s0, $0x0;
	s0 =	rddreg [dreg:$0x1]  }
0x14d: {  	s0 =	sadd.s32 @!p0 $0x100000, s0  }
0x14e: {  	[sflag:s0] =	ssyncadd.tile.s32 @!p0 $0x1;
	_ =	shalt  }
.Lfunc_end2:
_tile_overlayer_lowered:
.L_overlay_start_2:
0x14f: {  	(tag) =	ssettag $0x2  }
0x150: {  	s0 =	rddreg [dreg:$0x0];
	s2 =	stileid.u32  }
0x151: {  	s1 =	rddreg [dreg:$0x1];
	p0 =	sne.s32 s2, $0x0  }
0x152: {  	s3 =	rddreg [dreg:$0x2];
	[bflag:$0x3] =	sbarrier.arrive $0xFFFF;
	s2 =	simm.s32 @!p0 $0x1C02  }
0x153: {  	[timem:s3], [sflag:s2] =	dma.local @!p0 [hbm:s0], s1  }
0x154: {  	s0 =	simm.s32 @!p0 $0x2  }
0x155: {  	_ =	swait.ge @!p0 [sflag:s0], s1  }
0x156: {  	s1 =	ssub.s32 @!p0 $0x0, s1;
	[sflag:s0] =	ssyncset.done @!p0 $0x0  }
0x157: {  	[sflag:s0] =	ssyncadd.s32 @!p0 s1  }
0x158: {  	[bflag:$0x3] =	sbarrier.arrive $0xFFFF  }
0x159: {  	_ =	shalt  }

// kernel: kernel.20.cloned.1.call-start
scs
__scs_entry_jumppad:
0x0: {  	(pc) =	sbr.rel $0x88, $3  }
0x1: {  	(tag) =	ssettag $0x0;
	lr =	simm.s32 $0x1  }
0x2: {  	[smem:$0x3F9B] =	sst lr;
	_ =	strace $0xD0000000  }
0x3: {  	_ = 	snop  }
0x4: {  	_ = 	snop  }
0x5: {  	_ = 	snop  }
0x6: {  	_ = 	snop  }
0x7: {  	_ = 	snop  }
__scs_overlays_trampoline_lowered:
0x8: {  	[smem:$0x3FAA] =	sst s0  }
0x9: {  	[smem:$0x3FAB] =	sst s1  }
0xa: {  	[smem:$0x3FAC] =	sst s2  }
0xb: {  	[smem:$0x3FAD] =	sst s3  }
0xc: {  	[smem:$0x3FAE] =	sst s4  }
0xd: {  	[smem:$0x3FAF] =	sst s5  }
0xe: {  	[smem:$0x3FB0] =	sst s6  }
0xf: {  	[smem:$0x3FB1] =	sst s7  }
0x10: {  	[smem:$0x3FB2] =	sst s8  }
0x11: {  	[smem:$0x3FB3] =	sst s9;
	s0 =	simm.s32 @!p0 $0x0  }
0x12: {  	s1 =	sld [smem:$0x3F99];
	s0 =	simm.s32 @p0 $0x1  }
0x13: {  	[smem:$0x3FB4] =	sst s0;
	s0 =	simm.s32 @!p1 $0x0  }
0x14: {  	s2 =	sld [smem:$0x3F98];
	s0 =	simm.s32 @p1 $0x1  }
0x15: {  	[smem:$0x3FB5] =	sst s0;
	s0 =	simm.s32 @!p2 $0x0  }
0x16: {  	s3 =	sld [smem:$0x3FDB];
	s0 =	simm.s32 @p2 $0x1  }
0x17: {  	s4 =	simm.s32 $0x1BF5;
	[smem:$0x3FB7] =	sst s0  }
0x18: {  	s0 =	sld [smem:$0x3F9A];
	_ =	swait.ge [sflag:s4], $0x0  }
0x19: {  	s7 =	sld [smem:$0x3F9B]  }
0x1a: {  	s8 =	sadd.s32 $0xFFFFE003, lr  }
0x1b: {  	s9 =	sadd.s32 $0xFFFFFEF7, lr;
	s5 =	simm.s32 $0xFFFFFFFF;
	p2 =	slt.u32 s8, $0xFFFFF086  }
0x1c: {  	p1 =	slt.u32 s9, $0xF7A;
	s5 =	simm.s32 @!p2 $0x0  }
0x1d: {  	s5 =	simm.s32 @p1 $0x1;
	p0 =	seq.s32 s7, s2  }
0x1e: {  	s7 =	smul.u32 @!p0 $0xF7A, s2;
	p2 =	seq.s32 @!p0 s5, $0x0  }
0x1f: {  	s9 =	smul.u32 $0xF7A, s1;
	s8 =	simm.s32 @!p0 $0x1BF5;
	p2 =	por !p2, p0  }
0x20: {  	[sflag:s8] =	ssyncset.s32 @!p0 $0xFFFFF086;
	s6 =	sadd.s32 @!p0 s3, s7;
	s7 =	simm.s32 @!p0 $0x108  }
0x21: {  	s3 =	sadd.s32 s3, s9;
	s6 =	sadd.s32 @!p0 $0x88, s6;
	s7 =	simm.s32 @p2 $0x1082  }
0x22: {  	[simem:s7], [sflag:s8] =	dma.local @!p0 [hbm:s6], $0xF7A  }
0x23: {  	s9 =	sor.u32 $0xD0000000, s2;
	s6 =	simm.s32 $0x108;
	_ =	swait.ge @!p0 [sflag:s8], $0x0  }
0x24: {  	s3 =	sadd.s32 $0x88, s3;
	s6 =	simm.s32 @!p1 $0x1082;
	[sflag:s4] =	ssyncset.s32 $0xFFFFF086  }
0x25: {  	[simem:s6], [sflag:s4] =	dma.local [hbm:s3], $0xF7A  }
0x26: {  	[smem:$0x3F9B] =	sst s1;
	(tag) =	ssettag s2;
	_ =	strace s9  }
0x27: {  	s1 =	sld [smem:$0x3FAB]  }
0x28: {  	s2 =	sld [smem:$0x3FAC]  }
0x29: {  	s4 =	sld [smem:$0x3FAE]  }
0x2a: {  	p0 =	seq.s32 s5, $0x0;
	s5 =	sld [smem:$0x3FAF]  }
0x2b: {  	s6 =	sld [smem:$0x3FB0]  }
0x2c: {  	s7 =	sld [smem:$0x3FB1]  }
0x2d: {  	s3 =	simm.s32 $0x108;
	s8 =	sld [smem:$0x3FB2]  }
0x2e: {  	s3 =	simm.s32 @!p0 $0x1082;
	s9 =	sld [smem:$0x3FB3]  }
0x2f: {  	lr =	sadd.s32 s0, s3;
	s0 =	sld [smem:$0x3FAA]  }
0x30: {  	s3 =	sld [smem:$0x3FAD]  }
0x31: {  	[smem:$0x3FB6] =	sst s10  }
0x32: {  	s10 =	sld [smem:$0x3FB4];
	_ =	sdelay $0x3  }
0x33: {  	p0 =	seq.s32 s10, $0x1;
	s10 =	sld [smem:$0x3FB6];
	_ =	sdelay $0x3  }
0x34: {  	[smem:$0x3FB6] =	sst s10  }
0x35: {  	s10 =	sld [smem:$0x3FB5];
	_ =	sdelay $0x3  }
0x36: {  	p1 =	seq.s32 s10, $0x1;
	s10 =	sld [smem:$0x3FB6];
	_ =	sdelay $0x3  }
0x37: {  	[smem:$0x3FB6] =	sst s10  }
0x38: {  	s10 =	sld [smem:$0x3FB7]  }
0x39: {  	_ = 	snop;
	(pc) =	sbr.ind lr, $3  }
0x3a: {  	_ = 	snop  }
0x3b: {  	_ = 	snop  }
0x3c: {  	p2 =	seq.s32 s10, $0x1;
	s10 =	sld [smem:$0x3FB6]  }
0x3d: {  	_ =	shalt  }
0x3e: {  	_ =	shalt  }
0x3f: {  	_ =	shalt  }
0x40: {  	_ =	shalt  }
0x41: {  	_ =	shalt  }
0x42: {  	_ =	shalt  }
0x43: {  	_ =	shalt  }
0x44: {  	_ =	shalt  }
0x45: {  	_ =	shalt  }
0x46: {  	_ =	shalt  }
0x47: {  	_ =	shalt  }
0x48: {  	_ =	shalt  }
0x49: {  	_ =	shalt  }
0x4a: {  	_ =	shalt  }
0x4b: {  	_ =	shalt  }
0x4c: {  	_ =	shalt  }
0x4d: {  	_ =	shalt  }
0x4e: {  	_ =	shalt  }
0x4f: {  	_ =	shalt  }
0x50: {  	_ =	shalt  }
0x51: {  	_ =	shalt  }
0x52: {  	_ =	shalt  }
0x53: {  	_ =	shalt  }
0x54: {  	_ =	shalt  }
0x55: {  	_ =	shalt  }
0x56: {  	_ =	shalt  }
0x57: {  	_ =	shalt  }
0x58: {  	_ =	shalt  }
0x59: {  	_ =	shalt  }
0x5a: {  	_ =	shalt  }
0x5b: {  	_ =	shalt  }
0x5c: {  	_ =	shalt  }
0x5d: {  	_ =	shalt  }
0x5e: {  	_ =	shalt  }
0x5f: {  	_ =	shalt  }
0x60: {  	_ =	shalt  }
0x61: {  	_ =	shalt  }
0x62: {  	_ =	shalt  }
0x63: {  	_ =	shalt  }
0x64: {  	_ =	shalt  }
0x65: {  	_ =	shalt  }
0x66: {  	_ =	shalt  }
0x67: {  	_ =	shalt  }
0x68: {  	_ =	shalt  }
0x69: {  	_ =	shalt  }
0x6a: {  	_ =	shalt  }
0x6b: {  	_ =	shalt  }
0x6c: {  	_ =	shalt  }
0x6d: {  	_ =	shalt  }
0x6e: {  	_ =	shalt  }
0x6f: {  	_ =	shalt  }
0x70: {  	_ =	shalt  }
0x71: {  	_ =	shalt  }
0x72: {  	_ =	shalt  }
0x73: {  	_ =	shalt  }
0x74: {  	_ =	shalt  }
0x75: {  	_ =	shalt  }
0x76: {  	_ =	shalt  }
0x77: {  	_ =	shalt  }
0x78: {  	_ =	shalt  }
0x79: {  	_ =	shalt  }
0x7a: {  	_ =	shalt  }
0x7b: {  	_ =	shalt  }
0x7c: {  	_ =	shalt  }
0x7d: {  	_ =	shalt  }
0x7e: {  	_ =	shalt  }
0x7f: {  	_ =	shalt  }
0x80: {  	_ =	shalt  }
0x81: {  	_ =	shalt  }
0x82: {  	_ =	shalt  }
0x83: {  	_ =	shalt  }
0x84: {  	_ =	shalt  }
0x85: {  	_ =	shalt  }
0x86: {  	_ =	shalt  }
0x87: {  	_ =	shalt  }
.Lfunc_end0:
.L_simem_size_0:
called_computation.2_lowered:
.L_overlay_start_0:
0x88: {  	s2 =	sld [smem:$0x3FD9]  }
0x89: {  	s3 =	sld [smem:$0x3FFE];
	_ =	sdelay $0x1  }
0x8a: {  	s1 =	srdreg.scid  }
0x8b: {  	s0 =	sand.u32 $0x1, s1  }
0x8c: {  	s17 =	sshll.u32 s0, $0xA;
	s2 =	sadd.s32 s3, s2  }
0x8d: {  	s2 =	sadd.s32 s2, s17  }
0x8e: {  	[smem:$0x3FC2] =	sst s2  }
0x8f: {  	_ = 	snop  }
0x90: {  	(tm) =	ssettm $0x1  }
0x91: {  	s18 =	sld [smem:$0x3FFB];
	_ =	sdelay $0x3  }
0x92: {  	_ =	strace s18  }
0x93: {  	s2 =	sld [smem:$0x3FFC];
	_ =	sdelay $0x3  }
0x94: {  	_ =	strace s2  }
0x95: {  	s2 =	sld [smem:$0x3FFD];
	_ =	sdelay $0x3  }
0x96: {  	_ =	strace s2  }
0x97: {  	_ =	strace $0x8FFFFFFF  }
0x98: {  	s19 =	sld [smem:$0x3FDB];
	_ =	sdelay $0x1  }
0x99: {  	s20 =	simm.s32 $_scs_section_size  }
0x9a: {  	s4 =	simm.s32 $_size__tile_overlayer_lowered;
	s5 =	simm.s32 $_tile_overlayer_lowered  }
0x9b: {  	s6 =	simm.s32 $0x1BFF;
	s21 =	sshll.u32 s5, $0x1;
	s3 =	sadd.s32 s20, s19  }
0x9c: {  	s22 =	simm.s32 $0x0;
	s4 =	sshll.u32 s4, $0x1;
	s5 =	sadd.s32 s21, s3  }
0x9d: {  	[timem:s22], [sflag:s6] =	dma.local [hbm:s5], s4  }
0x9e: {  	_ =	swait.ge [sflag:s6], s4  }
0x9f: {  	s4 =	ssub.s32 $0x0, s4;
	[sflag:s6] =	ssyncset.done $0x0  }
0xa0: {  	[sflag:s6] =	ssyncadd.s32 s4;
	_ =	sdelay $0x1  }
0xa1: {  	s23 =	simm.s32 $0x1B8B  }
0xa2: {  	_ =	swait.ge [sflag:s23], $0x1  }
0xa3: {  	[sflag:s23] =	ssyncset.done $0x0  }
0xa4: {  	[sflag:s23] =	ssyncadd.s32 $0xFFFFFFFF  }
0xa5: {  	s4 =	sld [smem:$0x0]  }
0xa6: {  	s5 =	sand.u32 $0xFFFFFFFE, s1  }
0xa7: {  	p0 =	sne.s32 s1, s5  }
0xa8: {  	s5 =	sshll.u32 @p0 s5, $0xE  }
0xa9: {  	s5 =	sadd.s32 @p0 $0x11B8D, s5;
	s6 =	sshll.u32 @p0 s4, $0x11  }
0xaa: {  	s5 =	sor.u32 @p0 s6, s5  }
0xab: {  	[sflag:s5] =	ssyncadd.remote.s32 @p0 $0x1;
	_ =	sdelay $0x1  }
0xac: {  	s5 =	simm.s32 @p0 $0x1B8D  }
0xad: {  	_ =	swait.eq @p0 [sflag:s5], $0x1  }
0xae: {  	[sflag:s5] =	ssyncadd.s32 @p0 $0xFFFFFFFF  }
0xaf: {  	s6 =	sshll.u32 @!p0 s1, $0xE  }
0xb0: {  	s6 =	sor.u32 @!p0 $0x4000, s6;
	s5 =	simm.s32 @!p0 $0x1B8D  }
0xb1: {  	s4 =	sshll.u32 @!p0 s4, $0x11;
	s6 =	sadd.s32 @!p0 $0x11B8D, s6;
	_ =	swait.eq @!p0 [sflag:s5], $0x1  }
0xb2: {  	s4 =	sor.u32 @!p0 s4, s6;
	[sflag:s5] =	ssyncadd.s32 @!p0 $0xFFFFFFFF  }
0xb3: {  	s25 =	simm.s32 $0x1B8E;
	s24 =	sld [smem:$0x3FFE];
	[sflag:s4] =	ssyncadd.remote.s32 @!p0 $0x1  }
0xb4: {  	s26 =	simm.s32 $execute0_lowered;
	[smem:$0x3FD2] =	sst s25  }
0xb5: {  	s5 =	sshll.u32 s26, $0x1;
	_ =	strace $0x8000004C;
	[dreg:$0x1] =	wrdreg $0xFFFFFFFF  }
0xb6: {  	s28 =	simm.s32 $_size_execute0_lowered;
	s3 =	sadd.s32 s3, s5;
	[dreg:$0x0] =	wrdreg $0x0  }
0xb7: {  	s5 =	sshll.u32 s28, $0x1;
	[dreg:$0x2] =	wrdreg s3  }
0xb8: {  	[dreg:$0x3] =	wrdreg s5  }
0xb9: {  	[dreg:$0x4] =	wrdreg $0xC0  }
0xba: {  	_ =	task [dreg:s22], $0x5FFFF  }
0xbb: {  	[dreg:$0x1] =	wrdreg $0xFFFFFFFF  }
0xbc: {  	[dreg:$0x0] =	wrdreg $0x60  }
0xbd: {  	[dreg:$0x2] =	wrdreg s24  }
0xbe: {  	[dreg:$0x3] =	wrdreg $0xB  }
0xbf: {  	_ =	task.clear_ibuf [dreg:s22], $0x4FFFF;
	_ =	strace $0x9000004C  }
0xc0: {  	s29 =	simm.s32 $0xB;
	_ =	strace $0x8000004E  }
0xc1: {  	_ =	swait.ge [sflag:s29], $0x1  }
0xc2: {  	[sflag:s29] =	ssyncadd.s32 $0xFFFFFFFF  }
0xc3: {  	_ =	strace $0x9000004E  }
0xc4: {  	_ =	sfence  }
0xc5: {  	s30 =	sld [smem:$0x0];
	_ =	sdelay $0x2  }
0xc6: {  	s31 =	sshll.u32 s1, $0xD;
	s1 =	sshrl.u32 s1, $0x2  }
0xc7: {  	s4 =	sand.u32 $0x4000, s31;
	s1 =	sadd.s32 s1, s30  }
0xc8: {  	s0 =	sor.u32 s4, s0;
	s1 =	sshll.u32 s1, $0x11  }
0xc9: {  	s0 =	sor.u32 s1, s0  }
0xca: {  	s0 =	sadd.s32 $0x8F2B, s0  }
0xcb: {  	[sflag:s0] =	ssyncadd.remote.s32 $0x1  }
0xcc: {  	_ =	sfence.sel $0xFFFF  }
0xcd: {  	[dreg:$0x0] =	wrdreg $0xFFFFFFFF;
	(pc) =	sbr.abs _section_cstart, $3  }
0xce: {  	[dreg:$0x1] =	wrdreg $0xFFFFFFFF  }
0xcf: {  	_ =	task.clear_ibuf [dreg:s22], $0x2FFFF;
	_ =	strace $0x9FFFFFFF  }
0xd0: {  	(tm) =	ssettm $0x7FFFFFFF  }
0xd1: {  	_ =	shalt  }
tec
execute0_lowered:
.L_overlay_start_1:
0x0: {  	(tag) =	ssettag $0x1  }
0x1: {  	s0 =	rddreg [dreg:$0x0];
	s1 =	simm.s32 $0x0  }
0x2: {  	s2 =	srdreg.scid;
	s10 =	stileid.u32;
	s11 =	simm.s32 $0x280  }
0x3: {  	s28 =	simm.s32 $0x1;
	s29 =	simm.s32 $0x8280;
	s22 =	simm.s32 $0x10280  }
0x4: {  	s14 =	simm.s32 $0x7280;
	s15 =	simm.s32 $0x7A80;
	s16 =	simm.s32 $0x8A80  }
0x5: {  	s17 =	simm.s32 $0x9280;
	s20 =	simm.s32 $0x9A80;
	s21 =	simm.s32 $0xA280  }
0x6: {  	s23 =	simm.s32 $0xAA80;
	s24 =	simm.s32 $0xB280;
	s30 =	simm.s32 $0xCA80  }
0x7: {  	s31 =	simm.s32 $0xD280;
	s12 =	simm.s32 $0xF280;
	[smem:$0x7FF] =	sst s1  }
0x8: {  	s3 =	sadd.s32 $0x1A6000, s0;
	s4 =	sadd.s32 $0x1B6000, s0;
	s5 =	sadd.s32 $0x1D6400, s0  }
0x9: {  	s6 =	sadd.s32 $0x216400, s0;
	s2 =	sand.u32 $0x1, s2;
	s8 =	sshll.u32 s10, $0x1  }
0xa: {  	s7 =	sadd.s32 $0x256400, s0;
	s10 =	sshrl.u32 s10, $0x3;
	_ =	strace $0x8000004D  }
0xb: {  	s25 =	ssub.s32 $0x2, s2;
	s8 =	sand.u32 $0xE, s8;
	s26 =	sshll.u32 s10, $0xC  }
0xc: {  	s13 =	sshll.u32 s10, $0xA;
	s10 =	simm.s32 $0x2;
	s9 =	sshrl.u32 s25, $0x1  }
0xd: {  	s2 =	sor.u32 s2, s8;
	v0 =	vmov s13;
	s13 =	simm.s32 $0xFA80;
	s0 =	ssub.s32 s25, s9  }
0xe: {  	v3 =	vlaneseq.u32;
	s2 =	sshll.u32 s2, $0x8;
	s25 =	simm.s32 $0xBA80;
	s9 =	simm.s32 $0xEA80  }
0xf: {  	vm0 =	vmmov $0xffff;
	v2 =	vshrl.u32 v3, $0x3;
	s8 =	sor.u32 s26, s2;
	s0 =	smax.u32 s0, $0x1;
	s26 =	simm.s32 $0xC280  }
0x10: {  	v1 =	vand.u32 $0x7, v3;
	v3 =	vor.u32 $0x8, v3;
	v2 =	vmul.u32 $0x8, v2;
	s2 =	simm.s32 $0xE280;
	[dreg:$0x2] =	wrdreg s0;
	s0 =	simm.s32 $0x0  }
.LBB2_1:
0x11: {  	[dreg:$0x3] =	wrdreg s0  }
0x12: {  	p0 =	por $0x1, $0x1;
	s18 =	simm.s32 $0x0;
	s0 =	simm.s32 $0xDA80  }
.LBB2_2:
0x13: {  	s18 =	sor.u32 s8, s18  }
0x14: {  	s19 =	sshrl.u32 s18, $0x3  }
0x15: {  	s19 =	sadd.s32 s4, s19  }
0x16: {  	[tilespmem:s1], [sflag:$0x2] =	stream.linear.gather [hbm4b:s19+s1], $0x80, $0x38;
	[tilespmem:$0x18280] =	vst v63  }
0x17: {  	_ =	swait.ge [sflag:s10], $0x80  }
0x18: {  	[sflag:s10] =	ssyncset.done $0x0  }
0x19: {  	[sflag:s10] =	ssyncadd.s32 $0xFFFFFF80  }
0x1a: {  	v4 =	vld [tilespmem:$0x0]  }
0x1b: {  	v5 =	vld [tilespmem:$0x10]  }
0x1c: {  	v7 =	vld [tilespmem:$0x20];
	_ =	sdelay $0x1  }
0x1d: {  	v46 =	vld [tilespmem:$0x50]  }
0x1e: {  	v51 =	vld [tilespmem:$0x60];
	v6 =	vshrl.u32 v4, $0xA;
	v8 =	vand.u32 $0x3FF, v4  }
0x1f: {  	v33 =	vshra.s32 v5, $0x14;
	v9 =	vshrl.u32 v5, $0xA;
	v32 =	vor.u32 v0, v8  }
0x20: {  	v5 =	vand.u32 $0x3FF, v5;
	v38 =	vshra.s32 v7, $0x14;
	v34 =	vadd.s32 v0, v33;
	[tilespmem:$0x180] =	vst v32  }
0x21: {  	v39 =	vshrl.u32 v7, $0xA;
	v4 =	vshra.s32 v4, $0x14;
	v5 =	vor.u32 v0, v5;
	[tilespmem:$0x90] =	vst v34  }
0x22: {  	v42 =	vand.u32 $0x3FF, v7;
	v7 =	vand.u32 $0x3FF, v46;
	v10 =	vadd.s32 v0, v4;
	[tilespmem:$0x190] =	vst v5  }
0x23: {  	v36 =	vld [tilespmem:$0x30];
	v58 =	vand.u32 $0x3FF, v51;
	v7 =	vor.u32 v0, v7;
	[tilespmem:$0x80] =	vst v10  }
0x24: {  	v6 =	vand.u32 $0x3FF, v6;
	v60 =	vor.u32 v0, v58;
	[tilespmem:$0x1D0] =	vst v7  }
0x25: {  	v41 =	vld [tilespmem:$0x40];
	v6 =	vor.u32 v0, v6;
	[tilespmem:$0x1E0] =	vst v60  }
0x26: {  	v40 =	vand.u32 $0x3FF, v39;
	v5 =	vadd.s32 v0, v38;
	[tilespmem:$0x100] =	vst v6  }
0x27: {  	[tilespmem:$0xA0] =	vst v5;
	v5 =	vor.u32 v0, v40  }
0x28: {  	v56 =	vld [tilespmem:$0x70];
	v43 =	vshra.s32 v36, $0x14;
	v44 =	vshrl.u32 v36, $0xA;
	[tilespmem:$0x120] =	vst v5;
	v5 =	vor.u32 v0, v42  }
0x29: {  	v47 =	vand.u32 $0x3FF, v36;
	v45 =	vand.u32 $0x3FF, v44;
	[tilespmem:$0x1A0] =	vst v5;
	v5 =	vadd.s32 v0, v43  }
0x2a: {  	v48 =	vshra.s32 v41, $0x14;
	v49 =	vshrl.u32 v41, $0xA;
	[tilespmem:$0xB0] =	vst v5;
	v5 =	vor.u32 v0, v45  }
0x2b: {  	v52 =	vand.u32 $0x3FF, v41;
	v53 =	vshra.s32 v46, $0x14;
	[tilespmem:$0x130] =	vst v5;
	v5 =	vor.u32 v0, v47  }
0x2c: {  	v54 =	vshrl.u32 v46, $0xA;
	v50 =	vand.u32 $0x3FF, v49;
	[tilespmem:$0x1B0] =	vst v5;
	v5 =	vadd.s32 v0, v48  }
0x2d: {  	v57 =	vshrl.u32 v51, $0xA;
	v61 =	vshra.s32 v56, $0x14;
	[tilespmem:$0xC0] =	vst v5;
	v5 =	vor.u32 v0, v50  }
0x2e: {  	v55 =	vand.u32 $0x3FF, v54;
	v10 =	vshll.u32 v10, $0x1;
	[tilespmem:$0x140] =	vst v5;
	v5 =	vor.u32 v0, v52  }
0x2f: {  	v4 =	vand.u32 $0x7, v4;
	v10 =	vand.u32 $0xFFFFFFF0, v10;
	[tilespmem:$0x1C0] =	vst v5;
	v5 =	vadd.s32 v0, v53  }
0x30: {  	v6 =	vor.u32 v0, v55;
	v4 =	vor.u32 v4, v10;
	[tilespmem:$0xD0] =	vst v5;
	v5 =	vshra.s32 v51, $0x14  }
0x31: {  	[tilespmem:$0x150] =	vst v6;
	v6 =	vand.u32 $0x3FF, v57;
	v59 =	vperm.xlane v4, v1;
	v5 =	vadd.s32 v0, v5  }
0x32: {  	v35 =	vand.u32 $0x3FF, v9;
	v62 =	vadd.s32 v0, v61;
	[tilespmem:$0xE0] =	vst v5;
	v5 =	vor.u32 v0, v6  }
0x33: {  	v4 =	vperm.xlane v4, v3;
	v9 =	vadd.s32 v2, v59;
	[tilespmem:$0x160] =	vst v5;
	v5 =	vshrl.u32 v56, $0xA  }
0x34: {  	v37 =	vor.u32 v0, v35;
	[tilespmem:$0xF0] =	vst v62;
	v5 =	vand.u32 $0x3FF, v5  }
0x35: {  	v63 =	vand.u32 $0x3FF, v56;
	[tilespmem:$0x110] =	vst v37;
	v4 =	vadd.s32 v2, v4;
	v5 =	vor.u32 v0, v5  }
0x36: {  	[tilespmem:$0x170] =	vst v5;
	v5 =	vor.u32 v0, v63  }
0x37: {  	[tilespmem:$0x1F0] =	vst v5  }
0x38: {  	[tilespmem:s11], [sflag:$0x1] =	stream.indirect_vreg.gather [hbm4b:s3+s1], $0x80, v9, vm0, $0xb8;
	[tilespmem:$0x18280] =	vst v63  }
0x39: {  	s19 =	simm.s32 $0xA80  }
0x3a: {  	[tilespmem:s19], [sflag:$0x1] =	stream.indirect_vreg.gather [hbm4b:s3+s1], $0x80, v4, vm0, $0xb8;
	[tilespmem:$0x18280] =	vst v63  }
0x3b: {  	v4 =	vld [tilespmem:$0x90];
	_ =	sdelay $0x4  }
0x3c: {  	v5 =	vshll.u32 v4, $0x1  }
0x3d: {  	v4 =	vand.u32 $0x7, v4;
	v5 =	vand.u32 $0xFFFFFFF0, v5  }
0x3e: {  	v4 =	vor.u32 v4, v5  }
0x3f: {  	v5 =	vperm.xlane v4, v1;
	_ =	sdelay $0x1  }
0x40: {  	v4 =	vperm.xlane v4, v3;
	v5 =	vadd.s32 v2, v5;
	_ =	sdelay $0x1  }
0x41: {  	v4 =	vadd.s32 v2, v4;
	_ =	sdelay $0x1  }
0x42: {  	s19 =	simm.s32 $0x1280  }
0x43: {  	[tilespmem:s19], [sflag:$0x1] =	stream.indirect_vreg.gather [hbm4b:s3+s1], $0x80, v5, vm0, $0xb8;
	[tilespmem:$0x18280] =	vst v63  }
0x44: {  	s19 =	simm.s32 $0x1A80  }
0x45: {  	[tilespmem:s19], [sflag:$0x1] =	stream.indirect_vreg.gather [hbm4b:s3+s1], $0x80, v4, vm0, $0xb8;
	[tilespmem:$0x18280] =	vst v63  }
0x46: {  	v4 =	vld [tilespmem:$0xA0];
	_ =	sdelay $0x4  }
0x47: {  	v5 =	vshll.u32 v4, $0x1  }
0x48: {  	v4 =	vand.u32 $0x7, v4;
	v5 =	vand.u32 $0xFFFFFFF0, v5  }
0x49: {  	v4 =	vor.u32 v4, v5  }
0x4a: {  	v5 =	vperm.xlane v4, v1;
	_ =	sdelay $0x1  }
0x4b: {  	v4 =	vperm.xlane v4, v3;
	v5 =	vadd.s32 v2, v5;
	_ =	sdelay $0x1  }
0x4c: {  	v4 =	vadd.s32 v2, v4;
	_ =	sdelay $0x1  }
0x4d: {  	s19 =	simm.s32 $0x2280  }
0x4e: {  	[tilespmem:s19], [sflag:$0x1] =	stream.indirect_vreg.gather [hbm4b:s3+s1], $0x80, v5, vm0, $0xb8;
	[tilespmem:$0x18280] =	vst v63  }
0x4f: {  	s19 =	simm.s32 $0x2A80  }
0x50: {  	[tilespmem:s19], [sflag:$0x1] =	stream.indirect_vreg.gather [hbm4b:s3+s1], $0x80, v4, vm0, $0xb8;
	[tilespmem:$0x18280] =	vst v63  }
0x51: {  	v4 =	vld [tilespmem:$0xB0];
	_ =	sdelay $0x4  }
0x52: {  	v5 =	vshll.u32 v4, $0x1  }
0x53: {  	v4 =	vand.u32 $0x7, v4;
	v5 =	vand.u32 $0xFFFFFFF0, v5  }
0x54: {  	v4 =	vor.u32 v4, v5  }
0x55: {  	v5 =	vperm.xlane v4, v1;
	_ =	sdelay $0x1  }
0x56: {  	v4 =	vperm.xlane v4, v3;
	v5 =	vadd.s32 v2, v5;
	_ =	sdelay $0x1  }
0x57: {  	v4 =	vadd.s32 v2, v4;
	_ =	sdelay $0x1  }
0x58: {  	s19 =	simm.s32 $0x3280  }
0x59: {  	[tilespmem:s19], [sflag:$0x1] =	stream.indirect_vreg.gather [hbm4b:s3+s1], $0x80, v5, vm0, $0xb8;
	[tilespmem:$0x18280] =	vst v63  }
0x5a: {  	s19 =	simm.s32 $0x3A80  }
0x5b: {  	[tilespmem:s19], [sflag:$0x1] =	stream.indirect_vreg.gather [hbm4b:s3+s1], $0x80, v4, vm0, $0xb8;
	[tilespmem:$0x18280] =	vst v63  }
0x5c: {  	v4 =	vld [tilespmem:$0xC0];
	_ =	sdelay $0x4  }
0x5d: {  	v5 =	vshll.u32 v4, $0x1  }
0x5e: {  	v4 =	vand.u32 $0x7, v4;
	v5 =	vand.u32 $0xFFFFFFF0, v5  }
0x5f: {  	v4 =	vor.u32 v4, v5  }
0x60: {  	v5 =	vperm.xlane v4, v1;
	_ =	sdelay $0x1  }
0x61: {  	v4 =	vperm.xlane v4, v3;
	v5 =	vadd.s32 v2, v5;
	_ =	sdelay $0x1  }
0x62: {  	v4 =	vadd.s32 v2, v4;
	_ =	sdelay $0x1  }
0x63: {  	s19 =	simm.s32 $0x4280  }
0x64: {  	[tilespmem:s19], [sflag:$0x1] =	stream.indirect_vreg.gather [hbm4b:s3+s1], $0x80, v5, vm0, $0xb8;
	[tilespmem:$0x18280] =	vst v63  }
0x65: {  	s19 =	simm.s32 $0x4A80  }
0x66: {  	[tilespmem:s19], [sflag:$0x1] =	stream.indirect_vreg.gather [hbm4b:s3+s1], $0x80, v4, vm0, $0xb8;
	[tilespmem:$0x18280] =	vst v63  }
0x67: {  	v4 =	vld [tilespmem:$0xD0];
	_ =	sdelay $0x4  }
0x68: {  	v5 =	vshll.u32 v4, $0x1  }
0x69: {  	v4 =	vand.u32 $0x7, v4;
	v5 =	vand.u32 $0xFFFFFFF0, v5  }
0x6a: {  	v4 =	vor.u32 v4, v5  }
0x6b: {  	v5 =	vperm.xlane v4, v1;
	_ =	sdelay $0x1  }
0x6c: {  	v4 =	vperm.xlane v4, v3;
	v5 =	vadd.s32 v2, v5;
	_ =	sdelay $0x1  }
0x6d: {  	v4 =	vadd.s32 v2, v4;
	_ =	sdelay $0x1  }
0x6e: {  	s19 =	simm.s32 $0x5280  }
0x6f: {  	[tilespmem:s19], [sflag:$0x1] =	stream.indirect_vreg.gather [hbm4b:s3+s1], $0x80, v5, vm0, $0xb8;
	[tilespmem:$0x18280] =	vst v63  }
0x70: {  	s19 =	simm.s32 $0x5A80  }
0x71: {  	[tilespmem:s19], [sflag:$0x1] =	stream.indirect_vreg.gather [hbm4b:s3+s1], $0x80, v4, vm0, $0xb8;
	[tilespmem:$0x18280] =	vst v63  }
0x72: {  	v4 =	vld [tilespmem:$0xE0];
	_ =	sdelay $0x4  }
0x73: {  	v5 =	vshll.u32 v4, $0x1  }
0x74: {  	v4 =	vand.u32 $0x7, v4;
	v5 =	vand.u32 $0xFFFFFFF0, v5  }
0x75: {  	v4 =	vor.u32 v4, v5  }
0x76: {  	v5 =	vperm.xlane v4, v1;
	_ =	sdelay $0x1  }
0x77: {  	v4 =	vperm.xlane v4, v3;
	v5 =	vadd.s32 v2, v5;
	_ =	sdelay $0x1  }
0x78: {  	v4 =	vadd.s32 v2, v4;
	_ =	sdelay $0x1  }
0x79: {  	s19 =	simm.s32 $0x6280  }
0x7a: {  	[tilespmem:s19], [sflag:$0x1] =	stream.indirect_vreg.gather [hbm4b:s3+s1], $0x80, v5, vm0, $0xb8;
	[tilespmem:$0x18280] =	vst v63  }
0x7b: {  	s19 =	simm.s32 $0x6A80  }
0x7c: {  	[tilespmem:s19], [sflag:$0x1] =	stream.indirect_vreg.gather [hbm4b:s3+s1], $0x80, v4, vm0, $0xb8;
	[tilespmem:$0x18280] =	vst v63  }
0x7d: {  	v4 =	vld [tilespmem:$0xF0];
	_ =	sdelay $0x4  }
0x7e: {  	v5 =	vshll.u32 v4, $0x1  }
0x7f: {  	v4 =	vand.u32 $0x7, v4;
	v5 =	vand.u32 $0xFFFFFFF0, v5  }
0x80: {  	v4 =	vor.u32 v4, v5  }
0x81: {  	v5 =	vperm.xlane v4, v1;
	_ =	sdelay $0x1  }
0x82: {  	v4 =	vperm.xlane v4, v3;
	v5 =	vadd.s32 v2, v5;
	_ =	sdelay $0x1  }
0x83: {  	v4 =	vadd.s32 v2, v4;
	_ =	sdelay $0x2  }
0x84: {  	[tilespmem:s14], [sflag:$0x1] =	stream.indirect_vreg.gather [hbm4b:s3+s1], $0x80, v5, vm0, $0xb8;
	[tilespmem:$0x18280] =	vst v63  }
0x85: {  	_ = 	snop  }
0x86: {  	[tilespmem:s15], [sflag:$0x1] =	stream.indirect_vreg.gather [hbm4b:s3+s1], $0x80, v4, vm0, $0xb8;
	[tilespmem:$0x18280] =	vst v63  }
0x87: {  	_ =	swait.ge [sflag:s28], $0x8000  }
0x88: {  	s18 =	sshll.u32 s18, $0x5;
	[sflag:s28] =	ssyncset.done $0x0  }
0x89: {  	s19 =	sadd.s32 s5, s18;
	[sflag:s28] =	ssyncadd.s32 $0xFFFF8000  }
0x8a: {  	[hbm4b:s19+s1] =	stream.linear.scatter [tilespmem:s11], [sflag:$0x2], $0x8000, $0x38;
	[tilespmem:$0x18280] =	vst v63  }
0x8b: {  	_ =	swait.ge [sflag:s10], $0x8000  }
0x8c: {  	[sflag:s10] =	ssyncset.done $0x0  }
0x8d: {  	[sflag:s10] =	ssyncadd.s32 $0xFFFF8000  }
0x8e: {  	v4 =	vld [tilespmem:$0x100];
	_ =	sdelay $0x4  }
0x8f: {  	v5 =	vshll.u32 v4, $0x1  }
0x90: {  	v4 =	vand.u32 $0x7, v4;
	v5 =	vand.u32 $0xFFFFFFF0, v5  }
0x91: {  	v4 =	vor.u32 v4, v5  }
0x92: {  	v5 =	vperm.xlane v4, v1;
	_ =	sdelay $0x1  }
0x93: {  	v4 =	vperm.xlane v4, v3;
	v5 =	vadd.s32 v2, v5;
	_ =	sdelay $0x1  }
0x94: {  	v4 =	vadd.s32 v2, v4;
	_ =	sdelay $0x2  }
0x95: {  	[tilespmem:s29], [sflag:$0x1] =	stream.indirect_vreg.gather [hbm4b:s3+s1], $0x80, v5, vm0, $0xb8;
	[tilespmem:$0x18280] =	vst v63  }
0x96: {  	_ = 	snop  }
0x97: {  	[tilespmem:s16], [sflag:$0x1] =	stream.indirect_vreg.gather [hbm4b:s3+s1], $0x80, v4, vm0, $0xb8;
	[tilespmem:$0x18280] =	vst v63  }
0x98: {  	v4 =	vld [tilespmem:$0x110];
	_ =	sdelay $0x4  }
0x99: {  	v5 =	vshll.u32 v4, $0x1  }
0x9a: {  	v4 =	vand.u32 $0x7, v4;
	v5 =	vand.u32 $0xFFFFFFF0, v5  }
0x9b: {  	v4 =	vor.u32 v4, v5  }
0x9c: {  	v5 =	vperm.xlane v4, v1;
	_ =	sdelay $0x1  }
0x9d: {  	v4 =	vperm.xlane v4, v3;
	v5 =	vadd.s32 v2, v5;
	_ =	sdelay $0x1  }
0x9e: {  	v4 =	vadd.s32 v2, v4;
	_ =	sdelay $0x2  }
0x9f: {  	[tilespmem:s17], [sflag:$0x1] =	stream.indirect_vreg.gather [hbm4b:s3+s1], $0x80, v5, vm0, $0xb8;
	[tilespmem:$0x18280] =	vst v63  }
0xa0: {  	_ = 	snop  }
0xa1: {  	[tilespmem:s20], [sflag:$0x1] =	stream.indirect_vreg.gather [hbm4b:s3+s1], $0x80, v4, vm0, $0xb8;
	[tilespmem:$0x18280] =	vst v63  }
0xa2: {  	v4 =	vld [tilespmem:$0x120];
	_ =	sdelay $0x4  }
0xa3: {  	v5 =	vshll.u32 v4, $0x1  }
0xa4: {  	v4 =	vand.u32 $0x7, v4;
	v5 =	vand.u32 $0xFFFFFFF0, v5  }
0xa5: {  	v4 =	vor.u32 v4, v5  }
0xa6: {  	v5 =	vperm.xlane v4, v1;
	_ =	sdelay $0x1  }
0xa7: {  	v4 =	vperm.xlane v4, v3;
	v5 =	vadd.s32 v2, v5;
	_ =	sdelay $0x1  }
0xa8: {  	v4 =	vadd.s32 v2, v4;
	_ =	sdelay $0x2  }
0xa9: {  	[tilespmem:s21], [sflag:$0x1] =	stream.indirect_vreg.gather [hbm4b:s3+s1], $0x80, v5, vm0, $0xb8;
	[tilespmem:$0x18280] =	vst v63  }
0xaa: {  	_ = 	snop  }
0xab: {  	[tilespmem:s23], [sflag:$0x1] =	stream.indirect_vreg.gather [hbm4b:s3+s1], $0x80, v4, vm0, $0xb8;
	[tilespmem:$0x18280] =	vst v63  }
0xac: {  	v4 =	vld [tilespmem:$0x130];
	_ =	sdelay $0x4  }
0xad: {  	v5 =	vshll.u32 v4, $0x1  }
0xae: {  	v4 =	vand.u32 $0x7, v4;
	v5 =	vand.u32 $0xFFFFFFF0, v5  }
0xaf: {  	v4 =	vor.u32 v4, v5  }
0xb0: {  	v5 =	vperm.xlane v4, v1;
	_ =	sdelay $0x1  }
0xb1: {  	v4 =	vperm.xlane v4, v3;
	v5 =	vadd.s32 v2, v5;
	_ =	sdelay $0x1  }
0xb2: {  	v4 =	vadd.s32 v2, v4;
	_ =	sdelay $0x2  }
0xb3: {  	[tilespmem:s24], [sflag:$0x1] =	stream.indirect_vreg.gather [hbm4b:s3+s1], $0x80, v5, vm0, $0xb8;
	[tilespmem:$0x18280] =	vst v63  }
0xb4: {  	_ = 	snop  }
0xb5: {  	[tilespmem:s25], [sflag:$0x1] =	stream.indirect_vreg.gather [hbm4b:s3+s1], $0x80, v4, vm0, $0xb8;
	[tilespmem:$0x18280] =	vst v63  }
0xb6: {  	v4 =	vld [tilespmem:$0x140];
	_ =	sdelay $0x4  }
0xb7: {  	v5 =	vshll.u32 v4, $0x1  }
0xb8: {  	v4 =	vand.u32 $0x7, v4;
	v5 =	vand.u32 $0xFFFFFFF0, v5  }
0xb9: {  	v4 =	vor.u32 v4, v5  }
0xba: {  	v5 =	vperm.xlane v4, v1;
	_ =	sdelay $0x1  }
0xbb: {  	v4 =	vperm.xlane v4, v3;
	v5 =	vadd.s32 v2, v5;
	_ =	sdelay $0x1  }
0xbc: {  	v4 =	vadd.s32 v2, v4;
	_ =	sdelay $0x2  }
0xbd: {  	[tilespmem:s26], [sflag:$0x1] =	stream.indirect_vreg.gather [hbm4b:s3+s1], $0x80, v5, vm0, $0xb8;
	[tilespmem:$0x18280] =	vst v63  }
0xbe: {  	_ = 	snop  }
0xbf: {  	[tilespmem:s30], [sflag:$0x1] =	stream.indirect_vreg.gather [hbm4b:s3+s1], $0x80, v4, vm0, $0xb8;
	[tilespmem:$0x18280] =	vst v63  }
0xc0: {  	v4 =	vld [tilespmem:$0x150];
	_ =	sdelay $0x4  }
0xc1: {  	v5 =	vshll.u32 v4, $0x1  }
0xc2: {  	v4 =	vand.u32 $0x7, v4;
	v5 =	vand.u32 $0xFFFFFFF0, v5  }
0xc3: {  	v4 =	vor.u32 v4, v5  }
0xc4: {  	v5 =	vperm.xlane v4, v1;
	_ =	sdelay $0x1  }
0xc5: {  	v4 =	vperm.xlane v4, v3;
	v5 =	vadd.s32 v2, v5;
	_ =	sdelay $0x1  }
0xc6: {  	v4 =	vadd.s32 v2, v4;
	_ =	sdelay $0x2  }
0xc7: {  	[tilespmem:s31], [sflag:$0x1] =	stream.indirect_vreg.gather [hbm4b:s3+s1], $0x80, v5, vm0, $0xb8;
	[tilespmem:$0x18280] =	vst v63  }
0xc8: {  	_ = 	snop  }
0xc9: {  	[tilespmem:s0], [sflag:$0x1] =	stream.indirect_vreg.gather [hbm4b:s3+s1], $0x80, v4, vm0, $0xb8;
	[tilespmem:$0x18280] =	vst v63  }
0xca: {  	v4 =	vld [tilespmem:$0x160];
	_ =	sdelay $0x4  }
0xcb: {  	v5 =	vshll.u32 v4, $0x1  }
0xcc: {  	v4 =	vand.u32 $0x7, v4;
	v5 =	vand.u32 $0xFFFFFFF0, v5  }
0xcd: {  	v4 =	vor.u32 v4, v5  }
0xce: {  	v5 =	vperm.xlane v4, v1;
	_ =	sdelay $0x1  }
0xcf: {  	v4 =	vperm.xlane v4, v3;
	v5 =	vadd.s32 v2, v5;
	_ =	sdelay $0x1  }
0xd0: {  	v4 =	vadd.s32 v2, v4;
	_ =	sdelay $0x2  }
0xd1: {  	[tilespmem:s2], [sflag:$0x1] =	stream.indirect_vreg.gather [hbm4b:s3+s1], $0x80, v5, vm0, $0xb8;
	[tilespmem:$0x18280] =	vst v63  }
0xd2: {  	_ = 	snop  }
0xd3: {  	[tilespmem:s9], [sflag:$0x1] =	stream.indirect_vreg.gather [hbm4b:s3+s1], $0x80, v4, vm0, $0xb8;
	[tilespmem:$0x18280] =	vst v63  }
0xd4: {  	v4 =	vld [tilespmem:$0x170];
	_ =	sdelay $0x4  }
0xd5: {  	v5 =	vshll.u32 v4, $0x1  }
0xd6: {  	v4 =	vand.u32 $0x7, v4;
	v5 =	vand.u32 $0xFFFFFFF0, v5  }
0xd7: {  	v4 =	vor.u32 v4, v5  }
0xd8: {  	v5 =	vperm.xlane v4, v1;
	_ =	sdelay $0x1  }
0xd9: {  	v4 =	vperm.xlane v4, v3;
	v5 =	vadd.s32 v2, v5;
	_ =	sdelay $0x1  }
0xda: {  	v4 =	vadd.s32 v2, v4;
	_ =	sdelay $0x2  }
0xdb: {  	[tilespmem:s12], [sflag:$0x1] =	stream.indirect_vreg.gather [hbm4b:s3+s1], $0x80, v5, vm0, $0xb8;
	[tilespmem:$0x18280] =	vst v63  }
0xdc: {  	_ = 	snop  }
0xdd: {  	[tilespmem:s13], [sflag:$0x1] =	stream.indirect_vreg.gather [hbm4b:s3+s1], $0x80, v4, vm0, $0xb8;
	[tilespmem:$0x18280] =	vst v63  }
0xde: {  	_ =	swait.ge [sflag:s28], $0x8000  }
0xdf: {  	[sflag:s28] =	ssyncset.done $0x0  }
0xe0: {  	s19 =	sadd.s32 s6, s18;
	[sflag:s28] =	ssyncadd.s32 $0xFFFF8000  }
0xe1: {  	[hbm4b:s19+s1] =	stream.linear.scatter [tilespmem:s29], [sflag:$0x2], $0x8000, $0x38;
	[tilespmem:$0x18280] =	vst v63  }
0xe2: {  	_ =	swait.ge [sflag:s10], $0x8000  }
0xe3: {  	[sflag:s10] =	ssyncset.done $0x0  }
0xe4: {  	[sflag:s10] =	ssyncadd.s32 $0xFFFF8000  }
0xe5: {  	v4 =	vld [tilespmem:$0x180];
	_ =	sdelay $0x4  }
0xe6: {  	v5 =	vshll.u32 v4, $0x1  }
0xe7: {  	v4 =	vand.u32 $0x7, v4;
	v5 =	vand.u32 $0xFFFFFFF0, v5  }
0xe8: {  	v4 =	vor.u32 v4, v5  }
0xe9: {  	v5 =	vperm.xlane v4, v1;
	_ =	sdelay $0x1  }
0xea: {  	v4 =	vperm.xlane v4, v3;
	v5 =	vadd.s32 v2, v5;
	_ =	sdelay $0x1  }
0xeb: {  	v4 =	vadd.s32 v2, v4;
	_ =	sdelay $0x2  }
0xec: {  	[tilespmem:s22], [sflag:$0x1] =	stream.indirect_vreg.gather [hbm4b:s3+s1], $0x80, v5, vm0, $0xb8;
	[tilespmem:$0x18280] =	vst v63  }
0xed: {  	s19 =	simm.s32 $0x10A80  }
0xee: {  	[tilespmem:s19], [sflag:$0x1] =	stream.indirect_vreg.gather [hbm4b:s3+s1], $0x80, v4, vm0, $0xb8;
	[tilespmem:$0x18280] =	vst v63  }
0xef: {  	v4 =	vld [tilespmem:$0x190];
	_ =	sdelay $0x4  }
0xf0: {  	v5 =	vshll.u32 v4, $0x1  }
0xf1: {  	v4 =	vand.u32 $0x7, v4;
	v5 =	vand.u32 $0xFFFFFFF0, v5  }
0xf2: {  	v4 =	vor.u32 v4, v5  }
0xf3: {  	v5 =	vperm.xlane v4, v1;
	_ =	sdelay $0x1  }
0xf4: {  	v4 =	vperm.xlane v4, v3;
	v5 =	vadd.s32 v2, v5;
	_ =	sdelay $0x1  }
0xf5: {  	v4 =	vadd.s32 v2, v4;
	_ =	sdelay $0x1  }
0xf6: {  	s19 =	simm.s32 $0x11280  }
0xf7: {  	[tilespmem:s19], [sflag:$0x1] =	stream.indirect_vreg.gather [hbm4b:s3+s1], $0x80, v5, vm0, $0xb8;
	[tilespmem:$0x18280] =	vst v63  }
0xf8: {  	s19 =	simm.s32 $0x11A80  }
0xf9: {  	[tilespmem:s19], [sflag:$0x1] =	stream.indirect_vreg.gather [hbm4b:s3+s1], $0x80, v4, vm0, $0xb8;
	[tilespmem:$0x18280] =	vst v63  }
0xfa: {  	v4 =	vld [tilespmem:$0x1A0];
	_ =	sdelay $0x4  }
0xfb: {  	v5 =	vshll.u32 v4, $0x1  }
0xfc: {  	v4 =	vand.u32 $0x7, v4;
	v5 =	vand.u32 $0xFFFFFFF0, v5  }
0xfd: {  	v4 =	vor.u32 v4, v5  }
0xfe: {  	v5 =	vperm.xlane v4, v1;
	_ =	sdelay $0x1  }
0xff: {  	v4 =	vperm.xlane v4, v3;
	v5 =	vadd.s32 v2, v5;
	_ =	sdelay $0x1  }
0x100: {  	v4 =	vadd.s32 v2, v4;
	_ =	sdelay $0x1  }
0x101: {  	s19 =	simm.s32 $0x12280  }
0x102: {  	[tilespmem:s19], [sflag:$0x1] =	stream.indirect_vreg.gather [hbm4b:s3+s1], $0x80, v5, vm0, $0xb8;
	[tilespmem:$0x18280] =	vst v63  }
0x103: {  	s19 =	simm.s32 $0x12A80  }
0x104: {  	[tilespmem:s19], [sflag:$0x1] =	stream.indirect_vreg.gather [hbm4b:s3+s1], $0x80, v4, vm0, $0xb8;
	[tilespmem:$0x18280] =	vst v63  }
0x105: {  	v4 =	vld [tilespmem:$0x1B0];
	_ =	sdelay $0x4  }
0x106: {  	v5 =	vshll.u32 v4, $0x1  }
0x107: {  	v4 =	vand.u32 $0x7, v4;
	v5 =	vand.u32 $0xFFFFFFF0, v5  }
0x108: {  	v4 =	vor.u32 v4, v5  }
0x109: {  	v5 =	vperm.xlane v4, v1;
	_ =	sdelay $0x1  }
0x10a: {  	v4 =	vperm.xlane v4, v3;
	v5 =	vadd.s32 v2, v5;
	_ =	sdelay $0x1  }
0x10b: {  	v4 =	vadd.s32 v2, v4;
	_ =	sdelay $0x1  }
0x10c: {  	s19 =	simm.s32 $0x13280  }
0x10d: {  	[tilespmem:s19], [sflag:$0x1] =	stream.indirect_vreg.gather [hbm4b:s3+s1], $0x80, v5, vm0, $0xb8;
	[tilespmem:$0x18280] =	vst v63  }
0x10e: {  	s19 =	simm.s32 $0x13A80  }
0x10f: {  	[tilespmem:s19], [sflag:$0x1] =	stream.indirect_vreg.gather [hbm4b:s3+s1], $0x80, v4, vm0, $0xb8;
	[tilespmem:$0x18280] =	vst v63  }
0x110: {  	v4 =	vld [tilespmem:$0x1C0];
	_ =	sdelay $0x4  }
0x111: {  	v5 =	vshll.u32 v4, $0x1  }
0x112: {  	v4 =	vand.u32 $0x7, v4;
	v5 =	vand.u32 $0xFFFFFFF0, v5  }
0x113: {  	v4 =	vor.u32 v4, v5  }
0x114: {  	v5 =	vperm.xlane v4, v1;
	_ =	sdelay $0x1  }
0x115: {  	v4 =	vperm.xlane v4, v3;
	v5 =	vadd.s32 v2, v5;
	_ =	sdelay $0x1  }
0x116: {  	v4 =	vadd.s32 v2, v4;
	_ =	sdelay $0x1  }
0x117: {  	s19 =	simm.s32 $0x14280  }
0x118: {  	[tilespmem:s19], [sflag:$0x1] =	stream.indirect_vreg.gather [hbm4b:s3+s1], $0x80, v5, vm0, $0xb8;
	[tilespmem:$0x18280] =	vst v63  }
0x119: {  	s19 =	simm.s32 $0x14A80  }
0x11a: {  	[tilespmem:s19], [sflag:$0x1] =	stream.indirect_vreg.gather [hbm4b:s3+s1], $0x80, v4, vm0, $0xb8;
	[tilespmem:$0x18280] =	vst v63  }
0x11b: {  	v4 =	vld [tilespmem:$0x1D0];
	_ =	sdelay $0x4  }
0x11c: {  	v5 =	vshll.u32 v4, $0x1  }
0x11d: {  	v4 =	vand.u32 $0x7, v4;
	v5 =	vand.u32 $0xFFFFFFF0, v5  }
0x11e: {  	v4 =	vor.u32 v4, v5  }
0x11f: {  	v5 =	vperm.xlane v4, v1;
	_ =	sdelay $0x1  }
0x120: {  	v4 =	vperm.xlane v4, v3;
	v5 =	vadd.s32 v2, v5;
	_ =	sdelay $0x1  }
0x121: {  	v4 =	vadd.s32 v2, v4;
	_ =	sdelay $0x1  }
0x122: {  	s19 =	simm.s32 $0x15280  }
0x123: {  	[tilespmem:s19], [sflag:$0x1] =	stream.indirect_vreg.gather [hbm4b:s3+s1], $0x80, v5, vm0, $0xb8;
	[tilespmem:$0x18280] =	vst v63  }
0x124: {  	s19 =	simm.s32 $0x15A80  }
0x125: {  	[tilespmem:s19], [sflag:$0x1] =	stream.indirect_vreg.gather [hbm4b:s3+s1], $0x80, v4, vm0, $0xb8;
	[tilespmem:$0x18280] =	vst v63  }
0x126: {  	v4 =	vld [tilespmem:$0x1E0];
	_ =	sdelay $0x4  }
0x127: {  	v5 =	vshll.u32 v4, $0x1  }
0x128: {  	v4 =	vand.u32 $0x7, v4;
	v5 =	vand.u32 $0xFFFFFFF0, v5  }
0x129: {  	v4 =	vor.u32 v4, v5  }
0x12a: {  	v5 =	vperm.xlane v4, v1;
	_ =	sdelay $0x1  }
0x12b: {  	v4 =	vperm.xlane v4, v3;
	v5 =	vadd.s32 v2, v5;
	_ =	sdelay $0x1  }
0x12c: {  	v4 =	vadd.s32 v2, v4;
	_ =	sdelay $0x1  }
0x12d: {  	s19 =	simm.s32 $0x16280  }
0x12e: {  	[tilespmem:s19], [sflag:$0x1] =	stream.indirect_vreg.gather [hbm4b:s3+s1], $0x80, v5, vm0, $0xb8;
	[tilespmem:$0x18280] =	vst v63  }
0x12f: {  	s19 =	simm.s32 $0x16A80  }
0x130: {  	[tilespmem:s19], [sflag:$0x1] =	stream.indirect_vreg.gather [hbm4b:s3+s1], $0x80, v4, vm0, $0xb8;
	[tilespmem:$0x18280] =	vst v63  }
0x131: {  	v4 =	vld [tilespmem:$0x1F0];
	_ =	sdelay $0x4  }
0x132: {  	v5 =	vshll.u32 v4, $0x1  }
0x133: {  	v4 =	vand.u32 $0x7, v4;
	v5 =	vand.u32 $0xFFFFFFF0, v5  }
0x134: {  	v4 =	vor.u32 v4, v5  }
0x135: {  	v5 =	vperm.xlane v4, v1;
	_ =	sdelay $0x1  }
0x136: {  	v4 =	vperm.xlane v4, v3;
	v5 =	vadd.s32 v2, v5;
	_ =	sdelay $0x1  }
0x137: {  	v4 =	vadd.s32 v2, v4;
	_ =	sdelay $0x1  }
0x138: {  	s19 =	simm.s32 $0x17280  }
0x139: {  	[tilespmem:s19], [sflag:$0x1] =	stream.indirect_vreg.gather [hbm4b:s3+s1], $0x80, v5, vm0, $0xb8;
	[tilespmem:$0x18280] =	vst v63  }
0x13a: {  	s19 =	simm.s32 $0x17A80  }
0x13b: {  	[tilespmem:s19], [sflag:$0x1] =	stream.indirect_vreg.gather [hbm4b:s3+s1], $0x80, v4, vm0, $0xb8;
	[tilespmem:$0x18280] =	vst v63  }
0x13c: {  	_ =	swait.ge [sflag:s28], $0x8000  }
0x13d: {  	p1 =	por p0, p0;
	[sflag:s28] =	ssyncset.done $0x0  }
.Ltmp0:
0x13e: {  	s18 =	sadd.s32 s7, s18;
	[sflag:s28] =	ssyncadd.s32 $0xFFFF8000;
	(pc) =	sbr.rel @p1 .LBB2_2-.Ltmp0, $4  }
0x13f: {  	[hbm4b:s18+s1] =	stream.linear.scatter [tilespmem:s22], [sflag:$0x2], $0x8000, $0x38;
	[tilespmem:$0x18280] =	vst v63  }
0x140: {  	_ =	swait.ge [sflag:s10], $0x8000  }
0x141: {  	[sflag:s10] =	ssyncset.done $0x0  }
0x142: {  	p0 =	por $0x0, $0x0;
	s18 =	simm.s32 $0x80;
	[sflag:s10] =	ssyncadd.s32 $0xFFFF8000  }
0x143: {  	s0 =	rddreg [dreg:$0x3]  }
0x144: {  	s18 =	rddreg [dreg:$0x2];
	s0 =	sadd.s32 $0x1, s0  }
0x145: {  	p0 =	sne.s32 s0, s18  }
.Ltmp1:
0x146: {  	_ = 	snop;
	(pc) =	sbr.rel @p0 .LBB2_1-.Ltmp1, $1  }
0x147: {  	_ =	sdelay $0x3  }
0x148: {  	_ =	sfence.sel $0x180000  }
0x149: {  	[bflag:$0x0] =	sbarrier.arrive $0xFFFF  }
0x14a: {  	_ =	strace $0x9000004D  }
0x14b: {  	s0 =	stileid.u32;
	[bflag:$0x2] =	sbarrier.arrive $0xFFFF  }
0x14c: {  	p0 =	sne.s32 s0, $0x0;
	s0 =	rddreg [dreg:$0x1]  }
0x14d: {  	s0 =	sadd.s32 @!p0 $0x100000, s0  }
0x14e: {  	[sflag:s0] =	ssyncadd.tile.s32 @!p0 $0x1;
	_ =	shalt  }
.Lfunc_end2:
_tile_overlayer_lowered:
.L_overlay_start_2:
0x14f: {  	(tag) =	ssettag $0x2  }
0x150: {  	s0 =	rddreg [dreg:$0x0];
	s2 =	stileid.u32  }
0x151: {  	s1 =	rddreg [dreg:$0x1];
	p0 =	sne.s32 s2, $0x0  }
0x152: {  	s3 =	rddreg [dreg:$0x2];
	[bflag:$0x3] =	sbarrier.arrive $0xFFFF;
	s2 =	simm.s32 @!p0 $0x1C02  }
0x153: {  	[timem:s3], [sflag:s2] =	dma.local @!p0 [hbm:s0], s1  }
0x154: {  	s0 =	simm.s32 @!p0 $0x2  }
0x155: {  	_ =	swait.ge @!p0 [sflag:s0], s1  }
0x156: {  	s1 =	ssub.s32 @!p0 $0x0, s1;
	[sflag:s0] =	ssyncset.done @!p0 $0x0  }
0x157: {  	[sflag:s0] =	ssyncadd.s32 @!p0 s1  }
0x158: {  	[bflag:$0x3] =	sbarrier.arrive $0xFFFF  }
0x159: {  	_ =	shalt  }

// kernel: kernel.23.cloned.1.call-start
scs
__scs_entry_jumppad:
0x0: {  	(pc) =	sbr.rel $0x88, $3  }
0x1: {  	(tag) =	ssettag $0x0;
	lr =	simm.s32 $0x1  }
0x2: {  	[smem:$0x3F9B] =	sst lr;
	_ =	strace $0xD0000000  }
0x3: {  	_ = 	snop  }
0x4: {  	_ = 	snop  }
0x5: {  	_ = 	snop  }
0x6: {  	_ = 	snop  }
0x7: {  	_ = 	snop  }
__scs_overlays_trampoline_lowered:
0x8: {  	[smem:$0x3FAA] =	sst s0  }
0x9: {  	[smem:$0x3FAB] =	sst s1  }
0xa: {  	[smem:$0x3FAC] =	sst s2  }
0xb: {  	[smem:$0x3FAD] =	sst s3  }
0xc: {  	[smem:$0x3FAE] =	sst s4  }
0xd: {  	[smem:$0x3FAF] =	sst s5  }
0xe: {  	[smem:$0x3FB0] =	sst s6  }
0xf: {  	[smem:$0x3FB1] =	sst s7  }
0x10: {  	[smem:$0x3FB2] =	sst s8  }
0x11: {  	[smem:$0x3FB3] =	sst s9;
	s0 =	simm.s32 @!p0 $0x0  }
0x12: {  	s1 =	sld [smem:$0x3F99];
	s0 =	simm.s32 @p0 $0x1  }
0x13: {  	[smem:$0x3FB4] =	sst s0;
	s0 =	simm.s32 @!p1 $0x0  }
0x14: {  	s2 =	sld [smem:$0x3F98];
	s0 =	simm.s32 @p1 $0x1  }
0x15: {  	[smem:$0x3FB5] =	sst s0;
	s0 =	simm.s32 @!p2 $0x0  }
0x16: {  	s3 =	sld [smem:$0x3FDB];
	s0 =	simm.s32 @p2 $0x1  }
0x17: {  	s4 =	simm.s32 $0x1BF5;
	[smem:$0x3FB7] =	sst s0  }
0x18: {  	s0 =	sld [smem:$0x3F9A];
	_ =	swait.ge [sflag:s4], $0x0  }
0x19: {  	s7 =	sld [smem:$0x3F9B]  }
0x1a: {  	s8 =	sadd.s32 $0xFFFFE003, lr  }
0x1b: {  	s9 =	sadd.s32 $0xFFFFFEF7, lr;
	s5 =	simm.s32 $0xFFFFFFFF;
	p2 =	slt.u32 s8, $0xFFFFF086  }
0x1c: {  	p1 =	slt.u32 s9, $0xF7A;
	s5 =	simm.s32 @!p2 $0x0  }
0x1d: {  	s5 =	simm.s32 @p1 $0x1;
	p0 =	seq.s32 s7, s2  }
0x1e: {  	s7 =	smul.u32 @!p0 $0xF7A, s2;
	p2 =	seq.s32 @!p0 s5, $0x0  }
0x1f: {  	s9 =	smul.u32 $0xF7A, s1;
	s8 =	simm.s32 @!p0 $0x1BF5;
	p2 =	por !p2, p0  }
0x20: {  	[sflag:s8] =	ssyncset.s32 @!p0 $0xFFFFF086;
	s6 =	sadd.s32 @!p0 s3, s7;
	s7 =	simm.s32 @!p0 $0x108  }
0x21: {  	s3 =	sadd.s32 s3, s9;
	s6 =	sadd.s32 @!p0 $0x88, s6;
	s7 =	simm.s32 @p2 $0x1082  }
0x22: {  	[simem:s7], [sflag:s8] =	dma.local @!p0 [hbm:s6], $0xF7A  }
0x23: {  	s9 =	sor.u32 $0xD0000000, s2;
	s6 =	simm.s32 $0x108;
	_ =	swait.ge @!p0 [sflag:s8], $0x0  }
0x24: {  	s3 =	sadd.s32 $0x88, s3;
	s6 =	simm.s32 @!p1 $0x1082;
	[sflag:s4] =	ssyncset.s32 $0xFFFFF086  }
0x25: {  	[simem:s6], [sflag:s4] =	dma.local [hbm:s3], $0xF7A  }
0x26: {  	[smem:$0x3F9B] =	sst s1;
	(tag) =	ssettag s2;
	_ =	strace s9  }
0x27: {  	s1 =	sld [smem:$0x3FAB]  }
0x28: {  	s2 =	sld [smem:$0x3FAC]  }
0x29: {  	s4 =	sld [smem:$0x3FAE]  }
0x2a: {  	p0 =	seq.s32 s5, $0x0;
	s5 =	sld [smem:$0x3FAF]  }
0x2b: {  	s6 =	sld [smem:$0x3FB0]  }
0x2c: {  	s7 =	sld [smem:$0x3FB1]  }
0x2d: {  	s3 =	simm.s32 $0x108;
	s8 =	sld [smem:$0x3FB2]  }
0x2e: {  	s3 =	simm.s32 @!p0 $0x1082;
	s9 =	sld [smem:$0x3FB3]  }
0x2f: {  	lr =	sadd.s32 s0, s3;
	s0 =	sld [smem:$0x3FAA]  }
0x30: {  	s3 =	sld [smem:$0x3FAD]  }
0x31: {  	[smem:$0x3FB6] =	sst s10  }
0x32: {  	s10 =	sld [smem:$0x3FB4];
	_ =	sdelay $0x3  }
0x33: {  	p0 =	seq.s32 s10, $0x1;
	s10 =	sld [smem:$0x3FB6];
	_ =	sdelay $0x3  }
0x34: {  	[smem:$0x3FB6] =	sst s10  }
0x35: {  	s10 =	sld [smem:$0x3FB5];
	_ =	sdelay $0x3  }
0x36: {  	p1 =	seq.s32 s10, $0x1;
	s10 =	sld [smem:$0x3FB6];
	_ =	sdelay $0x3  }
0x37: {  	[smem:$0x3FB6] =	sst s10  }
0x38: {  	s10 =	sld [smem:$0x3FB7]  }
0x39: {  	_ = 	snop;
	(pc) =	sbr.ind lr, $3  }
0x3a: {  	_ = 	snop  }
0x3b: {  	_ = 	snop  }
0x3c: {  	p2 =	seq.s32 s10, $0x1;
	s10 =	sld [smem:$0x3FB6]  }
0x3d: {  	_ =	shalt  }
0x3e: {  	_ =	shalt  }
0x3f: {  	_ =	shalt  }
0x40: {  	_ =	shalt  }
0x41: {  	_ =	shalt  }
0x42: {  	_ =	shalt  }
0x43: {  	_ =	shalt  }
0x44: {  	_ =	shalt  }
0x45: {  	_ =	shalt  }
0x46: {  	_ =	shalt  }
0x47: {  	_ =	shalt  }
0x48: {  	_ =	shalt  }
0x49: {  	_ =	shalt  }
0x4a: {  	_ =	shalt  }
0x4b: {  	_ =	shalt  }
0x4c: {  	_ =	shalt  }
0x4d: {  	_ =	shalt  }
0x4e: {  	_ =	shalt  }
0x4f: {  	_ =	shalt  }
0x50: {  	_ =	shalt  }
0x51: {  	_ =	shalt  }
0x52: {  	_ =	shalt  }
0x53: {  	_ =	shalt  }
0x54: {  	_ =	shalt  }
0x55: {  	_ =	shalt  }
0x56: {  	_ =	shalt  }
0x57: {  	_ =	shalt  }
0x58: {  	_ =	shalt  }
0x59: {  	_ =	shalt  }
0x5a: {  	_ =	shalt  }
0x5b: {  	_ =	shalt  }
0x5c: {  	_ =	shalt  }
0x5d: {  	_ =	shalt  }
0x5e: {  	_ =	shalt  }
0x5f: {  	_ =	shalt  }
0x60: {  	_ =	shalt  }
0x61: {  	_ =	shalt  }
0x62: {  	_ =	shalt  }
0x63: {  	_ =	shalt  }
0x64: {  	_ =	shalt  }
0x65: {  	_ =	shalt  }
0x66: {  	_ =	shalt  }
0x67: {  	_ =	shalt  }
0x68: {  	_ =	shalt  }
0x69: {  	_ =	shalt  }
0x6a: {  	_ =	shalt  }
0x6b: {  	_ =	shalt  }
0x6c: {  	_ =	shalt  }
0x6d: {  	_ =	shalt  }
0x6e: {  	_ =	shalt  }
0x6f: {  	_ =	shalt  }
0x70: {  	_ =	shalt  }
0x71: {  	_ =	shalt  }
0x72: {  	_ =	shalt  }
0x73: {  	_ =	shalt  }
0x74: {  	_ =	shalt  }
0x75: {  	_ =	shalt  }
0x76: {  	_ =	shalt  }
0x77: {  	_ =	shalt  }
0x78: {  	_ =	shalt  }
0x79: {  	_ =	shalt  }
0x7a: {  	_ =	shalt  }
0x7b: {  	_ =	shalt  }
0x7c: {  	_ =	shalt  }
0x7d: {  	_ =	shalt  }
0x7e: {  	_ =	shalt  }
0x7f: {  	_ =	shalt  }
0x80: {  	_ =	shalt  }
0x81: {  	_ =	shalt  }
0x82: {  	_ =	shalt  }
0x83: {  	_ =	shalt  }
0x84: {  	_ =	shalt  }
0x85: {  	_ =	shalt  }
0x86: {  	_ =	shalt  }
0x87: {  	_ =	shalt  }
.Lfunc_end0:
.L_simem_size_0:
called_computation.3_lowered:
.L_overlay_start_0:
0x88: {  	s2 =	sld [smem:$0x3FD9]  }
0x89: {  	s3 =	sld [smem:$0x3FFE];
	_ =	sdelay $0x1  }
0x8a: {  	s1 =	srdreg.scid  }
0x8b: {  	s0 =	sand.u32 $0x1, s1  }
0x8c: {  	s17 =	sshll.u32 s0, $0xA;
	s2 =	sadd.s32 s3, s2  }
0x8d: {  	s2 =	sadd.s32 s2, s17  }
0x8e: {  	[smem:$0x3FC2] =	sst s2  }
0x8f: {  	_ = 	snop  }
0x90: {  	(tm) =	ssettm $0x1  }
0x91: {  	s18 =	sld [smem:$0x3FFB];
	_ =	sdelay $0x3  }
0x92: {  	_ =	strace s18  }
0x93: {  	s2 =	sld [smem:$0x3FFC];
	_ =	sdelay $0x3  }
0x94: {  	_ =	strace s2  }
0x95: {  	s2 =	sld [smem:$0x3FFD];
	_ =	sdelay $0x3  }
0x96: {  	_ =	strace s2  }
0x97: {  	_ =	strace $0x8FFFFFFF  }
0x98: {  	s19 =	sld [smem:$0x3FDB];
	_ =	sdelay $0x1  }
0x99: {  	s20 =	simm.s32 $_scs_section_size  }
0x9a: {  	s4 =	simm.s32 $_size__tile_overlayer_lowered;
	s5 =	simm.s32 $_tile_overlayer_lowered  }
0x9b: {  	s6 =	simm.s32 $0x1BFF;
	s21 =	sshll.u32 s5, $0x1;
	s3 =	sadd.s32 s20, s19  }
0x9c: {  	s22 =	simm.s32 $0x0;
	s4 =	sshll.u32 s4, $0x1;
	s5 =	sadd.s32 s21, s3  }
0x9d: {  	[timem:s22], [sflag:s6] =	dma.local [hbm:s5], s4  }
0x9e: {  	_ =	swait.ge [sflag:s6], s4  }
0x9f: {  	s4 =	ssub.s32 $0x0, s4;
	[sflag:s6] =	ssyncset.done $0x0  }
0xa0: {  	[sflag:s6] =	ssyncadd.s32 s4;
	_ =	sdelay $0x1  }
0xa1: {  	s23 =	simm.s32 $0x1B8B  }
0xa2: {  	_ =	swait.ge [sflag:s23], $0x1  }
0xa3: {  	[sflag:s23] =	ssyncset.done $0x0  }
0xa4: {  	[sflag:s23] =	ssyncadd.s32 $0xFFFFFFFF  }
0xa5: {  	s4 =	sld [smem:$0x0]  }
0xa6: {  	s5 =	sand.u32 $0xFFFFFFFE, s1  }
0xa7: {  	p0 =	sne.s32 s1, s5  }
0xa8: {  	s5 =	sshll.u32 @p0 s5, $0xE  }
0xa9: {  	s5 =	sadd.s32 @p0 $0x11B8D, s5;
	s6 =	sshll.u32 @p0 s4, $0x11  }
0xaa: {  	s5 =	sor.u32 @p0 s6, s5  }
0xab: {  	[sflag:s5] =	ssyncadd.remote.s32 @p0 $0x1;
	_ =	sdelay $0x1  }
0xac: {  	s5 =	simm.s32 @p0 $0x1B8D  }
0xad: {  	_ =	swait.eq @p0 [sflag:s5], $0x1  }
0xae: {  	[sflag:s5] =	ssyncadd.s32 @p0 $0xFFFFFFFF  }
0xaf: {  	s6 =	sshll.u32 @!p0 s1, $0xE  }
0xb0: {  	s6 =	sor.u32 @!p0 $0x4000, s6;
	s5 =	simm.s32 @!p0 $0x1B8D  }
0xb1: {  	s4 =	sshll.u32 @!p0 s4, $0x11;
	s6 =	sadd.s32 @!p0 $0x11B8D, s6;
	_ =	swait.eq @!p0 [sflag:s5], $0x1  }
0xb2: {  	s4 =	sor.u32 @!p0 s4, s6;
	[sflag:s5] =	ssyncadd.s32 @!p0 $0xFFFFFFFF  }
0xb3: {  	s25 =	simm.s32 $0x1B8E;
	s24 =	sld [smem:$0x3FFE];
	[sflag:s4] =	ssyncadd.remote.s32 @!p0 $0x1  }
0xb4: {  	s26 =	simm.s32 $execute0_lowered;
	[smem:$0x3FD2] =	sst s25  }
0xb5: {  	s5 =	sshll.u32 s26, $0x1;
	_ =	strace $0x8000004F;
	[dreg:$0x1] =	wrdreg $0xFFFFFFFF  }
0xb6: {  	s28 =	simm.s32 $_size_execute0_lowered;
	s3 =	sadd.s32 s3, s5;
	[dreg:$0x0] =	wrdreg $0x0  }
0xb7: {  	s5 =	sshll.u32 s28, $0x1;
	[dreg:$0x2] =	wrdreg s3  }
0xb8: {  	[dreg:$0x3] =	wrdreg s5  }
0xb9: {  	[dreg:$0x4] =	wrdreg $0xC0  }
0xba: {  	_ =	task [dreg:s22], $0x5FFFF  }
0xbb: {  	[dreg:$0x1] =	wrdreg $0xFFFFFFFF  }
0xbc: {  	[dreg:$0x0] =	wrdreg $0x60  }
0xbd: {  	[dreg:$0x2] =	wrdreg s24  }
0xbe: {  	[dreg:$0x3] =	wrdreg $0xC  }
0xbf: {  	_ =	task.clear_ibuf [dreg:s22], $0x4FFFF;
	_ =	strace $0x9000004F  }
0xc0: {  	s29 =	simm.s32 $0xC;
	_ =	strace $0x80000051  }
0xc1: {  	_ =	swait.ge [sflag:s29], $0x1  }
0xc2: {  	[sflag:s29] =	ssyncadd.s32 $0xFFFFFFFF  }
0xc3: {  	_ =	strace $0x90000051  }
0xc4: {  	_ =	sfence  }
0xc5: {  	s30 =	sld [smem:$0x0];
	_ =	sdelay $0x2  }
0xc6: {  	s31 =	sshll.u32 s1, $0xD;
	s1 =	sshrl.u32 s1, $0x2  }
0xc7: {  	s4 =	sand.u32 $0x4000, s31;
	s1 =	sadd.s32 s1, s30  }
0xc8: {  	s0 =	sor.u32 s4, s0;
	s1 =	sshll.u32 s1, $0x11  }
0xc9: {  	s0 =	sor.u32 s1, s0  }
0xca: {  	s0 =	sadd.s32 $0x8F2B, s0  }
0xcb: {  	[sflag:s0] =	ssyncadd.remote.s32 $0x1  }
0xcc: {  	_ =	sfence.sel $0xFFFF  }
0xcd: {  	[dreg:$0x0] =	wrdreg $0xFFFFFFFF;
	(pc) =	sbr.abs _section_cstart, $3  }
0xce: {  	[dreg:$0x1] =	wrdreg $0xFFFFFFFF  }
0xcf: {  	_ =	task.clear_ibuf [dreg:s22], $0x2FFFF;
	_ =	strace $0x9FFFFFFF  }
0xd0: {  	(tm) =	ssettm $0x7FFFFFFF  }
0xd1: {  	_ =	shalt  }
tec
execute0_lowered:
.L_overlay_start_1:
0x0: {  	(tag) =	ssettag $0x1  }
0x1: {  	s0 =	rddreg [dreg:$0x0];
	s1 =	simm.s32 $0x0  }
0x2: {  	s2 =	srdreg.scid;
	s10 =	stileid.u32;
	s11 =	simm.s32 $0x280  }
0x3: {  	s29 =	simm.s32 $0x8280;
	s22 =	simm.s32 $0x10280;
	s14 =	simm.s32 $0x7280  }
0x4: {  	s15 =	simm.s32 $0x7A80;
	s16 =	simm.s32 $0x8A80;
	s17 =	simm.s32 $0x9280  }
0x5: {  	s20 =	simm.s32 $0x9A80;
	s21 =	simm.s32 $0xA280;
	s23 =	simm.s32 $0xAA80  }
0x6: {  	s24 =	simm.s32 $0xB280;
	s30 =	simm.s32 $0xCA80;
	s31 =	simm.s32 $0xD280  }
0x7: {  	s12 =	simm.s32 $0xF280;
	[smem:$0x7FF] =	sst s1;
	s3 =	sadd.s32 $0x296400, s0  }
0x8: {  	s28 =	simm.s32 $0x1;
	s4 =	sadd.s32 $0x2A6400, s0;
	s5 =	sadd.s32 $0x2C6800, s0  }
0x9: {  	s6 =	sadd.s32 $0x306800, s0;
	s2 =	sand.u32 $0x1, s2;
	s8 =	sshll.u32 s10, $0x1  }
0xa: {  	s7 =	sadd.s32 $0x346800, s0;
	s10 =	sshrl.u32 s10, $0x3;
	_ =	strace $0x80000050  }
0xb: {  	s25 =	ssub.s32 $0x2, s2;
	s8 =	sand.u32 $0xE, s8;
	s26 =	sshll.u32 s10, $0xC  }
0xc: {  	s13 =	sshll.u32 s10, $0xA;
	s10 =	simm.s32 $0x2;
	s9 =	sshrl.u32 s25, $0x1  }
0xd: {  	s2 =	sor.u32 s2, s8;
	v0 =	vmov s13;
	s13 =	simm.s32 $0xFA80;
	s0 =	ssub.s32 s25, s9  }
0xe: {  	v3 =	vlaneseq.u32;
	s2 =	sshll.u32 s2, $0x8;
	s25 =	simm.s32 $0xBA80;
	s9 =	simm.s32 $0xEA80  }
0xf: {  	vm0 =	vmmov $0xffff;
	v2 =	vshrl.u32 v3, $0x3;
	s8 =	sor.u32 s26, s2;
	s0 =	smax.u32 s0, $0x1;
	s26 =	simm.s32 $0xC280  }
0x10: {  	v1 =	vand.u32 $0x7, v3;
	v3 =	vor.u32 $0x8, v3;
	v2 =	vmul.u32 $0x8, v2;
	s2 =	simm.s32 $0xE280;
	[dreg:$0x2] =	wrdreg s0;
	s0 =	simm.s32 $0x0  }
.LBB2_1:
0x11: {  	[dreg:$0x3] =	wrdreg s0  }
0x12: {  	p0 =	por $0x1, $0x1;
	s18 =	simm.s32 $0x0;
	s0 =	simm.s32 $0xDA80  }
.LBB2_2:
0x13: {  	s18 =	sor.u32 s8, s18  }
0x14: {  	s19 =	sshrl.u32 s18, $0x3  }
0x15: {  	s19 =	sadd.s32 s4, s19  }
0x16: {  	[tilespmem:s1], [sflag:$0x2] =	stream.linear.gather [hbm4b:s19+s1], $0x80, $0x38;
	[tilespmem:$0x18280] =	vst v63  }
0x17: {  	_ =	swait.ge [sflag:s10], $0x80  }
0x18: {  	[sflag:s10] =	ssyncset.done $0x0  }
0x19: {  	[sflag:s10] =	ssyncadd.s32 $0xFFFFFF80  }
0x1a: {  	v4 =	vld [tilespmem:$0x0]  }
0x1b: {  	v5 =	vld [tilespmem:$0x10]  }
0x1c: {  	v7 =	vld [tilespmem:$0x20];
	_ =	sdelay $0x1  }
0x1d: {  	v46 =	vld [tilespmem:$0x50]  }
0x1e: {  	v51 =	vld [tilespmem:$0x60];
	v6 =	vshrl.u32 v4, $0xA;
	v8 =	vand.u32 $0x3FF, v4  }
0x1f: {  	v33 =	vshra.s32 v5, $0x14;
	v9 =	vshrl.u32 v5, $0xA;
	v32 =	vor.u32 v0, v8  }
0x20: {  	v5 =	vand.u32 $0x3FF, v5;
	v38 =	vshra.s32 v7, $0x14;
	v34 =	vadd.s32 v0, v33;
	[tilespmem:$0x180] =	vst v32  }
0x21: {  	v39 =	vshrl.u32 v7, $0xA;
	v4 =	vshra.s32 v4, $0x14;
	v5 =	vor.u32 v0, v5;
	[tilespmem:$0x90] =	vst v34  }
0x22: {  	v42 =	vand.u32 $0x3FF, v7;
	v7 =	vand.u32 $0x3FF, v46;
	v10 =	vadd.s32 v0, v4;
	[tilespmem:$0x190] =	vst v5  }
0x23: {  	v36 =	vld [tilespmem:$0x30];
	v58 =	vand.u32 $0x3FF, v51;
	v7 =	vor.u32 v0, v7;
	[tilespmem:$0x80] =	vst v10  }
0x24: {  	v6 =	vand.u32 $0x3FF, v6;
	v60 =	vor.u32 v0, v58;
	[tilespmem:$0x1D0] =	vst v7  }
0x25: {  	v41 =	vld [tilespmem:$0x40];
	v6 =	vor.u32 v0, v6;
	[tilespmem:$0x1E0] =	vst v60  }
0x26: {  	v40 =	vand.u32 $0x3FF, v39;
	v5 =	vadd.s32 v0, v38;
	[tilespmem:$0x100] =	vst v6  }
0x27: {  	[tilespmem:$0xA0] =	vst v5;
	v5 =	vor.u32 v0, v40  }
0x28: {  	v56 =	vld [tilespmem:$0x70];
	v43 =	vshra.s32 v36, $0x14;
	v44 =	vshrl.u32 v36, $0xA;
	[tilespmem:$0x120] =	vst v5;
	v5 =	vor.u32 v0, v42  }
0x29: {  	v47 =	vand.u32 $0x3FF, v36;
	v45 =	vand.u32 $0x3FF, v44;
	[tilespmem:$0x1A0] =	vst v5;
	v5 =	vadd.s32 v0, v43  }
0x2a: {  	v48 =	vshra.s32 v41, $0x14;
	v49 =	vshrl.u32 v41, $0xA;
	[tilespmem:$0xB0] =	vst v5;
	v5 =	vor.u32 v0, v45  }
0x2b: {  	v52 =	vand.u32 $0x3FF, v41;
	v53 =	vshra.s32 v46, $0x14;
	[tilespmem:$0x130] =	vst v5;
	v5 =	vor.u32 v0, v47  }
0x2c: {  	v54 =	vshrl.u32 v46, $0xA;
	v50 =	vand.u32 $0x3FF, v49;
	[tilespmem:$0x1B0] =	vst v5;
	v5 =	vadd.s32 v0, v48  }
0x2d: {  	v57 =	vshrl.u32 v51, $0xA;
	v61 =	vshra.s32 v56, $0x14;
	[tilespmem:$0xC0] =	vst v5;
	v5 =	vor.u32 v0, v50  }
0x2e: {  	v55 =	vand.u32 $0x3FF, v54;
	v10 =	vshll.u32 v10, $0x1;
	[tilespmem:$0x140] =	vst v5;
	v5 =	vor.u32 v0, v52  }
0x2f: {  	v4 =	vand.u32 $0x7, v4;
	v10 =	vand.u32 $0xFFFFFFF0, v10;
	[tilespmem:$0x1C0] =	vst v5;
	v5 =	vadd.s32 v0, v53  }
0x30: {  	v6 =	vor.u32 v0, v55;
	v4 =	vor.u32 v4, v10;
	[tilespmem:$0xD0] =	vst v5;
	v5 =	vshra.s32 v51, $0x14  }
0x31: {  	[tilespmem:$0x150] =	vst v6;
	v6 =	vand.u32 $0x3FF, v57;
	v59 =	vperm.xlane v4, v1;
	v5 =	vadd.s32 v0, v5  }
0x32: {  	v35 =	vand.u32 $0x3FF, v9;
	v62 =	vadd.s32 v0, v61;
	[tilespmem:$0xE0] =	vst v5;
	v5 =	vor.u32 v0, v6  }
0x33: {  	v4 =	vperm.xlane v4, v3;
	v9 =	vadd.s32 v2, v59;
	[tilespmem:$0x160] =	vst v5;
	v5 =	vshrl.u32 v56, $0xA  }
0x34: {  	v37 =	vor.u32 v0, v35;
	[tilespmem:$0xF0] =	vst v62;
	v5 =	vand.u32 $0x3FF, v5  }
0x35: {  	v63 =	vand.u32 $0x3FF, v56;
	[tilespmem:$0x110] =	vst v37;
	v4 =	vadd.s32 v2, v4;
	v5 =	vor.u32 v0, v5  }
0x36: {  	[tilespmem:$0x170] =	vst v5;
	v5 =	vor.u32 v0, v63  }
0x37: {  	[tilespmem:$0x1F0] =	vst v5  }
0x38: {  	[tilespmem:s11], [sflag:$0x1] =	stream.indirect_vreg.gather [hbm4b:s3+s1], $0x80, v9, vm0, $0xb8;
	[tilespmem:$0x18280] =	vst v63  }
0x39: {  	s19 =	simm.s32 $0xA80  }
0x3a: {  	[tilespmem:s19], [sflag:$0x1] =	stream.indirect_vreg.gather [hbm4b:s3+s1], $0x80, v4, vm0, $0xb8;
	[tilespmem:$0x18280] =	vst v63  }
0x3b: {  	v4 =	vld [tilespmem:$0x90];
	_ =	sdelay $0x4  }
0x3c: {  	v5 =	vshll.u32 v4, $0x1  }
0x3d: {  	v4 =	vand.u32 $0x7, v4;
	v5 =	vand.u32 $0xFFFFFFF0, v5  }
0x3e: {  	v4 =	vor.u32 v4, v5  }
0x3f: {  	v5 =	vperm.xlane v4, v1;
	_ =	sdelay $0x1  }
0x40: {  	v4 =	vperm.xlane v4, v3;
	v5 =	vadd.s32 v2, v5;
	_ =	sdelay $0x1  }
0x41: {  	v4 =	vadd.s32 v2, v4;
	_ =	sdelay $0x1  }
0x42: {  	s19 =	simm.s32 $0x1280  }
0x43: {  	[tilespmem:s19], [sflag:$0x1] =	stream.indirect_vreg.gather [hbm4b:s3+s1], $0x80, v5, vm0, $0xb8;
	[tilespmem:$0x18280] =	vst v63  }
0x44: {  	s19 =	simm.s32 $0x1A80  }
0x45: {  	[tilespmem:s19], [sflag:$0x1] =	stream.indirect_vreg.gather [hbm4b:s3+s1], $0x80, v4, vm0, $0xb8;
	[tilespmem:$0x18280] =	vst v63  }
0x46: {  	v4 =	vld [tilespmem:$0xA0];
	_ =	sdelay $0x4  }
0x47: {  	v5 =	vshll.u32 v4, $0x1  }
0x48: {  	v4 =	vand.u32 $0x7, v4;
	v5 =	vand.u32 $0xFFFFFFF0, v5  }
0x49: {  	v4 =	vor.u32 v4, v5  }
0x4a: {  	v5 =	vperm.xlane v4, v1;
	_ =	sdelay $0x1  }
0x4b: {  	v4 =	vperm.xlane v4, v3;
	v5 =	vadd.s32 v2, v5;
	_ =	sdelay $0x1  }
0x4c: {  	v4 =	vadd.s32 v2, v4;
	_ =	sdelay $0x1  }
0x4d: {  	s19 =	simm.s32 $0x2280  }
0x4e: {  	[tilespmem:s19], [sflag:$0x1] =	stream.indirect_vreg.gather [hbm4b:s3+s1], $0x80, v5, vm0, $0xb8;
	[tilespmem:$0x18280] =	vst v63  }
0x4f: {  	s19 =	simm.s32 $0x2A80  }
0x50: {  	[tilespmem:s19], [sflag:$0x1] =	stream.indirect_vreg.gather [hbm4b:s3+s1], $0x80, v4, vm0, $0xb8;
	[tilespmem:$0x18280] =	vst v63  }
0x51: {  	v4 =	vld [tilespmem:$0xB0];
	_ =	sdelay $0x4  }
0x52: {  	v5 =	vshll.u32 v4, $0x1  }
0x53: {  	v4 =	vand.u32 $0x7, v4;
	v5 =	vand.u32 $0xFFFFFFF0, v5  }
0x54: {  	v4 =	vor.u32 v4, v5  }
0x55: {  	v5 =	vperm.xlane v4, v1;
	_ =	sdelay $0x1  }
0x56: {  	v4 =	vperm.xlane v4, v3;
	v5 =	vadd.s32 v2, v5;
	_ =	sdelay $0x1  }
0x57: {  	v4 =	vadd.s32 v2, v4;
	_ =	sdelay $0x1  }
0x58: {  	s19 =	simm.s32 $0x3280  }
0x59: {  	[tilespmem:s19], [sflag:$0x1] =	stream.indirect_vreg.gather [hbm4b:s3+s1], $0x80, v5, vm0, $0xb8;
	[tilespmem:$0x18280] =	vst v63  }
0x5a: {  	s19 =	simm.s32 $0x3A80  }
0x5b: {  	[tilespmem:s19], [sflag:$0x1] =	stream.indirect_vreg.gather [hbm4b:s3+s1], $0x80, v4, vm0, $0xb8;
	[tilespmem:$0x18280] =	vst v63  }
0x5c: {  	v4 =	vld [tilespmem:$0xC0];
	_ =	sdelay $0x4  }
0x5d: {  	v5 =	vshll.u32 v4, $0x1  }
0x5e: {  	v4 =	vand.u32 $0x7, v4;
	v5 =	vand.u32 $0xFFFFFFF0, v5  }
0x5f: {  	v4 =	vor.u32 v4, v5  }
0x60: {  	v5 =	vperm.xlane v4, v1;
	_ =	sdelay $0x1  }
0x61: {  	v4 =	vperm.xlane v4, v3;
	v5 =	vadd.s32 v2, v5;
	_ =	sdelay $0x1  }
0x62: {  	v4 =	vadd.s32 v2, v4;
	_ =	sdelay $0x1  }
0x63: {  	s19 =	simm.s32 $0x4280  }
0x64: {  	[tilespmem:s19], [sflag:$0x1] =	stream.indirect_vreg.gather [hbm4b:s3+s1], $0x80, v5, vm0, $0xb8;
	[tilespmem:$0x18280] =	vst v63  }
0x65: {  	s19 =	simm.s32 $0x4A80  }
0x66: {  	[tilespmem:s19], [sflag:$0x1] =	stream.indirect_vreg.gather [hbm4b:s3+s1], $0x80, v4, vm0, $0xb8;
	[tilespmem:$0x18280] =	vst v63  }
0x67: {  	v4 =	vld [tilespmem:$0xD0];
	_ =	sdelay $0x4  }
0x68: {  	v5 =	vshll.u32 v4, $0x1  }
0x69: {  	v4 =	vand.u32 $0x7, v4;
	v5 =	vand.u32 $0xFFFFFFF0, v5  }
0x6a: {  	v4 =	vor.u32 v4, v5  }
0x6b: {  	v5 =	vperm.xlane v4, v1;
	_ =	sdelay $0x1  }
0x6c: {  	v4 =	vperm.xlane v4, v3;
	v5 =	vadd.s32 v2, v5;
	_ =	sdelay $0x1  }
0x6d: {  	v4 =	vadd.s32 v2, v4;
	_ =	sdelay $0x1  }
0x6e: {  	s19 =	simm.s32 $0x5280  }
0x6f: {  	[tilespmem:s19], [sflag:$0x1] =	stream.indirect_vreg.gather [hbm4b:s3+s1], $0x80, v5, vm0, $0xb8;
	[tilespmem:$0x18280] =	vst v63  }
0x70: {  	s19 =	simm.s32 $0x5A80  }
0x71: {  	[tilespmem:s19], [sflag:$0x1] =	stream.indirect_vreg.gather [hbm4b:s3+s1], $0x80, v4, vm0, $0xb8;
	[tilespmem:$0x18280] =	vst v63  }
0x72: {  	v4 =	vld [tilespmem:$0xE0];
	_ =	sdelay $0x4  }
0x73: {  	v5 =	vshll.u32 v4, $0x1  }
0x74: {  	v4 =	vand.u32 $0x7, v4;
	v5 =	vand.u32 $0xFFFFFFF0, v5  }
0x75: {  	v4 =	vor.u32 v4, v5  }
0x76: {  	v5 =	vperm.xlane v4, v1;
	_ =	sdelay $0x1  }
0x77: {  	v4 =	vperm.xlane v4, v3;
	v5 =	vadd.s32 v2, v5;
	_ =	sdelay $0x1  }
0x78: {  	v4 =	vadd.s32 v2, v4;
	_ =	sdelay $0x1  }
0x79: {  	s19 =	simm.s32 $0x6280  }
0x7a: {  	[tilespmem:s19], [sflag:$0x1] =	stream.indirect_vreg.gather [hbm4b:s3+s1], $0x80, v5, vm0, $0xb8;
	[tilespmem:$0x18280] =	vst v63  }
0x7b: {  	s19 =	simm.s32 $0x6A80  }
0x7c: {  	[tilespmem:s19], [sflag:$0x1] =	stream.indirect_vreg.gather [hbm4b:s3+s1], $0x80, v4, vm0, $0xb8;
	[tilespmem:$0x18280] =	vst v63  }
0x7d: {  	v4 =	vld [tilespmem:$0xF0];
	_ =	sdelay $0x4  }
0x7e: {  	v5 =	vshll.u32 v4, $0x1  }
0x7f: {  	v4 =	vand.u32 $0x7, v4;
	v5 =	vand.u32 $0xFFFFFFF0, v5  }
0x80: {  	v4 =	vor.u32 v4, v5  }
0x81: {  	v5 =	vperm.xlane v4, v1;
	_ =	sdelay $0x1  }
0x82: {  	v4 =	vperm.xlane v4, v3;
	v5 =	vadd.s32 v2, v5;
	_ =	sdelay $0x1  }
0x83: {  	v4 =	vadd.s32 v2, v4;
	_ =	sdelay $0x2  }
0x84: {  	[tilespmem:s14], [sflag:$0x1] =	stream.indirect_vreg.gather [hbm4b:s3+s1], $0x80, v5, vm0, $0xb8;
	[tilespmem:$0x18280] =	vst v63  }
0x85: {  	_ = 	snop  }
0x86: {  	[tilespmem:s15], [sflag:$0x1] =	stream.indirect_vreg.gather [hbm4b:s3+s1], $0x80, v4, vm0, $0xb8;
	[tilespmem:$0x18280] =	vst v63  }
0x87: {  	_ =	swait.ge [sflag:s28], $0x8000  }
0x88: {  	s18 =	sshll.u32 s18, $0x5;
	[sflag:s28] =	ssyncset.done $0x0  }
0x89: {  	s19 =	sadd.s32 s5, s18;
	[sflag:s28] =	ssyncadd.s32 $0xFFFF8000  }
0x8a: {  	[hbm4b:s19+s1] =	stream.linear.scatter [tilespmem:s11], [sflag:$0x2], $0x8000, $0x38;
	[tilespmem:$0x18280] =	vst v63  }
0x8b: {  	_ =	swait.ge [sflag:s10], $0x8000  }
0x8c: {  	[sflag:s10] =	ssyncset.done $0x0  }
0x8d: {  	[sflag:s10] =	ssyncadd.s32 $0xFFFF8000  }
0x8e: {  	v4 =	vld [tilespmem:$0x100];
	_ =	sdelay $0x4  }
0x8f: {  	v5 =	vshll.u32 v4, $0x1  }
0x90: {  	v4 =	vand.u32 $0x7, v4;
	v5 =	vand.u32 $0xFFFFFFF0, v5  }
0x91: {  	v4 =	vor.u32 v4, v5  }
0x92: {  	v5 =	vperm.xlane v4, v1;
	_ =	sdelay $0x1  }
0x93: {  	v4 =	vperm.xlane v4, v3;
	v5 =	vadd.s32 v2, v5;
	_ =	sdelay $0x1  }
0x94: {  	v4 =	vadd.s32 v2, v4;
	_ =	sdelay $0x2  }
0x95: {  	[tilespmem:s29], [sflag:$0x1] =	stream.indirect_vreg.gather [hbm4b:s3+s1], $0x80, v5, vm0, $0xb8;
	[tilespmem:$0x18280] =	vst v63  }
0x96: {  	_ = 	snop  }
0x97: {  	[tilespmem:s16], [sflag:$0x1] =	stream.indirect_vreg.gather [hbm4b:s3+s1], $0x80, v4, vm0, $0xb8;
	[tilespmem:$0x18280] =	vst v63  }
0x98: {  	v4 =	vld [tilespmem:$0x110];
	_ =	sdelay $0x4  }
0x99: {  	v5 =	vshll.u32 v4, $0x1  }
0x9a: {  	v4 =	vand.u32 $0x7, v4;
	v5 =	vand.u32 $0xFFFFFFF0, v5  }
0x9b: {  	v4 =	vor.u32 v4, v5  }
0x9c: {  	v5 =	vperm.xlane v4, v1;
	_ =	sdelay $0x1  }
0x9d: {  	v4 =	vperm.xlane v4, v3;
	v5 =	vadd.s32 v2, v5;
	_ =	sdelay $0x1  }
0x9e: {  	v4 =	vadd.s32 v2, v4;
	_ =	sdelay $0x2  }
0x9f: {  	[tilespmem:s17], [sflag:$0x1] =	stream.indirect_vreg.gather [hbm4b:s3+s1], $0x80, v5, vm0, $0xb8;
	[tilespmem:$0x18280] =	vst v63  }
0xa0: {  	_ = 	snop  }
0xa1: {  	[tilespmem:s20], [sflag:$0x1] =	stream.indirect_vreg.gather [hbm4b:s3+s1], $0x80, v4, vm0, $0xb8;
	[tilespmem:$0x18280] =	vst v63  }
0xa2: {  	v4 =	vld [tilespmem:$0x120];
	_ =	sdelay $0x4  }
0xa3: {  	v5 =	vshll.u32 v4, $0x1  }
0xa4: {  	v4 =	vand.u32 $0x7, v4;
	v5 =	vand.u32 $0xFFFFFFF0, v5  }
0xa5: {  	v4 =	vor.u32 v4, v5  }
0xa6: {  	v5 =	vperm.xlane v4, v1;
	_ =	sdelay $0x1  }
0xa7: {  	v4 =	vperm.xlane v4, v3;
	v5 =	vadd.s32 v2, v5;
	_ =	sdelay $0x1  }
0xa8: {  	v4 =	vadd.s32 v2, v4;
	_ =	sdelay $0x2  }
0xa9: {  	[tilespmem:s21], [sflag:$0x1] =	stream.indirect_vreg.gather [hbm4b:s3+s1], $0x80, v5, vm0, $0xb8;
	[tilespmem:$0x18280] =	vst v63  }
0xaa: {  	_ = 	snop  }
0xab: {  	[tilespmem:s23], [sflag:$0x1] =	stream.indirect_vreg.gather [hbm4b:s3+s1], $0x80, v4, vm0, $0xb8;
	[tilespmem:$0x18280] =	vst v63  }
0xac: {  	v4 =	vld [tilespmem:$0x130];
	_ =	sdelay $0x4  }
0xad: {  	v5 =	vshll.u32 v4, $0x1  }
0xae: {  	v4 =	vand.u32 $0x7, v4;
	v5 =	vand.u32 $0xFFFFFFF0, v5  }
0xaf: {  	v4 =	vor.u32 v4, v5  }
0xb0: {  	v5 =	vperm.xlane v4, v1;
	_ =	sdelay $0x1  }
0xb1: {  	v4 =	vperm.xlane v4, v3;
	v5 =	vadd.s32 v2, v5;
	_ =	sdelay $0x1  }
0xb2: {  	v4 =	vadd.s32 v2, v4;
	_ =	sdelay $0x2  }
0xb3: {  	[tilespmem:s24], [sflag:$0x1] =	stream.indirect_vreg.gather [hbm4b:s3+s1], $0x80, v5, vm0, $0xb8;
	[tilespmem:$0x18280] =	vst v63  }
0xb4: {  	_ = 	snop  }
0xb5: {  	[tilespmem:s25], [sflag:$0x1] =	stream.indirect_vreg.gather [hbm4b:s3+s1], $0x80, v4, vm0, $0xb8;
	[tilespmem:$0x18280] =	vst v63  }
0xb6: {  	v4 =	vld [tilespmem:$0x140];
	_ =	sdelay $0x4  }
0xb7: {  	v5 =	vshll.u32 v4, $0x1  }
0xb8: {  	v4 =	vand.u32 $0x7, v4;
	v5 =	vand.u32 $0xFFFFFFF0, v5  }
0xb9: {  	v4 =	vor.u32 v4, v5  }
0xba: {  	v5 =	vperm.xlane v4, v1;
	_ =	sdelay $0x1  }
0xbb: {  	v4 =	vperm.xlane v4, v3;
	v5 =	vadd.s32 v2, v5;
	_ =	sdelay $0x1  }
0xbc: {  	v4 =	vadd.s32 v2, v4;
	_ =	sdelay $0x2  }
0xbd: {  	[tilespmem:s26], [sflag:$0x1] =	stream.indirect_vreg.gather [hbm4b:s3+s1], $0x80, v5, vm0, $0xb8;
	[tilespmem:$0x18280] =	vst v63  }
0xbe: {  	_ = 	snop  }
0xbf: {  	[tilespmem:s30], [sflag:$0x1] =	stream.indirect_vreg.gather [hbm4b:s3+s1], $0x80, v4, vm0, $0xb8;
	[tilespmem:$0x18280] =	vst v63  }
0xc0: {  	v4 =	vld [tilespmem:$0x150];
	_ =	sdelay $0x4  }
0xc1: {  	v5 =	vshll.u32 v4, $0x1  }
0xc2: {  	v4 =	vand.u32 $0x7, v4;
	v5 =	vand.u32 $0xFFFFFFF0, v5  }
0xc3: {  	v4 =	vor.u32 v4, v5  }
0xc4: {  	v5 =	vperm.xlane v4, v1;
	_ =	sdelay $0x1  }
0xc5: {  	v4 =	vperm.xlane v4, v3;
	v5 =	vadd.s32 v2, v5;
	_ =	sdelay $0x1  }
0xc6: {  	v4 =	vadd.s32 v2, v4;
	_ =	sdelay $0x2  }
0xc7: {  	[tilespmem:s31], [sflag:$0x1] =	stream.indirect_vreg.gather [hbm4b:s3+s1], $0x80, v5, vm0, $0xb8;
	[tilespmem:$0x18280] =	vst v63  }
0xc8: {  	_ = 	snop  }
0xc9: {  	[tilespmem:s0], [sflag:$0x1] =	stream.indirect_vreg.gather [hbm4b:s3+s1], $0x80, v4, vm0, $0xb8;
	[tilespmem:$0x18280] =	vst v63  }
0xca: {  	v4 =	vld [tilespmem:$0x160];
	_ =	sdelay $0x4  }
0xcb: {  	v5 =	vshll.u32 v4, $0x1  }
0xcc: {  	v4 =	vand.u32 $0x7, v4;
	v5 =	vand.u32 $0xFFFFFFF0, v5  }
0xcd: {  	v4 =	vor.u32 v4, v5  }
0xce: {  	v5 =	vperm.xlane v4, v1;
	_ =	sdelay $0x1  }
0xcf: {  	v4 =	vperm.xlane v4, v3;
	v5 =	vadd.s32 v2, v5;
	_ =	sdelay $0x1  }
0xd0: {  	v4 =	vadd.s32 v2, v4;
	_ =	sdelay $0x2  }
0xd1: {  	[tilespmem:s2], [sflag:$0x1] =	stream.indirect_vreg.gather [hbm4b:s3+s1], $0x80, v5, vm0, $0xb8;
	[tilespmem:$0x18280] =	vst v63  }
0xd2: {  	_ = 	snop  }
0xd3: {  	[tilespmem:s9], [sflag:$0x1] =	stream.indirect_vreg.gather [hbm4b:s3+s1], $0x80, v4, vm0, $0xb8;
	[tilespmem:$0x18280] =	vst v63  }
0xd4: {  	v4 =	vld [tilespmem:$0x170];
	_ =	sdelay $0x4  }
0xd5: {  	v5 =	vshll.u32 v4, $0x1  }
0xd6: {  	v4 =	vand.u32 $0x7, v4;
	v5 =	vand.u32 $0xFFFFFFF0, v5  }
0xd7: {  	v4 =	vor.u32 v4, v5  }
0xd8: {  	v5 =	vperm.xlane v4, v1;
	_ =	sdelay $0x1  }
0xd9: {  	v4 =	vperm.xlane v4, v3;
	v5 =	vadd.s32 v2, v5;
	_ =	sdelay $0x1  }
0xda: {  	v4 =	vadd.s32 v2, v4;
	_ =	sdelay $0x2  }
0xdb: {  	[tilespmem:s12], [sflag:$0x1] =	stream.indirect_vreg.gather [hbm4b:s3+s1], $0x80, v5, vm0, $0xb8;
	[tilespmem:$0x18280] =	vst v63  }
0xdc: {  	_ = 	snop  }
0xdd: {  	[tilespmem:s13], [sflag:$0x1] =	stream.indirect_vreg.gather [hbm4b:s3+s1], $0x80, v4, vm0, $0xb8;
	[tilespmem:$0x18280] =	vst v63  }
0xde: {  	_ =	swait.ge [sflag:s28], $0x8000  }
0xdf: {  	[sflag:s28] =	ssyncset.done $0x0  }
0xe0: {  	s19 =	sadd.s32 s6, s18;
	[sflag:s28] =	ssyncadd.s32 $0xFFFF8000  }
0xe1: {  	[hbm4b:s19+s1] =	stream.linear.scatter [tilespmem:s29], [sflag:$0x2], $0x8000, $0x38;
	[tilespmem:$0x18280] =	vst v63  }
0xe2: {  	_ =	swait.ge [sflag:s10], $0x8000  }
0xe3: {  	[sflag:s10] =	ssyncset.done $0x0  }
0xe4: {  	[sflag:s10] =	ssyncadd.s32 $0xFFFF8000  }
0xe5: {  	v4 =	vld [tilespmem:$0x180];
	_ =	sdelay $0x4  }
0xe6: {  	v5 =	vshll.u32 v4, $0x1  }
0xe7: {  	v4 =	vand.u32 $0x7, v4;
	v5 =	vand.u32 $0xFFFFFFF0, v5  }
0xe8: {  	v4 =	vor.u32 v4, v5  }
0xe9: {  	v5 =	vperm.xlane v4, v1;
	_ =	sdelay $0x1  }
0xea: {  	v4 =	vperm.xlane v4, v3;
	v5 =	vadd.s32 v2, v5;
	_ =	sdelay $0x1  }
0xeb: {  	v4 =	vadd.s32 v2, v4;
	_ =	sdelay $0x2  }
0xec: {  	[tilespmem:s22], [sflag:$0x1] =	stream.indirect_vreg.gather [hbm4b:s3+s1], $0x80, v5, vm0, $0xb8;
	[tilespmem:$0x18280] =	vst v63  }
0xed: {  	s19 =	simm.s32 $0x10A80  }
0xee: {  	[tilespmem:s19], [sflag:$0x1] =	stream.indirect_vreg.gather [hbm4b:s3+s1], $0x80, v4, vm0, $0xb8;
	[tilespmem:$0x18280] =	vst v63  }
0xef: {  	v4 =	vld [tilespmem:$0x190];
	_ =	sdelay $0x4  }
0xf0: {  	v5 =	vshll.u32 v4, $0x1  }
0xf1: {  	v4 =	vand.u32 $0x7, v4;
	v5 =	vand.u32 $0xFFFFFFF0, v5  }
0xf2: {  	v4 =	vor.u32 v4, v5  }
0xf3: {  	v5 =	vperm.xlane v4, v1;
	_ =	sdelay $0x1  }
0xf4: {  	v4 =	vperm.xlane v4, v3;
	v5 =	vadd.s32 v2, v5;
	_ =	sdelay $0x1  }
0xf5: {  	v4 =	vadd.s32 v2, v4;
	_ =	sdelay $0x1  }
0xf6: {  	s19 =	simm.s32 $0x11280  }
0xf7: {  	[tilespmem:s19], [sflag:$0x1] =	stream.indirect_vreg.gather [hbm4b:s3+s1], $0x80, v5, vm0, $0xb8;
	[tilespmem:$0x18280] =	vst v63  }
0xf8: {  	s19 =	simm.s32 $0x11A80  }
0xf9: {  	[tilespmem:s19], [sflag:$0x1] =	stream.indirect_vreg.gather [hbm4b:s3+s1], $0x80, v4, vm0, $0xb8;
	[tilespmem:$0x18280] =	vst v63  }
0xfa: {  	v4 =	vld [tilespmem:$0x1A0];
	_ =	sdelay $0x4  }
0xfb: {  	v5 =	vshll.u32 v4, $0x1  }
0xfc: {  	v4 =	vand.u32 $0x7, v4;
	v5 =	vand.u32 $0xFFFFFFF0, v5  }
0xfd: {  	v4 =	vor.u32 v4, v5  }
0xfe: {  	v5 =	vperm.xlane v4, v1;
	_ =	sdelay $0x1  }
0xff: {  	v4 =	vperm.xlane v4, v3;
	v5 =	vadd.s32 v2, v5;
	_ =	sdelay $0x1  }
0x100: {  	v4 =	vadd.s32 v2, v4;
	_ =	sdelay $0x1  }
0x101: {  	s19 =	simm.s32 $0x12280  }
0x102: {  	[tilespmem:s19], [sflag:$0x1] =	stream.indirect_vreg.gather [hbm4b:s3+s1], $0x80, v5, vm0, $0xb8;
	[tilespmem:$0x18280] =	vst v63  }
0x103: {  	s19 =	simm.s32 $0x12A80  }
0x104: {  	[tilespmem:s19], [sflag:$0x1] =	stream.indirect_vreg.gather [hbm4b:s3+s1], $0x80, v4, vm0, $0xb8;
	[tilespmem:$0x18280] =	vst v63  }
0x105: {  	v4 =	vld [tilespmem:$0x1B0];
	_ =	sdelay $0x4  }
0x106: {  	v5 =	vshll.u32 v4, $0x1  }
0x107: {  	v4 =	vand.u32 $0x7, v4;
	v5 =	vand.u32 $0xFFFFFFF0, v5  }
0x108: {  	v4 =	vor.u32 v4, v5  }
0x109: {  	v5 =	vperm.xlane v4, v1;
	_ =	sdelay $0x1  }
0x10a: {  	v4 =	vperm.xlane v4, v3;
	v5 =	vadd.s32 v2, v5;
	_ =	sdelay $0x1  }
0x10b: {  	v4 =	vadd.s32 v2, v4;
	_ =	sdelay $0x1  }
0x10c: {  	s19 =	simm.s32 $0x13280  }
0x10d: {  	[tilespmem:s19], [sflag:$0x1] =	stream.indirect_vreg.gather [hbm4b:s3+s1], $0x80, v5, vm0, $0xb8;
	[tilespmem:$0x18280] =	vst v63  }
0x10e: {  	s19 =	simm.s32 $0x13A80  }
0x10f: {  	[tilespmem:s19], [sflag:$0x1] =	stream.indirect_vreg.gather [hbm4b:s3+s1], $0x80, v4, vm0, $0xb8;
	[tilespmem:$0x18280] =	vst v63  }
0x110: {  	v4 =	vld [tilespmem:$0x1C0];
	_ =	sdelay $0x4  }
0x111: {  	v5 =	vshll.u32 v4, $0x1  }
0x112: {  	v4 =	vand.u32 $0x7, v4;
	v5 =	vand.u32 $0xFFFFFFF0, v5  }
0x113: {  	v4 =	vor.u32 v4, v5  }
0x114: {  	v5 =	vperm.xlane v4, v1;
	_ =	sdelay $0x1  }
0x115: {  	v4 =	vperm.xlane v4, v3;
	v5 =	vadd.s32 v2, v5;
	_ =	sdelay $0x1  }
0x116: {  	v4 =	vadd.s32 v2, v4;
	_ =	sdelay $0x1  }
0x117: {  	s19 =	simm.s32 $0x14280  }
0x118: {  	[tilespmem:s19], [sflag:$0x1] =	stream.indirect_vreg.gather [hbm4b:s3+s1], $0x80, v5, vm0, $0xb8;
	[tilespmem:$0x18280] =	vst v63  }
0x119: {  	s19 =	simm.s32 $0x14A80  }
0x11a: {  	[tilespmem:s19], [sflag:$0x1] =	stream.indirect_vreg.gather [hbm4b:s3+s1], $0x80, v4, vm0, $0xb8;
	[tilespmem:$0x18280] =	vst v63  }
0x11b: {  	v4 =	vld [tilespmem:$0x1D0];
	_ =	sdelay $0x4  }
0x11c: {  	v5 =	vshll.u32 v4, $0x1  }
0x11d: {  	v4 =	vand.u32 $0x7, v4;
	v5 =	vand.u32 $0xFFFFFFF0, v5  }
0x11e: {  	v4 =	vor.u32 v4, v5  }
0x11f: {  	v5 =	vperm.xlane v4, v1;
	_ =	sdelay $0x1  }
0x120: {  	v4 =	vperm.xlane v4, v3;
	v5 =	vadd.s32 v2, v5;
	_ =	sdelay $0x1  }
0x121: {  	v4 =	vadd.s32 v2, v4;
	_ =	sdelay $0x1  }
0x122: {  	s19 =	simm.s32 $0x15280  }
0x123: {  	[tilespmem:s19], [sflag:$0x1] =	stream.indirect_vreg.gather [hbm4b:s3+s1], $0x80, v5, vm0, $0xb8;
	[tilespmem:$0x18280] =	vst v63  }
0x124: {  	s19 =	simm.s32 $0x15A80  }
0x125: {  	[tilespmem:s19], [sflag:$0x1] =	stream.indirect_vreg.gather [hbm4b:s3+s1], $0x80, v4, vm0, $0xb8;
	[tilespmem:$0x18280] =	vst v63  }
0x126: {  	v4 =	vld [tilespmem:$0x1E0];
	_ =	sdelay $0x4  }
0x127: {  	v5 =	vshll.u32 v4, $0x1  }
0x128: {  	v4 =	vand.u32 $0x7, v4;
	v5 =	vand.u32 $0xFFFFFFF0, v5  }
0x129: {  	v4 =	vor.u32 v4, v5  }
0x12a: {  	v5 =	vperm.xlane v4, v1;
	_ =	sdelay $0x1  }
0x12b: {  	v4 =	vperm.xlane v4, v3;
	v5 =	vadd.s32 v2, v5;
	_ =	sdelay $0x1  }
0x12c: {  	v4 =	vadd.s32 v2, v4;
	_ =	sdelay $0x1  }
0x12d: {  	s19 =	simm.s32 $0x16280  }
0x12e: {  	[tilespmem:s19], [sflag:$0x1] =	stream.indirect_vreg.gather [hbm4b:s3+s1], $0x80, v5, vm0, $0xb8;
	[tilespmem:$0x18280] =	vst v63  }
0x12f: {  	s19 =	simm.s32 $0x16A80  }
0x130: {  	[tilespmem:s19], [sflag:$0x1] =	stream.indirect_vreg.gather [hbm4b:s3+s1], $0x80, v4, vm0, $0xb8;
	[tilespmem:$0x18280] =	vst v63  }
0x131: {  	v4 =	vld [tilespmem:$0x1F0];
	_ =	sdelay $0x4  }
0x132: {  	v5 =	vshll.u32 v4, $0x1  }
0x133: {  	v4 =	vand.u32 $0x7, v4;
	v5 =	vand.u32 $0xFFFFFFF0, v5  }
0x134: {  	v4 =	vor.u32 v4, v5  }
0x135: {  	v5 =	vperm.xlane v4, v1;
	_ =	sdelay $0x1  }
0x136: {  	v4 =	vperm.xlane v4, v3;
	v5 =	vadd.s32 v2, v5;
	_ =	sdelay $0x1  }
0x137: {  	v4 =	vadd.s32 v2, v4;
	_ =	sdelay $0x1  }
0x138: {  	s19 =	simm.s32 $0x17280  }
0x139: {  	[tilespmem:s19], [sflag:$0x1] =	stream.indirect_vreg.gather [hbm4b:s3+s1], $0x80, v5, vm0, $0xb8;
	[tilespmem:$0x18280] =	vst v63  }
0x13a: {  	s19 =	simm.s32 $0x17A80  }
0x13b: {  	[tilespmem:s19], [sflag:$0x1] =	stream.indirect_vreg.gather [hbm4b:s3+s1], $0x80, v4, vm0, $0xb8;
	[tilespmem:$0x18280] =	vst v63  }
0x13c: {  	_ =	swait.ge [sflag:s28], $0x8000  }
0x13d: {  	p1 =	por p0, p0;
	[sflag:s28] =	ssyncset.done $0x0  }
.Ltmp0:
0x13e: {  	s18 =	sadd.s32 s7, s18;
	[sflag:s28] =	ssyncadd.s32 $0xFFFF8000;
	(pc) =	sbr.rel @p1 .LBB2_2-.Ltmp0, $4  }
0x13f: {  	[hbm4b:s18+s1] =	stream.linear.scatter [tilespmem:s22], [sflag:$0x2], $0x8000, $0x38;
	[tilespmem:$0x18280] =	vst v63  }
0x140: {  	_ =	swait.ge [sflag:s10], $0x8000  }
0x141: {  	[sflag:s10] =	ssyncset.done $0x0  }
0x142: {  	p0 =	por $0x0, $0x0;
	s18 =	simm.s32 $0x80;
	[sflag:s10] =	ssyncadd.s32 $0xFFFF8000  }
0x143: {  	s0 =	rddreg [dreg:$0x3]  }
0x144: {  	s18 =	rddreg [dreg:$0x2];
	s0 =	sadd.s32 $0x1, s0  }
0x145: {  	p0 =	sne.s32 s0, s18  }
.Ltmp1:
0x146: {  	_ = 	snop;
	(pc) =	sbr.rel @p0 .LBB2_1-.Ltmp1, $1  }
0x147: {  	_ =	sdelay $0x3  }
0x148: {  	_ =	sfence.sel $0x180000  }
0x149: {  	[bflag:$0x0] =	sbarrier.arrive $0xFFFF  }
0x14a: {  	_ =	strace $0x90000050  }
0x14b: {  	s0 =	stileid.u32;
	[bflag:$0x2] =	sbarrier.arrive $0xFFFF  }
0x14c: {  	p0 =	sne.s32 s0, $0x0;
	s0 =	rddreg [dreg:$0x1]  }
0x14d: {  	s0 =	sadd.s32 @!p0 $0x100000, s0  }
0x14e: {  	[sflag:s0] =	ssyncadd.tile.s32 @!p0 $0x1;
	_ =	shalt  }
.Lfunc_end2:
_tile_overlayer_lowered:
.L_overlay_start_2:
0x14f: {  	(tag) =	ssettag $0x2  }
0x150: {  	s0 =	rddreg [dreg:$0x0];
	s2 =	stileid.u32  }
0x151: {  	s1 =	rddreg [dreg:$0x1];
	p0 =	sne.s32 s2, $0x0  }
0x152: {  	s3 =	rddreg [dreg:$0x2];
	[bflag:$0x3] =	sbarrier.arrive $0xFFFF;
	s2 =	simm.s32 @!p0 $0x1C02  }
0x153: {  	[timem:s3], [sflag:s2] =	dma.local @!p0 [hbm:s0], s1  }
0x154: {  	s0 =	simm.s32 @!p0 $0x2  }
0x155: {  	_ =	swait.ge @!p0 [sflag:s0], s1  }
0x156: {  	s1 =	ssub.s32 @!p0 $0x0, s1;
	[sflag:s0] =	ssyncset.done @!p0 $0x0  }
0x157: {  	[sflag:s0] =	ssyncadd.s32 @!p0 s1  }
0x158: {  	[bflag:$0x3] =	sbarrier.arrive $0xFFFF  }
0x159: {  	_ =	shalt  }

</sc_bundles>
